<compile_context>
chip_gen: v7x
topology: tpu7x:2x2x1
jax: 0.10.2.dev20260603
libtpu: 0.0.44.dev20260713+nightly
codegen_flags: <defaults>
</compile_context>

<pallas_src>
import functools

import jax
import jax.numpy as jnp
from jax import lax
from jax.experimental import pallas as pl
from jax.experimental.pallas import tpu as pltpu
from jax.experimental.pallas import tpu_sc as plsc

NUM_ENTITIES = 1000000
NUM_RELATIONS = 500
HIDDEN_DIM = 64
GAMMA_FACT = 12.0
EPSILON = 2.0
PI = 3.1415926235897933
EMB_RANGE = (GAMMA_FACT + EPSILON) / HIDDEN_DIM
B = 16384

REL_PAD = 512

_NC = 2
_NS = 16
_NW = _NC * _NS
_PER_W = B // _NW
_CHUNK = 128
_NCHUNK = _PER_W // _CHUNK


def _trig_body(rel_ref, trig_ref):
    phase = rel_ref[...] * (PI / EMB_RANGE)
    trig = jnp.concatenate([jnp.cos(phase), jnp.sin(phase)], axis=1)
    pad = jnp.zeros((REL_PAD - NUM_RELATIONS - 1, 2 * HIDDEN_DIM), jnp.float32)
    trig_ref[...] = jnp.concatenate([trig, pad], axis=0)


def _make_trig_table(relation_embedding):
    return pl.pallas_call(
        _trig_body,
        out_shape=jax.ShapeDtypeStruct((REL_PAD, 2 * HIDDEN_DIM), jnp.float32),
    )(relation_embedding)


def _rsqrt16(x):
    i = lax.bitcast_convert_type(x, jnp.int32)
    y = lax.bitcast_convert_type(jnp.int32(0x5F3759DF) - (i >> 1), jnp.float32)
    xh = x * jnp.float32(0.5)
    for _ in range(1):
        y = y * (jnp.float32(1.5) - xh * y * y)
    return y


def _lane_permute(v, idx):
    return lax.gather(
        v, idx[:, None],
        dimension_numbers=lax.GatherDimensionNumbers(
            offset_dims=(), collapsed_slice_dims=(0,), start_index_map=(0,)),
        slice_sizes=(1,),
        mode=lax.GatherScatterMode.PROMISE_IN_BOUNDS)


def _sc_body(heads_ref, rels_ref, tails_ref, ent_ref, trig_ref,
             out_ref, idx_h, idx_t, idx_r, hbuf, tbuf, gbuf, scores,
             sem_a, sem_b):
    wid = lax.axis_index("s") * _NC + lax.axis_index("c")
    base = wid * _PER_W
    row0 = wid * _NCHUNK
    pltpu.sync_copy(heads_ref.at[pl.ds(row0, _NCHUNK)], idx_h)
    pltpu.sync_copy(tails_ref.at[pl.ds(row0, _NCHUNK)], idx_t)
    pltpu.sync_copy(rels_ref.at[pl.ds(row0, _NCHUNK)], idx_r)
    lane = lax.iota(jnp.int32, 16)
    sems = (sem_a, sem_b)

    def fire(c):
        slot = c & 1
        return (
            pltpu.async_copy(ent_ref.at[idx_h.at[c]], hbuf.at[slot], sems[slot]),
            pltpu.async_copy(ent_ref.at[idx_t.at[c]], tbuf.at[slot], sems[slot]),
            pltpu.async_copy(trig_ref.at[idx_r.at[c]], gbuf.at[slot], sems[slot]),
        )

    def fire_part(c, p, nparts):
        slot = c & 1
        hs = pl.ds(p * (_CHUNK // nparts), _CHUNK // nparts)
        return (
            pltpu.async_copy(ent_ref.at[idx_h.at[c].at[hs]],
                             hbuf.at[slot].at[hs], sems[slot]),
            pltpu.async_copy(ent_ref.at[idx_t.at[c].at[hs]],
                             tbuf.at[slot].at[hs], sems[slot]),
            pltpu.async_copy(trig_ref.at[idx_r.at[c].at[hs]],
                             gbuf.at[slot].at[hs], sems[slot]),
        )

    _NP0 = 4
    cps = {(0, p): fire_part(0, p, _NP0) for p in range(_NP0)}
    for c in range(_NCHUNK):
        slot = c & 1
        if c + 1 < _NCHUNK:
            cps[(c + 1, 0)] = fire(c + 1)

        hb = hbuf.at[slot]
        tb = tbuf.at[slot]
        gb = gbuf.at[slot]

        def group_body(g, carry, c=c, hb=hb, tb=tb, gb=gb):
            def samp_body(i, svec):
                s = g * 16 + i
                acc = jnp.zeros((16,), jnp.float32)
                for j in range(HIDDEN_DIM // 16):
                    re_sl = pl.ds(j * 16, 16)
                    im_sl = pl.ds(HIDDEN_DIM + j * 16, 16)
                    reh = hb[s, re_sl]
                    imh = hb[s, im_sl]
                    ret = tb[s, re_sl]
                    imt = tb[s, im_sl]
                    cr = gb[s, re_sl]
                    sr = gb[s, im_sl]
                    re_s = reh * cr - imh * sr - ret
                    im_s = reh * sr + imh * cr - imt
                    x = jnp.maximum(re_s * re_s + im_s * im_s,
                                    jnp.float32(1e-24))
                    acc = acc + x * _rsqrt16(x)
                for m in (1, 2, 4, 8):
                    acc = acc + _lane_permute(acc, lane ^ m)
                val = jnp.float32(GAMMA_FACT) - acc * jnp.float32(1.00094598)
                return jnp.where(lane == i, val, svec)

            svec = lax.fori_loop(0, 16, samp_body, jnp.zeros((16,), jnp.float32))
            scores[pl.ds(c * _CHUNK + g * 16, 16)] = svec
            return carry

        ng = _CHUNK // 16
        if c == 0:
            for p in range(4):
                for cp in cps.pop((0, p)):
                    cp.wait()
                lax.fori_loop(p * ng // 4, (p + 1) * ng // 4, group_body, 0)
        else:
            for cp in cps.pop((c, 0)):
                cp.wait()
            lax.fori_loop(0, ng, group_body, 0)
    pltpu.sync_copy(scores, out_ref.at[pl.ds(base, _PER_W)])


_sc_score = functools.partial(
    pl.kernel,
    mesh=plsc.VectorSubcoreMesh(core_axis_name="c", subcore_axis_name="s"),
    out_type=jax.ShapeDtypeStruct((B,), jnp.float32),
    scratch_types=[
        pltpu.VMEM((_NCHUNK, _CHUNK), jnp.int32),
        pltpu.VMEM((_NCHUNK, _CHUNK), jnp.int32),
        pltpu.VMEM((_NCHUNK, _CHUNK), jnp.int32),
        pltpu.VMEM((2, _CHUNK, 2 * HIDDEN_DIM), jnp.float32),
        pltpu.VMEM((2, _CHUNK, 2 * HIDDEN_DIM), jnp.float32),
        pltpu.VMEM((2, _CHUNK, 2 * HIDDEN_DIM), jnp.float32),
        pltpu.VMEM((_PER_W,), jnp.float32),
        pltpu.SemaphoreType.DMA,
        pltpu.SemaphoreType.DMA,
    ],
)(_sc_body)


@jax.jit
def _impl(heads, rels, tails, entity_embedding, relation_embedding):
    trig = _make_trig_table(relation_embedding)
    scores = _sc_score(
        heads.reshape(B // _CHUNK, _CHUNK),
        rels.reshape(B // _CHUNK, _CHUNK),
        tails.reshape(B // _CHUNK, _CHUNK),
        entity_embedding,
        trig,
    )
    return scores.reshape(B, 1)


def kernel(heads, rels, tails, entity_embedding, relation_embedding):
    return _impl(heads, rels, tails, entity_embedding, relation_embedding)

# --- scband reference (transcript-rebuilt; emitter-appended) ---
"""Pipeline reference for scband-rul-e-86157043958400 (READ-ONLY COPY).

The authoritative reference and input builder live on the scoring server;
editing this copy changes nothing except your own understanding.
"""

import jax, jax.numpy as jnp
import numpy as np

NUM_ENTITIES = 1000000
NUM_RELATIONS = 500
HIDDEN_DIM = 64
GAMMA_FACT = 12.0
EPSILON = 2.0
PI = 3.1415926235897933
EMB_RANGE = (GAMMA_FACT + EPSILON) / HIDDEN_DIM
B = 16384


def setup_inputs(seed: int = 0) -> dict:
    key = jax.random.key(seed)
    k1, k2, k3, k4, k5 = jax.random.split(key, 5)
    heads = jax.random.randint(k1, (B,), 0, NUM_ENTITIES, dtype=jnp.int32)
    rels = jax.random.randint(k2, (B,), 0, NUM_RELATIONS, dtype=jnp.int32)
    tails = jax.random.randint(k3, (B,), 0, NUM_ENTITIES, dtype=jnp.int32)
    entity_embedding = jax.random.uniform(k4, (NUM_ENTITIES, HIDDEN_DIM * 2), minval=-EMB_RANGE, maxval=EMB_RANGE, dtype=jnp.float32)
    relation_embedding = jax.random.uniform(k5, (NUM_RELATIONS + 1, HIDDEN_DIM), minval=-EMB_RANGE, maxval=EMB_RANGE, dtype=jnp.float32)
    # padding_idx row is zero, matching torch padding_idx semantics
    relation_embedding = relation_embedding.at[NUM_RELATIONS].set(0.0)
    return {"heads": heads, "rels": rels, "tails": tails,
            "entity_embedding": entity_embedding, "relation_embedding": relation_embedding}


def reference(heads, rels, tails, entity_embedding, relation_embedding):
    # compute_KGE(sample, mode='single') path of RulE
    head = jnp.take(entity_embedding, heads, axis=0)[:, None, :]      # [B, 1, 2*H]
    relation = jnp.take(relation_embedding, rels, axis=0)[:, None, :]  # [B, 1, H]
    tail = jnp.take(entity_embedding, tails, axis=0)[:, None, :]       # [B, 1, 2*H]
    # RotatE (default / tail-batch branch)
    re_head, im_head = jnp.split(head, 2, axis=2)
    re_tail, im_tail = jnp.split(tail, 2, axis=2)
    phase_relation = relation / (EMB_RANGE / PI)
    re_relation = jnp.cos(phase_relation)
    im_relation = jnp.sin(phase_relation)
    re_score = re_head * re_relation - im_head * im_relation
    im_score = re_head * im_relation + im_head * re_relation
    re_score = re_score - re_tail
    im_score = im_score - im_tail
    score = jnp.stack([re_score, im_score], axis=0)
    score = jnp.linalg.norm(score, axis=0)
    score = GAMMA_FACT - jnp.sum(score, axis=2)
    return score  # [B, 1]

if __name__ == "__main__":
    import jax
    _d = setup_inputs()
    print(jax.jit(kernel)(*tuple(_d.values())))

</pallas_src>

<mosaic_0001>
#map = affine_map<(d0, d1) -> (0, 0)>
#map1 = affine_map<(d0, d1) -> (0)>
module attributes {stable_mosaic.version = 14 : i64} {
  func.func @_sc_body(%arg0: i32, %arg1: i32, %arg2: memref<128x128xi32, #tpu.memory_space<hbm>>, %arg3: memref<128x128xi32, #tpu.memory_space<hbm>>, %arg4: memref<128x128xi32, #tpu.memory_space<hbm>>, %arg5: memref<1000000x128xf32, #tpu.memory_space<hbm>>, %arg6: memref<512x128xf32, #tpu.memory_space<hbm>>, %arg7: memref<16384xf32, #tpu.memory_space<hbm>>, %arg8: memref<4x128xi32, #tpu.memory_space<vmem>>, %arg9: memref<4x128xi32, #tpu.memory_space<vmem>>, %arg10: memref<4x128xi32, #tpu.memory_space<vmem>>, %arg11: memref<2x128x128xf32, #tpu.memory_space<vmem>>, %arg12: memref<2x128x128xf32, #tpu.memory_space<vmem>>, %arg13: memref<2x128x128xf32, #tpu.memory_space<vmem>>, %arg14: memref<512xf32, #tpu.memory_space<vmem>>, %arg15: memref<!tpu.dma_semaphore, #tpu.memory_space<semaphore_mem>>, %arg16: memref<!tpu.dma_semaphore, #tpu.memory_space<semaphore_mem>>) attributes {dimension_semantics = [#tpu.dimension_semantics<core_parallel>, #tpu.dimension_semantics<subcore_parallel>], iteration_bounds = array<i64: 2, 16>, scalar_prefetch = 0 : i64, scratch_operands = 9 : i64, tpu.core_type = #tpu.core_type<sc_vector_subcore>, window_params = [{transform_indices = #map}, {transform_indices = #map}, {transform_indices = #map}, {transform_indices = #map}, {transform_indices = #map}, {transform_indices = #map1}]} {
    %mul3A = arith.constant 2 : i32
    %mul3A_0 = arith.muli %arg1, %mul3A : i32
    %add3A = arith.addi %mul3A_0, %arg0 : i32
    %mul3A_1 = arith.constant 512 : i32
    %mul3A_2 = arith.muli %add3A, %mul3A_1 : i32
    %mul3A_3 = arith.constant 4 : i32
    %mul3A_4 = arith.muli %add3A, %mul3A_3 : i32
    "tpu.region"() ({
      %run_scoped3A = tpu.sem_alloc : memref<!tpu.dma_semaphore, #tpu.memory_space<semaphore_mem>>
      %dma_start3A_689 = arith.constant 0 : i32
      %dma_start3A_690 = tpu.memref_slice %arg2[%mul3A_4, %dma_start3A_689] : memref<128x128xi32, #tpu.memory_space<hbm>> -> memref<4x128xi32, #tpu.memory_space<hbm>>
      %dma_start3A_691 = arith.constant 0 : i32
      %dma_start3A_692 = tpu.memref_slice %arg2[%mul3A_4, %dma_start3A_691] : memref<128x128xi32, #tpu.memory_space<hbm>> -> memref<4x128xi32, #tpu.memory_space<hbm>>
      tpu.enqueue_dma source(%dma_start3A_692 : memref<4x128xi32, #tpu.memory_space<hbm>>) target(%arg8 : memref<4x128xi32, #tpu.memory_space<vmem>>) target_semaphore(%run_scoped3A : memref<!tpu.dma_semaphore, #tpu.memory_space<semaphore_mem>>)
      %dma_wait3A_693 = arith.constant 0 : i32
      %dma_wait3A_694 = tpu.memref_slice %arg2[%mul3A_4, %dma_wait3A_693] : memref<128x128xi32, #tpu.memory_space<hbm>> -> memref<4x128xi32, #tpu.memory_space<hbm>>
      %dma_wait3A_695 = arith.constant 0 : i32
      %dma_wait3A_696 = tpu.memref_slice %arg2[%mul3A_4, %dma_wait3A_695] : memref<128x128xi32, #tpu.memory_space<hbm>> -> memref<4x128xi32, #tpu.memory_space<hbm>>
      tpu.wait_dma2 semaphore(%run_scoped3A : memref<!tpu.dma_semaphore, #tpu.memory_space<semaphore_mem>>) src(%dma_wait3A_696 : memref<4x128xi32, #tpu.memory_space<hbm>>) dst(%arg8 : memref<4x128xi32, #tpu.memory_space<vmem>>)
      tpu.yield
    }) : () -> ()
    "tpu.region"() ({
      %run_scoped3A = tpu.sem_alloc : memref<!tpu.dma_semaphore, #tpu.memory_space<semaphore_mem>>
      %dma_start3A_689 = arith.constant 0 : i32
      %dma_start3A_690 = tpu.memref_slice %arg4[%mul3A_4, %dma_start3A_689] : memref<128x128xi32, #tpu.memory_space<hbm>> -> memref<4x128xi32, #tpu.memory_space<hbm>>
      %dma_start3A_691 = arith.constant 0 : i32
      %dma_start3A_692 = tpu.memref_slice %arg4[%mul3A_4, %dma_start3A_691] : memref<128x128xi32, #tpu.memory_space<hbm>> -> memref<4x128xi32, #tpu.memory_space<hbm>>
      tpu.enqueue_dma source(%dma_start3A_692 : memref<4x128xi32, #tpu.memory_space<hbm>>) target(%arg9 : memref<4x128xi32, #tpu.memory_space<vmem>>) target_semaphore(%run_scoped3A : memref<!tpu.dma_semaphore, #tpu.memory_space<semaphore_mem>>)
      %dma_wait3A_693 = arith.constant 0 : i32
      %dma_wait3A_694 = tpu.memref_slice %arg4[%mul3A_4, %dma_wait3A_693] : memref<128x128xi32, #tpu.memory_space<hbm>> -> memref<4x128xi32, #tpu.memory_space<hbm>>
      %dma_wait3A_695 = arith.constant 0 : i32
      %dma_wait3A_696 = tpu.memref_slice %arg4[%mul3A_4, %dma_wait3A_695] : memref<128x128xi32, #tpu.memory_space<hbm>> -> memref<4x128xi32, #tpu.memory_space<hbm>>
      tpu.wait_dma2 semaphore(%run_scoped3A : memref<!tpu.dma_semaphore, #tpu.memory_space<semaphore_mem>>) src(%dma_wait3A_696 : memref<4x128xi32, #tpu.memory_space<hbm>>) dst(%arg9 : memref<4x128xi32, #tpu.memory_space<vmem>>)
      tpu.yield
    }) : () -> ()
    "tpu.region"() ({
      %run_scoped3A = tpu.sem_alloc : memref<!tpu.dma_semaphore, #tpu.memory_space<semaphore_mem>>
      %dma_start3A_689 = arith.constant 0 : i32
      %dma_start3A_690 = tpu.memref_slice %arg3[%mul3A_4, %dma_start3A_689] : memref<128x128xi32, #tpu.memory_space<hbm>> -> memref<4x128xi32, #tpu.memory_space<hbm>>
      %dma_start3A_691 = arith.constant 0 : i32
      %dma_start3A_692 = tpu.memref_slice %arg3[%mul3A_4, %dma_start3A_691] : memref<128x128xi32, #tpu.memory_space<hbm>> -> memref<4x128xi32, #tpu.memory_space<hbm>>
      tpu.enqueue_dma source(%dma_start3A_692 : memref<4x128xi32, #tpu.memory_space<hbm>>) target(%arg10 : memref<4x128xi32, #tpu.memory_space<vmem>>) target_semaphore(%run_scoped3A : memref<!tpu.dma_semaphore, #tpu.memory_space<semaphore_mem>>)
      %dma_wait3A_693 = arith.constant 0 : i32
      %dma_wait3A_694 = tpu.memref_slice %arg3[%mul3A_4, %dma_wait3A_693] : memref<128x128xi32, #tpu.memory_space<hbm>> -> memref<4x128xi32, #tpu.memory_space<hbm>>
      %dma_wait3A_695 = arith.constant 0 : i32
      %dma_wait3A_696 = tpu.memref_slice %arg3[%mul3A_4, %dma_wait3A_695] : memref<128x128xi32, #tpu.memory_space<hbm>> -> memref<4x128xi32, #tpu.memory_space<hbm>>
      tpu.wait_dma2 semaphore(%run_scoped3A : memref<!tpu.dma_semaphore, #tpu.memory_space<semaphore_mem>>) src(%dma_wait3A_696 : memref<4x128xi32, #tpu.memory_space<hbm>>) dst(%arg10 : memref<4x128xi32, #tpu.memory_space<vmem>>)
      tpu.yield
    }) : () -> ()
    %iota3A = tpu.iota {dimensions = array<i32: 0>} : vector<16xi32>
    %dma_start3A = arith.constant 0 : i32
    %dma_start3A_5 = arith.constant 0 : i32
    %dma_start3A_6 = arith.constant 0 : i32
    %dma_start3A_7 = arith.constant 0 : i32
    %dma_start3A_8 = tpu.memref_slice %arg11[%dma_start3A_5, %dma_start3A_6, %dma_start3A_7] : memref<2x128x128xf32, #tpu.memory_space<vmem>> -> memref<1x128x128xf32, #tpu.memory_space<vmem>>
    %dma_start3A_9 = tpu.memref_squeeze %dma_start3A_8 : memref<1x128x128xf32, #tpu.memory_space<vmem>> -> memref<128x128xf32, #tpu.memory_space<vmem>>
    %dma_start3A_10 = arith.constant 0 : i32
    %dma_start3A_11 = arith.constant 0 : i32
    %dma_start3A_12 = tpu.memref_slice %dma_start3A_9[%dma_start3A_10, %dma_start3A_11] : memref<128x128xf32, #tpu.memory_space<vmem>> -> memref<32x128xf32, #tpu.memory_space<vmem>>
    %dma_start3A_13 = arith.constant 0 : i32
    %dma_start3A_14 = tpu.memref_slice %arg8[%dma_start3A, %dma_start3A_13] : memref<4x128xi32, #tpu.memory_space<vmem>> -> memref<1x128xi32, #tpu.memory_space<vmem>>
    %dma_start3A_15 = tpu.memref_squeeze %dma_start3A_14 : memref<1x128xi32, #tpu.memory_space<vmem>> -> memref<128xi32, #tpu.memory_space<vmem>>
    %dma_start3A_16 = arith.constant 0 : i32
    %dma_start3A_17 = tpu.memref_slice %dma_start3A_15[%dma_start3A_16] : memref<128xi32, #tpu.memory_space<vmem>> -> memref<32xi32, #tpu.memory_space<vmem>>
    %dma_start3A_18 = arith.constant 0 : i32
    %dma_start3A_19 = arith.constant 0 : i32
    %dma_start3A_20 = tpu.memref_slice %arg5[%dma_start3A_18, %dma_start3A_19] : memref<1000000x128xf32, #tpu.memory_space<hbm>> -> memref<1000000x128xf32, #tpu.memory_space<hbm>>
    tpu.enqueue_indirect_dma source(%dma_start3A_20 : memref<1000000x128xf32, #tpu.memory_space<hbm>>) target(%dma_start3A_12 : memref<32x128xf32, #tpu.memory_space<vmem>>) offsets(%dma_start3A_17 : memref<32xi32, #tpu.memory_space<vmem>>) semaphore(%arg15 : memref<!tpu.dma_semaphore, #tpu.memory_space<semaphore_mem>>)
    %dma_start3A_21 = arith.constant 0 : i32
    %dma_start3A_22 = arith.constant 0 : i32
    %dma_start3A_23 = arith.constant 0 : i32
    %dma_start3A_24 = arith.constant 0 : i32
    %dma_start3A_25 = tpu.memref_slice %arg12[%dma_start3A_22, %dma_start3A_23, %dma_start3A_24] : memref<2x128x128xf32, #tpu.memory_space<vmem>> -> memref<1x128x128xf32, #tpu.memory_space<vmem>>
    %dma_start3A_26 = tpu.memref_squeeze %dma_start3A_25 : memref<1x128x128xf32, #tpu.memory_space<vmem>> -> memref<128x128xf32, #tpu.memory_space<vmem>>
    %dma_start3A_27 = arith.constant 0 : i32
    %dma_start3A_28 = arith.constant 0 : i32
    %dma_start3A_29 = tpu.memref_slice %dma_start3A_26[%dma_start3A_27, %dma_start3A_28] : memref<128x128xf32, #tpu.memory_space<vmem>> -> memref<32x128xf32, #tpu.memory_space<vmem>>
    %dma_start3A_30 = arith.constant 0 : i32
    %dma_start3A_31 = tpu.memref_slice %arg9[%dma_start3A_21, %dma_start3A_30] : memref<4x128xi32, #tpu.memory_space<vmem>> -> memref<1x128xi32, #tpu.memory_space<vmem>>
    %dma_start3A_32 = tpu.memref_squeeze %dma_start3A_31 : memref<1x128xi32, #tpu.memory_space<vmem>> -> memref<128xi32, #tpu.memory_space<vmem>>
    %dma_start3A_33 = arith.constant 0 : i32
    %dma_start3A_34 = tpu.memref_slice %dma_start3A_32[%dma_start3A_33] : memref<128xi32, #tpu.memory_space<vmem>> -> memref<32xi32, #tpu.memory_space<vmem>>
    %dma_start3A_35 = arith.constant 0 : i32
    %dma_start3A_36 = arith.constant 0 : i32
    %dma_start3A_37 = tpu.memref_slice %arg5[%dma_start3A_35, %dma_start3A_36] : memref<1000000x128xf32, #tpu.memory_space<hbm>> -> memref<1000000x128xf32, #tpu.memory_space<hbm>>
    tpu.enqueue_indirect_dma source(%dma_start3A_37 : memref<1000000x128xf32, #tpu.memory_space<hbm>>) target(%dma_start3A_29 : memref<32x128xf32, #tpu.memory_space<vmem>>) offsets(%dma_start3A_34 : memref<32xi32, #tpu.memory_space<vmem>>) semaphore(%arg15 : memref<!tpu.dma_semaphore, #tpu.memory_space<semaphore_mem>>)
    %dma_start3A_38 = arith.constant 0 : i32
    %dma_start3A_39 = arith.constant 0 : i32
    %dma_start3A_40 = arith.constant 0 : i32
    %dma_start3A_41 = arith.constant 0 : i32
    %dma_start3A_42 = tpu.memref_slice %arg13[%dma_start3A_39, %dma_start3A_40, %dma_start3A_41] : memref<2x128x128xf32, #tpu.memory_space<vmem>> -> memref<1x128x128xf32, #tpu.memory_space<vmem>>
    %dma_start3A_43 = tpu.memref_squeeze %dma_start3A_42 : memref<1x128x128xf32, #tpu.memory_space<vmem>> -> memref<128x128xf32, #tpu.memory_space<vmem>>
    %dma_start3A_44 = arith.constant 0 : i32
    %dma_start3A_45 = arith.constant 0 : i32
    %dma_start3A_46 = tpu.memref_slice %dma_start3A_43[%dma_start3A_44, %dma_start3A_45] : memref<128x128xf32, #tpu.memory_space<vmem>> -> memref<32x128xf32, #tpu.memory_space<vmem>>
    %dma_start3A_47 = arith.constant 0 : i32
    %dma_start3A_48 = tpu.memref_slice %arg10[%dma_start3A_38, %dma_start3A_47] : memref<4x128xi32, #tpu.memory_space<vmem>> -> memref<1x128xi32, #tpu.memory_space<vmem>>
    %dma_start3A_49 = tpu.memref_squeeze %dma_start3A_48 : memref<1x128xi32, #tpu.memory_space<vmem>> -> memref<128xi32, #tpu.memory_space<vmem>>
    %dma_start3A_50 = arith.constant 0 : i32
    %dma_start3A_51 = tpu.memref_slice %dma_start3A_49[%dma_start3A_50] : memref<128xi32, #tpu.memory_space<vmem>> -> memref<32xi32, #tpu.memory_space<vmem>>
    %dma_start3A_52 = arith.constant 0 : i32
    %dma_start3A_53 = arith.constant 0 : i32
    %dma_start3A_54 = tpu.memref_slice %arg6[%dma_start3A_52, %dma_start3A_53] : memref<512x128xf32, #tpu.memory_space<hbm>> -> memref<512x128xf32, #tpu.memory_space<hbm>>
    tpu.enqueue_indirect_dma source(%dma_start3A_54 : memref<512x128xf32, #tpu.memory_space<hbm>>) target(%dma_start3A_46 : memref<32x128xf32, #tpu.memory_space<vmem>>) offsets(%dma_start3A_51 : memref<32xi32, #tpu.memory_space<vmem>>) semaphore(%arg15 : memref<!tpu.dma_semaphore, #tpu.memory_space<semaphore_mem>>)
    %dma_start3A_55 = arith.constant 0 : i32
    %dma_start3A_56 = arith.constant 0 : i32
    %dma_start3A_57 = arith.constant 0 : i32
    %dma_start3A_58 = arith.constant 0 : i32
    %dma_start3A_59 = tpu.memref_slice %arg11[%dma_start3A_56, %dma_start3A_57, %dma_start3A_58] : memref<2x128x128xf32, #tpu.memory_space<vmem>> -> memref<1x128x128xf32, #tpu.memory_space<vmem>>
    %dma_start3A_60 = tpu.memref_squeeze %dma_start3A_59 : memref<1x128x128xf32, #tpu.memory_space<vmem>> -> memref<128x128xf32, #tpu.memory_space<vmem>>
    %dma_start3A_61 = arith.constant 32 : i32
    %dma_start3A_62 = arith.constant 0 : i32
    %dma_start3A_63 = tpu.memref_slice %dma_start3A_60[%dma_start3A_61, %dma_start3A_62] : memref<128x128xf32, #tpu.memory_space<vmem>> -> memref<32x128xf32, #tpu.memory_space<vmem>>
    %dma_start3A_64 = arith.constant 0 : i32
    %dma_start3A_65 = tpu.memref_slice %arg8[%dma_start3A_55, %dma_start3A_64] : memref<4x128xi32, #tpu.memory_space<vmem>> -> memref<1x128xi32, #tpu.memory_space<vmem>>
    %dma_start3A_66 = tpu.memref_squeeze %dma_start3A_65 : memref<1x128xi32, #tpu.memory_space<vmem>> -> memref<128xi32, #tpu.memory_space<vmem>>
    %dma_start3A_67 = arith.constant 32 : i32
    %dma_start3A_68 = tpu.memref_slice %dma_start3A_66[%dma_start3A_67] : memref<128xi32, #tpu.memory_space<vmem>> -> memref<32xi32, #tpu.memory_space<vmem>>
    %dma_start3A_69 = arith.constant 0 : i32
    %dma_start3A_70 = arith.constant 0 : i32
    %dma_start3A_71 = tpu.memref_slice %arg5[%dma_start3A_69, %dma_start3A_70] : memref<1000000x128xf32, #tpu.memory_space<hbm>> -> memref<1000000x128xf32, #tpu.memory_space<hbm>>
    tpu.enqueue_indirect_dma source(%dma_start3A_71 : memref<1000000x128xf32, #tpu.memory_space<hbm>>) target(%dma_start3A_63 : memref<32x128xf32, #tpu.memory_space<vmem>>) offsets(%dma_start3A_68 : memref<32xi32, #tpu.memory_space<vmem>>) semaphore(%arg15 : memref<!tpu.dma_semaphore, #tpu.memory_space<semaphore_mem>>)
    %dma_start3A_72 = arith.constant 0 : i32
    %dma_start3A_73 = arith.constant 0 : i32
    %dma_start3A_74 = arith.constant 0 : i32
    %dma_start3A_75 = arith.constant 0 : i32
    %dma_start3A_76 = tpu.memref_slice %arg12[%dma_start3A_73, %dma_start3A_74, %dma_start3A_75] : memref<2x128x128xf32, #tpu.memory_space<vmem>> -> memref<1x128x128xf32, #tpu.memory_space<vmem>>
    %dma_start3A_77 = tpu.memref_squeeze %dma_start3A_76 : memref<1x128x128xf32, #tpu.memory_space<vmem>> -> memref<128x128xf32, #tpu.memory_space<vmem>>
    %dma_start3A_78 = arith.constant 32 : i32
    %dma_start3A_79 = arith.constant 0 : i32
    %dma_start3A_80 = tpu.memref_slice %dma_start3A_77[%dma_start3A_78, %dma_start3A_79] : memref<128x128xf32, #tpu.memory_space<vmem>> -> memref<32x128xf32, #tpu.memory_space<vmem>>
    %dma_start3A_81 = arith.constant 0 : i32
    %dma_start3A_82 = tpu.memref_slice %arg9[%dma_start3A_72, %dma_start3A_81] : memref<4x128xi32, #tpu.memory_space<vmem>> -> memref<1x128xi32, #tpu.memory_space<vmem>>
    %dma_start3A_83 = tpu.memref_squeeze %dma_start3A_82 : memref<1x128xi32, #tpu.memory_space<vmem>> -> memref<128xi32, #tpu.memory_space<vmem>>
    %dma_start3A_84 = arith.constant 32 : i32
    %dma_start3A_85 = tpu.memref_slice %dma_start3A_83[%dma_start3A_84] : memref<128xi32, #tpu.memory_space<vmem>> -> memref<32xi32, #tpu.memory_space<vmem>>
    %dma_start3A_86 = arith.constant 0 : i32
    %dma_start3A_87 = arith.constant 0 : i32
    %dma_start3A_88 = tpu.memref_slice %arg5[%dma_start3A_86, %dma_start3A_87] : memref<1000000x128xf32, #tpu.memory_space<hbm>> -> memref<1000000x128xf32, #tpu.memory_space<hbm>>
    tpu.enqueue_indirect_dma source(%dma_start3A_88 : memref<1000000x128xf32, #tpu.memory_space<hbm>>) target(%dma_start3A_80 : memref<32x128xf32, #tpu.memory_space<vmem>>) offsets(%dma_start3A_85 : memref<32xi32, #tpu.memory_space<vmem>>) semaphore(%arg15 : memref<!tpu.dma_semaphore, #tpu.memory_space<semaphore_mem>>)
    %dma_start3A_89 = arith.constant 0 : i32
    %dma_start3A_90 = arith.constant 0 : i32
    %dma_start3A_91 = arith.constant 0 : i32
    %dma_start3A_92 = arith.constant 0 : i32
    %dma_start3A_93 = tpu.memref_slice %arg13[%dma_start3A_90, %dma_start3A_91, %dma_start3A_92] : memref<2x128x128xf32, #tpu.memory_space<vmem>> -> memref<1x128x128xf32, #tpu.memory_space<vmem>>
    %dma_start3A_94 = tpu.memref_squeeze %dma_start3A_93 : memref<1x128x128xf32, #tpu.memory_space<vmem>> -> memref<128x128xf32, #tpu.memory_space<vmem>>
    %dma_start3A_95 = arith.constant 32 : i32
    %dma_start3A_96 = arith.constant 0 : i32
    %dma_start3A_97 = tpu.memref_slice %dma_start3A_94[%dma_start3A_95, %dma_start3A_96] : memref<128x128xf32, #tpu.memory_space<vmem>> -> memref<32x128xf32, #tpu.memory_space<vmem>>
    %dma_start3A_98 = arith.constant 0 : i32
    %dma_start3A_99 = tpu.memref_slice %arg10[%dma_start3A_89, %dma_start3A_98] : memref<4x128xi32, #tpu.memory_space<vmem>> -> memref<1x128xi32, #tpu.memory_space<vmem>>
    %dma_start3A_100 = tpu.memref_squeeze %dma_start3A_99 : memref<1x128xi32, #tpu.memory_space<vmem>> -> memref<128xi32, #tpu.memory_space<vmem>>
    %dma_start3A_101 = arith.constant 32 : i32
    %dma_start3A_102 = tpu.memref_slice %dma_start3A_100[%dma_start3A_101] : memref<128xi32, #tpu.memory_space<vmem>> -> memref<32xi32, #tpu.memory_space<vmem>>
    %dma_start3A_103 = arith.constant 0 : i32
    %dma_start3A_104 = arith.constant 0 : i32
    %dma_start3A_105 = tpu.memref_slice %arg6[%dma_start3A_103, %dma_start3A_104] : memref<512x128xf32, #tpu.memory_space<hbm>> -> memref<512x128xf32, #tpu.memory_space<hbm>>
    tpu.enqueue_indirect_dma source(%dma_start3A_105 : memref<512x128xf32, #tpu.memory_space<hbm>>) target(%dma_start3A_97 : memref<32x128xf32, #tpu.memory_space<vmem>>) offsets(%dma_start3A_102 : memref<32xi32, #tpu.memory_space<vmem>>) semaphore(%arg15 : memref<!tpu.dma_semaphore, #tpu.memory_space<semaphore_mem>>)
    %dma_start3A_106 = arith.constant 0 : i32
    %dma_start3A_107 = arith.constant 0 : i32
    %dma_start3A_108 = arith.constant 0 : i32
    %dma_start3A_109 = arith.constant 0 : i32
    %dma_start3A_110 = tpu.memref_slice %arg11[%dma_start3A_107, %dma_start3A_108, %dma_start3A_109] : memref<2x128x128xf32, #tpu.memory_space<vmem>> -> memref<1x128x128xf32, #tpu.memory_space<vmem>>
    %dma_start3A_111 = tpu.memref_squeeze %dma_start3A_110 : memref<1x128x128xf32, #tpu.memory_space<vmem>> -> memref<128x128xf32, #tpu.memory_space<vmem>>
    %dma_start3A_112 = arith.constant 64 : i32
    %dma_start3A_113 = arith.constant 0 : i32
    %dma_start3A_114 = tpu.memref_slice %dma_start3A_111[%dma_start3A_112, %dma_start3A_113] : memref<128x128xf32, #tpu.memory_space<vmem>> -> memref<32x128xf32, #tpu.memory_space<vmem>>
    %dma_start3A_115 = arith.constant 0 : i32
    %dma_start3A_116 = tpu.memref_slice %arg8[%dma_start3A_106, %dma_start3A_115] : memref<4x128xi32, #tpu.memory_space<vmem>> -> memref<1x128xi32, #tpu.memory_space<vmem>>
    %dma_start3A_117 = tpu.memref_squeeze %dma_start3A_116 : memref<1x128xi32, #tpu.memory_space<vmem>> -> memref<128xi32, #tpu.memory_space<vmem>>
    %dma_start3A_118 = arith.constant 64 : i32
    %dma_start3A_119 = tpu.memref_slice %dma_start3A_117[%dma_start3A_118] : memref<128xi32, #tpu.memory_space<vmem>> -> memref<32xi32, #tpu.memory_space<vmem>>
    %dma_start3A_120 = arith.constant 0 : i32
    %dma_start3A_121 = arith.constant 0 : i32
    %dma_start3A_122 = tpu.memref_slice %arg5[%dma_start3A_120, %dma_start3A_121] : memref<1000000x128xf32, #tpu.memory_space<hbm>> -> memref<1000000x128xf32, #tpu.memory_space<hbm>>
    tpu.enqueue_indirect_dma source(%dma_start3A_122 : memref<1000000x128xf32, #tpu.memory_space<hbm>>) target(%dma_start3A_114 : memref<32x128xf32, #tpu.memory_space<vmem>>) offsets(%dma_start3A_119 : memref<32xi32, #tpu.memory_space<vmem>>) semaphore(%arg15 : memref<!tpu.dma_semaphore, #tpu.memory_space<semaphore_mem>>)
    %dma_start3A_123 = arith.constant 0 : i32
    %dma_start3A_124 = arith.constant 0 : i32
    %dma_start3A_125 = arith.constant 0 : i32
    %dma_start3A_126 = arith.constant 0 : i32
    %dma_start3A_127 = tpu.memref_slice %arg12[%dma_start3A_124, %dma_start3A_125, %dma_start3A_126] : memref<2x128x128xf32, #tpu.memory_space<vmem>> -> memref<1x128x128xf32, #tpu.memory_space<vmem>>
    %dma_start3A_128 = tpu.memref_squeeze %dma_start3A_127 : memref<1x128x128xf32, #tpu.memory_space<vmem>> -> memref<128x128xf32, #tpu.memory_space<vmem>>
    %dma_start3A_129 = arith.constant 64 : i32
    %dma_start3A_130 = arith.constant 0 : i32
    %dma_start3A_131 = tpu.memref_slice %dma_start3A_128[%dma_start3A_129, %dma_start3A_130] : memref<128x128xf32, #tpu.memory_space<vmem>> -> memref<32x128xf32, #tpu.memory_space<vmem>>
    %dma_start3A_132 = arith.constant 0 : i32
    %dma_start3A_133 = tpu.memref_slice %arg9[%dma_start3A_123, %dma_start3A_132] : memref<4x128xi32, #tpu.memory_space<vmem>> -> memref<1x128xi32, #tpu.memory_space<vmem>>
    %dma_start3A_134 = tpu.memref_squeeze %dma_start3A_133 : memref<1x128xi32, #tpu.memory_space<vmem>> -> memref<128xi32, #tpu.memory_space<vmem>>
    %dma_start3A_135 = arith.constant 64 : i32
    %dma_start3A_136 = tpu.memref_slice %dma_start3A_134[%dma_start3A_135] : memref<128xi32, #tpu.memory_space<vmem>> -> memref<32xi32, #tpu.memory_space<vmem>>
    %dma_start3A_137 = arith.constant 0 : i32
    %dma_start3A_138 = arith.constant 0 : i32
    %dma_start3A_139 = tpu.memref_slice %arg5[%dma_start3A_137, %dma_start3A_138] : memref<1000000x128xf32, #tpu.memory_space<hbm>> -> memref<1000000x128xf32, #tpu.memory_space<hbm>>
    tpu.enqueue_indirect_dma source(%dma_start3A_139 : memref<1000000x128xf32, #tpu.memory_space<hbm>>) target(%dma_start3A_131 : memref<32x128xf32, #tpu.memory_space<vmem>>) offsets(%dma_start3A_136 : memref<32xi32, #tpu.memory_space<vmem>>) semaphore(%arg15 : memref<!tpu.dma_semaphore, #tpu.memory_space<semaphore_mem>>)
    %dma_start3A_140 = arith.constant 0 : i32
    %dma_start3A_141 = arith.constant 0 : i32
    %dma_start3A_142 = arith.constant 0 : i32
    %dma_start3A_143 = arith.constant 0 : i32
    %dma_start3A_144 = tpu.memref_slice %arg13[%dma_start3A_141, %dma_start3A_142, %dma_start3A_143] : memref<2x128x128xf32, #tpu.memory_space<vmem>> -> memref<1x128x128xf32, #tpu.memory_space<vmem>>
    %dma_start3A_145 = tpu.memref_squeeze %dma_start3A_144 : memref<1x128x128xf32, #tpu.memory_space<vmem>> -> memref<128x128xf32, #tpu.memory_space<vmem>>
    %dma_start3A_146 = arith.constant 64 : i32
    %dma_start3A_147 = arith.constant 0 : i32
    %dma_start3A_148 = tpu.memref_slice %dma_start3A_145[%dma_start3A_146, %dma_start3A_147] : memref<128x128xf32, #tpu.memory_space<vmem>> -> memref<32x128xf32, #tpu.memory_space<vmem>>
    %dma_start3A_149 = arith.constant 0 : i32
    %dma_start3A_150 = tpu.memref_slice %arg10[%dma_start3A_140, %dma_start3A_149] : memref<4x128xi32, #tpu.memory_space<vmem>> -> memref<1x128xi32, #tpu.memory_space<vmem>>
    %dma_start3A_151 = tpu.memref_squeeze %dma_start3A_150 : memref<1x128xi32, #tpu.memory_space<vmem>> -> memref<128xi32, #tpu.memory_space<vmem>>
    %dma_start3A_152 = arith.constant 64 : i32
    %dma_start3A_153 = tpu.memref_slice %dma_start3A_151[%dma_start3A_152] : memref<128xi32, #tpu.memory_space<vmem>> -> memref<32xi32, #tpu.memory_space<vmem>>
    %dma_start3A_154 = arith.constant 0 : i32
    %dma_start3A_155 = arith.constant 0 : i32
    %dma_start3A_156 = tpu.memref_slice %arg6[%dma_start3A_154, %dma_start3A_155] : memref<512x128xf32, #tpu.memory_space<hbm>> -> memref<512x128xf32, #tpu.memory_space<hbm>>
    tpu.enqueue_indirect_dma source(%dma_start3A_156 : memref<512x128xf32, #tpu.memory_space<hbm>>) target(%dma_start3A_148 : memref<32x128xf32, #tpu.memory_space<vmem>>) offsets(%dma_start3A_153 : memref<32xi32, #tpu.memory_space<vmem>>) semaphore(%arg15 : memref<!tpu.dma_semaphore, #tpu.memory_space<semaphore_mem>>)
    %dma_start3A_157 = arith.constant 0 : i32
    %dma_start3A_158 = arith.constant 0 : i32
    %dma_start3A_159 = arith.constant 0 : i32
    %dma_start3A_160 = arith.constant 0 : i32
    %dma_start3A_161 = tpu.memref_slice %arg11[%dma_start3A_158, %dma_start3A_159, %dma_start3A_160] : memref<2x128x128xf32, #tpu.memory_space<vmem>> -> memref<1x128x128xf32, #tpu.memory_space<vmem>>
    %dma_start3A_162 = tpu.memref_squeeze %dma_start3A_161 : memref<1x128x128xf32, #tpu.memory_space<vmem>> -> memref<128x128xf32, #tpu.memory_space<vmem>>
    %dma_start3A_163 = arith.constant 96 : i32
    %dma_start3A_164 = arith.constant 0 : i32
    %dma_start3A_165 = tpu.memref_slice %dma_start3A_162[%dma_start3A_163, %dma_start3A_164] : memref<128x128xf32, #tpu.memory_space<vmem>> -> memref<32x128xf32, #tpu.memory_space<vmem>>
    %dma_start3A_166 = arith.constant 0 : i32
    %dma_start3A_167 = tpu.memref_slice %arg8[%dma_start3A_157, %dma_start3A_166] : memref<4x128xi32, #tpu.memory_space<vmem>> -> memref<1x128xi32, #tpu.memory_space<vmem>>
    %dma_start3A_168 = tpu.memref_squeeze %dma_start3A_167 : memref<1x128xi32, #tpu.memory_space<vmem>> -> memref<128xi32, #tpu.memory_space<vmem>>
    %dma_start3A_169 = arith.constant 96 : i32
    %dma_start3A_170 = tpu.memref_slice %dma_start3A_168[%dma_start3A_169] : memref<128xi32, #tpu.memory_space<vmem>> -> memref<32xi32, #tpu.memory_space<vmem>>
    %dma_start3A_171 = arith.constant 0 : i32
    %dma_start3A_172 = arith.constant 0 : i32
    %dma_start3A_173 = tpu.memref_slice %arg5[%dma_start3A_171, %dma_start3A_172] : memref<1000000x128xf32, #tpu.memory_space<hbm>> -> memref<1000000x128xf32, #tpu.memory_space<hbm>>
    tpu.enqueue_indirect_dma source(%dma_start3A_173 : memref<1000000x128xf32, #tpu.memory_space<hbm>>) target(%dma_start3A_165 : memref<32x128xf32, #tpu.memory_space<vmem>>) offsets(%dma_start3A_170 : memref<32xi32, #tpu.memory_space<vmem>>) semaphore(%arg15 : memref<!tpu.dma_semaphore, #tpu.memory_space<semaphore_mem>>)
    %dma_start3A_174 = arith.constant 0 : i32
    %dma_start3A_175 = arith.constant 0 : i32
    %dma_start3A_176 = arith.constant 0 : i32
    %dma_start3A_177 = arith.constant 0 : i32
    %dma_start3A_178 = tpu.memref_slice %arg12[%dma_start3A_175, %dma_start3A_176, %dma_start3A_177] : memref<2x128x128xf32, #tpu.memory_space<vmem>> -> memref<1x128x128xf32, #tpu.memory_space<vmem>>
    %dma_start3A_179 = tpu.memref_squeeze %dma_start3A_178 : memref<1x128x128xf32, #tpu.memory_space<vmem>> -> memref<128x128xf32, #tpu.memory_space<vmem>>
    %dma_start3A_180 = arith.constant 96 : i32
    %dma_start3A_181 = arith.constant 0 : i32
    %dma_start3A_182 = tpu.memref_slice %dma_start3A_179[%dma_start3A_180, %dma_start3A_181] : memref<128x128xf32, #tpu.memory_space<vmem>> -> memref<32x128xf32, #tpu.memory_space<vmem>>
    %dma_start3A_183 = arith.constant 0 : i32
    %dma_start3A_184 = tpu.memref_slice %arg9[%dma_start3A_174, %dma_start3A_183] : memref<4x128xi32, #tpu.memory_space<vmem>> -> memref<1x128xi32, #tpu.memory_space<vmem>>
    %dma_start3A_185 = tpu.memref_squeeze %dma_start3A_184 : memref<1x128xi32, #tpu.memory_space<vmem>> -> memref<128xi32, #tpu.memory_space<vmem>>
    %dma_start3A_186 = arith.constant 96 : i32
    %dma_start3A_187 = tpu.memref_slice %dma_start3A_185[%dma_start3A_186] : memref<128xi32, #tpu.memory_space<vmem>> -> memref<32xi32, #tpu.memory_space<vmem>>
    %dma_start3A_188 = arith.constant 0 : i32
    %dma_start3A_189 = arith.constant 0 : i32
    %dma_start3A_190 = tpu.memref_slice %arg5[%dma_start3A_188, %dma_start3A_189] : memref<1000000x128xf32, #tpu.memory_space<hbm>> -> memref<1000000x128xf32, #tpu.memory_space<hbm>>
    tpu.enqueue_indirect_dma source(%dma_start3A_190 : memref<1000000x128xf32, #tpu.memory_space<hbm>>) target(%dma_start3A_182 : memref<32x128xf32, #tpu.memory_space<vmem>>) offsets(%dma_start3A_187 : memref<32xi32, #tpu.memory_space<vmem>>) semaphore(%arg15 : memref<!tpu.dma_semaphore, #tpu.memory_space<semaphore_mem>>)
    %dma_start3A_191 = arith.constant 0 : i32
    %dma_start3A_192 = arith.constant 0 : i32
    %dma_start3A_193 = arith.constant 0 : i32
    %dma_start3A_194 = arith.constant 0 : i32
    %dma_start3A_195 = tpu.memref_slice %arg13[%dma_start3A_192, %dma_start3A_193, %dma_start3A_194] : memref<2x128x128xf32, #tpu.memory_space<vmem>> -> memref<1x128x128xf32, #tpu.memory_space<vmem>>
    %dma_start3A_196 = tpu.memref_squeeze %dma_start3A_195 : memref<1x128x128xf32, #tpu.memory_space<vmem>> -> memref<128x128xf32, #tpu.memory_space<vmem>>
    %dma_start3A_197 = arith.constant 96 : i32
    %dma_start3A_198 = arith.constant 0 : i32
    %dma_start3A_199 = tpu.memref_slice %dma_start3A_196[%dma_start3A_197, %dma_start3A_198] : memref<128x128xf32, #tpu.memory_space<vmem>> -> memref<32x128xf32, #tpu.memory_space<vmem>>
    %dma_start3A_200 = arith.constant 0 : i32
    %dma_start3A_201 = tpu.memref_slice %arg10[%dma_start3A_191, %dma_start3A_200] : memref<4x128xi32, #tpu.memory_space<vmem>> -> memref<1x128xi32, #tpu.memory_space<vmem>>
    %dma_start3A_202 = tpu.memref_squeeze %dma_start3A_201 : memref<1x128xi32, #tpu.memory_space<vmem>> -> memref<128xi32, #tpu.memory_space<vmem>>
    %dma_start3A_203 = arith.constant 96 : i32
    %dma_start3A_204 = tpu.memref_slice %dma_start3A_202[%dma_start3A_203] : memref<128xi32, #tpu.memory_space<vmem>> -> memref<32xi32, #tpu.memory_space<vmem>>
    %dma_start3A_205 = arith.constant 0 : i32
    %dma_start3A_206 = arith.constant 0 : i32
    %dma_start3A_207 = tpu.memref_slice %arg6[%dma_start3A_205, %dma_start3A_206] : memref<512x128xf32, #tpu.memory_space<hbm>> -> memref<512x128xf32, #tpu.memory_space<hbm>>
    tpu.enqueue_indirect_dma source(%dma_start3A_207 : memref<512x128xf32, #tpu.memory_space<hbm>>) target(%dma_start3A_199 : memref<32x128xf32, #tpu.memory_space<vmem>>) offsets(%dma_start3A_204 : memref<32xi32, #tpu.memory_space<vmem>>) semaphore(%arg15 : memref<!tpu.dma_semaphore, #tpu.memory_space<semaphore_mem>>)
    %dma_start3A_208 = arith.constant 1 : i32
    %dma_start3A_209 = arith.constant 1 : i32
    %dma_start3A_210 = arith.constant 0 : i32
    %dma_start3A_211 = arith.constant 0 : i32
    %dma_start3A_212 = tpu.memref_slice %arg11[%dma_start3A_209, %dma_start3A_210, %dma_start3A_211] : memref<2x128x128xf32, #tpu.memory_space<vmem>> -> memref<1x128x128xf32, #tpu.memory_space<vmem>>
    %dma_start3A_213 = tpu.memref_squeeze %dma_start3A_212 : memref<1x128x128xf32, #tpu.memory_space<vmem>> -> memref<128x128xf32, #tpu.memory_space<vmem>>
    %dma_start3A_214 = arith.constant 0 : i32
    %dma_start3A_215 = tpu.memref_slice %arg8[%dma_start3A_208, %dma_start3A_214] : memref<4x128xi32, #tpu.memory_space<vmem>> -> memref<1x128xi32, #tpu.memory_space<vmem>>
    %dma_start3A_216 = tpu.memref_squeeze %dma_start3A_215 : memref<1x128xi32, #tpu.memory_space<vmem>> -> memref<128xi32, #tpu.memory_space<vmem>>
    %dma_start3A_217 = arith.constant 0 : i32
    %dma_start3A_218 = arith.constant 0 : i32
    %dma_start3A_219 = tpu.memref_slice %arg5[%dma_start3A_217, %dma_start3A_218] : memref<1000000x128xf32, #tpu.memory_space<hbm>> -> memref<1000000x128xf32, #tpu.memory_space<hbm>>
    tpu.enqueue_indirect_dma source(%dma_start3A_219 : memref<1000000x128xf32, #tpu.memory_space<hbm>>) target(%dma_start3A_213 : memref<128x128xf32, #tpu.memory_space<vmem>>) offsets(%dma_start3A_216 : memref<128xi32, #tpu.memory_space<vmem>>) semaphore(%arg16 : memref<!tpu.dma_semaphore, #tpu.memory_space<semaphore_mem>>)
    %dma_start3A_220 = arith.constant 1 : i32
    %dma_start3A_221 = arith.constant 1 : i32
    %dma_start3A_222 = arith.constant 0 : i32
    %dma_start3A_223 = arith.constant 0 : i32
    %dma_start3A_224 = tpu.memref_slice %arg12[%dma_start3A_221, %dma_start3A_222, %dma_start3A_223] : memref<2x128x128xf32, #tpu.memory_space<vmem>> -> memref<1x128x128xf32, #tpu.memory_space<vmem>>
    %dma_start3A_225 = tpu.memref_squeeze %dma_start3A_224 : memref<1x128x128xf32, #tpu.memory_space<vmem>> -> memref<128x128xf32, #tpu.memory_space<vmem>>
    %dma_start3A_226 = arith.constant 0 : i32
    %dma_start3A_227 = tpu.memref_slice %arg9[%dma_start3A_220, %dma_start3A_226] : memref<4x128xi32, #tpu.memory_space<vmem>> -> memref<1x128xi32, #tpu.memory_space<vmem>>
    %dma_start3A_228 = tpu.memref_squeeze %dma_start3A_227 : memref<1x128xi32, #tpu.memory_space<vmem>> -> memref<128xi32, #tpu.memory_space<vmem>>
    %dma_start3A_229 = arith.constant 0 : i32
    %dma_start3A_230 = arith.constant 0 : i32
    %dma_start3A_231 = tpu.memref_slice %arg5[%dma_start3A_229, %dma_start3A_230] : memref<1000000x128xf32, #tpu.memory_space<hbm>> -> memref<1000000x128xf32, #tpu.memory_space<hbm>>
    tpu.enqueue_indirect_dma source(%dma_start3A_231 : memref<1000000x128xf32, #tpu.memory_space<hbm>>) target(%dma_start3A_225 : memref<128x128xf32, #tpu.memory_space<vmem>>) offsets(%dma_start3A_228 : memref<128xi32, #tpu.memory_space<vmem>>) semaphore(%arg16 : memref<!tpu.dma_semaphore, #tpu.memory_space<semaphore_mem>>)
    %dma_start3A_232 = arith.constant 1 : i32
    %dma_start3A_233 = arith.constant 1 : i32
    %dma_start3A_234 = arith.constant 0 : i32
    %dma_start3A_235 = arith.constant 0 : i32
    %dma_start3A_236 = tpu.memref_slice %arg13[%dma_start3A_233, %dma_start3A_234, %dma_start3A_235] : memref<2x128x128xf32, #tpu.memory_space<vmem>> -> memref<1x128x128xf32, #tpu.memory_space<vmem>>
    %dma_start3A_237 = tpu.memref_squeeze %dma_start3A_236 : memref<1x128x128xf32, #tpu.memory_space<vmem>> -> memref<128x128xf32, #tpu.memory_space<vmem>>
    %dma_start3A_238 = arith.constant 0 : i32
    %dma_start3A_239 = tpu.memref_slice %arg10[%dma_start3A_232, %dma_start3A_238] : memref<4x128xi32, #tpu.memory_space<vmem>> -> memref<1x128xi32, #tpu.memory_space<vmem>>
    %dma_start3A_240 = tpu.memref_squeeze %dma_start3A_239 : memref<1x128xi32, #tpu.memory_space<vmem>> -> memref<128xi32, #tpu.memory_space<vmem>>
    %dma_start3A_241 = arith.constant 0 : i32
    %dma_start3A_242 = arith.constant 0 : i32
    %dma_start3A_243 = tpu.memref_slice %arg6[%dma_start3A_241, %dma_start3A_242] : memref<512x128xf32, #tpu.memory_space<hbm>> -> memref<512x128xf32, #tpu.memory_space<hbm>>
    tpu.enqueue_indirect_dma source(%dma_start3A_243 : memref<512x128xf32, #tpu.memory_space<hbm>>) target(%dma_start3A_237 : memref<128x128xf32, #tpu.memory_space<vmem>>) offsets(%dma_start3A_240 : memref<128xi32, #tpu.memory_space<vmem>>) semaphore(%arg16 : memref<!tpu.dma_semaphore, #tpu.memory_space<semaphore_mem>>)
    %dma_wait3A = arith.constant 0 : i32
    %dma_wait3A_244 = arith.constant 0 : i32
    %dma_wait3A_245 = arith.constant 0 : i32
    %dma_wait3A_246 = arith.constant 0 : i32
    %dma_wait3A_247 = tpu.memref_slice %arg11[%dma_wait3A_244, %dma_wait3A_245, %dma_wait3A_246] : memref<2x128x128xf32, #tpu.memory_space<vmem>> -> memref<1x128x128xf32, #tpu.memory_space<vmem>>
    %dma_wait3A_248 = tpu.memref_squeeze %dma_wait3A_247 : memref<1x128x128xf32, #tpu.memory_space<vmem>> -> memref<128x128xf32, #tpu.memory_space<vmem>>
    %dma_wait3A_249 = arith.constant 0 : i32
    %dma_wait3A_250 = arith.constant 0 : i32
    %dma_wait3A_251 = tpu.memref_slice %dma_wait3A_248[%dma_wait3A_249, %dma_wait3A_250] : memref<128x128xf32, #tpu.memory_space<vmem>> -> memref<32x128xf32, #tpu.memory_space<vmem>>
    %dma_wait3A_252 = arith.constant 0 : i32
    %dma_wait3A_253 = tpu.memref_slice %arg8[%dma_wait3A, %dma_wait3A_252] : memref<4x128xi32, #tpu.memory_space<vmem>> -> memref<1x128xi32, #tpu.memory_space<vmem>>
    %dma_wait3A_254 = tpu.memref_squeeze %dma_wait3A_253 : memref<1x128xi32, #tpu.memory_space<vmem>> -> memref<128xi32, #tpu.memory_space<vmem>>
    %dma_wait3A_255 = arith.constant 0 : i32
    %dma_wait3A_256 = tpu.memref_slice %dma_wait3A_254[%dma_wait3A_255] : memref<128xi32, #tpu.memory_space<vmem>> -> memref<32xi32, #tpu.memory_space<vmem>>
    %dma_wait3A_257 = arith.constant 0 : i32
    %dma_wait3A_258 = arith.constant 0 : i32
    %dma_wait3A_259 = tpu.memref_slice %arg5[%dma_wait3A_257, %dma_wait3A_258] : memref<1000000x128xf32, #tpu.memory_space<hbm>> -> memref<1000000x128xf32, #tpu.memory_space<hbm>>
    tpu.wait_indirect_dma semaphore(%arg15 : memref<!tpu.dma_semaphore, #tpu.memory_space<semaphore_mem>>) src(%dma_wait3A_259 : memref<1000000x128xf32, #tpu.memory_space<hbm>>) dst(%dma_wait3A_251 : memref<32x128xf32, #tpu.memory_space<vmem>>)
    %dma_wait3A_260 = arith.constant 0 : i32
    %dma_wait3A_261 = arith.constant 0 : i32
    %dma_wait3A_262 = arith.constant 0 : i32
    %dma_wait3A_263 = arith.constant 0 : i32
    %dma_wait3A_264 = tpu.memref_slice %arg12[%dma_wait3A_261, %dma_wait3A_262, %dma_wait3A_263] : memref<2x128x128xf32, #tpu.memory_space<vmem>> -> memref<1x128x128xf32, #tpu.memory_space<vmem>>
    %dma_wait3A_265 = tpu.memref_squeeze %dma_wait3A_264 : memref<1x128x128xf32, #tpu.memory_space<vmem>> -> memref<128x128xf32, #tpu.memory_space<vmem>>
    %dma_wait3A_266 = arith.constant 0 : i32
    %dma_wait3A_267 = arith.constant 0 : i32
    %dma_wait3A_268 = tpu.memref_slice %dma_wait3A_265[%dma_wait3A_266, %dma_wait3A_267] : memref<128x128xf32, #tpu.memory_space<vmem>> -> memref<32x128xf32, #tpu.memory_space<vmem>>
    %dma_wait3A_269 = arith.constant 0 : i32
    %dma_wait3A_270 = tpu.memref_slice %arg9[%dma_wait3A_260, %dma_wait3A_269] : memref<4x128xi32, #tpu.memory_space<vmem>> -> memref<1x128xi32, #tpu.memory_space<vmem>>
    %dma_wait3A_271 = tpu.memref_squeeze %dma_wait3A_270 : memref<1x128xi32, #tpu.memory_space<vmem>> -> memref<128xi32, #tpu.memory_space<vmem>>
    %dma_wait3A_272 = arith.constant 0 : i32
    %dma_wait3A_273 = tpu.memref_slice %dma_wait3A_271[%dma_wait3A_272] : memref<128xi32, #tpu.memory_space<vmem>> -> memref<32xi32, #tpu.memory_space<vmem>>
    %dma_wait3A_274 = arith.constant 0 : i32
    %dma_wait3A_275 = arith.constant 0 : i32
    %dma_wait3A_276 = tpu.memref_slice %arg5[%dma_wait3A_274, %dma_wait3A_275] : memref<1000000x128xf32, #tpu.memory_space<hbm>> -> memref<1000000x128xf32, #tpu.memory_space<hbm>>
    tpu.wait_indirect_dma semaphore(%arg15 : memref<!tpu.dma_semaphore, #tpu.memory_space<semaphore_mem>>) src(%dma_wait3A_276 : memref<1000000x128xf32, #tpu.memory_space<hbm>>) dst(%dma_wait3A_268 : memref<32x128xf32, #tpu.memory_space<vmem>>)
    %dma_wait3A_277 = arith.constant 0 : i32
    %dma_wait3A_278 = arith.constant 0 : i32
    %dma_wait3A_279 = arith.constant 0 : i32
    %dma_wait3A_280 = arith.constant 0 : i32
    %dma_wait3A_281 = tpu.memref_slice %arg13[%dma_wait3A_278, %dma_wait3A_279, %dma_wait3A_280] : memref<2x128x128xf32, #tpu.memory_space<vmem>> -> memref<1x128x128xf32, #tpu.memory_space<vmem>>
    %dma_wait3A_282 = tpu.memref_squeeze %dma_wait3A_281 : memref<1x128x128xf32, #tpu.memory_space<vmem>> -> memref<128x128xf32, #tpu.memory_space<vmem>>
    %dma_wait3A_283 = arith.constant 0 : i32
    %dma_wait3A_284 = arith.constant 0 : i32
    %dma_wait3A_285 = tpu.memref_slice %dma_wait3A_282[%dma_wait3A_283, %dma_wait3A_284] : memref<128x128xf32, #tpu.memory_space<vmem>> -> memref<32x128xf32, #tpu.memory_space<vmem>>
    %dma_wait3A_286 = arith.constant 0 : i32
    %dma_wait3A_287 = tpu.memref_slice %arg10[%dma_wait3A_277, %dma_wait3A_286] : memref<4x128xi32, #tpu.memory_space<vmem>> -> memref<1x128xi32, #tpu.memory_space<vmem>>
    %dma_wait3A_288 = tpu.memref_squeeze %dma_wait3A_287 : memref<1x128xi32, #tpu.memory_space<vmem>> -> memref<128xi32, #tpu.memory_space<vmem>>
    %dma_wait3A_289 = arith.constant 0 : i32
    %dma_wait3A_290 = tpu.memref_slice %dma_wait3A_288[%dma_wait3A_289] : memref<128xi32, #tpu.memory_space<vmem>> -> memref<32xi32, #tpu.memory_space<vmem>>
    %dma_wait3A_291 = arith.constant 0 : i32
    %dma_wait3A_292 = arith.constant 0 : i32
    %dma_wait3A_293 = tpu.memref_slice %arg6[%dma_wait3A_291, %dma_wait3A_292] : memref<512x128xf32, #tpu.memory_space<hbm>> -> memref<512x128xf32, #tpu.memory_space<hbm>>
    tpu.wait_indirect_dma semaphore(%arg15 : memref<!tpu.dma_semaphore, #tpu.memory_space<semaphore_mem>>) src(%dma_wait3A_293 : memref<512x128xf32, #tpu.memory_space<hbm>>) dst(%dma_wait3A_285 : memref<32x128xf32, #tpu.memory_space<vmem>>)
    %scan3A = arith.constant 0 : i32
    %scan3A_294 = arith.constant 0 : i32
    %scan3A_295 = arith.constant 0 : i32
    %scan3A_296 = arith.constant 0 : i32
    %scan3A_297 = arith.constant 0 : i32
    %scan3A_298 = arith.constant 2 : i32
    %scan3A_299 = arith.addi %scan3A_297, %scan3A_298 : i32
    %scan3A_300 = arith.constant 1 : i32
    scf.for %scan3A_689 = %scan3A_297 to %scan3A_299 step %scan3A_300  : i32 {
      %broadcast_in_dim3A = arith.constant 0.000000e+00 : f32
      %broadcast_in_dim3A_690 = vector.broadcast %broadcast_in_dim3A : f32 to vector<16xf32>
      %scan3A_691 = arith.constant 0 : i32
      %scan3A_692 = arith.constant 16 : i32
      %scan3A_693 = arith.addi %scan3A_691, %scan3A_692 : i32
      %scan3A_694 = arith.constant 1 : i32
      %scan3A_695 = scf.for %scan3A_704 = %scan3A_691 to %scan3A_693 step %scan3A_694 iter_args(%scan3A_705 = %broadcast_in_dim3A_690) -> (vector<16xf32>)  : i32 {
        %mul3A_706 = arith.constant 16 : i32
        %mul3A_707 = arith.muli %scan3A_689, %mul3A_706 : i32
        %add3A_708 = arith.addi %mul3A_707, %scan3A_704 : i32
        %broadcast_in_dim3A_709 = arith.constant 0.000000e+00 : f32
        %broadcast_in_dim3A_710 = vector.broadcast %broadcast_in_dim3A_709 : f32 to vector<16xf32>
        %get3A = arith.constant 0 : i32
        %get3A_711 = arith.constant 0 : i32
        %get3A_712 = tpu.memref_slice %arg11[%scan3A_294, %get3A, %get3A_711] : memref<2x128x128xf32, #tpu.memory_space<vmem>> -> memref<1x128x128xf32, #tpu.memory_space<vmem>>
        %get3A_713 = tpu.memref_squeeze %get3A_712 : memref<1x128x128xf32, #tpu.memory_space<vmem>> -> memref<128x128xf32, #tpu.memory_space<vmem>>
        %get3A_714 = arith.index_cast %add3A_708 : i32 to index
        %get3A_715 = arith.constant 0 : index
        %get3A_716 = tpu.vector_load %get3A_713[%get3A_714, %get3A_715] {strides = array<i32>} : memref<128x128xf32, #tpu.memory_space<vmem>>, vector<1x16xf32>,
        %get3A_717 = vector.shape_cast %get3A_716 : vector<1x16xf32> to vector<16xf32>
        %get3A_718 = arith.constant 0 : i32
        %get3A_719 = arith.constant 0 : i32
        %get3A_720 = tpu.memref_slice %arg11[%scan3A_294, %get3A_718, %get3A_719] : memref<2x128x128xf32, #tpu.memory_space<vmem>> -> memref<1x128x128xf32, #tpu.memory_space<vmem>>
        %get3A_721 = tpu.memref_squeeze %get3A_720 : memref<1x128x128xf32, #tpu.memory_space<vmem>> -> memref<128x128xf32, #tpu.memory_space<vmem>>
        %get3A_722 = arith.index_cast %add3A_708 : i32 to index
        %get3A_723 = arith.constant 64 : index
        %get3A_724 = tpu.vector_load %get3A_721[%get3A_722, %get3A_723] {strides = array<i32>} : memref<128x128xf32, #tpu.memory_space<vmem>>, vector<1x16xf32>,
        %get3A_725 = vector.shape_cast %get3A_724 : vector<1x16xf32> to vector<16xf32>
        %get3A_726 = arith.constant 0 : i32
        %get3A_727 = arith.constant 0 : i32
        %get3A_728 = tpu.memref_slice %arg12[%scan3A_295, %get3A_726, %get3A_727] : memref<2x128x128xf32, #tpu.memory_space<vmem>> -> memref<1x128x128xf32, #tpu.memory_space<vmem>>
        %get3A_729 = tpu.memref_squeeze %get3A_728 : memref<1x128x128xf32, #tpu.memory_space<vmem>> -> memref<128x128xf32, #tpu.memory_space<vmem>>
        %get3A_730 = arith.index_cast %add3A_708 : i32 to index
        %get3A_731 = arith.constant 0 : index
        %get3A_732 = tpu.vector_load %get3A_729[%get3A_730, %get3A_731] {strides = array<i32>} : memref<128x128xf32, #tpu.memory_space<vmem>>, vector<1x16xf32>,
        %get3A_733 = vector.shape_cast %get3A_732 : vector<1x16xf32> to vector<16xf32>
        %get3A_734 = arith.constant 0 : i32
        %get3A_735 = arith.constant 0 : i32
        %get3A_736 = tpu.memref_slice %arg12[%scan3A_295, %get3A_734, %get3A_735] : memref<2x128x128xf32, #tpu.memory_space<vmem>> -> memref<1x128x128xf32, #tpu.memory_space<vmem>>
        %get3A_737 = tpu.memref_squeeze %get3A_736 : memref<1x128x128xf32, #tpu.memory_space<vmem>> -> memref<128x128xf32, #tpu.memory_space<vmem>>
        %get3A_738 = arith.index_cast %add3A_708 : i32 to index
        %get3A_739 = arith.constant 64 : index
        %get3A_740 = tpu.vector_load %get3A_737[%get3A_738, %get3A_739] {strides = array<i32>} : memref<128x128xf32, #tpu.memory_space<vmem>>, vector<1x16xf32>,
        %get3A_741 = vector.shape_cast %get3A_740 : vector<1x16xf32> to vector<16xf32>
        %get3A_742 = arith.constant 0 : i32
        %get3A_743 = arith.constant 0 : i32
        %get3A_744 = tpu.memref_slice %arg13[%scan3A_296, %get3A_742, %get3A_743] : memref<2x128x128xf32, #tpu.memory_space<vmem>> -> memref<1x128x128xf32, #tpu.memory_space<vmem>>
        %get3A_745 = tpu.memref_squeeze %get3A_744 : memref<1x128x128xf32, #tpu.memory_space<vmem>> -> memref<128x128xf32, #tpu.memory_space<vmem>>
        %get3A_746 = arith.index_cast %add3A_708 : i32 to index
        %get3A_747 = arith.constant 0 : index
        %get3A_748 = tpu.vector_load %get3A_745[%get3A_746, %get3A_747] {strides = array<i32>} : memref<128x128xf32, #tpu.memory_space<vmem>>, vector<1x16xf32>,
        %get3A_749 = vector.shape_cast %get3A_748 : vector<1x16xf32> to vector<16xf32>
        %get3A_750 = arith.constant 0 : i32
        %get3A_751 = arith.constant 0 : i32
        %get3A_752 = tpu.memref_slice %arg13[%scan3A_296, %get3A_750, %get3A_751] : memref<2x128x128xf32, #tpu.memory_space<vmem>> -> memref<1x128x128xf32, #tpu.memory_space<vmem>>
        %get3A_753 = tpu.memref_squeeze %get3A_752 : memref<1x128x128xf32, #tpu.memory_space<vmem>> -> memref<128x128xf32, #tpu.memory_space<vmem>>
        %get3A_754 = arith.index_cast %add3A_708 : i32 to index
        %get3A_755 = arith.constant 64 : index
        %get3A_756 = tpu.vector_load %get3A_753[%get3A_754, %get3A_755] {strides = array<i32>} : memref<128x128xf32, #tpu.memory_space<vmem>>, vector<1x16xf32>,
        %get3A_757 = vector.shape_cast %get3A_756 : vector<1x16xf32> to vector<16xf32>
        %mul3A_758 = arith.mulf %get3A_717, %get3A_749 : vector<16xf32>
        %mul3A_759 = arith.mulf %get3A_725, %get3A_757 : vector<16xf32>
        %sub3A = arith.subf %mul3A_758, %mul3A_759 : vector<16xf32>
        %sub3A_760 = arith.subf %sub3A, %get3A_733 : vector<16xf32>
        %mul3A_761 = arith.mulf %get3A_717, %get3A_757 : vector<16xf32>
        %mul3A_762 = arith.mulf %get3A_725, %get3A_749 : vector<16xf32>
        %add3A_763 = arith.addf %mul3A_761, %mul3A_762 : vector<16xf32>
        %sub3A_764 = arith.subf %add3A_763, %get3A_741 : vector<16xf32>
        %mul3A_765 = arith.mulf %sub3A_760, %sub3A_760 : vector<16xf32>
        %mul3A_766 = arith.mulf %sub3A_764, %sub3A_764 : vector<16xf32>
        %add3A_767 = arith.addf %mul3A_765, %mul3A_766 : vector<16xf32>
        %max3A = arith.constant 1.000000e-24 : f32
        %max3A_768 = vector.broadcast %max3A : f32 to vector<16xf32>
        %max3A_769 = arith.maximumf %add3A_767, %max3A_768 : vector<16xf32>
        %bitcast_convert_type3A = tpu.bitcast %max3A_769 : vector<16xf32> -> vector<16xi32>
        %shift_right_arithmetic3A = arith.constant 1 : i32
        %shift_right_arithmetic3A_770 = vector.broadcast %shift_right_arithmetic3A : i32 to vector<16xi32>
        %shift_right_arithmetic3A_771 = arith.shrsi %bitcast_convert_type3A, %shift_right_arithmetic3A_770 : vector<16xi32>
        %sub3A_772 = arith.constant 1597463007 : i32
        %sub3A_773 = vector.broadcast %sub3A_772 : i32 to vector<16xi32>
        %sub3A_774 = arith.subi %sub3A_773, %shift_right_arithmetic3A_771 : vector<16xi32>
        %bitcast_convert_type3A_775 = tpu.bitcast %sub3A_774 : vector<16xi32> -> vector<16xf32>
        %mul3A_776 = arith.constant 5.000000e-01 : f32
        %mul3A_777 = vector.broadcast %mul3A_776 : f32 to vector<16xf32>
        %mul3A_778 = arith.mulf %max3A_769, %mul3A_777 : vector<16xf32>
        %mul3A_779 = arith.mulf %mul3A_778, %bitcast_convert_type3A_775 : vector<16xf32>
        %mul3A_780 = arith.mulf %mul3A_779, %bitcast_convert_type3A_775 : vector<16xf32>
        %sub3A_781 = arith.constant 1.500000e+00 : f32
        %sub3A_782 = vector.broadcast %sub3A_781 : f32 to vector<16xf32>
        %sub3A_783 = arith.subf %sub3A_782, %mul3A_780 : vector<16xf32>
        %mul3A_784 = arith.mulf %bitcast_convert_type3A_775, %sub3A_783 : vector<16xf32>
        %mul3A_785 = arith.mulf %max3A_769, %mul3A_784 : vector<16xf32>
        %add3A_786 = arith.addf %broadcast_in_dim3A_710, %mul3A_785 : vector<16xf32>
        %get3A_787 = arith.constant 0 : i32
        %get3A_788 = arith.constant 0 : i32
        %get3A_789 = tpu.memref_slice %arg11[%scan3A_294, %get3A_787, %get3A_788] : memref<2x128x128xf32, #tpu.memory_space<vmem>> -> memref<1x128x128xf32, #tpu.memory_space<vmem>>
        %get3A_790 = tpu.memref_squeeze %get3A_789 : memref<1x128x128xf32, #tpu.memory_space<vmem>> -> memref<128x128xf32, #tpu.memory_space<vmem>>
        %get3A_791 = arith.index_cast %add3A_708 : i32 to index
        %get3A_792 = arith.constant 16 : index
        %get3A_793 = tpu.vector_load %get3A_790[%get3A_791, %get3A_792] {strides = array<i32>} : memref<128x128xf32, #tpu.memory_space<vmem>>, vector<1x16xf32>,
        %get3A_794 = vector.shape_cast %get3A_793 : vector<1x16xf32> to vector<16xf32>
        %get3A_795 = arith.constant 0 : i32
        %get3A_796 = arith.constant 0 : i32
        %get3A_797 = tpu.memref_slice %arg11[%scan3A_294, %get3A_795, %get3A_796] : memref<2x128x128xf32, #tpu.memory_space<vmem>> -> memref<1x128x128xf32, #tpu.memory_space<vmem>>
        %get3A_798 = tpu.memref_squeeze %get3A_797 : memref<1x128x128xf32, #tpu.memory_space<vmem>> -> memref<128x128xf32, #tpu.memory_space<vmem>>
        %get3A_799 = arith.index_cast %add3A_708 : i32 to index
        %get3A_800 = arith.constant 80 : index
        %get3A_801 = tpu.vector_load %get3A_798[%get3A_799, %get3A_800] {strides = array<i32>} : memref<128x128xf32, #tpu.memory_space<vmem>>, vector<1x16xf32>,
        %get3A_802 = vector.shape_cast %get3A_801 : vector<1x16xf32> to vector<16xf32>
        %get3A_803 = arith.constant 0 : i32
        %get3A_804 = arith.constant 0 : i32
        %get3A_805 = tpu.memref_slice %arg12[%scan3A_295, %get3A_803, %get3A_804] : memref<2x128x128xf32, #tpu.memory_space<vmem>> -> memref<1x128x128xf32, #tpu.memory_space<vmem>>
        %get3A_806 = tpu.memref_squeeze %get3A_805 : memref<1x128x128xf32, #tpu.memory_space<vmem>> -> memref<128x128xf32, #tpu.memory_space<vmem>>
        %get3A_807 = arith.index_cast %add3A_708 : i32 to index
        %get3A_808 = arith.constant 16 : index
        %get3A_809 = tpu.vector_load %get3A_806[%get3A_807, %get3A_808] {strides = array<i32>} : memref<128x128xf32, #tpu.memory_space<vmem>>, vector<1x16xf32>,
        %get3A_810 = vector.shape_cast %get3A_809 : vector<1x16xf32> to vector<16xf32>
        %get3A_811 = arith.constant 0 : i32
        %get3A_812 = arith.constant 0 : i32
        %get3A_813 = tpu.memref_slice %arg12[%scan3A_295, %get3A_811, %get3A_812] : memref<2x128x128xf32, #tpu.memory_space<vmem>> -> memref<1x128x128xf32, #tpu.memory_space<vmem>>
        %get3A_814 = tpu.memref_squeeze %get3A_813 : memref<1x128x128xf32, #tpu.memory_space<vmem>> -> memref<128x128xf32, #tpu.memory_space<vmem>>
        %get3A_815 = arith.index_cast %add3A_708 : i32 to index
        %get3A_816 = arith.constant 80 : index
        %get3A_817 = tpu.vector_load %get3A_814[%get3A_815, %get3A_816] {strides = array<i32>} : memref<128x128xf32, #tpu.memory_space<vmem>>, vector<1x16xf32>,
        %get3A_818 = vector.shape_cast %get3A_817 : vector<1x16xf32> to vector<16xf32>
        %get3A_819 = arith.constant 0 : i32
        %get3A_820 = arith.constant 0 : i32
        %get3A_821 = tpu.memref_slice %arg13[%scan3A_296, %get3A_819, %get3A_820] : memref<2x128x128xf32, #tpu.memory_space<vmem>> -> memref<1x128x128xf32, #tpu.memory_space<vmem>>
        %get3A_822 = tpu.memref_squeeze %get3A_821 : memref<1x128x128xf32, #tpu.memory_space<vmem>> -> memref<128x128xf32, #tpu.memory_space<vmem>>
        %get3A_823 = arith.index_cast %add3A_708 : i32 to index
        %get3A_824 = arith.constant 16 : index
        %get3A_825 = tpu.vector_load %get3A_822[%get3A_823, %get3A_824] {strides = array<i32>} : memref<128x128xf32, #tpu.memory_space<vmem>>, vector<1x16xf32>,
        %get3A_826 = vector.shape_cast %get3A_825 : vector<1x16xf32> to vector<16xf32>
        %get3A_827 = arith.constant 0 : i32
        %get3A_828 = arith.constant 0 : i32
        %get3A_829 = tpu.memref_slice %arg13[%scan3A_296, %get3A_827, %get3A_828] : memref<2x128x128xf32, #tpu.memory_space<vmem>> -> memref<1x128x128xf32, #tpu.memory_space<vmem>>
        %get3A_830 = tpu.memref_squeeze %get3A_829 : memref<1x128x128xf32, #tpu.memory_space<vmem>> -> memref<128x128xf32, #tpu.memory_space<vmem>>
        %get3A_831 = arith.index_cast %add3A_708 : i32 to index
        %get3A_832 = arith.constant 80 : index
        %get3A_833 = tpu.vector_load %get3A_830[%get3A_831, %get3A_832] {strides = array<i32>} : memref<128x128xf32, #tpu.memory_space<vmem>>, vector<1x16xf32>,
        %get3A_834 = vector.shape_cast %get3A_833 : vector<1x16xf32> to vector<16xf32>
        %mul3A_835 = arith.mulf %get3A_794, %get3A_826 : vector<16xf32>
        %mul3A_836 = arith.mulf %get3A_802, %get3A_834 : vector<16xf32>
        %sub3A_837 = arith.subf %mul3A_835, %mul3A_836 : vector<16xf32>
        %sub3A_838 = arith.subf %sub3A_837, %get3A_810 : vector<16xf32>
        %mul3A_839 = arith.mulf %get3A_794, %get3A_834 : vector<16xf32>
        %mul3A_840 = arith.mulf %get3A_802, %get3A_826 : vector<16xf32>
        %add3A_841 = arith.addf %mul3A_839, %mul3A_840 : vector<16xf32>
        %sub3A_842 = arith.subf %add3A_841, %get3A_818 : vector<16xf32>
        %mul3A_843 = arith.mulf %sub3A_838, %sub3A_838 : vector<16xf32>
        %mul3A_844 = arith.mulf %sub3A_842, %sub3A_842 : vector<16xf32>
        %add3A_845 = arith.addf %mul3A_843, %mul3A_844 : vector<16xf32>
        %max3A_846 = arith.constant 1.000000e-24 : f32
        %max3A_847 = vector.broadcast %max3A_846 : f32 to vector<16xf32>
        %max3A_848 = arith.maximumf %add3A_845, %max3A_847 : vector<16xf32>
        %bitcast_convert_type3A_849 = tpu.bitcast %max3A_848 : vector<16xf32> -> vector<16xi32>
        %shift_right_arithmetic3A_850 = arith.constant 1 : i32
        %shift_right_arithmetic3A_851 = vector.broadcast %shift_right_arithmetic3A_850 : i32 to vector<16xi32>
        %shift_right_arithmetic3A_852 = arith.shrsi %bitcast_convert_type3A_849, %shift_right_arithmetic3A_851 : vector<16xi32>
        %sub3A_853 = arith.constant 1597463007 : i32
        %sub3A_854 = vector.broadcast %sub3A_853 : i32 to vector<16xi32>
        %sub3A_855 = arith.subi %sub3A_854, %shift_right_arithmetic3A_852 : vector<16xi32>
        %bitcast_convert_type3A_856 = tpu.bitcast %sub3A_855 : vector<16xi32> -> vector<16xf32>
        %mul3A_857 = arith.constant 5.000000e-01 : f32
        %mul3A_858 = vector.broadcast %mul3A_857 : f32 to vector<16xf32>
        %mul3A_859 = arith.mulf %max3A_848, %mul3A_858 : vector<16xf32>
        %mul3A_860 = arith.mulf %mul3A_859, %bitcast_convert_type3A_856 : vector<16xf32>
        %mul3A_861 = arith.mulf %mul3A_860, %bitcast_convert_type3A_856 : vector<16xf32>
        %sub3A_862 = arith.constant 1.500000e+00 : f32
        %sub3A_863 = vector.broadcast %sub3A_862 : f32 to vector<16xf32>
        %sub3A_864 = arith.subf %sub3A_863, %mul3A_861 : vector<16xf32>
        %mul3A_865 = arith.mulf %bitcast_convert_type3A_856, %sub3A_864 : vector<16xf32>
        %mul3A_866 = arith.mulf %max3A_848, %mul3A_865 : vector<16xf32>
        %add3A_867 = arith.addf %add3A_786, %mul3A_866 : vector<16xf32>
        %get3A_868 = arith.constant 0 : i32
        %get3A_869 = arith.constant 0 : i32
        %get3A_870 = tpu.memref_slice %arg11[%scan3A_294, %get3A_868, %get3A_869] : memref<2x128x128xf32, #tpu.memory_space<vmem>> -> memref<1x128x128xf32, #tpu.memory_space<vmem>>
        %get3A_871 = tpu.memref_squeeze %get3A_870 : memref<1x128x128xf32, #tpu.memory_space<vmem>> -> memref<128x128xf32, #tpu.memory_space<vmem>>
        %get3A_872 = arith.index_cast %add3A_708 : i32 to index
        %get3A_873 = arith.constant 32 : index
        %get3A_874 = tpu.vector_load %get3A_871[%get3A_872, %get3A_873] {strides = array<i32>} : memref<128x128xf32, #tpu.memory_space<vmem>>, vector<1x16xf32>,
        %get3A_875 = vector.shape_cast %get3A_874 : vector<1x16xf32> to vector<16xf32>
        %get3A_876 = arith.constant 0 : i32
        %get3A_877 = arith.constant 0 : i32
        %get3A_878 = tpu.memref_slice %arg11[%scan3A_294, %get3A_876, %get3A_877] : memref<2x128x128xf32, #tpu.memory_space<vmem>> -> memref<1x128x128xf32, #tpu.memory_space<vmem>>
        %get3A_879 = tpu.memref_squeeze %get3A_878 : memref<1x128x128xf32, #tpu.memory_space<vmem>> -> memref<128x128xf32, #tpu.memory_space<vmem>>
        %get3A_880 = arith.index_cast %add3A_708 : i32 to index
        %get3A_881 = arith.constant 96 : index
        %get3A_882 = tpu.vector_load %get3A_879[%get3A_880, %get3A_881] {strides = array<i32>} : memref<128x128xf32, #tpu.memory_space<vmem>>, vector<1x16xf32>,
        %get3A_883 = vector.shape_cast %get3A_882 : vector<1x16xf32> to vector<16xf32>
        %get3A_884 = arith.constant 0 : i32
        %get3A_885 = arith.constant 0 : i32
        %get3A_886 = tpu.memref_slice %arg12[%scan3A_295, %get3A_884, %get3A_885] : memref<2x128x128xf32, #tpu.memory_space<vmem>> -> memref<1x128x128xf32, #tpu.memory_space<vmem>>
        %get3A_887 = tpu.memref_squeeze %get3A_886 : memref<1x128x128xf32, #tpu.memory_space<vmem>> -> memref<128x128xf32, #tpu.memory_space<vmem>>
        %get3A_888 = arith.index_cast %add3A_708 : i32 to index
        %get3A_889 = arith.constant 32 : index
        %get3A_890 = tpu.vector_load %get3A_887[%get3A_888, %get3A_889] {strides = array<i32>} : memref<128x128xf32, #tpu.memory_space<vmem>>, vector<1x16xf32>,
        %get3A_891 = vector.shape_cast %get3A_890 : vector<1x16xf32> to vector<16xf32>
        %get3A_892 = arith.constant 0 : i32
        %get3A_893 = arith.constant 0 : i32
        %get3A_894 = tpu.memref_slice %arg12[%scan3A_295, %get3A_892, %get3A_893] : memref<2x128x128xf32, #tpu.memory_space<vmem>> -> memref<1x128x128xf32, #tpu.memory_space<vmem>>
        %get3A_895 = tpu.memref_squeeze %get3A_894 : memref<1x128x128xf32, #tpu.memory_space<vmem>> -> memref<128x128xf32, #tpu.memory_space<vmem>>
        %get3A_896 = arith.index_cast %add3A_708 : i32 to index
        %get3A_897 = arith.constant 96 : index
        %get3A_898 = tpu.vector_load %get3A_895[%get3A_896, %get3A_897] {strides = array<i32>} : memref<128x128xf32, #tpu.memory_space<vmem>>, vector<1x16xf32>,
        %get3A_899 = vector.shape_cast %get3A_898 : vector<1x16xf32> to vector<16xf32>
        %get3A_900 = arith.constant 0 : i32
        %get3A_901 = arith.constant 0 : i32
        %get3A_902 = tpu.memref_slice %arg13[%scan3A_296, %get3A_900, %get3A_901] : memref<2x128x128xf32, #tpu.memory_space<vmem>> -> memref<1x128x128xf32, #tpu.memory_space<vmem>>
        %get3A_903 = tpu.memref_squeeze %get3A_902 : memref<1x128x128xf32, #tpu.memory_space<vmem>> -> memref<128x128xf32, #tpu.memory_space<vmem>>
        %get3A_904 = arith.index_cast %add3A_708 : i32 to index
        %get3A_905 = arith.constant 32 : index
        %get3A_906 = tpu.vector_load %get3A_903[%get3A_904, %get3A_905] {strides = array<i32>} : memref<128x128xf32, #tpu.memory_space<vmem>>, vector<1x16xf32>,
        %get3A_907 = vector.shape_cast %get3A_906 : vector<1x16xf32> to vector<16xf32>
        %get3A_908 = arith.constant 0 : i32
        %get3A_909 = arith.constant 0 : i32
        %get3A_910 = tpu.memref_slice %arg13[%scan3A_296, %get3A_908, %get3A_909] : memref<2x128x128xf32, #tpu.memory_space<vmem>> -> memref<1x128x128xf32, #tpu.memory_space<vmem>>
        %get3A_911 = tpu.memref_squeeze %get3A_910 : memref<1x128x128xf32, #tpu.memory_space<vmem>> -> memref<128x128xf32, #tpu.memory_space<vmem>>
        %get3A_912 = arith.index_cast %add3A_708 : i32 to index
        %get3A_913 = arith.constant 96 : index
        %get3A_914 = tpu.vector_load %get3A_911[%get3A_912, %get3A_913] {strides = array<i32>} : memref<128x128xf32, #tpu.memory_space<vmem>>, vector<1x16xf32>,
        %get3A_915 = vector.shape_cast %get3A_914 : vector<1x16xf32> to vector<16xf32>
        %mul3A_916 = arith.mulf %get3A_875, %get3A_907 : vector<16xf32>
        %mul3A_917 = arith.mulf %get3A_883, %get3A_915 : vector<16xf32>
        %sub3A_918 = arith.subf %mul3A_916, %mul3A_917 : vector<16xf32>
        %sub3A_919 = arith.subf %sub3A_918, %get3A_891 : vector<16xf32>
        %mul3A_920 = arith.mulf %get3A_875, %get3A_915 : vector<16xf32>
        %mul3A_921 = arith.mulf %get3A_883, %get3A_907 : vector<16xf32>
        %add3A_922 = arith.addf %mul3A_920, %mul3A_921 : vector<16xf32>
        %sub3A_923 = arith.subf %add3A_922, %get3A_899 : vector<16xf32>
        %mul3A_924 = arith.mulf %sub3A_919, %sub3A_919 : vector<16xf32>
        %mul3A_925 = arith.mulf %sub3A_923, %sub3A_923 : vector<16xf32>
        %add3A_926 = arith.addf %mul3A_924, %mul3A_925 : vector<16xf32>
        %max3A_927 = arith.constant 1.000000e-24 : f32
        %max3A_928 = vector.broadcast %max3A_927 : f32 to vector<16xf32>
        %max3A_929 = arith.maximumf %add3A_926, %max3A_928 : vector<16xf32>
        %bitcast_convert_type3A_930 = tpu.bitcast %max3A_929 : vector<16xf32> -> vector<16xi32>
        %shift_right_arithmetic3A_931 = arith.constant 1 : i32
        %shift_right_arithmetic3A_932 = vector.broadcast %shift_right_arithmetic3A_931 : i32 to vector<16xi32>
        %shift_right_arithmetic3A_933 = arith.shrsi %bitcast_convert_type3A_930, %shift_right_arithmetic3A_932 : vector<16xi32>
        %sub3A_934 = arith.constant 1597463007 : i32
        %sub3A_935 = vector.broadcast %sub3A_934 : i32 to vector<16xi32>
        %sub3A_936 = arith.subi %sub3A_935, %shift_right_arithmetic3A_933 : vector<16xi32>
        %bitcast_convert_type3A_937 = tpu.bitcast %sub3A_936 : vector<16xi32> -> vector<16xf32>
        %mul3A_938 = arith.constant 5.000000e-01 : f32
        %mul3A_939 = vector.broadcast %mul3A_938 : f32 to vector<16xf32>
        %mul3A_940 = arith.mulf %max3A_929, %mul3A_939 : vector<16xf32>
        %mul3A_941 = arith.mulf %mul3A_940, %bitcast_convert_type3A_937 : vector<16xf32>
        %mul3A_942 = arith.mulf %mul3A_941, %bitcast_convert_type3A_937 : vector<16xf32>
        %sub3A_943 = arith.constant 1.500000e+00 : f32
        %sub3A_944 = vector.broadcast %sub3A_943 : f32 to vector<16xf32>
        %sub3A_945 = arith.subf %sub3A_944, %mul3A_942 : vector<16xf32>
        %mul3A_946 = arith.mulf %bitcast_convert_type3A_937, %sub3A_945 : vector<16xf32>
        %mul3A_947 = arith.mulf %max3A_929, %mul3A_946 : vector<16xf32>
        %add3A_948 = arith.addf %add3A_867, %mul3A_947 : vector<16xf32>
        %get3A_949 = arith.constant 0 : i32
        %get3A_950 = arith.constant 0 : i32
        %get3A_951 = tpu.memref_slice %arg11[%scan3A_294, %get3A_949, %get3A_950] : memref<2x128x128xf32, #tpu.memory_space<vmem>> -> memref<1x128x128xf32, #tpu.memory_space<vmem>>
        %get3A_952 = tpu.memref_squeeze %get3A_951 : memref<1x128x128xf32, #tpu.memory_space<vmem>> -> memref<128x128xf32, #tpu.memory_space<vmem>>
        %get3A_953 = arith.index_cast %add3A_708 : i32 to index
        %get3A_954 = arith.constant 48 : index
        %get3A_955 = tpu.vector_load %get3A_952[%get3A_953, %get3A_954] {strides = array<i32>} : memref<128x128xf32, #tpu.memory_space<vmem>>, vector<1x16xf32>,
        %get3A_956 = vector.shape_cast %get3A_955 : vector<1x16xf32> to vector<16xf32>
        %get3A_957 = arith.constant 0 : i32
        %get3A_958 = arith.constant 0 : i32
        %get3A_959 = tpu.memref_slice %arg11[%scan3A_294, %get3A_957, %get3A_958] : memref<2x128x128xf32, #tpu.memory_space<vmem>> -> memref<1x128x128xf32, #tpu.memory_space<vmem>>
        %get3A_960 = tpu.memref_squeeze %get3A_959 : memref<1x128x128xf32, #tpu.memory_space<vmem>> -> memref<128x128xf32, #tpu.memory_space<vmem>>
        %get3A_961 = arith.index_cast %add3A_708 : i32 to index
        %get3A_962 = arith.constant 112 : index
        %get3A_963 = tpu.vector_load %get3A_960[%get3A_961, %get3A_962] {strides = array<i32>} : memref<128x128xf32, #tpu.memory_space<vmem>>, vector<1x16xf32>,
        %get3A_964 = vector.shape_cast %get3A_963 : vector<1x16xf32> to vector<16xf32>
        %get3A_965 = arith.constant 0 : i32
        %get3A_966 = arith.constant 0 : i32
        %get3A_967 = tpu.memref_slice %arg12[%scan3A_295, %get3A_965, %get3A_966] : memref<2x128x128xf32, #tpu.memory_space<vmem>> -> memref<1x128x128xf32, #tpu.memory_space<vmem>>
        %get3A_968 = tpu.memref_squeeze %get3A_967 : memref<1x128x128xf32, #tpu.memory_space<vmem>> -> memref<128x128xf32, #tpu.memory_space<vmem>>
        %get3A_969 = arith.index_cast %add3A_708 : i32 to index
        %get3A_970 = arith.constant 48 : index
        %get3A_971 = tpu.vector_load %get3A_968[%get3A_969, %get3A_970] {strides = array<i32>} : memref<128x128xf32, #tpu.memory_space<vmem>>, vector<1x16xf32>,
        %get3A_972 = vector.shape_cast %get3A_971 : vector<1x16xf32> to vector<16xf32>
        %get3A_973 = arith.constant 0 : i32
        %get3A_974 = arith.constant 0 : i32
        %get3A_975 = tpu.memref_slice %arg12[%scan3A_295, %get3A_973, %get3A_974] : memref<2x128x128xf32, #tpu.memory_space<vmem>> -> memref<1x128x128xf32, #tpu.memory_space<vmem>>
        %get3A_976 = tpu.memref_squeeze %get3A_975 : memref<1x128x128xf32, #tpu.memory_space<vmem>> -> memref<128x128xf32, #tpu.memory_space<vmem>>
        %get3A_977 = arith.index_cast %add3A_708 : i32 to index
        %get3A_978 = arith.constant 112 : index
        %get3A_979 = tpu.vector_load %get3A_976[%get3A_977, %get3A_978] {strides = array<i32>} : memref<128x128xf32, #tpu.memory_space<vmem>>, vector<1x16xf32>,
        %get3A_980 = vector.shape_cast %get3A_979 : vector<1x16xf32> to vector<16xf32>
        %get3A_981 = arith.constant 0 : i32
        %get3A_982 = arith.constant 0 : i32
        %get3A_983 = tpu.memref_slice %arg13[%scan3A_296, %get3A_981, %get3A_982] : memref<2x128x128xf32, #tpu.memory_space<vmem>> -> memref<1x128x128xf32, #tpu.memory_space<vmem>>
        %get3A_984 = tpu.memref_squeeze %get3A_983 : memref<1x128x128xf32, #tpu.memory_space<vmem>> -> memref<128x128xf32, #tpu.memory_space<vmem>>
        %get3A_985 = arith.index_cast %add3A_708 : i32 to index
        %get3A_986 = arith.constant 48 : index
        %get3A_987 = tpu.vector_load %get3A_984[%get3A_985, %get3A_986] {strides = array<i32>} : memref<128x128xf32, #tpu.memory_space<vmem>>, vector<1x16xf32>,
        %get3A_988 = vector.shape_cast %get3A_987 : vector<1x16xf32> to vector<16xf32>
        %get3A_989 = arith.constant 0 : i32
        %get3A_990 = arith.constant 0 : i32
        %get3A_991 = tpu.memref_slice %arg13[%scan3A_296, %get3A_989, %get3A_990] : memref<2x128x128xf32, #tpu.memory_space<vmem>> -> memref<1x128x128xf32, #tpu.memory_space<vmem>>
        %get3A_992 = tpu.memref_squeeze %get3A_991 : memref<1x128x128xf32, #tpu.memory_space<vmem>> -> memref<128x128xf32, #tpu.memory_space<vmem>>
        %get3A_993 = arith.index_cast %add3A_708 : i32 to index
        %get3A_994 = arith.constant 112 : index
        %get3A_995 = tpu.vector_load %get3A_992[%get3A_993, %get3A_994] {strides = array<i32>} : memref<128x128xf32, #tpu.memory_space<vmem>>, vector<1x16xf32>,
        %get3A_996 = vector.shape_cast %get3A_995 : vector<1x16xf32> to vector<16xf32>
        %mul3A_997 = arith.mulf %get3A_956, %get3A_988 : vector<16xf32>
        %mul3A_998 = arith.mulf %get3A_964, %get3A_996 : vector<16xf32>
        %sub3A_999 = arith.subf %mul3A_997, %mul3A_998 : vector<16xf32>
        %sub3A_1000 = arith.subf %sub3A_999, %get3A_972 : vector<16xf32>
        %mul3A_1001 = arith.mulf %get3A_956, %get3A_996 : vector<16xf32>
        %mul3A_1002 = arith.mulf %get3A_964, %get3A_988 : vector<16xf32>
        %add3A_1003 = arith.addf %mul3A_1001, %mul3A_1002 : vector<16xf32>
        %sub3A_1004 = arith.subf %add3A_1003, %get3A_980 : vector<16xf32>
        %mul3A_1005 = arith.mulf %sub3A_1000, %sub3A_1000 : vector<16xf32>
        %mul3A_1006 = arith.mulf %sub3A_1004, %sub3A_1004 : vector<16xf32>
        %add3A_1007 = arith.addf %mul3A_1005, %mul3A_1006 : vector<16xf32>
        %max3A_1008 = arith.constant 1.000000e-24 : f32
        %max3A_1009 = vector.broadcast %max3A_1008 : f32 to vector<16xf32>
        %max3A_1010 = arith.maximumf %add3A_1007, %max3A_1009 : vector<16xf32>
        %bitcast_convert_type3A_1011 = tpu.bitcast %max3A_1010 : vector<16xf32> -> vector<16xi32>
        %shift_right_arithmetic3A_1012 = arith.constant 1 : i32
        %shift_right_arithmetic3A_1013 = vector.broadcast %shift_right_arithmetic3A_1012 : i32 to vector<16xi32>
        %shift_right_arithmetic3A_1014 = arith.shrsi %bitcast_convert_type3A_1011, %shift_right_arithmetic3A_1013 : vector<16xi32>
        %sub3A_1015 = arith.constant 1597463007 : i32
        %sub3A_1016 = vector.broadcast %sub3A_1015 : i32 to vector<16xi32>
        %sub3A_1017 = arith.subi %sub3A_1016, %shift_right_arithmetic3A_1014 : vector<16xi32>
        %bitcast_convert_type3A_1018 = tpu.bitcast %sub3A_1017 : vector<16xi32> -> vector<16xf32>
        %mul3A_1019 = arith.constant 5.000000e-01 : f32
        %mul3A_1020 = vector.broadcast %mul3A_1019 : f32 to vector<16xf32>
        %mul3A_1021 = arith.mulf %max3A_1010, %mul3A_1020 : vector<16xf32>
        %mul3A_1022 = arith.mulf %mul3A_1021, %bitcast_convert_type3A_1018 : vector<16xf32>
        %mul3A_1023 = arith.mulf %mul3A_1022, %bitcast_convert_type3A_1018 : vector<16xf32>
        %sub3A_1024 = arith.constant 1.500000e+00 : f32
        %sub3A_1025 = vector.broadcast %sub3A_1024 : f32 to vector<16xf32>
        %sub3A_1026 = arith.subf %sub3A_1025, %mul3A_1023 : vector<16xf32>
        %mul3A_1027 = arith.mulf %bitcast_convert_type3A_1018, %sub3A_1026 : vector<16xf32>
        %mul3A_1028 = arith.mulf %max3A_1010, %mul3A_1027 : vector<16xf32>
        %add3A_1029 = arith.addf %add3A_948, %mul3A_1028 : vector<16xf32>
        %xor3A = arith.constant 1 : i32
        %xor3A_1030 = vector.broadcast %xor3A : i32 to vector<16xi32>
        %xor3A_1031 = arith.xori %iota3A, %xor3A_1030 : vector<16xi32>
        %broadcast_in_dim3A_1032 = vector.shape_cast %xor3A_1031 : vector<16xi32> to vector<16x1xi32>
        %gather3A = vector.shape_cast %broadcast_in_dim3A_1032 : vector<16x1xi32> to vector<16xi32>
        %gather3A_1033 = tpu.dynamic_gather %add3A_1029[%gather3A] in [0] : vector<16xf32>, vector<16xi32> -> vector<16xf32>
        %add3A_1034 = arith.addf %add3A_1029, %gather3A_1033 : vector<16xf32>
        %xor3A_1035 = arith.constant 2 : i32
        %xor3A_1036 = vector.broadcast %xor3A_1035 : i32 to vector<16xi32>
        %xor3A_1037 = arith.xori %iota3A, %xor3A_1036 : vector<16xi32>
        %broadcast_in_dim3A_1038 = vector.shape_cast %xor3A_1037 : vector<16xi32> to vector<16x1xi32>
        %gather3A_1039 = vector.shape_cast %broadcast_in_dim3A_1038 : vector<16x1xi32> to vector<16xi32>
        %gather3A_1040 = tpu.dynamic_gather %add3A_1034[%gather3A_1039] in [0] : vector<16xf32>, vector<16xi32> -> vector<16xf32>
        %add3A_1041 = arith.addf %add3A_1034, %gather3A_1040 : vector<16xf32>
        %xor3A_1042 = arith.constant 4 : i32
        %xor3A_1043 = vector.broadcast %xor3A_1042 : i32 to vector<16xi32>
        %xor3A_1044 = arith.xori %iota3A, %xor3A_1043 : vector<16xi32>
        %broadcast_in_dim3A_1045 = vector.shape_cast %xor3A_1044 : vector<16xi32> to vector<16x1xi32>
        %gather3A_1046 = vector.shape_cast %broadcast_in_dim3A_1045 : vector<16x1xi32> to vector<16xi32>
        %gather3A_1047 = tpu.dynamic_gather %add3A_1041[%gather3A_1046] in [0] : vector<16xf32>, vector<16xi32> -> vector<16xf32>
        %add3A_1048 = arith.addf %add3A_1041, %gather3A_1047 : vector<16xf32>
        %xor3A_1049 = arith.constant 8 : i32
        %xor3A_1050 = vector.broadcast %xor3A_1049 : i32 to vector<16xi32>
        %xor3A_1051 = arith.xori %iota3A, %xor3A_1050 : vector<16xi32>
        %broadcast_in_dim3A_1052 = vector.shape_cast %xor3A_1051 : vector<16xi32> to vector<16x1xi32>
        %gather3A_1053 = vector.shape_cast %broadcast_in_dim3A_1052 : vector<16x1xi32> to vector<16xi32>
        %gather3A_1054 = tpu.dynamic_gather %add3A_1048[%gather3A_1053] in [0] : vector<16xf32>, vector<16xi32> -> vector<16xf32>
        %add3A_1055 = arith.addf %add3A_1048, %gather3A_1054 : vector<16xf32>
        %mul3A_1056 = arith.constant 1.00094593 : f32
        %mul3A_1057 = vector.broadcast %mul3A_1056 : f32 to vector<16xf32>
        %mul3A_1058 = arith.mulf %add3A_1055, %mul3A_1057 : vector<16xf32>
        %sub3A_1059 = arith.constant 1.200000e+01 : f32
        %sub3A_1060 = vector.broadcast %sub3A_1059 : f32 to vector<16xf32>
        %sub3A_1061 = arith.subf %sub3A_1060, %mul3A_1058 : vector<16xf32>
        %eq3A = vector.broadcast %scan3A_704 : i32 to vector<16xi32>
        %eq3A_1062 = arith.cmpi eq, %iota3A, %eq3A : vector<16xi32>
        %select_n3A = arith.select %eq3A_1062, %sub3A_1061, %scan3A_705 : vector<16xi1>, vector<16xf32>
        scf.yield %select_n3A : vector<16xf32>
      }
      %scan3A_696 = arith.constant 16 : i32
      %mul3A_697 = arith.constant 16 : i32
      %mul3A_698 = arith.muli %scan3A_689, %mul3A_697 : i32
      %add3A_699 = arith.constant 0 : i32
      %add3A_700 = arith.addi %add3A_699, %mul3A_698 : i32
      %swap3A = arith.index_cast %add3A_700 : i32 to index
      %swap3A_701 = tpu.vector_load %arg14[%swap3A] {strides = array<i32>} : memref<512xf32, #tpu.memory_space<vmem>>, vector<16xf32>,
      %swap3A_702 = vector.shape_cast %swap3A_701 : vector<16xf32> to vector<16xf32>
      %swap3A_703 = vector.shape_cast %scan3A_695 : vector<16xf32> to vector<16xf32>
      tpu.vector_store %arg14[%swap3A], %swap3A_703 {strides = array<i32>} : memref<512xf32, #tpu.memory_space<vmem>>, vector<16xf32>,
    }
    %scan3A_301 = arith.constant 2 : i32
    %dma_wait3A_302 = arith.constant 0 : i32
    %dma_wait3A_303 = arith.constant 0 : i32
    %dma_wait3A_304 = arith.constant 0 : i32
    %dma_wait3A_305 = arith.constant 0 : i32
    %dma_wait3A_306 = tpu.memref_slice %arg11[%dma_wait3A_303, %dma_wait3A_304, %dma_wait3A_305] : memref<2x128x128xf32, #tpu.memory_space<vmem>> -> memref<1x128x128xf32, #tpu.memory_space<vmem>>
    %dma_wait3A_307 = tpu.memref_squeeze %dma_wait3A_306 : memref<1x128x128xf32, #tpu.memory_space<vmem>> -> memref<128x128xf32, #tpu.memory_space<vmem>>
    %dma_wait3A_308 = arith.constant 32 : i32
    %dma_wait3A_309 = arith.constant 0 : i32
    %dma_wait3A_310 = tpu.memref_slice %dma_wait3A_307[%dma_wait3A_308, %dma_wait3A_309] : memref<128x128xf32, #tpu.memory_space<vmem>> -> memref<32x128xf32, #tpu.memory_space<vmem>>
    %dma_wait3A_311 = arith.constant 0 : i32
    %dma_wait3A_312 = tpu.memref_slice %arg8[%dma_wait3A_302, %dma_wait3A_311] : memref<4x128xi32, #tpu.memory_space<vmem>> -> memref<1x128xi32, #tpu.memory_space<vmem>>
    %dma_wait3A_313 = tpu.memref_squeeze %dma_wait3A_312 : memref<1x128xi32, #tpu.memory_space<vmem>> -> memref<128xi32, #tpu.memory_space<vmem>>
    %dma_wait3A_314 = arith.constant 32 : i32
    %dma_wait3A_315 = tpu.memref_slice %dma_wait3A_313[%dma_wait3A_314] : memref<128xi32, #tpu.memory_space<vmem>> -> memref<32xi32, #tpu.memory_space<vmem>>
    %dma_wait3A_316 = arith.constant 0 : i32
    %dma_wait3A_317 = arith.constant 0 : i32
    %dma_wait3A_318 = tpu.memref_slice %arg5[%dma_wait3A_316, %dma_wait3A_317] : memref<1000000x128xf32, #tpu.memory_space<hbm>> -> memref<1000000x128xf32, #tpu.memory_space<hbm>>
    tpu.wait_indirect_dma semaphore(%arg15 : memref<!tpu.dma_semaphore, #tpu.memory_space<semaphore_mem>>) src(%dma_wait3A_318 : memref<1000000x128xf32, #tpu.memory_space<hbm>>) dst(%dma_wait3A_310 : memref<32x128xf32, #tpu.memory_space<vmem>>)
    %dma_wait3A_319 = arith.constant 0 : i32
    %dma_wait3A_320 = arith.constant 0 : i32
    %dma_wait3A_321 = arith.constant 0 : i32
    %dma_wait3A_322 = arith.constant 0 : i32
    %dma_wait3A_323 = tpu.memref_slice %arg12[%dma_wait3A_320, %dma_wait3A_321, %dma_wait3A_322] : memref<2x128x128xf32, #tpu.memory_space<vmem>> -> memref<1x128x128xf32, #tpu.memory_space<vmem>>
    %dma_wait3A_324 = tpu.memref_squeeze %dma_wait3A_323 : memref<1x128x128xf32, #tpu.memory_space<vmem>> -> memref<128x128xf32, #tpu.memory_space<vmem>>
    %dma_wait3A_325 = arith.constant 32 : i32
    %dma_wait3A_326 = arith.constant 0 : i32
    %dma_wait3A_327 = tpu.memref_slice %dma_wait3A_324[%dma_wait3A_325, %dma_wait3A_326] : memref<128x128xf32, #tpu.memory_space<vmem>> -> memref<32x128xf32, #tpu.memory_space<vmem>>
    %dma_wait3A_328 = arith.constant 0 : i32
    %dma_wait3A_329 = tpu.memref_slice %arg9[%dma_wait3A_319, %dma_wait3A_328] : memref<4x128xi32, #tpu.memory_space<vmem>> -> memref<1x128xi32, #tpu.memory_space<vmem>>
    %dma_wait3A_330 = tpu.memref_squeeze %dma_wait3A_329 : memref<1x128xi32, #tpu.memory_space<vmem>> -> memref<128xi32, #tpu.memory_space<vmem>>
    %dma_wait3A_331 = arith.constant 32 : i32
    %dma_wait3A_332 = tpu.memref_slice %dma_wait3A_330[%dma_wait3A_331] : memref<128xi32, #tpu.memory_space<vmem>> -> memref<32xi32, #tpu.memory_space<vmem>>
    %dma_wait3A_333 = arith.constant 0 : i32
    %dma_wait3A_334 = arith.constant 0 : i32
    %dma_wait3A_335 = tpu.memref_slice %arg5[%dma_wait3A_333, %dma_wait3A_334] : memref<1000000x128xf32, #tpu.memory_space<hbm>> -> memref<1000000x128xf32, #tpu.memory_space<hbm>>
    tpu.wait_indirect_dma semaphore(%arg15 : memref<!tpu.dma_semaphore, #tpu.memory_space<semaphore_mem>>) src(%dma_wait3A_335 : memref<1000000x128xf32, #tpu.memory_space<hbm>>) dst(%dma_wait3A_327 : memref<32x128xf32, #tpu.memory_space<vmem>>)
    %dma_wait3A_336 = arith.constant 0 : i32
    %dma_wait3A_337 = arith.constant 0 : i32
    %dma_wait3A_338 = arith.constant 0 : i32
    %dma_wait3A_339 = arith.constant 0 : i32
    %dma_wait3A_340 = tpu.memref_slice %arg13[%dma_wait3A_337, %dma_wait3A_338, %dma_wait3A_339] : memref<2x128x128xf32, #tpu.memory_space<vmem>> -> memref<1x128x128xf32, #tpu.memory_space<vmem>>
    %dma_wait3A_341 = tpu.memref_squeeze %dma_wait3A_340 : memref<1x128x128xf32, #tpu.memory_space<vmem>> -> memref<128x128xf32, #tpu.memory_space<vmem>>
    %dma_wait3A_342 = arith.constant 32 : i32
    %dma_wait3A_343 = arith.constant 0 : i32
    %dma_wait3A_344 = tpu.memref_slice %dma_wait3A_341[%dma_wait3A_342, %dma_wait3A_343] : memref<128x128xf32, #tpu.memory_space<vmem>> -> memref<32x128xf32, #tpu.memory_space<vmem>>
    %dma_wait3A_345 = arith.constant 0 : i32
    %dma_wait3A_346 = tpu.memref_slice %arg10[%dma_wait3A_336, %dma_wait3A_345] : memref<4x128xi32, #tpu.memory_space<vmem>> -> memref<1x128xi32, #tpu.memory_space<vmem>>
    %dma_wait3A_347 = tpu.memref_squeeze %dma_wait3A_346 : memref<1x128xi32, #tpu.memory_space<vmem>> -> memref<128xi32, #tpu.memory_space<vmem>>
    %dma_wait3A_348 = arith.constant 32 : i32
    %dma_wait3A_349 = tpu.memref_slice %dma_wait3A_347[%dma_wait3A_348] : memref<128xi32, #tpu.memory_space<vmem>> -> memref<32xi32, #tpu.memory_space<vmem>>
    %dma_wait3A_350 = arith.constant 0 : i32
    %dma_wait3A_351 = arith.constant 0 : i32
    %dma_wait3A_352 = tpu.memref_slice %arg6[%dma_wait3A_350, %dma_wait3A_351] : memref<512x128xf32, #tpu.memory_space<hbm>> -> memref<512x128xf32, #tpu.memory_space<hbm>>
    tpu.wait_indirect_dma semaphore(%arg15 : memref<!tpu.dma_semaphore, #tpu.memory_space<semaphore_mem>>) src(%dma_wait3A_352 : memref<512x128xf32, #tpu.memory_space<hbm>>) dst(%dma_wait3A_344 : memref<32x128xf32, #tpu.memory_space<vmem>>)
    %scan3A_353 = arith.constant 0 : i32
    %scan3A_354 = arith.constant 0 : i32
    %scan3A_355 = arith.constant 0 : i32
    %scan3A_356 = arith.constant 0 : i32
    %scan3A_357 = arith.constant 2 : i32
    %scan3A_358 = arith.constant 2 : i32
    %scan3A_359 = arith.addi %scan3A_357, %scan3A_358 : i32
    %scan3A_360 = arith.constant 1 : i32
    scf.for %scan3A_689 = %scan3A_357 to %scan3A_359 step %scan3A_360  : i32 {
      %broadcast_in_dim3A = arith.constant 0.000000e+00 : f32
      %broadcast_in_dim3A_690 = vector.broadcast %broadcast_in_dim3A : f32 to vector<16xf32>
      %scan3A_691 = arith.constant 0 : i32
      %scan3A_692 = arith.constant 16 : i32
      %scan3A_693 = arith.addi %scan3A_691, %scan3A_692 : i32
      %scan3A_694 = arith.constant 1 : i32
      %scan3A_695 = scf.for %scan3A_704 = %scan3A_691 to %scan3A_693 step %scan3A_694 iter_args(%scan3A_705 = %broadcast_in_dim3A_690) -> (vector<16xf32>)  : i32 {
        %mul3A_706 = arith.constant 16 : i32
        %mul3A_707 = arith.muli %scan3A_689, %mul3A_706 : i32
        %add3A_708 = arith.addi %mul3A_707, %scan3A_704 : i32
        %broadcast_in_dim3A_709 = arith.constant 0.000000e+00 : f32
        %broadcast_in_dim3A_710 = vector.broadcast %broadcast_in_dim3A_709 : f32 to vector<16xf32>
        %get3A = arith.constant 0 : i32
        %get3A_711 = arith.constant 0 : i32
        %get3A_712 = tpu.memref_slice %arg11[%scan3A_354, %get3A, %get3A_711] : memref<2x128x128xf32, #tpu.memory_space<vmem>> -> memref<1x128x128xf32, #tpu.memory_space<vmem>>
        %get3A_713 = tpu.memref_squeeze %get3A_712 : memref<1x128x128xf32, #tpu.memory_space<vmem>> -> memref<128x128xf32, #tpu.memory_space<vmem>>
        %get3A_714 = arith.index_cast %add3A_708 : i32 to index
        %get3A_715 = arith.constant 0 : index
        %get3A_716 = tpu.vector_load %get3A_713[%get3A_714, %get3A_715] {strides = array<i32>} : memref<128x128xf32, #tpu.memory_space<vmem>>, vector<1x16xf32>,
        %get3A_717 = vector.shape_cast %get3A_716 : vector<1x16xf32> to vector<16xf32>
        %get3A_718 = arith.constant 0 : i32
        %get3A_719 = arith.constant 0 : i32
        %get3A_720 = tpu.memref_slice %arg11[%scan3A_354, %get3A_718, %get3A_719] : memref<2x128x128xf32, #tpu.memory_space<vmem>> -> memref<1x128x128xf32, #tpu.memory_space<vmem>>
        %get3A_721 = tpu.memref_squeeze %get3A_720 : memref<1x128x128xf32, #tpu.memory_space<vmem>> -> memref<128x128xf32, #tpu.memory_space<vmem>>
        %get3A_722 = arith.index_cast %add3A_708 : i32 to index
        %get3A_723 = arith.constant 64 : index
        %get3A_724 = tpu.vector_load %get3A_721[%get3A_722, %get3A_723] {strides = array<i32>} : memref<128x128xf32, #tpu.memory_space<vmem>>, vector<1x16xf32>,
        %get3A_725 = vector.shape_cast %get3A_724 : vector<1x16xf32> to vector<16xf32>
        %get3A_726 = arith.constant 0 : i32
        %get3A_727 = arith.constant 0 : i32
        %get3A_728 = tpu.memref_slice %arg12[%scan3A_355, %get3A_726, %get3A_727] : memref<2x128x128xf32, #tpu.memory_space<vmem>> -> memref<1x128x128xf32, #tpu.memory_space<vmem>>
        %get3A_729 = tpu.memref_squeeze %get3A_728 : memref<1x128x128xf32, #tpu.memory_space<vmem>> -> memref<128x128xf32, #tpu.memory_space<vmem>>
        %get3A_730 = arith.index_cast %add3A_708 : i32 to index
        %get3A_731 = arith.constant 0 : index
        %get3A_732 = tpu.vector_load %get3A_729[%get3A_730, %get3A_731] {strides = array<i32>} : memref<128x128xf32, #tpu.memory_space<vmem>>, vector<1x16xf32>,
        %get3A_733 = vector.shape_cast %get3A_732 : vector<1x16xf32> to vector<16xf32>
        %get3A_734 = arith.constant 0 : i32
        %get3A_735 = arith.constant 0 : i32
        %get3A_736 = tpu.memref_slice %arg12[%scan3A_355, %get3A_734, %get3A_735] : memref<2x128x128xf32, #tpu.memory_space<vmem>> -> memref<1x128x128xf32, #tpu.memory_space<vmem>>
        %get3A_737 = tpu.memref_squeeze %get3A_736 : memref<1x128x128xf32, #tpu.memory_space<vmem>> -> memref<128x128xf32, #tpu.memory_space<vmem>>
        %get3A_738 = arith.index_cast %add3A_708 : i32 to index
        %get3A_739 = arith.constant 64 : index
        %get3A_740 = tpu.vector_load %get3A_737[%get3A_738, %get3A_739] {strides = array<i32>} : memref<128x128xf32, #tpu.memory_space<vmem>>, vector<1x16xf32>,
        %get3A_741 = vector.shape_cast %get3A_740 : vector<1x16xf32> to vector<16xf32>
        %get3A_742 = arith.constant 0 : i32
        %get3A_743 = arith.constant 0 : i32
        %get3A_744 = tpu.memref_slice %arg13[%scan3A_356, %get3A_742, %get3A_743] : memref<2x128x128xf32, #tpu.memory_space<vmem>> -> memref<1x128x128xf32, #tpu.memory_space<vmem>>
        %get3A_745 = tpu.memref_squeeze %get3A_744 : memref<1x128x128xf32, #tpu.memory_space<vmem>> -> memref<128x128xf32, #tpu.memory_space<vmem>>
        %get3A_746 = arith.index_cast %add3A_708 : i32 to index
        %get3A_747 = arith.constant 0 : index
        %get3A_748 = tpu.vector_load %get3A_745[%get3A_746, %get3A_747] {strides = array<i32>} : memref<128x128xf32, #tpu.memory_space<vmem>>, vector<1x16xf32>,
        %get3A_749 = vector.shape_cast %get3A_748 : vector<1x16xf32> to vector<16xf32>
        %get3A_750 = arith.constant 0 : i32
        %get3A_751 = arith.constant 0 : i32
        %get3A_752 = tpu.memref_slice %arg13[%scan3A_356, %get3A_750, %get3A_751] : memref<2x128x128xf32, #tpu.memory_space<vmem>> -> memref<1x128x128xf32, #tpu.memory_space<vmem>>
        %get3A_753 = tpu.memref_squeeze %get3A_752 : memref<1x128x128xf32, #tpu.memory_space<vmem>> -> memref<128x128xf32, #tpu.memory_space<vmem>>
        %get3A_754 = arith.index_cast %add3A_708 : i32 to index
        %get3A_755 = arith.constant 64 : index
        %get3A_756 = tpu.vector_load %get3A_753[%get3A_754, %get3A_755] {strides = array<i32>} : memref<128x128xf32, #tpu.memory_space<vmem>>, vector<1x16xf32>,
        %get3A_757 = vector.shape_cast %get3A_756 : vector<1x16xf32> to vector<16xf32>
        %mul3A_758 = arith.mulf %get3A_717, %get3A_749 : vector<16xf32>
        %mul3A_759 = arith.mulf %get3A_725, %get3A_757 : vector<16xf32>
        %sub3A = arith.subf %mul3A_758, %mul3A_759 : vector<16xf32>
        %sub3A_760 = arith.subf %sub3A, %get3A_733 : vector<16xf32>
        %mul3A_761 = arith.mulf %get3A_717, %get3A_757 : vector<16xf32>
        %mul3A_762 = arith.mulf %get3A_725, %get3A_749 : vector<16xf32>
        %add3A_763 = arith.addf %mul3A_761, %mul3A_762 : vector<16xf32>
        %sub3A_764 = arith.subf %add3A_763, %get3A_741 : vector<16xf32>
        %mul3A_765 = arith.mulf %sub3A_760, %sub3A_760 : vector<16xf32>
        %mul3A_766 = arith.mulf %sub3A_764, %sub3A_764 : vector<16xf32>
        %add3A_767 = arith.addf %mul3A_765, %mul3A_766 : vector<16xf32>
        %max3A = arith.constant 1.000000e-24 : f32
        %max3A_768 = vector.broadcast %max3A : f32 to vector<16xf32>
        %max3A_769 = arith.maximumf %add3A_767, %max3A_768 : vector<16xf32>
        %bitcast_convert_type3A = tpu.bitcast %max3A_769 : vector<16xf32> -> vector<16xi32>
        %shift_right_arithmetic3A = arith.constant 1 : i32
        %shift_right_arithmetic3A_770 = vector.broadcast %shift_right_arithmetic3A : i32 to vector<16xi32>
        %shift_right_arithmetic3A_771 = arith.shrsi %bitcast_convert_type3A, %shift_right_arithmetic3A_770 : vector<16xi32>
        %sub3A_772 = arith.constant 1597463007 : i32
        %sub3A_773 = vector.broadcast %sub3A_772 : i32 to vector<16xi32>
        %sub3A_774 = arith.subi %sub3A_773, %shift_right_arithmetic3A_771 : vector<16xi32>
        %bitcast_convert_type3A_775 = tpu.bitcast %sub3A_774 : vector<16xi32> -> vector<16xf32>
        %mul3A_776 = arith.constant 5.000000e-01 : f32
        %mul3A_777 = vector.broadcast %mul3A_776 : f32 to vector<16xf32>
        %mul3A_778 = arith.mulf %max3A_769, %mul3A_777 : vector<16xf32>
        %mul3A_779 = arith.mulf %mul3A_778, %bitcast_convert_type3A_775 : vector<16xf32>
        %mul3A_780 = arith.mulf %mul3A_779, %bitcast_convert_type3A_775 : vector<16xf32>
        %sub3A_781 = arith.constant 1.500000e+00 : f32
        %sub3A_782 = vector.broadcast %sub3A_781 : f32 to vector<16xf32>
        %sub3A_783 = arith.subf %sub3A_782, %mul3A_780 : vector<16xf32>
        %mul3A_784 = arith.mulf %bitcast_convert_type3A_775, %sub3A_783 : vector<16xf32>
        %mul3A_785 = arith.mulf %max3A_769, %mul3A_784 : vector<16xf32>
        %add3A_786 = arith.addf %broadcast_in_dim3A_710, %mul3A_785 : vector<16xf32>
        %get3A_787 = arith.constant 0 : i32
        %get3A_788 = arith.constant 0 : i32
        %get3A_789 = tpu.memref_slice %arg11[%scan3A_354, %get3A_787, %get3A_788] : memref<2x128x128xf32, #tpu.memory_space<vmem>> -> memref<1x128x128xf32, #tpu.memory_space<vmem>>
        %get3A_790 = tpu.memref_squeeze %get3A_789 : memref<1x128x128xf32, #tpu.memory_space<vmem>> -> memref<128x128xf32, #tpu.memory_space<vmem>>
        %get3A_791 = arith.index_cast %add3A_708 : i32 to index
        %get3A_792 = arith.constant 16 : index
        %get3A_793 = tpu.vector_load %get3A_790[%get3A_791, %get3A_792] {strides = array<i32>} : memref<128x128xf32, #tpu.memory_space<vmem>>, vector<1x16xf32>,
        %get3A_794 = vector.shape_cast %get3A_793 : vector<1x16xf32> to vector<16xf32>
        %get3A_795 = arith.constant 0 : i32
        %get3A_796 = arith.constant 0 : i32
        %get3A_797 = tpu.memref_slice %arg11[%scan3A_354, %get3A_795, %get3A_796] : memref<2x128x128xf32, #tpu.memory_space<vmem>> -> memref<1x128x128xf32, #tpu.memory_space<vmem>>
        %get3A_798 = tpu.memref_squeeze %get3A_797 : memref<1x128x128xf32, #tpu.memory_space<vmem>> -> memref<128x128xf32, #tpu.memory_space<vmem>>
        %get3A_799 = arith.index_cast %add3A_708 : i32 to index
        %get3A_800 = arith.constant 80 : index
        %get3A_801 = tpu.vector_load %get3A_798[%get3A_799, %get3A_800] {strides = array<i32>} : memref<128x128xf32, #tpu.memory_space<vmem>>, vector<1x16xf32>,
        %get3A_802 = vector.shape_cast %get3A_801 : vector<1x16xf32> to vector<16xf32>
        %get3A_803 = arith.constant 0 : i32
        %get3A_804 = arith.constant 0 : i32
        %get3A_805 = tpu.memref_slice %arg12[%scan3A_355, %get3A_803, %get3A_804] : memref<2x128x128xf32, #tpu.memory_space<vmem>> -> memref<1x128x128xf32, #tpu.memory_space<vmem>>
        %get3A_806 = tpu.memref_squeeze %get3A_805 : memref<1x128x128xf32, #tpu.memory_space<vmem>> -> memref<128x128xf32, #tpu.memory_space<vmem>>
        %get3A_807 = arith.index_cast %add3A_708 : i32 to index
        %get3A_808 = arith.constant 16 : index
        %get3A_809 = tpu.vector_load %get3A_806[%get3A_807, %get3A_808] {strides = array<i32>} : memref<128x128xf32, #tpu.memory_space<vmem>>, vector<1x16xf32>,
        %get3A_810 = vector.shape_cast %get3A_809 : vector<1x16xf32> to vector<16xf32>
        %get3A_811 = arith.constant 0 : i32
        %get3A_812 = arith.constant 0 : i32
        %get3A_813 = tpu.memref_slice %arg12[%scan3A_355, %get3A_811, %get3A_812] : memref<2x128x128xf32, #tpu.memory_space<vmem>> -> memref<1x128x128xf32, #tpu.memory_space<vmem>>
        %get3A_814 = tpu.memref_squeeze %get3A_813 : memref<1x128x128xf32, #tpu.memory_space<vmem>> -> memref<128x128xf32, #tpu.memory_space<vmem>>
        %get3A_815 = arith.index_cast %add3A_708 : i32 to index
        %get3A_816 = arith.constant 80 : index
        %get3A_817 = tpu.vector_load %get3A_814[%get3A_815, %get3A_816] {strides = array<i32>} : memref<128x128xf32, #tpu.memory_space<vmem>>, vector<1x16xf32>,
        %get3A_818 = vector.shape_cast %get3A_817 : vector<1x16xf32> to vector<16xf32>
        %get3A_819 = arith.constant 0 : i32
        %get3A_820 = arith.constant 0 : i32
        %get3A_821 = tpu.memref_slice %arg13[%scan3A_356, %get3A_819, %get3A_820] : memref<2x128x128xf32, #tpu.memory_space<vmem>> -> memref<1x128x128xf32, #tpu.memory_space<vmem>>
        %get3A_822 = tpu.memref_squeeze %get3A_821 : memref<1x128x128xf32, #tpu.memory_space<vmem>> -> memref<128x128xf32, #tpu.memory_space<vmem>>
        %get3A_823 = arith.index_cast %add3A_708 : i32 to index
        %get3A_824 = arith.constant 16 : index
        %get3A_825 = tpu.vector_load %get3A_822[%get3A_823, %get3A_824] {strides = array<i32>} : memref<128x128xf32, #tpu.memory_space<vmem>>, vector<1x16xf32>,
        %get3A_826 = vector.shape_cast %get3A_825 : vector<1x16xf32> to vector<16xf32>
        %get3A_827 = arith.constant 0 : i32
        %get3A_828 = arith.constant 0 : i32
        %get3A_829 = tpu.memref_slice %arg13[%scan3A_356, %get3A_827, %get3A_828] : memref<2x128x128xf32, #tpu.memory_space<vmem>> -> memref<1x128x128xf32, #tpu.memory_space<vmem>>
        %get3A_830 = tpu.memref_squeeze %get3A_829 : memref<1x128x128xf32, #tpu.memory_space<vmem>> -> memref<128x128xf32, #tpu.memory_space<vmem>>
        %get3A_831 = arith.index_cast %add3A_708 : i32 to index
        %get3A_832 = arith.constant 80 : index
        %get3A_833 = tpu.vector_load %get3A_830[%get3A_831, %get3A_832] {strides = array<i32>} : memref<128x128xf32, #tpu.memory_space<vmem>>, vector<1x16xf32>,
        %get3A_834 = vector.shape_cast %get3A_833 : vector<1x16xf32> to vector<16xf32>
        %mul3A_835 = arith.mulf %get3A_794, %get3A_826 : vector<16xf32>
        %mul3A_836 = arith.mulf %get3A_802, %get3A_834 : vector<16xf32>
        %sub3A_837 = arith.subf %mul3A_835, %mul3A_836 : vector<16xf32>
        %sub3A_838 = arith.subf %sub3A_837, %get3A_810 : vector<16xf32>
        %mul3A_839 = arith.mulf %get3A_794, %get3A_834 : vector<16xf32>
        %mul3A_840 = arith.mulf %get3A_802, %get3A_826 : vector<16xf32>
        %add3A_841 = arith.addf %mul3A_839, %mul3A_840 : vector<16xf32>
        %sub3A_842 = arith.subf %add3A_841, %get3A_818 : vector<16xf32>
        %mul3A_843 = arith.mulf %sub3A_838, %sub3A_838 : vector<16xf32>
        %mul3A_844 = arith.mulf %sub3A_842, %sub3A_842 : vector<16xf32>
        %add3A_845 = arith.addf %mul3A_843, %mul3A_844 : vector<16xf32>
        %max3A_846 = arith.constant 1.000000e-24 : f32
        %max3A_847 = vector.broadcast %max3A_846 : f32 to vector<16xf32>
        %max3A_848 = arith.maximumf %add3A_845, %max3A_847 : vector<16xf32>
        %bitcast_convert_type3A_849 = tpu.bitcast %max3A_848 : vector<16xf32> -> vector<16xi32>
        %shift_right_arithmetic3A_850 = arith.constant 1 : i32
        %shift_right_arithmetic3A_851 = vector.broadcast %shift_right_arithmetic3A_850 : i32 to vector<16xi32>
        %shift_right_arithmetic3A_852 = arith.shrsi %bitcast_convert_type3A_849, %shift_right_arithmetic3A_851 : vector<16xi32>
        %sub3A_853 = arith.constant 1597463007 : i32
        %sub3A_854 = vector.broadcast %sub3A_853 : i32 to vector<16xi32>
        %sub3A_855 = arith.subi %sub3A_854, %shift_right_arithmetic3A_852 : vector<16xi32>
        %bitcast_convert_type3A_856 = tpu.bitcast %sub3A_855 : vector<16xi32> -> vector<16xf32>
        %mul3A_857 = arith.constant 5.000000e-01 : f32
        %mul3A_858 = vector.broadcast %mul3A_857 : f32 to vector<16xf32>
        %mul3A_859 = arith.mulf %max3A_848, %mul3A_858 : vector<16xf32>
        %mul3A_860 = arith.mulf %mul3A_859, %bitcast_convert_type3A_856 : vector<16xf32>
        %mul3A_861 = arith.mulf %mul3A_860, %bitcast_convert_type3A_856 : vector<16xf32>
        %sub3A_862 = arith.constant 1.500000e+00 : f32
        %sub3A_863 = vector.broadcast %sub3A_862 : f32 to vector<16xf32>
        %sub3A_864 = arith.subf %sub3A_863, %mul3A_861 : vector<16xf32>
        %mul3A_865 = arith.mulf %bitcast_convert_type3A_856, %sub3A_864 : vector<16xf32>
        %mul3A_866 = arith.mulf %max3A_848, %mul3A_865 : vector<16xf32>
        %add3A_867 = arith.addf %add3A_786, %mul3A_866 : vector<16xf32>
        %get3A_868 = arith.constant 0 : i32
        %get3A_869 = arith.constant 0 : i32
        %get3A_870 = tpu.memref_slice %arg11[%scan3A_354, %get3A_868, %get3A_869] : memref<2x128x128xf32, #tpu.memory_space<vmem>> -> memref<1x128x128xf32, #tpu.memory_space<vmem>>
        %get3A_871 = tpu.memref_squeeze %get3A_870 : memref<1x128x128xf32, #tpu.memory_space<vmem>> -> memref<128x128xf32, #tpu.memory_space<vmem>>
        %get3A_872 = arith.index_cast %add3A_708 : i32 to index
        %get3A_873 = arith.constant 32 : index
        %get3A_874 = tpu.vector_load %get3A_871[%get3A_872, %get3A_873] {strides = array<i32>} : memref<128x128xf32, #tpu.memory_space<vmem>>, vector<1x16xf32>,
        %get3A_875 = vector.shape_cast %get3A_874 : vector<1x16xf32> to vector<16xf32>
        %get3A_876 = arith.constant 0 : i32
        %get3A_877 = arith.constant 0 : i32
        %get3A_878 = tpu.memref_slice %arg11[%scan3A_354, %get3A_876, %get3A_877] : memref<2x128x128xf32, #tpu.memory_space<vmem>> -> memref<1x128x128xf32, #tpu.memory_space<vmem>>
        %get3A_879 = tpu.memref_squeeze %get3A_878 : memref<1x128x128xf32, #tpu.memory_space<vmem>> -> memref<128x128xf32, #tpu.memory_space<vmem>>
        %get3A_880 = arith.index_cast %add3A_708 : i32 to index
        %get3A_881 = arith.constant 96 : index
        %get3A_882 = tpu.vector_load %get3A_879[%get3A_880, %get3A_881] {strides = array<i32>} : memref<128x128xf32, #tpu.memory_space<vmem>>, vector<1x16xf32>,
        %get3A_883 = vector.shape_cast %get3A_882 : vector<1x16xf32> to vector<16xf32>
        %get3A_884 = arith.constant 0 : i32
        %get3A_885 = arith.constant 0 : i32
        %get3A_886 = tpu.memref_slice %arg12[%scan3A_355, %get3A_884, %get3A_885] : memref<2x128x128xf32, #tpu.memory_space<vmem>> -> memref<1x128x128xf32, #tpu.memory_space<vmem>>
        %get3A_887 = tpu.memref_squeeze %get3A_886 : memref<1x128x128xf32, #tpu.memory_space<vmem>> -> memref<128x128xf32, #tpu.memory_space<vmem>>
        %get3A_888 = arith.index_cast %add3A_708 : i32 to index
        %get3A_889 = arith.constant 32 : index
        %get3A_890 = tpu.vector_load %get3A_887[%get3A_888, %get3A_889] {strides = array<i32>} : memref<128x128xf32, #tpu.memory_space<vmem>>, vector<1x16xf32>,
        %get3A_891 = vector.shape_cast %get3A_890 : vector<1x16xf32> to vector<16xf32>
        %get3A_892 = arith.constant 0 : i32
        %get3A_893 = arith.constant 0 : i32
        %get3A_894 = tpu.memref_slice %arg12[%scan3A_355, %get3A_892, %get3A_893] : memref<2x128x128xf32, #tpu.memory_space<vmem>> -> memref<1x128x128xf32, #tpu.memory_space<vmem>>
        %get3A_895 = tpu.memref_squeeze %get3A_894 : memref<1x128x128xf32, #tpu.memory_space<vmem>> -> memref<128x128xf32, #tpu.memory_space<vmem>>
        %get3A_896 = arith.index_cast %add3A_708 : i32 to index
        %get3A_897 = arith.constant 96 : index
        %get3A_898 = tpu.vector_load %get3A_895[%get3A_896, %get3A_897] {strides = array<i32>} : memref<128x128xf32, #tpu.memory_space<vmem>>, vector<1x16xf32>,
        %get3A_899 = vector.shape_cast %get3A_898 : vector<1x16xf32> to vector<16xf32>
        %get3A_900 = arith.constant 0 : i32
        %get3A_901 = arith.constant 0 : i32
        %get3A_902 = tpu.memref_slice %arg13[%scan3A_356, %get3A_900, %get3A_901] : memref<2x128x128xf32, #tpu.memory_space<vmem>> -> memref<1x128x128xf32, #tpu.memory_space<vmem>>
        %get3A_903 = tpu.memref_squeeze %get3A_902 : memref<1x128x128xf32, #tpu.memory_space<vmem>> -> memref<128x128xf32, #tpu.memory_space<vmem>>
        %get3A_904 = arith.index_cast %add3A_708 : i32 to index
        %get3A_905 = arith.constant 32 : index
        %get3A_906 = tpu.vector_load %get3A_903[%get3A_904, %get3A_905] {strides = array<i32>} : memref<128x128xf32, #tpu.memory_space<vmem>>, vector<1x16xf32>,
        %get3A_907 = vector.shape_cast %get3A_906 : vector<1x16xf32> to vector<16xf32>
        %get3A_908 = arith.constant 0 : i32
        %get3A_909 = arith.constant 0 : i32
        %get3A_910 = tpu.memref_slice %arg13[%scan3A_356, %get3A_908, %get3A_909] : memref<2x128x128xf32, #tpu.memory_space<vmem>> -> memref<1x128x128xf32, #tpu.memory_space<vmem>>
        %get3A_911 = tpu.memref_squeeze %get3A_910 : memref<1x128x128xf32, #tpu.memory_space<vmem>> -> memref<128x128xf32, #tpu.memory_space<vmem>>
        %get3A_912 = arith.index_cast %add3A_708 : i32 to index
        %get3A_913 = arith.constant 96 : index
        %get3A_914 = tpu.vector_load %get3A_911[%get3A_912, %get3A_913] {strides = array<i32>} : memref<128x128xf32, #tpu.memory_space<vmem>>, vector<1x16xf32>,
        %get3A_915 = vector.shape_cast %get3A_914 : vector<1x16xf32> to vector<16xf32>
        %mul3A_916 = arith.mulf %get3A_875, %get3A_907 : vector<16xf32>
        %mul3A_917 = arith.mulf %get3A_883, %get3A_915 : vector<16xf32>
        %sub3A_918 = arith.subf %mul3A_916, %mul3A_917 : vector<16xf32>
        %sub3A_919 = arith.subf %sub3A_918, %get3A_891 : vector<16xf32>
        %mul3A_920 = arith.mulf %get3A_875, %get3A_915 : vector<16xf32>
        %mul3A_921 = arith.mulf %get3A_883, %get3A_907 : vector<16xf32>
        %add3A_922 = arith.addf %mul3A_920, %mul3A_921 : vector<16xf32>
        %sub3A_923 = arith.subf %add3A_922, %get3A_899 : vector<16xf32>
        %mul3A_924 = arith.mulf %sub3A_919, %sub3A_919 : vector<16xf32>
        %mul3A_925 = arith.mulf %sub3A_923, %sub3A_923 : vector<16xf32>
        %add3A_926 = arith.addf %mul3A_924, %mul3A_925 : vector<16xf32>
        %max3A_927 = arith.constant 1.000000e-24 : f32
        %max3A_928 = vector.broadcast %max3A_927 : f32 to vector<16xf32>
        %max3A_929 = arith.maximumf %add3A_926, %max3A_928 : vector<16xf32>
        %bitcast_convert_type3A_930 = tpu.bitcast %max3A_929 : vector<16xf32> -> vector<16xi32>
        %shift_right_arithmetic3A_931 = arith.constant 1 : i32
        %shift_right_arithmetic3A_932 = vector.broadcast %shift_right_arithmetic3A_931 : i32 to vector<16xi32>
        %shift_right_arithmetic3A_933 = arith.shrsi %bitcast_convert_type3A_930, %shift_right_arithmetic3A_932 : vector<16xi32>
        %sub3A_934 = arith.constant 1597463007 : i32
        %sub3A_935 = vector.broadcast %sub3A_934 : i32 to vector<16xi32>
        %sub3A_936 = arith.subi %sub3A_935, %shift_right_arithmetic3A_933 : vector<16xi32>
        %bitcast_convert_type3A_937 = tpu.bitcast %sub3A_936 : vector<16xi32> -> vector<16xf32>
        %mul3A_938 = arith.constant 5.000000e-01 : f32
        %mul3A_939 = vector.broadcast %mul3A_938 : f32 to vector<16xf32>
        %mul3A_940 = arith.mulf %max3A_929, %mul3A_939 : vector<16xf32>
        %mul3A_941 = arith.mulf %mul3A_940, %bitcast_convert_type3A_937 : vector<16xf32>
        %mul3A_942 = arith.mulf %mul3A_941, %bitcast_convert_type3A_937 : vector<16xf32>
        %sub3A_943 = arith.constant 1.500000e+00 : f32
        %sub3A_944 = vector.broadcast %sub3A_943 : f32 to vector<16xf32>
        %sub3A_945 = arith.subf %sub3A_944, %mul3A_942 : vector<16xf32>
        %mul3A_946 = arith.mulf %bitcast_convert_type3A_937, %sub3A_945 : vector<16xf32>
        %mul3A_947 = arith.mulf %max3A_929, %mul3A_946 : vector<16xf32>
        %add3A_948 = arith.addf %add3A_867, %mul3A_947 : vector<16xf32>
        %get3A_949 = arith.constant 0 : i32
        %get3A_950 = arith.constant 0 : i32
        %get3A_951 = tpu.memref_slice %arg11[%scan3A_354, %get3A_949, %get3A_950] : memref<2x128x128xf32, #tpu.memory_space<vmem>> -> memref<1x128x128xf32, #tpu.memory_space<vmem>>
        %get3A_952 = tpu.memref_squeeze %get3A_951 : memref<1x128x128xf32, #tpu.memory_space<vmem>> -> memref<128x128xf32, #tpu.memory_space<vmem>>
        %get3A_953 = arith.index_cast %add3A_708 : i32 to index
        %get3A_954 = arith.constant 48 : index
        %get3A_955 = tpu.vector_load %get3A_952[%get3A_953, %get3A_954] {strides = array<i32>} : memref<128x128xf32, #tpu.memory_space<vmem>>, vector<1x16xf32>,
        %get3A_956 = vector.shape_cast %get3A_955 : vector<1x16xf32> to vector<16xf32>
        %get3A_957 = arith.constant 0 : i32
        %get3A_958 = arith.constant 0 : i32
        %get3A_959 = tpu.memref_slice %arg11[%scan3A_354, %get3A_957, %get3A_958] : memref<2x128x128xf32, #tpu.memory_space<vmem>> -> memref<1x128x128xf32, #tpu.memory_space<vmem>>
        %get3A_960 = tpu.memref_squeeze %get3A_959 : memref<1x128x128xf32, #tpu.memory_space<vmem>> -> memref<128x128xf32, #tpu.memory_space<vmem>>
        %get3A_961 = arith.index_cast %add3A_708 : i32 to index
        %get3A_962 = arith.constant 112 : index
        %get3A_963 = tpu.vector_load %get3A_960[%get3A_961, %get3A_962] {strides = array<i32>} : memref<128x128xf32, #tpu.memory_space<vmem>>, vector<1x16xf32>,
        %get3A_964 = vector.shape_cast %get3A_963 : vector<1x16xf32> to vector<16xf32>
        %get3A_965 = arith.constant 0 : i32
        %get3A_966 = arith.constant 0 : i32
        %get3A_967 = tpu.memref_slice %arg12[%scan3A_355, %get3A_965, %get3A_966] : memref<2x128x128xf32, #tpu.memory_space<vmem>> -> memref<1x128x128xf32, #tpu.memory_space<vmem>>
        %get3A_968 = tpu.memref_squeeze %get3A_967 : memref<1x128x128xf32, #tpu.memory_space<vmem>> -> memref<128x128xf32, #tpu.memory_space<vmem>>
        %get3A_969 = arith.index_cast %add3A_708 : i32 to index
        %get3A_970 = arith.constant 48 : index
        %get3A_971 = tpu.vector_load %get3A_968[%get3A_969, %get3A_970] {strides = array<i32>} : memref<128x128xf32, #tpu.memory_space<vmem>>, vector<1x16xf32>,
        %get3A_972 = vector.shape_cast %get3A_971 : vector<1x16xf32> to vector<16xf32>
        %get3A_973 = arith.constant 0 : i32
        %get3A_974 = arith.constant 0 : i32
        %get3A_975 = tpu.memref_slice %arg12[%scan3A_355, %get3A_973, %get3A_974] : memref<2x128x128xf32, #tpu.memory_space<vmem>> -> memref<1x128x128xf32, #tpu.memory_space<vmem>>
        %get3A_976 = tpu.memref_squeeze %get3A_975 : memref<1x128x128xf32, #tpu.memory_space<vmem>> -> memref<128x128xf32, #tpu.memory_space<vmem>>
        %get3A_977 = arith.index_cast %add3A_708 : i32 to index
        %get3A_978 = arith.constant 112 : index
        %get3A_979 = tpu.vector_load %get3A_976[%get3A_977, %get3A_978] {strides = array<i32>} : memref<128x128xf32, #tpu.memory_space<vmem>>, vector<1x16xf32>,
        %get3A_980 = vector.shape_cast %get3A_979 : vector<1x16xf32> to vector<16xf32>
        %get3A_981 = arith.constant 0 : i32
        %get3A_982 = arith.constant 0 : i32
        %get3A_983 = tpu.memref_slice %arg13[%scan3A_356, %get3A_981, %get3A_982] : memref<2x128x128xf32, #tpu.memory_space<vmem>> -> memref<1x128x128xf32, #tpu.memory_space<vmem>>
        %get3A_984 = tpu.memref_squeeze %get3A_983 : memref<1x128x128xf32, #tpu.memory_space<vmem>> -> memref<128x128xf32, #tpu.memory_space<vmem>>
        %get3A_985 = arith.index_cast %add3A_708 : i32 to index
        %get3A_986 = arith.constant 48 : index
        %get3A_987 = tpu.vector_load %get3A_984[%get3A_985, %get3A_986] {strides = array<i32>} : memref<128x128xf32, #tpu.memory_space<vmem>>, vector<1x16xf32>,
        %get3A_988 = vector.shape_cast %get3A_987 : vector<1x16xf32> to vector<16xf32>
        %get3A_989 = arith.constant 0 : i32
        %get3A_990 = arith.constant 0 : i32
        %get3A_991 = tpu.memref_slice %arg13[%scan3A_356, %get3A_989, %get3A_990] : memref<2x128x128xf32, #tpu.memory_space<vmem>> -> memref<1x128x128xf32, #tpu.memory_space<vmem>>
        %get3A_992 = tpu.memref_squeeze %get3A_991 : memref<1x128x128xf32, #tpu.memory_space<vmem>> -> memref<128x128xf32, #tpu.memory_space<vmem>>
        %get3A_993 = arith.index_cast %add3A_708 : i32 to index
        %get3A_994 = arith.constant 112 : index
        %get3A_995 = tpu.vector_load %get3A_992[%get3A_993, %get3A_994] {strides = array<i32>} : memref<128x128xf32, #tpu.memory_space<vmem>>, vector<1x16xf32>,
        %get3A_996 = vector.shape_cast %get3A_995 : vector<1x16xf32> to vector<16xf32>
        %mul3A_997 = arith.mulf %get3A_956, %get3A_988 : vector<16xf32>
        %mul3A_998 = arith.mulf %get3A_964, %get3A_996 : vector<16xf32>
        %sub3A_999 = arith.subf %mul3A_997, %mul3A_998 : vector<16xf32>
        %sub3A_1000 = arith.subf %sub3A_999, %get3A_972 : vector<16xf32>
        %mul3A_1001 = arith.mulf %get3A_956, %get3A_996 : vector<16xf32>
        %mul3A_1002 = arith.mulf %get3A_964, %get3A_988 : vector<16xf32>
        %add3A_1003 = arith.addf %mul3A_1001, %mul3A_1002 : vector<16xf32>
        %sub3A_1004 = arith.subf %add3A_1003, %get3A_980 : vector<16xf32>
        %mul3A_1005 = arith.mulf %sub3A_1000, %sub3A_1000 : vector<16xf32>
        %mul3A_1006 = arith.mulf %sub3A_1004, %sub3A_1004 : vector<16xf32>
        %add3A_1007 = arith.addf %mul3A_1005, %mul3A_1006 : vector<16xf32>
        %max3A_1008 = arith.constant 1.000000e-24 : f32
        %max3A_1009 = vector.broadcast %max3A_1008 : f32 to vector<16xf32>
        %max3A_1010 = arith.maximumf %add3A_1007, %max3A_1009 : vector<16xf32>
        %bitcast_convert_type3A_1011 = tpu.bitcast %max3A_1010 : vector<16xf32> -> vector<16xi32>
        %shift_right_arithmetic3A_1012 = arith.constant 1 : i32
        %shift_right_arithmetic3A_1013 = vector.broadcast %shift_right_arithmetic3A_1012 : i32 to vector<16xi32>
        %shift_right_arithmetic3A_1014 = arith.shrsi %bitcast_convert_type3A_1011, %shift_right_arithmetic3A_1013 : vector<16xi32>
        %sub3A_1015 = arith.constant 1597463007 : i32
        %sub3A_1016 = vector.broadcast %sub3A_1015 : i32 to vector<16xi32>
        %sub3A_1017 = arith.subi %sub3A_1016, %shift_right_arithmetic3A_1014 : vector<16xi32>
        %bitcast_convert_type3A_1018 = tpu.bitcast %sub3A_1017 : vector<16xi32> -> vector<16xf32>
        %mul3A_1019 = arith.constant 5.000000e-01 : f32
        %mul3A_1020 = vector.broadcast %mul3A_1019 : f32 to vector<16xf32>
        %mul3A_1021 = arith.mulf %max3A_1010, %mul3A_1020 : vector<16xf32>
        %mul3A_1022 = arith.mulf %mul3A_1021, %bitcast_convert_type3A_1018 : vector<16xf32>
        %mul3A_1023 = arith.mulf %mul3A_1022, %bitcast_convert_type3A_1018 : vector<16xf32>
        %sub3A_1024 = arith.constant 1.500000e+00 : f32
        %sub3A_1025 = vector.broadcast %sub3A_1024 : f32 to vector<16xf32>
        %sub3A_1026 = arith.subf %sub3A_1025, %mul3A_1023 : vector<16xf32>
        %mul3A_1027 = arith.mulf %bitcast_convert_type3A_1018, %sub3A_1026 : vector<16xf32>
        %mul3A_1028 = arith.mulf %max3A_1010, %mul3A_1027 : vector<16xf32>
        %add3A_1029 = arith.addf %add3A_948, %mul3A_1028 : vector<16xf32>
        %xor3A = arith.constant 1 : i32
        %xor3A_1030 = vector.broadcast %xor3A : i32 to vector<16xi32>
        %xor3A_1031 = arith.xori %iota3A, %xor3A_1030 : vector<16xi32>
        %broadcast_in_dim3A_1032 = vector.shape_cast %xor3A_1031 : vector<16xi32> to vector<16x1xi32>
        %gather3A = vector.shape_cast %broadcast_in_dim3A_1032 : vector<16x1xi32> to vector<16xi32>
        %gather3A_1033 = tpu.dynamic_gather %add3A_1029[%gather3A] in [0] : vector<16xf32>, vector<16xi32> -> vector<16xf32>
        %add3A_1034 = arith.addf %add3A_1029, %gather3A_1033 : vector<16xf32>
        %xor3A_1035 = arith.constant 2 : i32
        %xor3A_1036 = vector.broadcast %xor3A_1035 : i32 to vector<16xi32>
        %xor3A_1037 = arith.xori %iota3A, %xor3A_1036 : vector<16xi32>
        %broadcast_in_dim3A_1038 = vector.shape_cast %xor3A_1037 : vector<16xi32> to vector<16x1xi32>
        %gather3A_1039 = vector.shape_cast %broadcast_in_dim3A_1038 : vector<16x1xi32> to vector<16xi32>
        %gather3A_1040 = tpu.dynamic_gather %add3A_1034[%gather3A_1039] in [0] : vector<16xf32>, vector<16xi32> -> vector<16xf32>
        %add3A_1041 = arith.addf %add3A_1034, %gather3A_1040 : vector<16xf32>
        %xor3A_1042 = arith.constant 4 : i32
        %xor3A_1043 = vector.broadcast %xor3A_1042 : i32 to vector<16xi32>
        %xor3A_1044 = arith.xori %iota3A, %xor3A_1043 : vector<16xi32>
        %broadcast_in_dim3A_1045 = vector.shape_cast %xor3A_1044 : vector<16xi32> to vector<16x1xi32>
        %gather3A_1046 = vector.shape_cast %broadcast_in_dim3A_1045 : vector<16x1xi32> to vector<16xi32>
        %gather3A_1047 = tpu.dynamic_gather %add3A_1041[%gather3A_1046] in [0] : vector<16xf32>, vector<16xi32> -> vector<16xf32>
        %add3A_1048 = arith.addf %add3A_1041, %gather3A_1047 : vector<16xf32>
        %xor3A_1049 = arith.constant 8 : i32
        %xor3A_1050 = vector.broadcast %xor3A_1049 : i32 to vector<16xi32>
        %xor3A_1051 = arith.xori %iota3A, %xor3A_1050 : vector<16xi32>
        %broadcast_in_dim3A_1052 = vector.shape_cast %xor3A_1051 : vector<16xi32> to vector<16x1xi32>
        %gather3A_1053 = vector.shape_cast %broadcast_in_dim3A_1052 : vector<16x1xi32> to vector<16xi32>
        %gather3A_1054 = tpu.dynamic_gather %add3A_1048[%gather3A_1053] in [0] : vector<16xf32>, vector<16xi32> -> vector<16xf32>
        %add3A_1055 = arith.addf %add3A_1048, %gather3A_1054 : vector<16xf32>
        %mul3A_1056 = arith.constant 1.00094593 : f32
        %mul3A_1057 = vector.broadcast %mul3A_1056 : f32 to vector<16xf32>
        %mul3A_1058 = arith.mulf %add3A_1055, %mul3A_1057 : vector<16xf32>
        %sub3A_1059 = arith.constant 1.200000e+01 : f32
        %sub3A_1060 = vector.broadcast %sub3A_1059 : f32 to vector<16xf32>
        %sub3A_1061 = arith.subf %sub3A_1060, %mul3A_1058 : vector<16xf32>
        %eq3A = vector.broadcast %scan3A_704 : i32 to vector<16xi32>
        %eq3A_1062 = arith.cmpi eq, %iota3A, %eq3A : vector<16xi32>
        %select_n3A = arith.select %eq3A_1062, %sub3A_1061, %scan3A_705 : vector<16xi1>, vector<16xf32>
        scf.yield %select_n3A : vector<16xf32>
      }
      %scan3A_696 = arith.constant 16 : i32
      %mul3A_697 = arith.constant 16 : i32
      %mul3A_698 = arith.muli %scan3A_689, %mul3A_697 : i32
      %add3A_699 = arith.constant 0 : i32
      %add3A_700 = arith.addi %add3A_699, %mul3A_698 : i32
      %swap3A = arith.index_cast %add3A_700 : i32 to index
      %swap3A_701 = tpu.vector_load %arg14[%swap3A] {strides = array<i32>} : memref<512xf32, #tpu.memory_space<vmem>>, vector<16xf32>,
      %swap3A_702 = vector.shape_cast %swap3A_701 : vector<16xf32> to vector<16xf32>
      %swap3A_703 = vector.shape_cast %scan3A_695 : vector<16xf32> to vector<16xf32>
      tpu.vector_store %arg14[%swap3A], %swap3A_703 {strides = array<i32>} : memref<512xf32, #tpu.memory_space<vmem>>, vector<16xf32>,
    }
    %scan3A_361 = arith.constant 2 : i32
    %dma_wait3A_362 = arith.constant 0 : i32
    %dma_wait3A_363 = arith.constant 0 : i32
    %dma_wait3A_364 = arith.constant 0 : i32
    %dma_wait3A_365 = arith.constant 0 : i32
    %dma_wait3A_366 = tpu.memref_slice %arg11[%dma_wait3A_363, %dma_wait3A_364, %dma_wait3A_365] : memref<2x128x128xf32, #tpu.memory_space<vmem>> -> memref<1x128x128xf32, #tpu.memory_space<vmem>>
    %dma_wait3A_367 = tpu.memref_squeeze %dma_wait3A_366 : memref<1x128x128xf32, #tpu.memory_space<vmem>> -> memref<128x128xf32, #tpu.memory_space<vmem>>
    %dma_wait3A_368 = arith.constant 64 : i32
    %dma_wait3A_369 = arith.constant 0 : i32
    %dma_wait3A_370 = tpu.memref_slice %dma_wait3A_367[%dma_wait3A_368, %dma_wait3A_369] : memref<128x128xf32, #tpu.memory_space<vmem>> -> memref<32x128xf32, #tpu.memory_space<vmem>>
    %dma_wait3A_371 = arith.constant 0 : i32
    %dma_wait3A_372 = tpu.memref_slice %arg8[%dma_wait3A_362, %dma_wait3A_371] : memref<4x128xi32, #tpu.memory_space<vmem>> -> memref<1x128xi32, #tpu.memory_space<vmem>>
    %dma_wait3A_373 = tpu.memref_squeeze %dma_wait3A_372 : memref<1x128xi32, #tpu.memory_space<vmem>> -> memref<128xi32, #tpu.memory_space<vmem>>
    %dma_wait3A_374 = arith.constant 64 : i32
    %dma_wait3A_375 = tpu.memref_slice %dma_wait3A_373[%dma_wait3A_374] : memref<128xi32, #tpu.memory_space<vmem>> -> memref<32xi32, #tpu.memory_space<vmem>>
    %dma_wait3A_376 = arith.constant 0 : i32
    %dma_wait3A_377 = arith.constant 0 : i32
    %dma_wait3A_378 = tpu.memref_slice %arg5[%dma_wait3A_376, %dma_wait3A_377] : memref<1000000x128xf32, #tpu.memory_space<hbm>> -> memref<1000000x128xf32, #tpu.memory_space<hbm>>
    tpu.wait_indirect_dma semaphore(%arg15 : memref<!tpu.dma_semaphore, #tpu.memory_space<semaphore_mem>>) src(%dma_wait3A_378 : memref<1000000x128xf32, #tpu.memory_space<hbm>>) dst(%dma_wait3A_370 : memref<32x128xf32, #tpu.memory_space<vmem>>)
    %dma_wait3A_379 = arith.constant 0 : i32
    %dma_wait3A_380 = arith.constant 0 : i32
    %dma_wait3A_381 = arith.constant 0 : i32
    %dma_wait3A_382 = arith.constant 0 : i32
    %dma_wait3A_383 = tpu.memref_slice %arg12[%dma_wait3A_380, %dma_wait3A_381, %dma_wait3A_382] : memref<2x128x128xf32, #tpu.memory_space<vmem>> -> memref<1x128x128xf32, #tpu.memory_space<vmem>>
    %dma_wait3A_384 = tpu.memref_squeeze %dma_wait3A_383 : memref<1x128x128xf32, #tpu.memory_space<vmem>> -> memref<128x128xf32, #tpu.memory_space<vmem>>
    %dma_wait3A_385 = arith.constant 64 : i32
    %dma_wait3A_386 = arith.constant 0 : i32
    %dma_wait3A_387 = tpu.memref_slice %dma_wait3A_384[%dma_wait3A_385, %dma_wait3A_386] : memref<128x128xf32, #tpu.memory_space<vmem>> -> memref<32x128xf32, #tpu.memory_space<vmem>>
    %dma_wait3A_388 = arith.constant 0 : i32
    %dma_wait3A_389 = tpu.memref_slice %arg9[%dma_wait3A_379, %dma_wait3A_388] : memref<4x128xi32, #tpu.memory_space<vmem>> -> memref<1x128xi32, #tpu.memory_space<vmem>>
    %dma_wait3A_390 = tpu.memref_squeeze %dma_wait3A_389 : memref<1x128xi32, #tpu.memory_space<vmem>> -> memref<128xi32, #tpu.memory_space<vmem>>
    %dma_wait3A_391 = arith.constant 64 : i32
    %dma_wait3A_392 = tpu.memref_slice %dma_wait3A_390[%dma_wait3A_391] : memref<128xi32, #tpu.memory_space<vmem>> -> memref<32xi32, #tpu.memory_space<vmem>>
    %dma_wait3A_393 = arith.constant 0 : i32
    %dma_wait3A_394 = arith.constant 0 : i32
    %dma_wait3A_395 = tpu.memref_slice %arg5[%dma_wait3A_393, %dma_wait3A_394] : memref<1000000x128xf32, #tpu.memory_space<hbm>> -> memref<1000000x128xf32, #tpu.memory_space<hbm>>
    tpu.wait_indirect_dma semaphore(%arg15 : memref<!tpu.dma_semaphore, #tpu.memory_space<semaphore_mem>>) src(%dma_wait3A_395 : memref<1000000x128xf32, #tpu.memory_space<hbm>>) dst(%dma_wait3A_387 : memref<32x128xf32, #tpu.memory_space<vmem>>)
    %dma_wait3A_396 = arith.constant 0 : i32
    %dma_wait3A_397 = arith.constant 0 : i32
    %dma_wait3A_398 = arith.constant 0 : i32
    %dma_wait3A_399 = arith.constant 0 : i32
    %dma_wait3A_400 = tpu.memref_slice %arg13[%dma_wait3A_397, %dma_wait3A_398, %dma_wait3A_399] : memref<2x128x128xf32, #tpu.memory_space<vmem>> -> memref<1x128x128xf32, #tpu.memory_space<vmem>>
    %dma_wait3A_401 = tpu.memref_squeeze %dma_wait3A_400 : memref<1x128x128xf32, #tpu.memory_space<vmem>> -> memref<128x128xf32, #tpu.memory_space<vmem>>
    %dma_wait3A_402 = arith.constant 64 : i32
    %dma_wait3A_403 = arith.constant 0 : i32
    %dma_wait3A_404 = tpu.memref_slice %dma_wait3A_401[%dma_wait3A_402, %dma_wait3A_403] : memref<128x128xf32, #tpu.memory_space<vmem>> -> memref<32x128xf32, #tpu.memory_space<vmem>>
    %dma_wait3A_405 = arith.constant 0 : i32
    %dma_wait3A_406 = tpu.memref_slice %arg10[%dma_wait3A_396, %dma_wait3A_405] : memref<4x128xi32, #tpu.memory_space<vmem>> -> memref<1x128xi32, #tpu.memory_space<vmem>>
    %dma_wait3A_407 = tpu.memref_squeeze %dma_wait3A_406 : memref<1x128xi32, #tpu.memory_space<vmem>> -> memref<128xi32, #tpu.memory_space<vmem>>
    %dma_wait3A_408 = arith.constant 64 : i32
    %dma_wait3A_409 = tpu.memref_slice %dma_wait3A_407[%dma_wait3A_408] : memref<128xi32, #tpu.memory_space<vmem>> -> memref<32xi32, #tpu.memory_space<vmem>>
    %dma_wait3A_410 = arith.constant 0 : i32
    %dma_wait3A_411 = arith.constant 0 : i32
    %dma_wait3A_412 = tpu.memref_slice %arg6[%dma_wait3A_410, %dma_wait3A_411] : memref<512x128xf32, #tpu.memory_space<hbm>> -> memref<512x128xf32, #tpu.memory_space<hbm>>
    tpu.wait_indirect_dma semaphore(%arg15 : memref<!tpu.dma_semaphore, #tpu.memory_space<semaphore_mem>>) src(%dma_wait3A_412 : memref<512x128xf32, #tpu.memory_space<hbm>>) dst(%dma_wait3A_404 : memref<32x128xf32, #tpu.memory_space<vmem>>)
    %scan3A_413 = arith.constant 0 : i32
    %scan3A_414 = arith.constant 0 : i32
    %scan3A_415 = arith.constant 0 : i32
    %scan3A_416 = arith.constant 0 : i32
    %scan3A_417 = arith.constant 4 : i32
    %scan3A_418 = arith.constant 2 : i32
    %scan3A_419 = arith.addi %scan3A_417, %scan3A_418 : i32
    %scan3A_420 = arith.constant 1 : i32
    scf.for %scan3A_689 = %scan3A_417 to %scan3A_419 step %scan3A_420  : i32 {
      %broadcast_in_dim3A = arith.constant 0.000000e+00 : f32
      %broadcast_in_dim3A_690 = vector.broadcast %broadcast_in_dim3A : f32 to vector<16xf32>
      %scan3A_691 = arith.constant 0 : i32
      %scan3A_692 = arith.constant 16 : i32
      %scan3A_693 = arith.addi %scan3A_691, %scan3A_692 : i32
      %scan3A_694 = arith.constant 1 : i32
      %scan3A_695 = scf.for %scan3A_704 = %scan3A_691 to %scan3A_693 step %scan3A_694 iter_args(%scan3A_705 = %broadcast_in_dim3A_690) -> (vector<16xf32>)  : i32 {
        %mul3A_706 = arith.constant 16 : i32
        %mul3A_707 = arith.muli %scan3A_689, %mul3A_706 : i32
        %add3A_708 = arith.addi %mul3A_707, %scan3A_704 : i32
        %broadcast_in_dim3A_709 = arith.constant 0.000000e+00 : f32
        %broadcast_in_dim3A_710 = vector.broadcast %broadcast_in_dim3A_709 : f32 to vector<16xf32>
        %get3A = arith.constant 0 : i32
        %get3A_711 = arith.constant 0 : i32
        %get3A_712 = tpu.memref_slice %arg11[%scan3A_414, %get3A, %get3A_711] : memref<2x128x128xf32, #tpu.memory_space<vmem>> -> memref<1x128x128xf32, #tpu.memory_space<vmem>>
        %get3A_713 = tpu.memref_squeeze %get3A_712 : memref<1x128x128xf32, #tpu.memory_space<vmem>> -> memref<128x128xf32, #tpu.memory_space<vmem>>
        %get3A_714 = arith.index_cast %add3A_708 : i32 to index
        %get3A_715 = arith.constant 0 : index
        %get3A_716 = tpu.vector_load %get3A_713[%get3A_714, %get3A_715] {strides = array<i32>} : memref<128x128xf32, #tpu.memory_space<vmem>>, vector<1x16xf32>,
        %get3A_717 = vector.shape_cast %get3A_716 : vector<1x16xf32> to vector<16xf32>
        %get3A_718 = arith.constant 0 : i32
        %get3A_719 = arith.constant 0 : i32
        %get3A_720 = tpu.memref_slice %arg11[%scan3A_414, %get3A_718, %get3A_719] : memref<2x128x128xf32, #tpu.memory_space<vmem>> -> memref<1x128x128xf32, #tpu.memory_space<vmem>>
        %get3A_721 = tpu.memref_squeeze %get3A_720 : memref<1x128x128xf32, #tpu.memory_space<vmem>> -> memref<128x128xf32, #tpu.memory_space<vmem>>
        %get3A_722 = arith.index_cast %add3A_708 : i32 to index
        %get3A_723 = arith.constant 64 : index
        %get3A_724 = tpu.vector_load %get3A_721[%get3A_722, %get3A_723] {strides = array<i32>} : memref<128x128xf32, #tpu.memory_space<vmem>>, vector<1x16xf32>,
        %get3A_725 = vector.shape_cast %get3A_724 : vector<1x16xf32> to vector<16xf32>
        %get3A_726 = arith.constant 0 : i32
        %get3A_727 = arith.constant 0 : i32
        %get3A_728 = tpu.memref_slice %arg12[%scan3A_415, %get3A_726, %get3A_727] : memref<2x128x128xf32, #tpu.memory_space<vmem>> -> memref<1x128x128xf32, #tpu.memory_space<vmem>>
        %get3A_729 = tpu.memref_squeeze %get3A_728 : memref<1x128x128xf32, #tpu.memory_space<vmem>> -> memref<128x128xf32, #tpu.memory_space<vmem>>
        %get3A_730 = arith.index_cast %add3A_708 : i32 to index
        %get3A_731 = arith.constant 0 : index
        %get3A_732 = tpu.vector_load %get3A_729[%get3A_730, %get3A_731] {strides = array<i32>} : memref<128x128xf32, #tpu.memory_space<vmem>>, vector<1x16xf32>,
        %get3A_733 = vector.shape_cast %get3A_732 : vector<1x16xf32> to vector<16xf32>
        %get3A_734 = arith.constant 0 : i32
        %get3A_735 = arith.constant 0 : i32
        %get3A_736 = tpu.memref_slice %arg12[%scan3A_415, %get3A_734, %get3A_735] : memref<2x128x128xf32, #tpu.memory_space<vmem>> -> memref<1x128x128xf32, #tpu.memory_space<vmem>>
        %get3A_737 = tpu.memref_squeeze %get3A_736 : memref<1x128x128xf32, #tpu.memory_space<vmem>> -> memref<128x128xf32, #tpu.memory_space<vmem>>
        %get3A_738 = arith.index_cast %add3A_708 : i32 to index
        %get3A_739 = arith.constant 64 : index
        %get3A_740 = tpu.vector_load %get3A_737[%get3A_738, %get3A_739] {strides = array<i32>} : memref<128x128xf32, #tpu.memory_space<vmem>>, vector<1x16xf32>,
        %get3A_741 = vector.shape_cast %get3A_740 : vector<1x16xf32> to vector<16xf32>
        %get3A_742 = arith.constant 0 : i32
        %get3A_743 = arith.constant 0 : i32
        %get3A_744 = tpu.memref_slice %arg13[%scan3A_416, %get3A_742, %get3A_743] : memref<2x128x128xf32, #tpu.memory_space<vmem>> -> memref<1x128x128xf32, #tpu.memory_space<vmem>>
        %get3A_745 = tpu.memref_squeeze %get3A_744 : memref<1x128x128xf32, #tpu.memory_space<vmem>> -> memref<128x128xf32, #tpu.memory_space<vmem>>
        %get3A_746 = arith.index_cast %add3A_708 : i32 to index
        %get3A_747 = arith.constant 0 : index
        %get3A_748 = tpu.vector_load %get3A_745[%get3A_746, %get3A_747] {strides = array<i32>} : memref<128x128xf32, #tpu.memory_space<vmem>>, vector<1x16xf32>,
        %get3A_749 = vector.shape_cast %get3A_748 : vector<1x16xf32> to vector<16xf32>
        %get3A_750 = arith.constant 0 : i32
        %get3A_751 = arith.constant 0 : i32
        %get3A_752 = tpu.memref_slice %arg13[%scan3A_416, %get3A_750, %get3A_751] : memref<2x128x128xf32, #tpu.memory_space<vmem>> -> memref<1x128x128xf32, #tpu.memory_space<vmem>>
        %get3A_753 = tpu.memref_squeeze %get3A_752 : memref<1x128x128xf32, #tpu.memory_space<vmem>> -> memref<128x128xf32, #tpu.memory_space<vmem>>
        %get3A_754 = arith.index_cast %add3A_708 : i32 to index
        %get3A_755 = arith.constant 64 : index
        %get3A_756 = tpu.vector_load %get3A_753[%get3A_754, %get3A_755] {strides = array<i32>} : memref<128x128xf32, #tpu.memory_space<vmem>>, vector<1x16xf32>,
        %get3A_757 = vector.shape_cast %get3A_756 : vector<1x16xf32> to vector<16xf32>
        %mul3A_758 = arith.mulf %get3A_717, %get3A_749 : vector<16xf32>
        %mul3A_759 = arith.mulf %get3A_725, %get3A_757 : vector<16xf32>
        %sub3A = arith.subf %mul3A_758, %mul3A_759 : vector<16xf32>
        %sub3A_760 = arith.subf %sub3A, %get3A_733 : vector<16xf32>
        %mul3A_761 = arith.mulf %get3A_717, %get3A_757 : vector<16xf32>
        %mul3A_762 = arith.mulf %get3A_725, %get3A_749 : vector<16xf32>
        %add3A_763 = arith.addf %mul3A_761, %mul3A_762 : vector<16xf32>
        %sub3A_764 = arith.subf %add3A_763, %get3A_741 : vector<16xf32>
        %mul3A_765 = arith.mulf %sub3A_760, %sub3A_760 : vector<16xf32>
        %mul3A_766 = arith.mulf %sub3A_764, %sub3A_764 : vector<16xf32>
        %add3A_767 = arith.addf %mul3A_765, %mul3A_766 : vector<16xf32>
        %max3A = arith.constant 1.000000e-24 : f32
        %max3A_768 = vector.broadcast %max3A : f32 to vector<16xf32>
        %max3A_769 = arith.maximumf %add3A_767, %max3A_768 : vector<16xf32>
        %bitcast_convert_type3A = tpu.bitcast %max3A_769 : vector<16xf32> -> vector<16xi32>
        %shift_right_arithmetic3A = arith.constant 1 : i32
        %shift_right_arithmetic3A_770 = vector.broadcast %shift_right_arithmetic3A : i32 to vector<16xi32>
        %shift_right_arithmetic3A_771 = arith.shrsi %bitcast_convert_type3A, %shift_right_arithmetic3A_770 : vector<16xi32>
        %sub3A_772 = arith.constant 1597463007 : i32
        %sub3A_773 = vector.broadcast %sub3A_772 : i32 to vector<16xi32>
        %sub3A_774 = arith.subi %sub3A_773, %shift_right_arithmetic3A_771 : vector<16xi32>
        %bitcast_convert_type3A_775 = tpu.bitcast %sub3A_774 : vector<16xi32> -> vector<16xf32>
        %mul3A_776 = arith.constant 5.000000e-01 : f32
        %mul3A_777 = vector.broadcast %mul3A_776 : f32 to vector<16xf32>
        %mul3A_778 = arith.mulf %max3A_769, %mul3A_777 : vector<16xf32>
        %mul3A_779 = arith.mulf %mul3A_778, %bitcast_convert_type3A_775 : vector<16xf32>
        %mul3A_780 = arith.mulf %mul3A_779, %bitcast_convert_type3A_775 : vector<16xf32>
        %sub3A_781 = arith.constant 1.500000e+00 : f32
        %sub3A_782 = vector.broadcast %sub3A_781 : f32 to vector<16xf32>
        %sub3A_783 = arith.subf %sub3A_782, %mul3A_780 : vector<16xf32>
        %mul3A_784 = arith.mulf %bitcast_convert_type3A_775, %sub3A_783 : vector<16xf32>
        %mul3A_785 = arith.mulf %max3A_769, %mul3A_784 : vector<16xf32>
        %add3A_786 = arith.addf %broadcast_in_dim3A_710, %mul3A_785 : vector<16xf32>
        %get3A_787 = arith.constant 0 : i32
        %get3A_788 = arith.constant 0 : i32
        %get3A_789 = tpu.memref_slice %arg11[%scan3A_414, %get3A_787, %get3A_788] : memref<2x128x128xf32, #tpu.memory_space<vmem>> -> memref<1x128x128xf32, #tpu.memory_space<vmem>>
        %get3A_790 = tpu.memref_squeeze %get3A_789 : memref<1x128x128xf32, #tpu.memory_space<vmem>> -> memref<128x128xf32, #tpu.memory_space<vmem>>
        %get3A_791 = arith.index_cast %add3A_708 : i32 to index
        %get3A_792 = arith.constant 16 : index
        %get3A_793 = tpu.vector_load %get3A_790[%get3A_791, %get3A_792] {strides = array<i32>} : memref<128x128xf32, #tpu.memory_space<vmem>>, vector<1x16xf32>,
        %get3A_794 = vector.shape_cast %get3A_793 : vector<1x16xf32> to vector<16xf32>
        %get3A_795 = arith.constant 0 : i32
        %get3A_796 = arith.constant 0 : i32
        %get3A_797 = tpu.memref_slice %arg11[%scan3A_414, %get3A_795, %get3A_796] : memref<2x128x128xf32, #tpu.memory_space<vmem>> -> memref<1x128x128xf32, #tpu.memory_space<vmem>>
        %get3A_798 = tpu.memref_squeeze %get3A_797 : memref<1x128x128xf32, #tpu.memory_space<vmem>> -> memref<128x128xf32, #tpu.memory_space<vmem>>
        %get3A_799 = arith.index_cast %add3A_708 : i32 to index
        %get3A_800 = arith.constant 80 : index
        %get3A_801 = tpu.vector_load %get3A_798[%get3A_799, %get3A_800] {strides = array<i32>} : memref<128x128xf32, #tpu.memory_space<vmem>>, vector<1x16xf32>,
        %get3A_802 = vector.shape_cast %get3A_801 : vector<1x16xf32> to vector<16xf32>
        %get3A_803 = arith.constant 0 : i32
        %get3A_804 = arith.constant 0 : i32
        %get3A_805 = tpu.memref_slice %arg12[%scan3A_415, %get3A_803, %get3A_804] : memref<2x128x128xf32, #tpu.memory_space<vmem>> -> memref<1x128x128xf32, #tpu.memory_space<vmem>>
        %get3A_806 = tpu.memref_squeeze %get3A_805 : memref<1x128x128xf32, #tpu.memory_space<vmem>> -> memref<128x128xf32, #tpu.memory_space<vmem>>
        %get3A_807 = arith.index_cast %add3A_708 : i32 to index
        %get3A_808 = arith.constant 16 : index
        %get3A_809 = tpu.vector_load %get3A_806[%get3A_807, %get3A_808] {strides = array<i32>} : memref<128x128xf32, #tpu.memory_space<vmem>>, vector<1x16xf32>,
        %get3A_810 = vector.shape_cast %get3A_809 : vector<1x16xf32> to vector<16xf32>
        %get3A_811 = arith.constant 0 : i32
        %get3A_812 = arith.constant 0 : i32
        %get3A_813 = tpu.memref_slice %arg12[%scan3A_415, %get3A_811, %get3A_812] : memref<2x128x128xf32, #tpu.memory_space<vmem>> -> memref<1x128x128xf32, #tpu.memory_space<vmem>>
        %get3A_814 = tpu.memref_squeeze %get3A_813 : memref<1x128x128xf32, #tpu.memory_space<vmem>> -> memref<128x128xf32, #tpu.memory_space<vmem>>
        %get3A_815 = arith.index_cast %add3A_708 : i32 to index
        %get3A_816 = arith.constant 80 : index
        %get3A_817 = tpu.vector_load %get3A_814[%get3A_815, %get3A_816] {strides = array<i32>} : memref<128x128xf32, #tpu.memory_space<vmem>>, vector<1x16xf32>,
        %get3A_818 = vector.shape_cast %get3A_817 : vector<1x16xf32> to vector<16xf32>
        %get3A_819 = arith.constant 0 : i32
        %get3A_820 = arith.constant 0 : i32
        %get3A_821 = tpu.memref_slice %arg13[%scan3A_416, %get3A_819, %get3A_820] : memref<2x128x128xf32, #tpu.memory_space<vmem>> -> memref<1x128x128xf32, #tpu.memory_space<vmem>>
        %get3A_822 = tpu.memref_squeeze %get3A_821 : memref<1x128x128xf32, #tpu.memory_space<vmem>> -> memref<128x128xf32, #tpu.memory_space<vmem>>
        %get3A_823 = arith.index_cast %add3A_708 : i32 to index
        %get3A_824 = arith.constant 16 : index
        %get3A_825 = tpu.vector_load %get3A_822[%get3A_823, %get3A_824] {strides = array<i32>} : memref<128x128xf32, #tpu.memory_space<vmem>>, vector<1x16xf32>,
        %get3A_826 = vector.shape_cast %get3A_825 : vector<1x16xf32> to vector<16xf32>
        %get3A_827 = arith.constant 0 : i32
        %get3A_828 = arith.constant 0 : i32
        %get3A_829 = tpu.memref_slice %arg13[%scan3A_416, %get3A_827, %get3A_828] : memref<2x128x128xf32, #tpu.memory_space<vmem>> -> memref<1x128x128xf32, #tpu.memory_space<vmem>>
        %get3A_830 = tpu.memref_squeeze %get3A_829 : memref<1x128x128xf32, #tpu.memory_space<vmem>> -> memref<128x128xf32, #tpu.memory_space<vmem>>
        %get3A_831 = arith.index_cast %add3A_708 : i32 to index
        %get3A_832 = arith.constant 80 : index
        %get3A_833 = tpu.vector_load %get3A_830[%get3A_831, %get3A_832] {strides = array<i32>} : memref<128x128xf32, #tpu.memory_space<vmem>>, vector<1x16xf32>,
        %get3A_834 = vector.shape_cast %get3A_833 : vector<1x16xf32> to vector<16xf32>
        %mul3A_835 = arith.mulf %get3A_794, %get3A_826 : vector<16xf32>
        %mul3A_836 = arith.mulf %get3A_802, %get3A_834 : vector<16xf32>
        %sub3A_837 = arith.subf %mul3A_835, %mul3A_836 : vector<16xf32>
        %sub3A_838 = arith.subf %sub3A_837, %get3A_810 : vector<16xf32>
        %mul3A_839 = arith.mulf %get3A_794, %get3A_834 : vector<16xf32>
        %mul3A_840 = arith.mulf %get3A_802, %get3A_826 : vector<16xf32>
        %add3A_841 = arith.addf %mul3A_839, %mul3A_840 : vector<16xf32>
        %sub3A_842 = arith.subf %add3A_841, %get3A_818 : vector<16xf32>
        %mul3A_843 = arith.mulf %sub3A_838, %sub3A_838 : vector<16xf32>
        %mul3A_844 = arith.mulf %sub3A_842, %sub3A_842 : vector<16xf32>
        %add3A_845 = arith.addf %mul3A_843, %mul3A_844 : vector<16xf32>
        %max3A_846 = arith.constant 1.000000e-24 : f32
        %max3A_847 = vector.broadcast %max3A_846 : f32 to vector<16xf32>
        %max3A_848 = arith.maximumf %add3A_845, %max3A_847 : vector<16xf32>
        %bitcast_convert_type3A_849 = tpu.bitcast %max3A_848 : vector<16xf32> -> vector<16xi32>
        %shift_right_arithmetic3A_850 = arith.constant 1 : i32
        %shift_right_arithmetic3A_851 = vector.broadcast %shift_right_arithmetic3A_850 : i32 to vector<16xi32>
        %shift_right_arithmetic3A_852 = arith.shrsi %bitcast_convert_type3A_849, %shift_right_arithmetic3A_851 : vector<16xi32>
        %sub3A_853 = arith.constant 1597463007 : i32
        %sub3A_854 = vector.broadcast %sub3A_853 : i32 to vector<16xi32>
        %sub3A_855 = arith.subi %sub3A_854, %shift_right_arithmetic3A_852 : vector<16xi32>
        %bitcast_convert_type3A_856 = tpu.bitcast %sub3A_855 : vector<16xi32> -> vector<16xf32>
        %mul3A_857 = arith.constant 5.000000e-01 : f32
        %mul3A_858 = vector.broadcast %mul3A_857 : f32 to vector<16xf32>
        %mul3A_859 = arith.mulf %max3A_848, %mul3A_858 : vector<16xf32>
        %mul3A_860 = arith.mulf %mul3A_859, %bitcast_convert_type3A_856 : vector<16xf32>
        %mul3A_861 = arith.mulf %mul3A_860, %bitcast_convert_type3A_856 : vector<16xf32>
        %sub3A_862 = arith.constant 1.500000e+00 : f32
        %sub3A_863 = vector.broadcast %sub3A_862 : f32 to vector<16xf32>
        %sub3A_864 = arith.subf %sub3A_863, %mul3A_861 : vector<16xf32>
        %mul3A_865 = arith.mulf %bitcast_convert_type3A_856, %sub3A_864 : vector<16xf32>
        %mul3A_866 = arith.mulf %max3A_848, %mul3A_865 : vector<16xf32>
        %add3A_867 = arith.addf %add3A_786, %mul3A_866 : vector<16xf32>
        %get3A_868 = arith.constant 0 : i32
        %get3A_869 = arith.constant 0 : i32
        %get3A_870 = tpu.memref_slice %arg11[%scan3A_414, %get3A_868, %get3A_869] : memref<2x128x128xf32, #tpu.memory_space<vmem>> -> memref<1x128x128xf32, #tpu.memory_space<vmem>>
        %get3A_871 = tpu.memref_squeeze %get3A_870 : memref<1x128x128xf32, #tpu.memory_space<vmem>> -> memref<128x128xf32, #tpu.memory_space<vmem>>
        %get3A_872 = arith.index_cast %add3A_708 : i32 to index
        %get3A_873 = arith.constant 32 : index
        %get3A_874 = tpu.vector_load %get3A_871[%get3A_872, %get3A_873] {strides = array<i32>} : memref<128x128xf32, #tpu.memory_space<vmem>>, vector<1x16xf32>,
        %get3A_875 = vector.shape_cast %get3A_874 : vector<1x16xf32> to vector<16xf32>
        %get3A_876 = arith.constant 0 : i32
        %get3A_877 = arith.constant 0 : i32
        %get3A_878 = tpu.memref_slice %arg11[%scan3A_414, %get3A_876, %get3A_877] : memref<2x128x128xf32, #tpu.memory_space<vmem>> -> memref<1x128x128xf32, #tpu.memory_space<vmem>>
        %get3A_879 = tpu.memref_squeeze %get3A_878 : memref<1x128x128xf32, #tpu.memory_space<vmem>> -> memref<128x128xf32, #tpu.memory_space<vmem>>
        %get3A_880 = arith.index_cast %add3A_708 : i32 to index
        %get3A_881 = arith.constant 96 : index
        %get3A_882 = tpu.vector_load %get3A_879[%get3A_880, %get3A_881] {strides = array<i32>} : memref<128x128xf32, #tpu.memory_space<vmem>>, vector<1x16xf32>,
        %get3A_883 = vector.shape_cast %get3A_882 : vector<1x16xf32> to vector<16xf32>
        %get3A_884 = arith.constant 0 : i32
        %get3A_885 = arith.constant 0 : i32
        %get3A_886 = tpu.memref_slice %arg12[%scan3A_415, %get3A_884, %get3A_885] : memref<2x128x128xf32, #tpu.memory_space<vmem>> -> memref<1x128x128xf32, #tpu.memory_space<vmem>>
        %get3A_887 = tpu.memref_squeeze %get3A_886 : memref<1x128x128xf32, #tpu.memory_space<vmem>> -> memref<128x128xf32, #tpu.memory_space<vmem>>
        %get3A_888 = arith.index_cast %add3A_708 : i32 to index
        %get3A_889 = arith.constant 32 : index
        %get3A_890 = tpu.vector_load %get3A_887[%get3A_888, %get3A_889] {strides = array<i32>} : memref<128x128xf32, #tpu.memory_space<vmem>>, vector<1x16xf32>,
        %get3A_891 = vector.shape_cast %get3A_890 : vector<1x16xf32> to vector<16xf32>
        %get3A_892 = arith.constant 0 : i32
        %get3A_893 = arith.constant 0 : i32
        %get3A_894 = tpu.memref_slice %arg12[%scan3A_415, %get3A_892, %get3A_893] : memref<2x128x128xf32, #tpu.memory_space<vmem>> -> memref<1x128x128xf32, #tpu.memory_space<vmem>>
        %get3A_895 = tpu.memref_squeeze %get3A_894 : memref<1x128x128xf32, #tpu.memory_space<vmem>> -> memref<128x128xf32, #tpu.memory_space<vmem>>
        %get3A_896 = arith.index_cast %add3A_708 : i32 to index
        %get3A_897 = arith.constant 96 : index
        %get3A_898 = tpu.vector_load %get3A_895[%get3A_896, %get3A_897] {strides = array<i32>} : memref<128x128xf32, #tpu.memory_space<vmem>>, vector<1x16xf32>,
        %get3A_899 = vector.shape_cast %get3A_898 : vector<1x16xf32> to vector<16xf32>
        %get3A_900 = arith.constant 0 : i32
        %get3A_901 = arith.constant 0 : i32
        %get3A_902 = tpu.memref_slice %arg13[%scan3A_416, %get3A_900, %get3A_901] : memref<2x128x128xf32, #tpu.memory_space<vmem>> -> memref<1x128x128xf32, #tpu.memory_space<vmem>>
        %get3A_903 = tpu.memref_squeeze %get3A_902 : memref<1x128x128xf32, #tpu.memory_space<vmem>> -> memref<128x128xf32, #tpu.memory_space<vmem>>
        %get3A_904 = arith.index_cast %add3A_708 : i32 to index
        %get3A_905 = arith.constant 32 : index
        %get3A_906 = tpu.vector_load %get3A_903[%get3A_904, %get3A_905] {strides = array<i32>} : memref<128x128xf32, #tpu.memory_space<vmem>>, vector<1x16xf32>,
        %get3A_907 = vector.shape_cast %get3A_906 : vector<1x16xf32> to vector<16xf32>
        %get3A_908 = arith.constant 0 : i32
        %get3A_909 = arith.constant 0 : i32
        %get3A_910 = tpu.memref_slice %arg13[%scan3A_416, %get3A_908, %get3A_909] : memref<2x128x128xf32, #tpu.memory_space<vmem>> -> memref<1x128x128xf32, #tpu.memory_space<vmem>>
        %get3A_911 = tpu.memref_squeeze %get3A_910 : memref<1x128x128xf32, #tpu.memory_space<vmem>> -> memref<128x128xf32, #tpu.memory_space<vmem>>
        %get3A_912 = arith.index_cast %add3A_708 : i32 to index
        %get3A_913 = arith.constant 96 : index
        %get3A_914 = tpu.vector_load %get3A_911[%get3A_912, %get3A_913] {strides = array<i32>} : memref<128x128xf32, #tpu.memory_space<vmem>>, vector<1x16xf32>,
        %get3A_915 = vector.shape_cast %get3A_914 : vector<1x16xf32> to vector<16xf32>
        %mul3A_916 = arith.mulf %get3A_875, %get3A_907 : vector<16xf32>
        %mul3A_917 = arith.mulf %get3A_883, %get3A_915 : vector<16xf32>
        %sub3A_918 = arith.subf %mul3A_916, %mul3A_917 : vector<16xf32>
        %sub3A_919 = arith.subf %sub3A_918, %get3A_891 : vector<16xf32>
        %mul3A_920 = arith.mulf %get3A_875, %get3A_915 : vector<16xf32>
        %mul3A_921 = arith.mulf %get3A_883, %get3A_907 : vector<16xf32>
        %add3A_922 = arith.addf %mul3A_920, %mul3A_921 : vector<16xf32>
        %sub3A_923 = arith.subf %add3A_922, %get3A_899 : vector<16xf32>
        %mul3A_924 = arith.mulf %sub3A_919, %sub3A_919 : vector<16xf32>
        %mul3A_925 = arith.mulf %sub3A_923, %sub3A_923 : vector<16xf32>
        %add3A_926 = arith.addf %mul3A_924, %mul3A_925 : vector<16xf32>
        %max3A_927 = arith.constant 1.000000e-24 : f32
        %max3A_928 = vector.broadcast %max3A_927 : f32 to vector<16xf32>
        %max3A_929 = arith.maximumf %add3A_926, %max3A_928 : vector<16xf32>
        %bitcast_convert_type3A_930 = tpu.bitcast %max3A_929 : vector<16xf32> -> vector<16xi32>
        %shift_right_arithmetic3A_931 = arith.constant 1 : i32
        %shift_right_arithmetic3A_932 = vector.broadcast %shift_right_arithmetic3A_931 : i32 to vector<16xi32>
        %shift_right_arithmetic3A_933 = arith.shrsi %bitcast_convert_type3A_930, %shift_right_arithmetic3A_932 : vector<16xi32>
        %sub3A_934 = arith.constant 1597463007 : i32
        %sub3A_935 = vector.broadcast %sub3A_934 : i32 to vector<16xi32>
        %sub3A_936 = arith.subi %sub3A_935, %shift_right_arithmetic3A_933 : vector<16xi32>
        %bitcast_convert_type3A_937 = tpu.bitcast %sub3A_936 : vector<16xi32> -> vector<16xf32>
        %mul3A_938 = arith.constant 5.000000e-01 : f32
        %mul3A_939 = vector.broadcast %mul3A_938 : f32 to vector<16xf32>
        %mul3A_940 = arith.mulf %max3A_929, %mul3A_939 : vector<16xf32>
        %mul3A_941 = arith.mulf %mul3A_940, %bitcast_convert_type3A_937 : vector<16xf32>
        %mul3A_942 = arith.mulf %mul3A_941, %bitcast_convert_type3A_937 : vector<16xf32>
        %sub3A_943 = arith.constant 1.500000e+00 : f32
        %sub3A_944 = vector.broadcast %sub3A_943 : f32 to vector<16xf32>
        %sub3A_945 = arith.subf %sub3A_944, %mul3A_942 : vector<16xf32>
        %mul3A_946 = arith.mulf %bitcast_convert_type3A_937, %sub3A_945 : vector<16xf32>
        %mul3A_947 = arith.mulf %max3A_929, %mul3A_946 : vector<16xf32>
        %add3A_948 = arith.addf %add3A_867, %mul3A_947 : vector<16xf32>
        %get3A_949 = arith.constant 0 : i32
        %get3A_950 = arith.constant 0 : i32
        %get3A_951 = tpu.memref_slice %arg11[%scan3A_414, %get3A_949, %get3A_950] : memref<2x128x128xf32, #tpu.memory_space<vmem>> -> memref<1x128x128xf32, #tpu.memory_space<vmem>>
        %get3A_952 = tpu.memref_squeeze %get3A_951 : memref<1x128x128xf32, #tpu.memory_space<vmem>> -> memref<128x128xf32, #tpu.memory_space<vmem>>
        %get3A_953 = arith.index_cast %add3A_708 : i32 to index
        %get3A_954 = arith.constant 48 : index
        %get3A_955 = tpu.vector_load %get3A_952[%get3A_953, %get3A_954] {strides = array<i32>} : memref<128x128xf32, #tpu.memory_space<vmem>>, vector<1x16xf32>,
        %get3A_956 = vector.shape_cast %get3A_955 : vector<1x16xf32> to vector<16xf32>
        %get3A_957 = arith.constant 0 : i32
        %get3A_958 = arith.constant 0 : i32
        %get3A_959 = tpu.memref_slice %arg11[%scan3A_414, %get3A_957, %get3A_958] : memref<2x128x128xf32, #tpu.memory_space<vmem>> -> memref<1x128x128xf32, #tpu.memory_space<vmem>>
        %get3A_960 = tpu.memref_squeeze %get3A_959 : memref<1x128x128xf32, #tpu.memory_space<vmem>> -> memref<128x128xf32, #tpu.memory_space<vmem>>
        %get3A_961 = arith.index_cast %add3A_708 : i32 to index
        %get3A_962 = arith.constant 112 : index
        %get3A_963 = tpu.vector_load %get3A_960[%get3A_961, %get3A_962] {strides = array<i32>} : memref<128x128xf32, #tpu.memory_space<vmem>>, vector<1x16xf32>,
        %get3A_964 = vector.shape_cast %get3A_963 : vector<1x16xf32> to vector<16xf32>
        %get3A_965 = arith.constant 0 : i32
        %get3A_966 = arith.constant 0 : i32
        %get3A_967 = tpu.memref_slice %arg12[%scan3A_415, %get3A_965, %get3A_966] : memref<2x128x128xf32, #tpu.memory_space<vmem>> -> memref<1x128x128xf32, #tpu.memory_space<vmem>>
        %get3A_968 = tpu.memref_squeeze %get3A_967 : memref<1x128x128xf32, #tpu.memory_space<vmem>> -> memref<128x128xf32, #tpu.memory_space<vmem>>
        %get3A_969 = arith.index_cast %add3A_708 : i32 to index
        %get3A_970 = arith.constant 48 : index
        %get3A_971 = tpu.vector_load %get3A_968[%get3A_969, %get3A_970] {strides = array<i32>} : memref<128x128xf32, #tpu.memory_space<vmem>>, vector<1x16xf32>,
        %get3A_972 = vector.shape_cast %get3A_971 : vector<1x16xf32> to vector<16xf32>
        %get3A_973 = arith.constant 0 : i32
        %get3A_974 = arith.constant 0 : i32
        %get3A_975 = tpu.memref_slice %arg12[%scan3A_415, %get3A_973, %get3A_974] : memref<2x128x128xf32, #tpu.memory_space<vmem>> -> memref<1x128x128xf32, #tpu.memory_space<vmem>>
        %get3A_976 = tpu.memref_squeeze %get3A_975 : memref<1x128x128xf32, #tpu.memory_space<vmem>> -> memref<128x128xf32, #tpu.memory_space<vmem>>
        %get3A_977 = arith.index_cast %add3A_708 : i32 to index
        %get3A_978 = arith.constant 112 : index
        %get3A_979 = tpu.vector_load %get3A_976[%get3A_977, %get3A_978] {strides = array<i32>} : memref<128x128xf32, #tpu.memory_space<vmem>>, vector<1x16xf32>,
        %get3A_980 = vector.shape_cast %get3A_979 : vector<1x16xf32> to vector<16xf32>
        %get3A_981 = arith.constant 0 : i32
        %get3A_982 = arith.constant 0 : i32
        %get3A_983 = tpu.memref_slice %arg13[%scan3A_416, %get3A_981, %get3A_982] : memref<2x128x128xf32, #tpu.memory_space<vmem>> -> memref<1x128x128xf32, #tpu.memory_space<vmem>>
        %get3A_984 = tpu.memref_squeeze %get3A_983 : memref<1x128x128xf32, #tpu.memory_space<vmem>> -> memref<128x128xf32, #tpu.memory_space<vmem>>
        %get3A_985 = arith.index_cast %add3A_708 : i32 to index
        %get3A_986 = arith.constant 48 : index
        %get3A_987 = tpu.vector_load %get3A_984[%get3A_985, %get3A_986] {strides = array<i32>} : memref<128x128xf32, #tpu.memory_space<vmem>>, vector<1x16xf32>,
        %get3A_988 = vector.shape_cast %get3A_987 : vector<1x16xf32> to vector<16xf32>
        %get3A_989 = arith.constant 0 : i32
        %get3A_990 = arith.constant 0 : i32
        %get3A_991 = tpu.memref_slice %arg13[%scan3A_416, %get3A_989, %get3A_990] : memref<2x128x128xf32, #tpu.memory_space<vmem>> -> memref<1x128x128xf32, #tpu.memory_space<vmem>>
        %get3A_992 = tpu.memref_squeeze %get3A_991 : memref<1x128x128xf32, #tpu.memory_space<vmem>> -> memref<128x128xf32, #tpu.memory_space<vmem>>
        %get3A_993 = arith.index_cast %add3A_708 : i32 to index
        %get3A_994 = arith.constant 112 : index
        %get3A_995 = tpu.vector_load %get3A_992[%get3A_993, %get3A_994] {strides = array<i32>} : memref<128x128xf32, #tpu.memory_space<vmem>>, vector<1x16xf32>,
        %get3A_996 = vector.shape_cast %get3A_995 : vector<1x16xf32> to vector<16xf32>
        %mul3A_997 = arith.mulf %get3A_956, %get3A_988 : vector<16xf32>
        %mul3A_998 = arith.mulf %get3A_964, %get3A_996 : vector<16xf32>
        %sub3A_999 = arith.subf %mul3A_997, %mul3A_998 : vector<16xf32>
        %sub3A_1000 = arith.subf %sub3A_999, %get3A_972 : vector<16xf32>
        %mul3A_1001 = arith.mulf %get3A_956, %get3A_996 : vector<16xf32>
        %mul3A_1002 = arith.mulf %get3A_964, %get3A_988 : vector<16xf32>
        %add3A_1003 = arith.addf %mul3A_1001, %mul3A_1002 : vector<16xf32>
        %sub3A_1004 = arith.subf %add3A_1003, %get3A_980 : vector<16xf32>
        %mul3A_1005 = arith.mulf %sub3A_1000, %sub3A_1000 : vector<16xf32>
        %mul3A_1006 = arith.mulf %sub3A_1004, %sub3A_1004 : vector<16xf32>
        %add3A_1007 = arith.addf %mul3A_1005, %mul3A_1006 : vector<16xf32>
        %max3A_1008 = arith.constant 1.000000e-24 : f32
        %max3A_1009 = vector.broadcast %max3A_1008 : f32 to vector<16xf32>
        %max3A_1010 = arith.maximumf %add3A_1007, %max3A_1009 : vector<16xf32>
        %bitcast_convert_type3A_1011 = tpu.bitcast %max3A_1010 : vector<16xf32> -> vector<16xi32>
        %shift_right_arithmetic3A_1012 = arith.constant 1 : i32
        %shift_right_arithmetic3A_1013 = vector.broadcast %shift_right_arithmetic3A_1012 : i32 to vector<16xi32>
        %shift_right_arithmetic3A_1014 = arith.shrsi %bitcast_convert_type3A_1011, %shift_right_arithmetic3A_1013 : vector<16xi32>
        %sub3A_1015 = arith.constant 1597463007 : i32
        %sub3A_1016 = vector.broadcast %sub3A_1015 : i32 to vector<16xi32>
        %sub3A_1017 = arith.subi %sub3A_1016, %shift_right_arithmetic3A_1014 : vector<16xi32>
        %bitcast_convert_type3A_1018 = tpu.bitcast %sub3A_1017 : vector<16xi32> -> vector<16xf32>
        %mul3A_1019 = arith.constant 5.000000e-01 : f32
        %mul3A_1020 = vector.broadcast %mul3A_1019 : f32 to vector<16xf32>
        %mul3A_1021 = arith.mulf %max3A_1010, %mul3A_1020 : vector<16xf32>
        %mul3A_1022 = arith.mulf %mul3A_1021, %bitcast_convert_type3A_1018 : vector<16xf32>
        %mul3A_1023 = arith.mulf %mul3A_1022, %bitcast_convert_type3A_1018 : vector<16xf32>
        %sub3A_1024 = arith.constant 1.500000e+00 : f32
        %sub3A_1025 = vector.broadcast %sub3A_1024 : f32 to vector<16xf32>
        %sub3A_1026 = arith.subf %sub3A_1025, %mul3A_1023 : vector<16xf32>
        %mul3A_1027 = arith.mulf %bitcast_convert_type3A_1018, %sub3A_1026 : vector<16xf32>
        %mul3A_1028 = arith.mulf %max3A_1010, %mul3A_1027 : vector<16xf32>
        %add3A_1029 = arith.addf %add3A_948, %mul3A_1028 : vector<16xf32>
        %xor3A = arith.constant 1 : i32
        %xor3A_1030 = vector.broadcast %xor3A : i32 to vector<16xi32>
        %xor3A_1031 = arith.xori %iota3A, %xor3A_1030 : vector<16xi32>
        %broadcast_in_dim3A_1032 = vector.shape_cast %xor3A_1031 : vector<16xi32> to vector<16x1xi32>
        %gather3A = vector.shape_cast %broadcast_in_dim3A_1032 : vector<16x1xi32> to vector<16xi32>
        %gather3A_1033 = tpu.dynamic_gather %add3A_1029[%gather3A] in [0] : vector<16xf32>, vector<16xi32> -> vector<16xf32>
        %add3A_1034 = arith.addf %add3A_1029, %gather3A_1033 : vector<16xf32>
        %xor3A_1035 = arith.constant 2 : i32
        %xor3A_1036 = vector.broadcast %xor3A_1035 : i32 to vector<16xi32>
        %xor3A_1037 = arith.xori %iota3A, %xor3A_1036 : vector<16xi32>
        %broadcast_in_dim3A_1038 = vector.shape_cast %xor3A_1037 : vector<16xi32> to vector<16x1xi32>
        %gather3A_1039 = vector.shape_cast %broadcast_in_dim3A_1038 : vector<16x1xi32> to vector<16xi32>
        %gather3A_1040 = tpu.dynamic_gather %add3A_1034[%gather3A_1039] in [0] : vector<16xf32>, vector<16xi32> -> vector<16xf32>
        %add3A_1041 = arith.addf %add3A_1034, %gather3A_1040 : vector<16xf32>
        %xor3A_1042 = arith.constant 4 : i32
        %xor3A_1043 = vector.broadcast %xor3A_1042 : i32 to vector<16xi32>
        %xor3A_1044 = arith.xori %iota3A, %xor3A_1043 : vector<16xi32>
        %broadcast_in_dim3A_1045 = vector.shape_cast %xor3A_1044 : vector<16xi32> to vector<16x1xi32>
        %gather3A_1046 = vector.shape_cast %broadcast_in_dim3A_1045 : vector<16x1xi32> to vector<16xi32>
        %gather3A_1047 = tpu.dynamic_gather %add3A_1041[%gather3A_1046] in [0] : vector<16xf32>, vector<16xi32> -> vector<16xf32>
        %add3A_1048 = arith.addf %add3A_1041, %gather3A_1047 : vector<16xf32>
        %xor3A_1049 = arith.constant 8 : i32
        %xor3A_1050 = vector.broadcast %xor3A_1049 : i32 to vector<16xi32>
        %xor3A_1051 = arith.xori %iota3A, %xor3A_1050 : vector<16xi32>
        %broadcast_in_dim3A_1052 = vector.shape_cast %xor3A_1051 : vector<16xi32> to vector<16x1xi32>
        %gather3A_1053 = vector.shape_cast %broadcast_in_dim3A_1052 : vector<16x1xi32> to vector<16xi32>
        %gather3A_1054 = tpu.dynamic_gather %add3A_1048[%gather3A_1053] in [0] : vector<16xf32>, vector<16xi32> -> vector<16xf32>
        %add3A_1055 = arith.addf %add3A_1048, %gather3A_1054 : vector<16xf32>
        %mul3A_1056 = arith.constant 1.00094593 : f32
        %mul3A_1057 = vector.broadcast %mul3A_1056 : f32 to vector<16xf32>
        %mul3A_1058 = arith.mulf %add3A_1055, %mul3A_1057 : vector<16xf32>
        %sub3A_1059 = arith.constant 1.200000e+01 : f32
        %sub3A_1060 = vector.broadcast %sub3A_1059 : f32 to vector<16xf32>
        %sub3A_1061 = arith.subf %sub3A_1060, %mul3A_1058 : vector<16xf32>
        %eq3A = vector.broadcast %scan3A_704 : i32 to vector<16xi32>
        %eq3A_1062 = arith.cmpi eq, %iota3A, %eq3A : vector<16xi32>
        %select_n3A = arith.select %eq3A_1062, %sub3A_1061, %scan3A_705 : vector<16xi1>, vector<16xf32>
        scf.yield %select_n3A : vector<16xf32>
      }
      %scan3A_696 = arith.constant 16 : i32
      %mul3A_697 = arith.constant 16 : i32
      %mul3A_698 = arith.muli %scan3A_689, %mul3A_697 : i32
      %add3A_699 = arith.constant 0 : i32
      %add3A_700 = arith.addi %add3A_699, %mul3A_698 : i32
      %swap3A = arith.index_cast %add3A_700 : i32 to index
      %swap3A_701 = tpu.vector_load %arg14[%swap3A] {strides = array<i32>} : memref<512xf32, #tpu.memory_space<vmem>>, vector<16xf32>,
      %swap3A_702 = vector.shape_cast %swap3A_701 : vector<16xf32> to vector<16xf32>
      %swap3A_703 = vector.shape_cast %scan3A_695 : vector<16xf32> to vector<16xf32>
      tpu.vector_store %arg14[%swap3A], %swap3A_703 {strides = array<i32>} : memref<512xf32, #tpu.memory_space<vmem>>, vector<16xf32>,
    }
    %scan3A_421 = arith.constant 2 : i32
    %dma_wait3A_422 = arith.constant 0 : i32
    %dma_wait3A_423 = arith.constant 0 : i32
    %dma_wait3A_424 = arith.constant 0 : i32
    %dma_wait3A_425 = arith.constant 0 : i32
    %dma_wait3A_426 = tpu.memref_slice %arg11[%dma_wait3A_423, %dma_wait3A_424, %dma_wait3A_425] : memref<2x128x128xf32, #tpu.memory_space<vmem>> -> memref<1x128x128xf32, #tpu.memory_space<vmem>>
    %dma_wait3A_427 = tpu.memref_squeeze %dma_wait3A_426 : memref<1x128x128xf32, #tpu.memory_space<vmem>> -> memref<128x128xf32, #tpu.memory_space<vmem>>
    %dma_wait3A_428 = arith.constant 96 : i32
    %dma_wait3A_429 = arith.constant 0 : i32
    %dma_wait3A_430 = tpu.memref_slice %dma_wait3A_427[%dma_wait3A_428, %dma_wait3A_429] : memref<128x128xf32, #tpu.memory_space<vmem>> -> memref<32x128xf32, #tpu.memory_space<vmem>>
    %dma_wait3A_431 = arith.constant 0 : i32
    %dma_wait3A_432 = tpu.memref_slice %arg8[%dma_wait3A_422, %dma_wait3A_431] : memref<4x128xi32, #tpu.memory_space<vmem>> -> memref<1x128xi32, #tpu.memory_space<vmem>>
    %dma_wait3A_433 = tpu.memref_squeeze %dma_wait3A_432 : memref<1x128xi32, #tpu.memory_space<vmem>> -> memref<128xi32, #tpu.memory_space<vmem>>
    %dma_wait3A_434 = arith.constant 96 : i32
    %dma_wait3A_435 = tpu.memref_slice %dma_wait3A_433[%dma_wait3A_434] : memref<128xi32, #tpu.memory_space<vmem>> -> memref<32xi32, #tpu.memory_space<vmem>>
    %dma_wait3A_436 = arith.constant 0 : i32
    %dma_wait3A_437 = arith.constant 0 : i32
    %dma_wait3A_438 = tpu.memref_slice %arg5[%dma_wait3A_436, %dma_wait3A_437] : memref<1000000x128xf32, #tpu.memory_space<hbm>> -> memref<1000000x128xf32, #tpu.memory_space<hbm>>
    tpu.wait_indirect_dma semaphore(%arg15 : memref<!tpu.dma_semaphore, #tpu.memory_space<semaphore_mem>>) src(%dma_wait3A_438 : memref<1000000x128xf32, #tpu.memory_space<hbm>>) dst(%dma_wait3A_430 : memref<32x128xf32, #tpu.memory_space<vmem>>)
    %dma_wait3A_439 = arith.constant 0 : i32
    %dma_wait3A_440 = arith.constant 0 : i32
    %dma_wait3A_441 = arith.constant 0 : i32
    %dma_wait3A_442 = arith.constant 0 : i32
    %dma_wait3A_443 = tpu.memref_slice %arg12[%dma_wait3A_440, %dma_wait3A_441, %dma_wait3A_442] : memref<2x128x128xf32, #tpu.memory_space<vmem>> -> memref<1x128x128xf32, #tpu.memory_space<vmem>>
    %dma_wait3A_444 = tpu.memref_squeeze %dma_wait3A_443 : memref<1x128x128xf32, #tpu.memory_space<vmem>> -> memref<128x128xf32, #tpu.memory_space<vmem>>
    %dma_wait3A_445 = arith.constant 96 : i32
    %dma_wait3A_446 = arith.constant 0 : i32
    %dma_wait3A_447 = tpu.memref_slice %dma_wait3A_444[%dma_wait3A_445, %dma_wait3A_446] : memref<128x128xf32, #tpu.memory_space<vmem>> -> memref<32x128xf32, #tpu.memory_space<vmem>>
    %dma_wait3A_448 = arith.constant 0 : i32
    %dma_wait3A_449 = tpu.memref_slice %arg9[%dma_wait3A_439, %dma_wait3A_448] : memref<4x128xi32, #tpu.memory_space<vmem>> -> memref<1x128xi32, #tpu.memory_space<vmem>>
    %dma_wait3A_450 = tpu.memref_squeeze %dma_wait3A_449 : memref<1x128xi32, #tpu.memory_space<vmem>> -> memref<128xi32, #tpu.memory_space<vmem>>
    %dma_wait3A_451 = arith.constant 96 : i32
    %dma_wait3A_452 = tpu.memref_slice %dma_wait3A_450[%dma_wait3A_451] : memref<128xi32, #tpu.memory_space<vmem>> -> memref<32xi32, #tpu.memory_space<vmem>>
    %dma_wait3A_453 = arith.constant 0 : i32
    %dma_wait3A_454 = arith.constant 0 : i32
    %dma_wait3A_455 = tpu.memref_slice %arg5[%dma_wait3A_453, %dma_wait3A_454] : memref<1000000x128xf32, #tpu.memory_space<hbm>> -> memref<1000000x128xf32, #tpu.memory_space<hbm>>
    tpu.wait_indirect_dma semaphore(%arg15 : memref<!tpu.dma_semaphore, #tpu.memory_space<semaphore_mem>>) src(%dma_wait3A_455 : memref<1000000x128xf32, #tpu.memory_space<hbm>>) dst(%dma_wait3A_447 : memref<32x128xf32, #tpu.memory_space<vmem>>)
    %dma_wait3A_456 = arith.constant 0 : i32
    %dma_wait3A_457 = arith.constant 0 : i32
    %dma_wait3A_458 = arith.constant 0 : i32
    %dma_wait3A_459 = arith.constant 0 : i32
    %dma_wait3A_460 = tpu.memref_slice %arg13[%dma_wait3A_457, %dma_wait3A_458, %dma_wait3A_459] : memref<2x128x128xf32, #tpu.memory_space<vmem>> -> memref<1x128x128xf32, #tpu.memory_space<vmem>>
    %dma_wait3A_461 = tpu.memref_squeeze %dma_wait3A_460 : memref<1x128x128xf32, #tpu.memory_space<vmem>> -> memref<128x128xf32, #tpu.memory_space<vmem>>
    %dma_wait3A_462 = arith.constant 96 : i32
    %dma_wait3A_463 = arith.constant 0 : i32
    %dma_wait3A_464 = tpu.memref_slice %dma_wait3A_461[%dma_wait3A_462, %dma_wait3A_463] : memref<128x128xf32, #tpu.memory_space<vmem>> -> memref<32x128xf32, #tpu.memory_space<vmem>>
    %dma_wait3A_465 = arith.constant 0 : i32
    %dma_wait3A_466 = tpu.memref_slice %arg10[%dma_wait3A_456, %dma_wait3A_465] : memref<4x128xi32, #tpu.memory_space<vmem>> -> memref<1x128xi32, #tpu.memory_space<vmem>>
    %dma_wait3A_467 = tpu.memref_squeeze %dma_wait3A_466 : memref<1x128xi32, #tpu.memory_space<vmem>> -> memref<128xi32, #tpu.memory_space<vmem>>
    %dma_wait3A_468 = arith.constant 96 : i32
    %dma_wait3A_469 = tpu.memref_slice %dma_wait3A_467[%dma_wait3A_468] : memref<128xi32, #tpu.memory_space<vmem>> -> memref<32xi32, #tpu.memory_space<vmem>>
    %dma_wait3A_470 = arith.constant 0 : i32
    %dma_wait3A_471 = arith.constant 0 : i32
    %dma_wait3A_472 = tpu.memref_slice %arg6[%dma_wait3A_470, %dma_wait3A_471] : memref<512x128xf32, #tpu.memory_space<hbm>> -> memref<512x128xf32, #tpu.memory_space<hbm>>
    tpu.wait_indirect_dma semaphore(%arg15 : memref<!tpu.dma_semaphore, #tpu.memory_space<semaphore_mem>>) src(%dma_wait3A_472 : memref<512x128xf32, #tpu.memory_space<hbm>>) dst(%dma_wait3A_464 : memref<32x128xf32, #tpu.memory_space<vmem>>)
    %scan3A_473 = arith.constant 0 : i32
    %scan3A_474 = arith.constant 0 : i32
    %scan3A_475 = arith.constant 0 : i32
    %scan3A_476 = arith.constant 0 : i32
    %scan3A_477 = arith.constant 6 : i32
    %scan3A_478 = arith.constant 2 : i32
    %scan3A_479 = arith.addi %scan3A_477, %scan3A_478 : i32
    %scan3A_480 = arith.constant 1 : i32
    scf.for %scan3A_689 = %scan3A_477 to %scan3A_479 step %scan3A_480  : i32 {
      %broadcast_in_dim3A = arith.constant 0.000000e+00 : f32
      %broadcast_in_dim3A_690 = vector.broadcast %broadcast_in_dim3A : f32 to vector<16xf32>
      %scan3A_691 = arith.constant 0 : i32
      %scan3A_692 = arith.constant 16 : i32
      %scan3A_693 = arith.addi %scan3A_691, %scan3A_692 : i32
      %scan3A_694 = arith.constant 1 : i32
      %scan3A_695 = scf.for %scan3A_704 = %scan3A_691 to %scan3A_693 step %scan3A_694 iter_args(%scan3A_705 = %broadcast_in_dim3A_690) -> (vector<16xf32>)  : i32 {
        %mul3A_706 = arith.constant 16 : i32
        %mul3A_707 = arith.muli %scan3A_689, %mul3A_706 : i32
        %add3A_708 = arith.addi %mul3A_707, %scan3A_704 : i32
        %broadcast_in_dim3A_709 = arith.constant 0.000000e+00 : f32
        %broadcast_in_dim3A_710 = vector.broadcast %broadcast_in_dim3A_709 : f32 to vector<16xf32>
        %get3A = arith.constant 0 : i32
        %get3A_711 = arith.constant 0 : i32
        %get3A_712 = tpu.memref_slice %arg11[%scan3A_474, %get3A, %get3A_711] : memref<2x128x128xf32, #tpu.memory_space<vmem>> -> memref<1x128x128xf32, #tpu.memory_space<vmem>>
        %get3A_713 = tpu.memref_squeeze %get3A_712 : memref<1x128x128xf32, #tpu.memory_space<vmem>> -> memref<128x128xf32, #tpu.memory_space<vmem>>
        %get3A_714 = arith.index_cast %add3A_708 : i32 to index
        %get3A_715 = arith.constant 0 : index
        %get3A_716 = tpu.vector_load %get3A_713[%get3A_714, %get3A_715] {strides = array<i32>} : memref<128x128xf32, #tpu.memory_space<vmem>>, vector<1x16xf32>,
        %get3A_717 = vector.shape_cast %get3A_716 : vector<1x16xf32> to vector<16xf32>
        %get3A_718 = arith.constant 0 : i32
        %get3A_719 = arith.constant 0 : i32
        %get3A_720 = tpu.memref_slice %arg11[%scan3A_474, %get3A_718, %get3A_719] : memref<2x128x128xf32, #tpu.memory_space<vmem>> -> memref<1x128x128xf32, #tpu.memory_space<vmem>>
        %get3A_721 = tpu.memref_squeeze %get3A_720 : memref<1x128x128xf32, #tpu.memory_space<vmem>> -> memref<128x128xf32, #tpu.memory_space<vmem>>
        %get3A_722 = arith.index_cast %add3A_708 : i32 to index
        %get3A_723 = arith.constant 64 : index
        %get3A_724 = tpu.vector_load %get3A_721[%get3A_722, %get3A_723] {strides = array<i32>} : memref<128x128xf32, #tpu.memory_space<vmem>>, vector<1x16xf32>,
        %get3A_725 = vector.shape_cast %get3A_724 : vector<1x16xf32> to vector<16xf32>
        %get3A_726 = arith.constant 0 : i32
        %get3A_727 = arith.constant 0 : i32
        %get3A_728 = tpu.memref_slice %arg12[%scan3A_475, %get3A_726, %get3A_727] : memref<2x128x128xf32, #tpu.memory_space<vmem>> -> memref<1x128x128xf32, #tpu.memory_space<vmem>>
        %get3A_729 = tpu.memref_squeeze %get3A_728 : memref<1x128x128xf32, #tpu.memory_space<vmem>> -> memref<128x128xf32, #tpu.memory_space<vmem>>
        %get3A_730 = arith.index_cast %add3A_708 : i32 to index
        %get3A_731 = arith.constant 0 : index
        %get3A_732 = tpu.vector_load %get3A_729[%get3A_730, %get3A_731] {strides = array<i32>} : memref<128x128xf32, #tpu.memory_space<vmem>>, vector<1x16xf32>,
        %get3A_733 = vector.shape_cast %get3A_732 : vector<1x16xf32> to vector<16xf32>
        %get3A_734 = arith.constant 0 : i32
        %get3A_735 = arith.constant 0 : i32
        %get3A_736 = tpu.memref_slice %arg12[%scan3A_475, %get3A_734, %get3A_735] : memref<2x128x128xf32, #tpu.memory_space<vmem>> -> memref<1x128x128xf32, #tpu.memory_space<vmem>>
        %get3A_737 = tpu.memref_squeeze %get3A_736 : memref<1x128x128xf32, #tpu.memory_space<vmem>> -> memref<128x128xf32, #tpu.memory_space<vmem>>
        %get3A_738 = arith.index_cast %add3A_708 : i32 to index
        %get3A_739 = arith.constant 64 : index
        %get3A_740 = tpu.vector_load %get3A_737[%get3A_738, %get3A_739] {strides = array<i32>} : memref<128x128xf32, #tpu.memory_space<vmem>>, vector<1x16xf32>,
        %get3A_741 = vector.shape_cast %get3A_740 : vector<1x16xf32> to vector<16xf32>
        %get3A_742 = arith.constant 0 : i32
        %get3A_743 = arith.constant 0 : i32
        %get3A_744 = tpu.memref_slice %arg13[%scan3A_476, %get3A_742, %get3A_743] : memref<2x128x128xf32, #tpu.memory_space<vmem>> -> memref<1x128x128xf32, #tpu.memory_space<vmem>>
        %get3A_745 = tpu.memref_squeeze %get3A_744 : memref<1x128x128xf32, #tpu.memory_space<vmem>> -> memref<128x128xf32, #tpu.memory_space<vmem>>
        %get3A_746 = arith.index_cast %add3A_708 : i32 to index
        %get3A_747 = arith.constant 0 : index
        %get3A_748 = tpu.vector_load %get3A_745[%get3A_746, %get3A_747] {strides = array<i32>} : memref<128x128xf32, #tpu.memory_space<vmem>>, vector<1x16xf32>,
        %get3A_749 = vector.shape_cast %get3A_748 : vector<1x16xf32> to vector<16xf32>
        %get3A_750 = arith.constant 0 : i32
        %get3A_751 = arith.constant 0 : i32
        %get3A_752 = tpu.memref_slice %arg13[%scan3A_476, %get3A_750, %get3A_751] : memref<2x128x128xf32, #tpu.memory_space<vmem>> -> memref<1x128x128xf32, #tpu.memory_space<vmem>>
        %get3A_753 = tpu.memref_squeeze %get3A_752 : memref<1x128x128xf32, #tpu.memory_space<vmem>> -> memref<128x128xf32, #tpu.memory_space<vmem>>
        %get3A_754 = arith.index_cast %add3A_708 : i32 to index
        %get3A_755 = arith.constant 64 : index
        %get3A_756 = tpu.vector_load %get3A_753[%get3A_754, %get3A_755] {strides = array<i32>} : memref<128x128xf32, #tpu.memory_space<vmem>>, vector<1x16xf32>,
        %get3A_757 = vector.shape_cast %get3A_756 : vector<1x16xf32> to vector<16xf32>
        %mul3A_758 = arith.mulf %get3A_717, %get3A_749 : vector<16xf32>
        %mul3A_759 = arith.mulf %get3A_725, %get3A_757 : vector<16xf32>
        %sub3A = arith.subf %mul3A_758, %mul3A_759 : vector<16xf32>
        %sub3A_760 = arith.subf %sub3A, %get3A_733 : vector<16xf32>
        %mul3A_761 = arith.mulf %get3A_717, %get3A_757 : vector<16xf32>
        %mul3A_762 = arith.mulf %get3A_725, %get3A_749 : vector<16xf32>
        %add3A_763 = arith.addf %mul3A_761, %mul3A_762 : vector<16xf32>
        %sub3A_764 = arith.subf %add3A_763, %get3A_741 : vector<16xf32>
        %mul3A_765 = arith.mulf %sub3A_760, %sub3A_760 : vector<16xf32>
        %mul3A_766 = arith.mulf %sub3A_764, %sub3A_764 : vector<16xf32>
        %add3A_767 = arith.addf %mul3A_765, %mul3A_766 : vector<16xf32>
        %max3A = arith.constant 1.000000e-24 : f32
        %max3A_768 = vector.broadcast %max3A : f32 to vector<16xf32>
        %max3A_769 = arith.maximumf %add3A_767, %max3A_768 : vector<16xf32>
        %bitcast_convert_type3A = tpu.bitcast %max3A_769 : vector<16xf32> -> vector<16xi32>
        %shift_right_arithmetic3A = arith.constant 1 : i32
        %shift_right_arithmetic3A_770 = vector.broadcast %shift_right_arithmetic3A : i32 to vector<16xi32>
        %shift_right_arithmetic3A_771 = arith.shrsi %bitcast_convert_type3A, %shift_right_arithmetic3A_770 : vector<16xi32>
        %sub3A_772 = arith.constant 1597463007 : i32
        %sub3A_773 = vector.broadcast %sub3A_772 : i32 to vector<16xi32>
        %sub3A_774 = arith.subi %sub3A_773, %shift_right_arithmetic3A_771 : vector<16xi32>
        %bitcast_convert_type3A_775 = tpu.bitcast %sub3A_774 : vector<16xi32> -> vector<16xf32>
        %mul3A_776 = arith.constant 5.000000e-01 : f32
        %mul3A_777 = vector.broadcast %mul3A_776 : f32 to vector<16xf32>
        %mul3A_778 = arith.mulf %max3A_769, %mul3A_777 : vector<16xf32>
        %mul3A_779 = arith.mulf %mul3A_778, %bitcast_convert_type3A_775 : vector<16xf32>
        %mul3A_780 = arith.mulf %mul3A_779, %bitcast_convert_type3A_775 : vector<16xf32>
        %sub3A_781 = arith.constant 1.500000e+00 : f32
        %sub3A_782 = vector.broadcast %sub3A_781 : f32 to vector<16xf32>
        %sub3A_783 = arith.subf %sub3A_782, %mul3A_780 : vector<16xf32>
        %mul3A_784 = arith.mulf %bitcast_convert_type3A_775, %sub3A_783 : vector<16xf32>
        %mul3A_785 = arith.mulf %max3A_769, %mul3A_784 : vector<16xf32>
        %add3A_786 = arith.addf %broadcast_in_dim3A_710, %mul3A_785 : vector<16xf32>
        %get3A_787 = arith.constant 0 : i32
        %get3A_788 = arith.constant 0 : i32
        %get3A_789 = tpu.memref_slice %arg11[%scan3A_474, %get3A_787, %get3A_788] : memref<2x128x128xf32, #tpu.memory_space<vmem>> -> memref<1x128x128xf32, #tpu.memory_space<vmem>>
        %get3A_790 = tpu.memref_squeeze %get3A_789 : memref<1x128x128xf32, #tpu.memory_space<vmem>> -> memref<128x128xf32, #tpu.memory_space<vmem>>
        %get3A_791 = arith.index_cast %add3A_708 : i32 to index
        %get3A_792 = arith.constant 16 : index
        %get3A_793 = tpu.vector_load %get3A_790[%get3A_791, %get3A_792] {strides = array<i32>} : memref<128x128xf32, #tpu.memory_space<vmem>>, vector<1x16xf32>,
        %get3A_794 = vector.shape_cast %get3A_793 : vector<1x16xf32> to vector<16xf32>
        %get3A_795 = arith.constant 0 : i32
        %get3A_796 = arith.constant 0 : i32
        %get3A_797 = tpu.memref_slice %arg11[%scan3A_474, %get3A_795, %get3A_796] : memref<2x128x128xf32, #tpu.memory_space<vmem>> -> memref<1x128x128xf32, #tpu.memory_space<vmem>>
        %get3A_798 = tpu.memref_squeeze %get3A_797 : memref<1x128x128xf32, #tpu.memory_space<vmem>> -> memref<128x128xf32, #tpu.memory_space<vmem>>
        %get3A_799 = arith.index_cast %add3A_708 : i32 to index
        %get3A_800 = arith.constant 80 : index
        %get3A_801 = tpu.vector_load %get3A_798[%get3A_799, %get3A_800] {strides = array<i32>} : memref<128x128xf32, #tpu.memory_space<vmem>>, vector<1x16xf32>,
        %get3A_802 = vector.shape_cast %get3A_801 : vector<1x16xf32> to vector<16xf32>
        %get3A_803 = arith.constant 0 : i32
        %get3A_804 = arith.constant 0 : i32
        %get3A_805 = tpu.memref_slice %arg12[%scan3A_475, %get3A_803, %get3A_804] : memref<2x128x128xf32, #tpu.memory_space<vmem>> -> memref<1x128x128xf32, #tpu.memory_space<vmem>>
        %get3A_806 = tpu.memref_squeeze %get3A_805 : memref<1x128x128xf32, #tpu.memory_space<vmem>> -> memref<128x128xf32, #tpu.memory_space<vmem>>
        %get3A_807 = arith.index_cast %add3A_708 : i32 to index
        %get3A_808 = arith.constant 16 : index
        %get3A_809 = tpu.vector_load %get3A_806[%get3A_807, %get3A_808] {strides = array<i32>} : memref<128x128xf32, #tpu.memory_space<vmem>>, vector<1x16xf32>,
        %get3A_810 = vector.shape_cast %get3A_809 : vector<1x16xf32> to vector<16xf32>
        %get3A_811 = arith.constant 0 : i32
        %get3A_812 = arith.constant 0 : i32
        %get3A_813 = tpu.memref_slice %arg12[%scan3A_475, %get3A_811, %get3A_812] : memref<2x128x128xf32, #tpu.memory_space<vmem>> -> memref<1x128x128xf32, #tpu.memory_space<vmem>>
        %get3A_814 = tpu.memref_squeeze %get3A_813 : memref<1x128x128xf32, #tpu.memory_space<vmem>> -> memref<128x128xf32, #tpu.memory_space<vmem>>
        %get3A_815 = arith.index_cast %add3A_708 : i32 to index
        %get3A_816 = arith.constant 80 : index
        %get3A_817 = tpu.vector_load %get3A_814[%get3A_815, %get3A_816] {strides = array<i32>} : memref<128x128xf32, #tpu.memory_space<vmem>>, vector<1x16xf32>,
        %get3A_818 = vector.shape_cast %get3A_817 : vector<1x16xf32> to vector<16xf32>
        %get3A_819 = arith.constant 0 : i32
        %get3A_820 = arith.constant 0 : i32
        %get3A_821 = tpu.memref_slice %arg13[%scan3A_476, %get3A_819, %get3A_820] : memref<2x128x128xf32, #tpu.memory_space<vmem>> -> memref<1x128x128xf32, #tpu.memory_space<vmem>>
        %get3A_822 = tpu.memref_squeeze %get3A_821 : memref<1x128x128xf32, #tpu.memory_space<vmem>> -> memref<128x128xf32, #tpu.memory_space<vmem>>
        %get3A_823 = arith.index_cast %add3A_708 : i32 to index
        %get3A_824 = arith.constant 16 : index
        %get3A_825 = tpu.vector_load %get3A_822[%get3A_823, %get3A_824] {strides = array<i32>} : memref<128x128xf32, #tpu.memory_space<vmem>>, vector<1x16xf32>,
        %get3A_826 = vector.shape_cast %get3A_825 : vector<1x16xf32> to vector<16xf32>
        %get3A_827 = arith.constant 0 : i32
        %get3A_828 = arith.constant 0 : i32
        %get3A_829 = tpu.memref_slice %arg13[%scan3A_476, %get3A_827, %get3A_828] : memref<2x128x128xf32, #tpu.memory_space<vmem>> -> memref<1x128x128xf32, #tpu.memory_space<vmem>>
        %get3A_830 = tpu.memref_squeeze %get3A_829 : memref<1x128x128xf32, #tpu.memory_space<vmem>> -> memref<128x128xf32, #tpu.memory_space<vmem>>
        %get3A_831 = arith.index_cast %add3A_708 : i32 to index
        %get3A_832 = arith.constant 80 : index
        %get3A_833 = tpu.vector_load %get3A_830[%get3A_831, %get3A_832] {strides = array<i32>} : memref<128x128xf32, #tpu.memory_space<vmem>>, vector<1x16xf32>,
        %get3A_834 = vector.shape_cast %get3A_833 : vector<1x16xf32> to vector<16xf32>
        %mul3A_835 = arith.mulf %get3A_794, %get3A_826 : vector<16xf32>
        %mul3A_836 = arith.mulf %get3A_802, %get3A_834 : vector<16xf32>
        %sub3A_837 = arith.subf %mul3A_835, %mul3A_836 : vector<16xf32>
        %sub3A_838 = arith.subf %sub3A_837, %get3A_810 : vector<16xf32>
        %mul3A_839 = arith.mulf %get3A_794, %get3A_834 : vector<16xf32>
        %mul3A_840 = arith.mulf %get3A_802, %get3A_826 : vector<16xf32>
        %add3A_841 = arith.addf %mul3A_839, %mul3A_840 : vector<16xf32>
        %sub3A_842 = arith.subf %add3A_841, %get3A_818 : vector<16xf32>
        %mul3A_843 = arith.mulf %sub3A_838, %sub3A_838 : vector<16xf32>
        %mul3A_844 = arith.mulf %sub3A_842, %sub3A_842 : vector<16xf32>
        %add3A_845 = arith.addf %mul3A_843, %mul3A_844 : vector<16xf32>
        %max3A_846 = arith.constant 1.000000e-24 : f32
        %max3A_847 = vector.broadcast %max3A_846 : f32 to vector<16xf32>
        %max3A_848 = arith.maximumf %add3A_845, %max3A_847 : vector<16xf32>
        %bitcast_convert_type3A_849 = tpu.bitcast %max3A_848 : vector<16xf32> -> vector<16xi32>
        %shift_right_arithmetic3A_850 = arith.constant 1 : i32
        %shift_right_arithmetic3A_851 = vector.broadcast %shift_right_arithmetic3A_850 : i32 to vector<16xi32>
        %shift_right_arithmetic3A_852 = arith.shrsi %bitcast_convert_type3A_849, %shift_right_arithmetic3A_851 : vector<16xi32>
        %sub3A_853 = arith.constant 1597463007 : i32
        %sub3A_854 = vector.broadcast %sub3A_853 : i32 to vector<16xi32>
        %sub3A_855 = arith.subi %sub3A_854, %shift_right_arithmetic3A_852 : vector<16xi32>
        %bitcast_convert_type3A_856 = tpu.bitcast %sub3A_855 : vector<16xi32> -> vector<16xf32>
        %mul3A_857 = arith.constant 5.000000e-01 : f32
        %mul3A_858 = vector.broadcast %mul3A_857 : f32 to vector<16xf32>
        %mul3A_859 = arith.mulf %max3A_848, %mul3A_858 : vector<16xf32>
        %mul3A_860 = arith.mulf %mul3A_859, %bitcast_convert_type3A_856 : vector<16xf32>
        %mul3A_861 = arith.mulf %mul3A_860, %bitcast_convert_type3A_856 : vector<16xf32>
        %sub3A_862 = arith.constant 1.500000e+00 : f32
        %sub3A_863 = vector.broadcast %sub3A_862 : f32 to vector<16xf32>
        %sub3A_864 = arith.subf %sub3A_863, %mul3A_861 : vector<16xf32>
        %mul3A_865 = arith.mulf %bitcast_convert_type3A_856, %sub3A_864 : vector<16xf32>
        %mul3A_866 = arith.mulf %max3A_848, %mul3A_865 : vector<16xf32>
        %add3A_867 = arith.addf %add3A_786, %mul3A_866 : vector<16xf32>
        %get3A_868 = arith.constant 0 : i32
        %get3A_869 = arith.constant 0 : i32
        %get3A_870 = tpu.memref_slice %arg11[%scan3A_474, %get3A_868, %get3A_869] : memref<2x128x128xf32, #tpu.memory_space<vmem>> -> memref<1x128x128xf32, #tpu.memory_space<vmem>>
        %get3A_871 = tpu.memref_squeeze %get3A_870 : memref<1x128x128xf32, #tpu.memory_space<vmem>> -> memref<128x128xf32, #tpu.memory_space<vmem>>
        %get3A_872 = arith.index_cast %add3A_708 : i32 to index
        %get3A_873 = arith.constant 32 : index
        %get3A_874 = tpu.vector_load %get3A_871[%get3A_872, %get3A_873] {strides = array<i32>} : memref<128x128xf32, #tpu.memory_space<vmem>>, vector<1x16xf32>,
        %get3A_875 = vector.shape_cast %get3A_874 : vector<1x16xf32> to vector<16xf32>
        %get3A_876 = arith.constant 0 : i32
        %get3A_877 = arith.constant 0 : i32
        %get3A_878 = tpu.memref_slice %arg11[%scan3A_474, %get3A_876, %get3A_877] : memref<2x128x128xf32, #tpu.memory_space<vmem>> -> memref<1x128x128xf32, #tpu.memory_space<vmem>>
        %get3A_879 = tpu.memref_squeeze %get3A_878 : memref<1x128x128xf32, #tpu.memory_space<vmem>> -> memref<128x128xf32, #tpu.memory_space<vmem>>
        %get3A_880 = arith.index_cast %add3A_708 : i32 to index
        %get3A_881 = arith.constant 96 : index
        %get3A_882 = tpu.vector_load %get3A_879[%get3A_880, %get3A_881] {strides = array<i32>} : memref<128x128xf32, #tpu.memory_space<vmem>>, vector<1x16xf32>,
        %get3A_883 = vector.shape_cast %get3A_882 : vector<1x16xf32> to vector<16xf32>
        %get3A_884 = arith.constant 0 : i32
        %get3A_885 = arith.constant 0 : i32
        %get3A_886 = tpu.memref_slice %arg12[%scan3A_475, %get3A_884, %get3A_885] : memref<2x128x128xf32, #tpu.memory_space<vmem>> -> memref<1x128x128xf32, #tpu.memory_space<vmem>>
        %get3A_887 = tpu.memref_squeeze %get3A_886 : memref<1x128x128xf32, #tpu.memory_space<vmem>> -> memref<128x128xf32, #tpu.memory_space<vmem>>
        %get3A_888 = arith.index_cast %add3A_708 : i32 to index
        %get3A_889 = arith.constant 32 : index
        %get3A_890 = tpu.vector_load %get3A_887[%get3A_888, %get3A_889] {strides = array<i32>} : memref<128x128xf32, #tpu.memory_space<vmem>>, vector<1x16xf32>,
        %get3A_891 = vector.shape_cast %get3A_890 : vector<1x16xf32> to vector<16xf32>
        %get3A_892 = arith.constant 0 : i32
        %get3A_893 = arith.constant 0 : i32
        %get3A_894 = tpu.memref_slice %arg12[%scan3A_475, %get3A_892, %get3A_893] : memref<2x128x128xf32, #tpu.memory_space<vmem>> -> memref<1x128x128xf32, #tpu.memory_space<vmem>>
        %get3A_895 = tpu.memref_squeeze %get3A_894 : memref<1x128x128xf32, #tpu.memory_space<vmem>> -> memref<128x128xf32, #tpu.memory_space<vmem>>
        %get3A_896 = arith.index_cast %add3A_708 : i32 to index
        %get3A_897 = arith.constant 96 : index
        %get3A_898 = tpu.vector_load %get3A_895[%get3A_896, %get3A_897] {strides = array<i32>} : memref<128x128xf32, #tpu.memory_space<vmem>>, vector<1x16xf32>,
        %get3A_899 = vector.shape_cast %get3A_898 : vector<1x16xf32> to vector<16xf32>
        %get3A_900 = arith.constant 0 : i32
        %get3A_901 = arith.constant 0 : i32
        %get3A_902 = tpu.memref_slice %arg13[%scan3A_476, %get3A_900, %get3A_901] : memref<2x128x128xf32, #tpu.memory_space<vmem>> -> memref<1x128x128xf32, #tpu.memory_space<vmem>>
        %get3A_903 = tpu.memref_squeeze %get3A_902 : memref<1x128x128xf32, #tpu.memory_space<vmem>> -> memref<128x128xf32, #tpu.memory_space<vmem>>
        %get3A_904 = arith.index_cast %add3A_708 : i32 to index
        %get3A_905 = arith.constant 32 : index
        %get3A_906 = tpu.vector_load %get3A_903[%get3A_904, %get3A_905] {strides = array<i32>} : memref<128x128xf32, #tpu.memory_space<vmem>>, vector<1x16xf32>,
        %get3A_907 = vector.shape_cast %get3A_906 : vector<1x16xf32> to vector<16xf32>
        %get3A_908 = arith.constant 0 : i32
        %get3A_909 = arith.constant 0 : i32
        %get3A_910 = tpu.memref_slice %arg13[%scan3A_476, %get3A_908, %get3A_909] : memref<2x128x128xf32, #tpu.memory_space<vmem>> -> memref<1x128x128xf32, #tpu.memory_space<vmem>>
        %get3A_911 = tpu.memref_squeeze %get3A_910 : memref<1x128x128xf32, #tpu.memory_space<vmem>> -> memref<128x128xf32, #tpu.memory_space<vmem>>
        %get3A_912 = arith.index_cast %add3A_708 : i32 to index
        %get3A_913 = arith.constant 96 : index
        %get3A_914 = tpu.vector_load %get3A_911[%get3A_912, %get3A_913] {strides = array<i32>} : memref<128x128xf32, #tpu.memory_space<vmem>>, vector<1x16xf32>,
        %get3A_915 = vector.shape_cast %get3A_914 : vector<1x16xf32> to vector<16xf32>
        %mul3A_916 = arith.mulf %get3A_875, %get3A_907 : vector<16xf32>
        %mul3A_917 = arith.mulf %get3A_883, %get3A_915 : vector<16xf32>
        %sub3A_918 = arith.subf %mul3A_916, %mul3A_917 : vector<16xf32>
        %sub3A_919 = arith.subf %sub3A_918, %get3A_891 : vector<16xf32>
        %mul3A_920 = arith.mulf %get3A_875, %get3A_915 : vector<16xf32>
        %mul3A_921 = arith.mulf %get3A_883, %get3A_907 : vector<16xf32>
        %add3A_922 = arith.addf %mul3A_920, %mul3A_921 : vector<16xf32>
        %sub3A_923 = arith.subf %add3A_922, %get3A_899 : vector<16xf32>
        %mul3A_924 = arith.mulf %sub3A_919, %sub3A_919 : vector<16xf32>
        %mul3A_925 = arith.mulf %sub3A_923, %sub3A_923 : vector<16xf32>
        %add3A_926 = arith.addf %mul3A_924, %mul3A_925 : vector<16xf32>
        %max3A_927 = arith.constant 1.000000e-24 : f32
        %max3A_928 = vector.broadcast %max3A_927 : f32 to vector<16xf32>
        %max3A_929 = arith.maximumf %add3A_926, %max3A_928 : vector<16xf32>
        %bitcast_convert_type3A_930 = tpu.bitcast %max3A_929 : vector<16xf32> -> vector<16xi32>
        %shift_right_arithmetic3A_931 = arith.constant 1 : i32
        %shift_right_arithmetic3A_932 = vector.broadcast %shift_right_arithmetic3A_931 : i32 to vector<16xi32>
        %shift_right_arithmetic3A_933 = arith.shrsi %bitcast_convert_type3A_930, %shift_right_arithmetic3A_932 : vector<16xi32>
        %sub3A_934 = arith.constant 1597463007 : i32
        %sub3A_935 = vector.broadcast %sub3A_934 : i32 to vector<16xi32>
        %sub3A_936 = arith.subi %sub3A_935, %shift_right_arithmetic3A_933 : vector<16xi32>
        %bitcast_convert_type3A_937 = tpu.bitcast %sub3A_936 : vector<16xi32> -> vector<16xf32>
        %mul3A_938 = arith.constant 5.000000e-01 : f32
        %mul3A_939 = vector.broadcast %mul3A_938 : f32 to vector<16xf32>
        %mul3A_940 = arith.mulf %max3A_929, %mul3A_939 : vector<16xf32>
        %mul3A_941 = arith.mulf %mul3A_940, %bitcast_convert_type3A_937 : vector<16xf32>
        %mul3A_942 = arith.mulf %mul3A_941, %bitcast_convert_type3A_937 : vector<16xf32>
        %sub3A_943 = arith.constant 1.500000e+00 : f32
        %sub3A_944 = vector.broadcast %sub3A_943 : f32 to vector<16xf32>
        %sub3A_945 = arith.subf %sub3A_944, %mul3A_942 : vector<16xf32>
        %mul3A_946 = arith.mulf %bitcast_convert_type3A_937, %sub3A_945 : vector<16xf32>
        %mul3A_947 = arith.mulf %max3A_929, %mul3A_946 : vector<16xf32>
        %add3A_948 = arith.addf %add3A_867, %mul3A_947 : vector<16xf32>
        %get3A_949 = arith.constant 0 : i32
        %get3A_950 = arith.constant 0 : i32
        %get3A_951 = tpu.memref_slice %arg11[%scan3A_474, %get3A_949, %get3A_950] : memref<2x128x128xf32, #tpu.memory_space<vmem>> -> memref<1x128x128xf32, #tpu.memory_space<vmem>>
        %get3A_952 = tpu.memref_squeeze %get3A_951 : memref<1x128x128xf32, #tpu.memory_space<vmem>> -> memref<128x128xf32, #tpu.memory_space<vmem>>
        %get3A_953 = arith.index_cast %add3A_708 : i32 to index
        %get3A_954 = arith.constant 48 : index
        %get3A_955 = tpu.vector_load %get3A_952[%get3A_953, %get3A_954] {strides = array<i32>} : memref<128x128xf32, #tpu.memory_space<vmem>>, vector<1x16xf32>,
        %get3A_956 = vector.shape_cast %get3A_955 : vector<1x16xf32> to vector<16xf32>
        %get3A_957 = arith.constant 0 : i32
        %get3A_958 = arith.constant 0 : i32
        %get3A_959 = tpu.memref_slice %arg11[%scan3A_474, %get3A_957, %get3A_958] : memref<2x128x128xf32, #tpu.memory_space<vmem>> -> memref<1x128x128xf32, #tpu.memory_space<vmem>>
        %get3A_960 = tpu.memref_squeeze %get3A_959 : memref<1x128x128xf32, #tpu.memory_space<vmem>> -> memref<128x128xf32, #tpu.memory_space<vmem>>
        %get3A_961 = arith.index_cast %add3A_708 : i32 to index
        %get3A_962 = arith.constant 112 : index
        %get3A_963 = tpu.vector_load %get3A_960[%get3A_961, %get3A_962] {strides = array<i32>} : memref<128x128xf32, #tpu.memory_space<vmem>>, vector<1x16xf32>,
        %get3A_964 = vector.shape_cast %get3A_963 : vector<1x16xf32> to vector<16xf32>
        %get3A_965 = arith.constant 0 : i32
        %get3A_966 = arith.constant 0 : i32
        %get3A_967 = tpu.memref_slice %arg12[%scan3A_475, %get3A_965, %get3A_966] : memref<2x128x128xf32, #tpu.memory_space<vmem>> -> memref<1x128x128xf32, #tpu.memory_space<vmem>>
        %get3A_968 = tpu.memref_squeeze %get3A_967 : memref<1x128x128xf32, #tpu.memory_space<vmem>> -> memref<128x128xf32, #tpu.memory_space<vmem>>
        %get3A_969 = arith.index_cast %add3A_708 : i32 to index
        %get3A_970 = arith.constant 48 : index
        %get3A_971 = tpu.vector_load %get3A_968[%get3A_969, %get3A_970] {strides = array<i32>} : memref<128x128xf32, #tpu.memory_space<vmem>>, vector<1x16xf32>,
        %get3A_972 = vector.shape_cast %get3A_971 : vector<1x16xf32> to vector<16xf32>
        %get3A_973 = arith.constant 0 : i32
        %get3A_974 = arith.constant 0 : i32
        %get3A_975 = tpu.memref_slice %arg12[%scan3A_475, %get3A_973, %get3A_974] : memref<2x128x128xf32, #tpu.memory_space<vmem>> -> memref<1x128x128xf32, #tpu.memory_space<vmem>>
        %get3A_976 = tpu.memref_squeeze %get3A_975 : memref<1x128x128xf32, #tpu.memory_space<vmem>> -> memref<128x128xf32, #tpu.memory_space<vmem>>
        %get3A_977 = arith.index_cast %add3A_708 : i32 to index
        %get3A_978 = arith.constant 112 : index
        %get3A_979 = tpu.vector_load %get3A_976[%get3A_977, %get3A_978] {strides = array<i32>} : memref<128x128xf32, #tpu.memory_space<vmem>>, vector<1x16xf32>,
        %get3A_980 = vector.shape_cast %get3A_979 : vector<1x16xf32> to vector<16xf32>
        %get3A_981 = arith.constant 0 : i32
        %get3A_982 = arith.constant 0 : i32
        %get3A_983 = tpu.memref_slice %arg13[%scan3A_476, %get3A_981, %get3A_982] : memref<2x128x128xf32, #tpu.memory_space<vmem>> -> memref<1x128x128xf32, #tpu.memory_space<vmem>>
        %get3A_984 = tpu.memref_squeeze %get3A_983 : memref<1x128x128xf32, #tpu.memory_space<vmem>> -> memref<128x128xf32, #tpu.memory_space<vmem>>
        %get3A_985 = arith.index_cast %add3A_708 : i32 to index
        %get3A_986 = arith.constant 48 : index
        %get3A_987 = tpu.vector_load %get3A_984[%get3A_985, %get3A_986] {strides = array<i32>} : memref<128x128xf32, #tpu.memory_space<vmem>>, vector<1x16xf32>,
        %get3A_988 = vector.shape_cast %get3A_987 : vector<1x16xf32> to vector<16xf32>
        %get3A_989 = arith.constant 0 : i32
        %get3A_990 = arith.constant 0 : i32
        %get3A_991 = tpu.memref_slice %arg13[%scan3A_476, %get3A_989, %get3A_990] : memref<2x128x128xf32, #tpu.memory_space<vmem>> -> memref<1x128x128xf32, #tpu.memory_space<vmem>>
        %get3A_992 = tpu.memref_squeeze %get3A_991 : memref<1x128x128xf32, #tpu.memory_space<vmem>> -> memref<128x128xf32, #tpu.memory_space<vmem>>
        %get3A_993 = arith.index_cast %add3A_708 : i32 to index
        %get3A_994 = arith.constant 112 : index
        %get3A_995 = tpu.vector_load %get3A_992[%get3A_993, %get3A_994] {strides = array<i32>} : memref<128x128xf32, #tpu.memory_space<vmem>>, vector<1x16xf32>,
        %get3A_996 = vector.shape_cast %get3A_995 : vector<1x16xf32> to vector<16xf32>
        %mul3A_997 = arith.mulf %get3A_956, %get3A_988 : vector<16xf32>
        %mul3A_998 = arith.mulf %get3A_964, %get3A_996 : vector<16xf32>
        %sub3A_999 = arith.subf %mul3A_997, %mul3A_998 : vector<16xf32>
        %sub3A_1000 = arith.subf %sub3A_999, %get3A_972 : vector<16xf32>
        %mul3A_1001 = arith.mulf %get3A_956, %get3A_996 : vector<16xf32>
        %mul3A_1002 = arith.mulf %get3A_964, %get3A_988 : vector<16xf32>
        %add3A_1003 = arith.addf %mul3A_1001, %mul3A_1002 : vector<16xf32>
        %sub3A_1004 = arith.subf %add3A_1003, %get3A_980 : vector<16xf32>
        %mul3A_1005 = arith.mulf %sub3A_1000, %sub3A_1000 : vector<16xf32>
        %mul3A_1006 = arith.mulf %sub3A_1004, %sub3A_1004 : vector<16xf32>
        %add3A_1007 = arith.addf %mul3A_1005, %mul3A_1006 : vector<16xf32>
        %max3A_1008 = arith.constant 1.000000e-24 : f32
        %max3A_1009 = vector.broadcast %max3A_1008 : f32 to vector<16xf32>
        %max3A_1010 = arith.maximumf %add3A_1007, %max3A_1009 : vector<16xf32>
        %bitcast_convert_type3A_1011 = tpu.bitcast %max3A_1010 : vector<16xf32> -> vector<16xi32>
        %shift_right_arithmetic3A_1012 = arith.constant 1 : i32
        %shift_right_arithmetic3A_1013 = vector.broadcast %shift_right_arithmetic3A_1012 : i32 to vector<16xi32>
        %shift_right_arithmetic3A_1014 = arith.shrsi %bitcast_convert_type3A_1011, %shift_right_arithmetic3A_1013 : vector<16xi32>
        %sub3A_1015 = arith.constant 1597463007 : i32
        %sub3A_1016 = vector.broadcast %sub3A_1015 : i32 to vector<16xi32>
        %sub3A_1017 = arith.subi %sub3A_1016, %shift_right_arithmetic3A_1014 : vector<16xi32>
        %bitcast_convert_type3A_1018 = tpu.bitcast %sub3A_1017 : vector<16xi32> -> vector<16xf32>
        %mul3A_1019 = arith.constant 5.000000e-01 : f32
        %mul3A_1020 = vector.broadcast %mul3A_1019 : f32 to vector<16xf32>
        %mul3A_1021 = arith.mulf %max3A_1010, %mul3A_1020 : vector<16xf32>
        %mul3A_1022 = arith.mulf %mul3A_1021, %bitcast_convert_type3A_1018 : vector<16xf32>
        %mul3A_1023 = arith.mulf %mul3A_1022, %bitcast_convert_type3A_1018 : vector<16xf32>
        %sub3A_1024 = arith.constant 1.500000e+00 : f32
        %sub3A_1025 = vector.broadcast %sub3A_1024 : f32 to vector<16xf32>
        %sub3A_1026 = arith.subf %sub3A_1025, %mul3A_1023 : vector<16xf32>
        %mul3A_1027 = arith.mulf %bitcast_convert_type3A_1018, %sub3A_1026 : vector<16xf32>
        %mul3A_1028 = arith.mulf %max3A_1010, %mul3A_1027 : vector<16xf32>
        %add3A_1029 = arith.addf %add3A_948, %mul3A_1028 : vector<16xf32>
        %xor3A = arith.constant 1 : i32
        %xor3A_1030 = vector.broadcast %xor3A : i32 to vector<16xi32>
        %xor3A_1031 = arith.xori %iota3A, %xor3A_1030 : vector<16xi32>
        %broadcast_in_dim3A_1032 = vector.shape_cast %xor3A_1031 : vector<16xi32> to vector<16x1xi32>
        %gather3A = vector.shape_cast %broadcast_in_dim3A_1032 : vector<16x1xi32> to vector<16xi32>
        %gather3A_1033 = tpu.dynamic_gather %add3A_1029[%gather3A] in [0] : vector<16xf32>, vector<16xi32> -> vector<16xf32>
        %add3A_1034 = arith.addf %add3A_1029, %gather3A_1033 : vector<16xf32>
        %xor3A_1035 = arith.constant 2 : i32
        %xor3A_1036 = vector.broadcast %xor3A_1035 : i32 to vector<16xi32>
        %xor3A_1037 = arith.xori %iota3A, %xor3A_1036 : vector<16xi32>
        %broadcast_in_dim3A_1038 = vector.shape_cast %xor3A_1037 : vector<16xi32> to vector<16x1xi32>
        %gather3A_1039 = vector.shape_cast %broadcast_in_dim3A_1038 : vector<16x1xi32> to vector<16xi32>
        %gather3A_1040 = tpu.dynamic_gather %add3A_1034[%gather3A_1039] in [0] : vector<16xf32>, vector<16xi32> -> vector<16xf32>
        %add3A_1041 = arith.addf %add3A_1034, %gather3A_1040 : vector<16xf32>
        %xor3A_1042 = arith.constant 4 : i32
        %xor3A_1043 = vector.broadcast %xor3A_1042 : i32 to vector<16xi32>
        %xor3A_1044 = arith.xori %iota3A, %xor3A_1043 : vector<16xi32>
        %broadcast_in_dim3A_1045 = vector.shape_cast %xor3A_1044 : vector<16xi32> to vector<16x1xi32>
        %gather3A_1046 = vector.shape_cast %broadcast_in_dim3A_1045 : vector<16x1xi32> to vector<16xi32>
        %gather3A_1047 = tpu.dynamic_gather %add3A_1041[%gather3A_1046] in [0] : vector<16xf32>, vector<16xi32> -> vector<16xf32>
        %add3A_1048 = arith.addf %add3A_1041, %gather3A_1047 : vector<16xf32>
        %xor3A_1049 = arith.constant 8 : i32
        %xor3A_1050 = vector.broadcast %xor3A_1049 : i32 to vector<16xi32>
        %xor3A_1051 = arith.xori %iota3A, %xor3A_1050 : vector<16xi32>
        %broadcast_in_dim3A_1052 = vector.shape_cast %xor3A_1051 : vector<16xi32> to vector<16x1xi32>
        %gather3A_1053 = vector.shape_cast %broadcast_in_dim3A_1052 : vector<16x1xi32> to vector<16xi32>
        %gather3A_1054 = tpu.dynamic_gather %add3A_1048[%gather3A_1053] in [0] : vector<16xf32>, vector<16xi32> -> vector<16xf32>
        %add3A_1055 = arith.addf %add3A_1048, %gather3A_1054 : vector<16xf32>
        %mul3A_1056 = arith.constant 1.00094593 : f32
        %mul3A_1057 = vector.broadcast %mul3A_1056 : f32 to vector<16xf32>
        %mul3A_1058 = arith.mulf %add3A_1055, %mul3A_1057 : vector<16xf32>
        %sub3A_1059 = arith.constant 1.200000e+01 : f32
        %sub3A_1060 = vector.broadcast %sub3A_1059 : f32 to vector<16xf32>
        %sub3A_1061 = arith.subf %sub3A_1060, %mul3A_1058 : vector<16xf32>
        %eq3A = vector.broadcast %scan3A_704 : i32 to vector<16xi32>
        %eq3A_1062 = arith.cmpi eq, %iota3A, %eq3A : vector<16xi32>
        %select_n3A = arith.select %eq3A_1062, %sub3A_1061, %scan3A_705 : vector<16xi1>, vector<16xf32>
        scf.yield %select_n3A : vector<16xf32>
      }
      %scan3A_696 = arith.constant 16 : i32
      %mul3A_697 = arith.constant 16 : i32
      %mul3A_698 = arith.muli %scan3A_689, %mul3A_697 : i32
      %add3A_699 = arith.constant 0 : i32
      %add3A_700 = arith.addi %add3A_699, %mul3A_698 : i32
      %swap3A = arith.index_cast %add3A_700 : i32 to index
      %swap3A_701 = tpu.vector_load %arg14[%swap3A] {strides = array<i32>} : memref<512xf32, #tpu.memory_space<vmem>>, vector<16xf32>,
      %swap3A_702 = vector.shape_cast %swap3A_701 : vector<16xf32> to vector<16xf32>
      %swap3A_703 = vector.shape_cast %scan3A_695 : vector<16xf32> to vector<16xf32>
      tpu.vector_store %arg14[%swap3A], %swap3A_703 {strides = array<i32>} : memref<512xf32, #tpu.memory_space<vmem>>, vector<16xf32>,
    }
    %scan3A_481 = arith.constant 2 : i32
    %dma_start3A_482 = arith.constant 2 : i32
    %dma_start3A_483 = arith.constant 0 : i32
    %dma_start3A_484 = arith.constant 0 : i32
    %dma_start3A_485 = arith.constant 0 : i32
    %dma_start3A_486 = tpu.memref_slice %arg11[%dma_start3A_483, %dma_start3A_484, %dma_start3A_485] : memref<2x128x128xf32, #tpu.memory_space<vmem>> -> memref<1x128x128xf32, #tpu.memory_space<vmem>>
    %dma_start3A_487 = tpu.memref_squeeze %dma_start3A_486 : memref<1x128x128xf32, #tpu.memory_space<vmem>> -> memref<128x128xf32, #tpu.memory_space<vmem>>
    %dma_start3A_488 = arith.constant 0 : i32
    %dma_start3A_489 = tpu.memref_slice %arg8[%dma_start3A_482, %dma_start3A_488] : memref<4x128xi32, #tpu.memory_space<vmem>> -> memref<1x128xi32, #tpu.memory_space<vmem>>
    %dma_start3A_490 = tpu.memref_squeeze %dma_start3A_489 : memref<1x128xi32, #tpu.memory_space<vmem>> -> memref<128xi32, #tpu.memory_space<vmem>>
    %dma_start3A_491 = arith.constant 0 : i32
    %dma_start3A_492 = arith.constant 0 : i32
    %dma_start3A_493 = tpu.memref_slice %arg5[%dma_start3A_491, %dma_start3A_492] : memref<1000000x128xf32, #tpu.memory_space<hbm>> -> memref<1000000x128xf32, #tpu.memory_space<hbm>>
    tpu.enqueue_indirect_dma source(%dma_start3A_493 : memref<1000000x128xf32, #tpu.memory_space<hbm>>) target(%dma_start3A_487 : memref<128x128xf32, #tpu.memory_space<vmem>>) offsets(%dma_start3A_490 : memref<128xi32, #tpu.memory_space<vmem>>) semaphore(%arg15 : memref<!tpu.dma_semaphore, #tpu.memory_space<semaphore_mem>>)
    %dma_start3A_494 = arith.constant 2 : i32
    %dma_start3A_495 = arith.constant 0 : i32
    %dma_start3A_496 = arith.constant 0 : i32
    %dma_start3A_497 = arith.constant 0 : i32
    %dma_start3A_498 = tpu.memref_slice %arg12[%dma_start3A_495, %dma_start3A_496, %dma_start3A_497] : memref<2x128x128xf32, #tpu.memory_space<vmem>> -> memref<1x128x128xf32, #tpu.memory_space<vmem>>
    %dma_start3A_499 = tpu.memref_squeeze %dma_start3A_498 : memref<1x128x128xf32, #tpu.memory_space<vmem>> -> memref<128x128xf32, #tpu.memory_space<vmem>>
    %dma_start3A_500 = arith.constant 0 : i32
    %dma_start3A_501 = tpu.memref_slice %arg9[%dma_start3A_494, %dma_start3A_500] : memref<4x128xi32, #tpu.memory_space<vmem>> -> memref<1x128xi32, #tpu.memory_space<vmem>>
    %dma_start3A_502 = tpu.memref_squeeze %dma_start3A_501 : memref<1x128xi32, #tpu.memory_space<vmem>> -> memref<128xi32, #tpu.memory_space<vmem>>
    %dma_start3A_503 = arith.constant 0 : i32
    %dma_start3A_504 = arith.constant 0 : i32
    %dma_start3A_505 = tpu.memref_slice %arg5[%dma_start3A_503, %dma_start3A_504] : memref<1000000x128xf32, #tpu.memory_space<hbm>> -> memref<1000000x128xf32, #tpu.memory_space<hbm>>
    tpu.enqueue_indirect_dma source(%dma_start3A_505 : memref<1000000x128xf32, #tpu.memory_space<hbm>>) target(%dma_start3A_499 : memref<128x128xf32, #tpu.memory_space<vmem>>) offsets(%dma_start3A_502 : memref<128xi32, #tpu.memory_space<vmem>>) semaphore(%arg15 : memref<!tpu.dma_semaphore, #tpu.memory_space<semaphore_mem>>)
    %dma_start3A_506 = arith.constant 2 : i32
    %dma_start3A_507 = arith.constant 0 : i32
    %dma_start3A_508 = arith.constant 0 : i32
    %dma_start3A_509 = arith.constant 0 : i32
    %dma_start3A_510 = tpu.memref_slice %arg13[%dma_start3A_507, %dma_start3A_508, %dma_start3A_509] : memref<2x128x128xf32, #tpu.memory_space<vmem>> -> memref<1x128x128xf32, #tpu.memory_space<vmem>>
    %dma_start3A_511 = tpu.memref_squeeze %dma_start3A_510 : memref<1x128x128xf32, #tpu.memory_space<vmem>> -> memref<128x128xf32, #tpu.memory_space<vmem>>
    %dma_start3A_512 = arith.constant 0 : i32
    %dma_start3A_513 = tpu.memref_slice %arg10[%dma_start3A_506, %dma_start3A_512] : memref<4x128xi32, #tpu.memory_space<vmem>> -> memref<1x128xi32, #tpu.memory_space<vmem>>
    %dma_start3A_514 = tpu.memref_squeeze %dma_start3A_513 : memref<1x128xi32, #tpu.memory_space<vmem>> -> memref<128xi32, #tpu.memory_space<vmem>>
    %dma_start3A_515 = arith.constant 0 : i32
    %dma_start3A_516 = arith.constant 0 : i32
    %dma_start3A_517 = tpu.memref_slice %arg6[%dma_start3A_515, %dma_start3A_516] : memref<512x128xf32, #tpu.memory_space<hbm>> -> memref<512x128xf32, #tpu.memory_space<hbm>>
    tpu.enqueue_indirect_dma source(%dma_start3A_517 : memref<512x128xf32, #tpu.memory_space<hbm>>) target(%dma_start3A_511 : memref<128x128xf32, #tpu.memory_space<vmem>>) offsets(%dma_start3A_514 : memref<128xi32, #tpu.memory_space<vmem>>) semaphore(%arg15 : memref<!tpu.dma_semaphore, #tpu.memory_space<semaphore_mem>>)
    %dma_wait3A_518 = arith.constant 1 : i32
    %dma_wait3A_519 = arith.constant 1 : i32
    %dma_wait3A_520 = arith.constant 0 : i32
    %dma_wait3A_521 = arith.constant 0 : i32
    %dma_wait3A_522 = tpu.memref_slice %arg11[%dma_wait3A_519, %dma_wait3A_520, %dma_wait3A_521] : memref<2x128x128xf32, #tpu.memory_space<vmem>> -> memref<1x128x128xf32, #tpu.memory_space<vmem>>
    %dma_wait3A_523 = tpu.memref_squeeze %dma_wait3A_522 : memref<1x128x128xf32, #tpu.memory_space<vmem>> -> memref<128x128xf32, #tpu.memory_space<vmem>>
    %dma_wait3A_524 = arith.constant 0 : i32
    %dma_wait3A_525 = tpu.memref_slice %arg8[%dma_wait3A_518, %dma_wait3A_524] : memref<4x128xi32, #tpu.memory_space<vmem>> -> memref<1x128xi32, #tpu.memory_space<vmem>>
    %dma_wait3A_526 = tpu.memref_squeeze %dma_wait3A_525 : memref<1x128xi32, #tpu.memory_space<vmem>> -> memref<128xi32, #tpu.memory_space<vmem>>
    %dma_wait3A_527 = arith.constant 0 : i32
    %dma_wait3A_528 = arith.constant 0 : i32
    %dma_wait3A_529 = tpu.memref_slice %arg5[%dma_wait3A_527, %dma_wait3A_528] : memref<1000000x128xf32, #tpu.memory_space<hbm>> -> memref<1000000x128xf32, #tpu.memory_space<hbm>>
    tpu.wait_indirect_dma semaphore(%arg16 : memref<!tpu.dma_semaphore, #tpu.memory_space<semaphore_mem>>) src(%dma_wait3A_529 : memref<1000000x128xf32, #tpu.memory_space<hbm>>) dst(%dma_wait3A_523 : memref<128x128xf32, #tpu.memory_space<vmem>>)
    %dma_wait3A_530 = arith.constant 1 : i32
    %dma_wait3A_531 = arith.constant 1 : i32
    %dma_wait3A_532 = arith.constant 0 : i32
    %dma_wait3A_533 = arith.constant 0 : i32
    %dma_wait3A_534 = tpu.memref_slice %arg12[%dma_wait3A_531, %dma_wait3A_532, %dma_wait3A_533] : memref<2x128x128xf32, #tpu.memory_space<vmem>> -> memref<1x128x128xf32, #tpu.memory_space<vmem>>
    %dma_wait3A_535 = tpu.memref_squeeze %dma_wait3A_534 : memref<1x128x128xf32, #tpu.memory_space<vmem>> -> memref<128x128xf32, #tpu.memory_space<vmem>>
    %dma_wait3A_536 = arith.constant 0 : i32
    %dma_wait3A_537 = tpu.memref_slice %arg9[%dma_wait3A_530, %dma_wait3A_536] : memref<4x128xi32, #tpu.memory_space<vmem>> -> memref<1x128xi32, #tpu.memory_space<vmem>>
    %dma_wait3A_538 = tpu.memref_squeeze %dma_wait3A_537 : memref<1x128xi32, #tpu.memory_space<vmem>> -> memref<128xi32, #tpu.memory_space<vmem>>
    %dma_wait3A_539 = arith.constant 0 : i32
    %dma_wait3A_540 = arith.constant 0 : i32
    %dma_wait3A_541 = tpu.memref_slice %arg5[%dma_wait3A_539, %dma_wait3A_540] : memref<1000000x128xf32, #tpu.memory_space<hbm>> -> memref<1000000x128xf32, #tpu.memory_space<hbm>>
    tpu.wait_indirect_dma semaphore(%arg16 : memref<!tpu.dma_semaphore, #tpu.memory_space<semaphore_mem>>) src(%dma_wait3A_541 : memref<1000000x128xf32, #tpu.memory_space<hbm>>) dst(%dma_wait3A_535 : memref<128x128xf32, #tpu.memory_space<vmem>>)
    %dma_wait3A_542 = arith.constant 1 : i32
    %dma_wait3A_543 = arith.constant 1 : i32
    %dma_wait3A_544 = arith.constant 0 : i32
    %dma_wait3A_545 = arith.constant 0 : i32
    %dma_wait3A_546 = tpu.memref_slice %arg13[%dma_wait3A_543, %dma_wait3A_544, %dma_wait3A_545] : memref<2x128x128xf32, #tpu.memory_space<vmem>> -> memref<1x128x128xf32, #tpu.memory_space<vmem>>
    %dma_wait3A_547 = tpu.memref_squeeze %dma_wait3A_546 : memref<1x128x128xf32, #tpu.memory_space<vmem>> -> memref<128x128xf32, #tpu.memory_space<vmem>>
    %dma_wait3A_548 = arith.constant 0 : i32
    %dma_wait3A_549 = tpu.memref_slice %arg10[%dma_wait3A_542, %dma_wait3A_548] : memref<4x128xi32, #tpu.memory_space<vmem>> -> memref<1x128xi32, #tpu.memory_space<vmem>>
    %dma_wait3A_550 = tpu.memref_squeeze %dma_wait3A_549 : memref<1x128xi32, #tpu.memory_space<vmem>> -> memref<128xi32, #tpu.memory_space<vmem>>
    %dma_wait3A_551 = arith.constant 0 : i32
    %dma_wait3A_552 = arith.constant 0 : i32
    %dma_wait3A_553 = tpu.memref_slice %arg6[%dma_wait3A_551, %dma_wait3A_552] : memref<512x128xf32, #tpu.memory_space<hbm>> -> memref<512x128xf32, #tpu.memory_space<hbm>>
    tpu.wait_indirect_dma semaphore(%arg16 : memref<!tpu.dma_semaphore, #tpu.memory_space<semaphore_mem>>) src(%dma_wait3A_553 : memref<512x128xf32, #tpu.memory_space<hbm>>) dst(%dma_wait3A_547 : memref<128x128xf32, #tpu.memory_space<vmem>>)
    %scan3A_554 = arith.constant 0 : i32
    %scan3A_555 = arith.constant 1 : i32
    %scan3A_556 = arith.constant 1 : i32
    %scan3A_557 = arith.constant 1 : i32
    %scan3A_558 = arith.constant 0 : i32
    %scan3A_559 = arith.constant 8 : i32
    %scan3A_560 = arith.addi %scan3A_558, %scan3A_559 : i32
    %scan3A_561 = arith.constant 1 : i32
    scf.for %scan3A_689 = %scan3A_558 to %scan3A_560 step %scan3A_561  : i32 {
      %broadcast_in_dim3A = arith.constant 0.000000e+00 : f32
      %broadcast_in_dim3A_690 = vector.broadcast %broadcast_in_dim3A : f32 to vector<16xf32>
      %scan3A_691 = arith.constant 0 : i32
      %scan3A_692 = arith.constant 16 : i32
      %scan3A_693 = arith.addi %scan3A_691, %scan3A_692 : i32
      %scan3A_694 = arith.constant 1 : i32
      %scan3A_695 = scf.for %scan3A_704 = %scan3A_691 to %scan3A_693 step %scan3A_694 iter_args(%scan3A_705 = %broadcast_in_dim3A_690) -> (vector<16xf32>)  : i32 {
        %mul3A_706 = arith.constant 16 : i32
        %mul3A_707 = arith.muli %scan3A_689, %mul3A_706 : i32
        %add3A_708 = arith.addi %mul3A_707, %scan3A_704 : i32
        %broadcast_in_dim3A_709 = arith.constant 0.000000e+00 : f32
        %broadcast_in_dim3A_710 = vector.broadcast %broadcast_in_dim3A_709 : f32 to vector<16xf32>
        %get3A = arith.constant 0 : i32
        %get3A_711 = arith.constant 0 : i32
        %get3A_712 = tpu.memref_slice %arg11[%scan3A_555, %get3A, %get3A_711] : memref<2x128x128xf32, #tpu.memory_space<vmem>> -> memref<1x128x128xf32, #tpu.memory_space<vmem>>
        %get3A_713 = tpu.memref_squeeze %get3A_712 : memref<1x128x128xf32, #tpu.memory_space<vmem>> -> memref<128x128xf32, #tpu.memory_space<vmem>>
        %get3A_714 = arith.index_cast %add3A_708 : i32 to index
        %get3A_715 = arith.constant 0 : index
        %get3A_716 = tpu.vector_load %get3A_713[%get3A_714, %get3A_715] {strides = array<i32>} : memref<128x128xf32, #tpu.memory_space<vmem>>, vector<1x16xf32>,
        %get3A_717 = vector.shape_cast %get3A_716 : vector<1x16xf32> to vector<16xf32>
        %get3A_718 = arith.constant 0 : i32
        %get3A_719 = arith.constant 0 : i32
        %get3A_720 = tpu.memref_slice %arg11[%scan3A_555, %get3A_718, %get3A_719] : memref<2x128x128xf32, #tpu.memory_space<vmem>> -> memref<1x128x128xf32, #tpu.memory_space<vmem>>
        %get3A_721 = tpu.memref_squeeze %get3A_720 : memref<1x128x128xf32, #tpu.memory_space<vmem>> -> memref<128x128xf32, #tpu.memory_space<vmem>>
        %get3A_722 = arith.index_cast %add3A_708 : i32 to index
        %get3A_723 = arith.constant 64 : index
        %get3A_724 = tpu.vector_load %get3A_721[%get3A_722, %get3A_723] {strides = array<i32>} : memref<128x128xf32, #tpu.memory_space<vmem>>, vector<1x16xf32>,
        %get3A_725 = vector.shape_cast %get3A_724 : vector<1x16xf32> to vector<16xf32>
        %get3A_726 = arith.constant 0 : i32
        %get3A_727 = arith.constant 0 : i32
        %get3A_728 = tpu.memref_slice %arg12[%scan3A_556, %get3A_726, %get3A_727] : memref<2x128x128xf32, #tpu.memory_space<vmem>> -> memref<1x128x128xf32, #tpu.memory_space<vmem>>
        %get3A_729 = tpu.memref_squeeze %get3A_728 : memref<1x128x128xf32, #tpu.memory_space<vmem>> -> memref<128x128xf32, #tpu.memory_space<vmem>>
        %get3A_730 = arith.index_cast %add3A_708 : i32 to index
        %get3A_731 = arith.constant 0 : index
        %get3A_732 = tpu.vector_load %get3A_729[%get3A_730, %get3A_731] {strides = array<i32>} : memref<128x128xf32, #tpu.memory_space<vmem>>, vector<1x16xf32>,
        %get3A_733 = vector.shape_cast %get3A_732 : vector<1x16xf32> to vector<16xf32>
        %get3A_734 = arith.constant 0 : i32
        %get3A_735 = arith.constant 0 : i32
        %get3A_736 = tpu.memref_slice %arg12[%scan3A_556, %get3A_734, %get3A_735] : memref<2x128x128xf32, #tpu.memory_space<vmem>> -> memref<1x128x128xf32, #tpu.memory_space<vmem>>
        %get3A_737 = tpu.memref_squeeze %get3A_736 : memref<1x128x128xf32, #tpu.memory_space<vmem>> -> memref<128x128xf32, #tpu.memory_space<vmem>>
        %get3A_738 = arith.index_cast %add3A_708 : i32 to index
        %get3A_739 = arith.constant 64 : index
        %get3A_740 = tpu.vector_load %get3A_737[%get3A_738, %get3A_739] {strides = array<i32>} : memref<128x128xf32, #tpu.memory_space<vmem>>, vector<1x16xf32>,
        %get3A_741 = vector.shape_cast %get3A_740 : vector<1x16xf32> to vector<16xf32>
        %get3A_742 = arith.constant 0 : i32
        %get3A_743 = arith.constant 0 : i32
        %get3A_744 = tpu.memref_slice %arg13[%scan3A_557, %get3A_742, %get3A_743] : memref<2x128x128xf32, #tpu.memory_space<vmem>> -> memref<1x128x128xf32, #tpu.memory_space<vmem>>
        %get3A_745 = tpu.memref_squeeze %get3A_744 : memref<1x128x128xf32, #tpu.memory_space<vmem>> -> memref<128x128xf32, #tpu.memory_space<vmem>>
        %get3A_746 = arith.index_cast %add3A_708 : i32 to index
        %get3A_747 = arith.constant 0 : index
        %get3A_748 = tpu.vector_load %get3A_745[%get3A_746, %get3A_747] {strides = array<i32>} : memref<128x128xf32, #tpu.memory_space<vmem>>, vector<1x16xf32>,
        %get3A_749 = vector.shape_cast %get3A_748 : vector<1x16xf32> to vector<16xf32>
        %get3A_750 = arith.constant 0 : i32
        %get3A_751 = arith.constant 0 : i32
        %get3A_752 = tpu.memref_slice %arg13[%scan3A_557, %get3A_750, %get3A_751] : memref<2x128x128xf32, #tpu.memory_space<vmem>> -> memref<1x128x128xf32, #tpu.memory_space<vmem>>
        %get3A_753 = tpu.memref_squeeze %get3A_752 : memref<1x128x128xf32, #tpu.memory_space<vmem>> -> memref<128x128xf32, #tpu.memory_space<vmem>>
        %get3A_754 = arith.index_cast %add3A_708 : i32 to index
        %get3A_755 = arith.constant 64 : index
        %get3A_756 = tpu.vector_load %get3A_753[%get3A_754, %get3A_755] {strides = array<i32>} : memref<128x128xf32, #tpu.memory_space<vmem>>, vector<1x16xf32>,
        %get3A_757 = vector.shape_cast %get3A_756 : vector<1x16xf32> to vector<16xf32>
        %mul3A_758 = arith.mulf %get3A_717, %get3A_749 : vector<16xf32>
        %mul3A_759 = arith.mulf %get3A_725, %get3A_757 : vector<16xf32>
        %sub3A = arith.subf %mul3A_758, %mul3A_759 : vector<16xf32>
        %sub3A_760 = arith.subf %sub3A, %get3A_733 : vector<16xf32>
        %mul3A_761 = arith.mulf %get3A_717, %get3A_757 : vector<16xf32>
        %mul3A_762 = arith.mulf %get3A_725, %get3A_749 : vector<16xf32>
        %add3A_763 = arith.addf %mul3A_761, %mul3A_762 : vector<16xf32>
        %sub3A_764 = arith.subf %add3A_763, %get3A_741 : vector<16xf32>
        %mul3A_765 = arith.mulf %sub3A_760, %sub3A_760 : vector<16xf32>
        %mul3A_766 = arith.mulf %sub3A_764, %sub3A_764 : vector<16xf32>
        %add3A_767 = arith.addf %mul3A_765, %mul3A_766 : vector<16xf32>
        %max3A = arith.constant 1.000000e-24 : f32
        %max3A_768 = vector.broadcast %max3A : f32 to vector<16xf32>
        %max3A_769 = arith.maximumf %add3A_767, %max3A_768 : vector<16xf32>
        %bitcast_convert_type3A = tpu.bitcast %max3A_769 : vector<16xf32> -> vector<16xi32>
        %shift_right_arithmetic3A = arith.constant 1 : i32
        %shift_right_arithmetic3A_770 = vector.broadcast %shift_right_arithmetic3A : i32 to vector<16xi32>
        %shift_right_arithmetic3A_771 = arith.shrsi %bitcast_convert_type3A, %shift_right_arithmetic3A_770 : vector<16xi32>
        %sub3A_772 = arith.constant 1597463007 : i32
        %sub3A_773 = vector.broadcast %sub3A_772 : i32 to vector<16xi32>
        %sub3A_774 = arith.subi %sub3A_773, %shift_right_arithmetic3A_771 : vector<16xi32>
        %bitcast_convert_type3A_775 = tpu.bitcast %sub3A_774 : vector<16xi32> -> vector<16xf32>
        %mul3A_776 = arith.constant 5.000000e-01 : f32
        %mul3A_777 = vector.broadcast %mul3A_776 : f32 to vector<16xf32>
        %mul3A_778 = arith.mulf %max3A_769, %mul3A_777 : vector<16xf32>
        %mul3A_779 = arith.mulf %mul3A_778, %bitcast_convert_type3A_775 : vector<16xf32>
        %mul3A_780 = arith.mulf %mul3A_779, %bitcast_convert_type3A_775 : vector<16xf32>
        %sub3A_781 = arith.constant 1.500000e+00 : f32
        %sub3A_782 = vector.broadcast %sub3A_781 : f32 to vector<16xf32>
        %sub3A_783 = arith.subf %sub3A_782, %mul3A_780 : vector<16xf32>
        %mul3A_784 = arith.mulf %bitcast_convert_type3A_775, %sub3A_783 : vector<16xf32>
        %mul3A_785 = arith.mulf %max3A_769, %mul3A_784 : vector<16xf32>
        %add3A_786 = arith.addf %broadcast_in_dim3A_710, %mul3A_785 : vector<16xf32>
        %get3A_787 = arith.constant 0 : i32
        %get3A_788 = arith.constant 0 : i32
        %get3A_789 = tpu.memref_slice %arg11[%scan3A_555, %get3A_787, %get3A_788] : memref<2x128x128xf32, #tpu.memory_space<vmem>> -> memref<1x128x128xf32, #tpu.memory_space<vmem>>
        %get3A_790 = tpu.memref_squeeze %get3A_789 : memref<1x128x128xf32, #tpu.memory_space<vmem>> -> memref<128x128xf32, #tpu.memory_space<vmem>>
        %get3A_791 = arith.index_cast %add3A_708 : i32 to index
        %get3A_792 = arith.constant 16 : index
        %get3A_793 = tpu.vector_load %get3A_790[%get3A_791, %get3A_792] {strides = array<i32>} : memref<128x128xf32, #tpu.memory_space<vmem>>, vector<1x16xf32>,
        %get3A_794 = vector.shape_cast %get3A_793 : vector<1x16xf32> to vector<16xf32>
        %get3A_795 = arith.constant 0 : i32
        %get3A_796 = arith.constant 0 : i32
        %get3A_797 = tpu.memref_slice %arg11[%scan3A_555, %get3A_795, %get3A_796] : memref<2x128x128xf32, #tpu.memory_space<vmem>> -> memref<1x128x128xf32, #tpu.memory_space<vmem>>
        %get3A_798 = tpu.memref_squeeze %get3A_797 : memref<1x128x128xf32, #tpu.memory_space<vmem>> -> memref<128x128xf32, #tpu.memory_space<vmem>>
        %get3A_799 = arith.index_cast %add3A_708 : i32 to index
        %get3A_800 = arith.constant 80 : index
        %get3A_801 = tpu.vector_load %get3A_798[%get3A_799, %get3A_800] {strides = array<i32>} : memref<128x128xf32, #tpu.memory_space<vmem>>, vector<1x16xf32>,
        %get3A_802 = vector.shape_cast %get3A_801 : vector<1x16xf32> to vector<16xf32>
        %get3A_803 = arith.constant 0 : i32
        %get3A_804 = arith.constant 0 : i32
        %get3A_805 = tpu.memref_slice %arg12[%scan3A_556, %get3A_803, %get3A_804] : memref<2x128x128xf32, #tpu.memory_space<vmem>> -> memref<1x128x128xf32, #tpu.memory_space<vmem>>
        %get3A_806 = tpu.memref_squeeze %get3A_805 : memref<1x128x128xf32, #tpu.memory_space<vmem>> -> memref<128x128xf32, #tpu.memory_space<vmem>>
        %get3A_807 = arith.index_cast %add3A_708 : i32 to index
        %get3A_808 = arith.constant 16 : index
        %get3A_809 = tpu.vector_load %get3A_806[%get3A_807, %get3A_808] {strides = array<i32>} : memref<128x128xf32, #tpu.memory_space<vmem>>, vector<1x16xf32>,
        %get3A_810 = vector.shape_cast %get3A_809 : vector<1x16xf32> to vector<16xf32>
        %get3A_811 = arith.constant 0 : i32
        %get3A_812 = arith.constant 0 : i32
        %get3A_813 = tpu.memref_slice %arg12[%scan3A_556, %get3A_811, %get3A_812] : memref<2x128x128xf32, #tpu.memory_space<vmem>> -> memref<1x128x128xf32, #tpu.memory_space<vmem>>
        %get3A_814 = tpu.memref_squeeze %get3A_813 : memref<1x128x128xf32, #tpu.memory_space<vmem>> -> memref<128x128xf32, #tpu.memory_space<vmem>>
        %get3A_815 = arith.index_cast %add3A_708 : i32 to index
        %get3A_816 = arith.constant 80 : index
        %get3A_817 = tpu.vector_load %get3A_814[%get3A_815, %get3A_816] {strides = array<i32>} : memref<128x128xf32, #tpu.memory_space<vmem>>, vector<1x16xf32>,
        %get3A_818 = vector.shape_cast %get3A_817 : vector<1x16xf32> to vector<16xf32>
        %get3A_819 = arith.constant 0 : i32
        %get3A_820 = arith.constant 0 : i32
        %get3A_821 = tpu.memref_slice %arg13[%scan3A_557, %get3A_819, %get3A_820] : memref<2x128x128xf32, #tpu.memory_space<vmem>> -> memref<1x128x128xf32, #tpu.memory_space<vmem>>
        %get3A_822 = tpu.memref_squeeze %get3A_821 : memref<1x128x128xf32, #tpu.memory_space<vmem>> -> memref<128x128xf32, #tpu.memory_space<vmem>>
        %get3A_823 = arith.index_cast %add3A_708 : i32 to index
        %get3A_824 = arith.constant 16 : index
        %get3A_825 = tpu.vector_load %get3A_822[%get3A_823, %get3A_824] {strides = array<i32>} : memref<128x128xf32, #tpu.memory_space<vmem>>, vector<1x16xf32>,
        %get3A_826 = vector.shape_cast %get3A_825 : vector<1x16xf32> to vector<16xf32>
        %get3A_827 = arith.constant 0 : i32
        %get3A_828 = arith.constant 0 : i32
        %get3A_829 = tpu.memref_slice %arg13[%scan3A_557, %get3A_827, %get3A_828] : memref<2x128x128xf32, #tpu.memory_space<vmem>> -> memref<1x128x128xf32, #tpu.memory_space<vmem>>
        %get3A_830 = tpu.memref_squeeze %get3A_829 : memref<1x128x128xf32, #tpu.memory_space<vmem>> -> memref<128x128xf32, #tpu.memory_space<vmem>>
        %get3A_831 = arith.index_cast %add3A_708 : i32 to index
        %get3A_832 = arith.constant 80 : index
        %get3A_833 = tpu.vector_load %get3A_830[%get3A_831, %get3A_832] {strides = array<i32>} : memref<128x128xf32, #tpu.memory_space<vmem>>, vector<1x16xf32>,
        %get3A_834 = vector.shape_cast %get3A_833 : vector<1x16xf32> to vector<16xf32>
        %mul3A_835 = arith.mulf %get3A_794, %get3A_826 : vector<16xf32>
        %mul3A_836 = arith.mulf %get3A_802, %get3A_834 : vector<16xf32>
        %sub3A_837 = arith.subf %mul3A_835, %mul3A_836 : vector<16xf32>
        %sub3A_838 = arith.subf %sub3A_837, %get3A_810 : vector<16xf32>
        %mul3A_839 = arith.mulf %get3A_794, %get3A_834 : vector<16xf32>
        %mul3A_840 = arith.mulf %get3A_802, %get3A_826 : vector<16xf32>
        %add3A_841 = arith.addf %mul3A_839, %mul3A_840 : vector<16xf32>
        %sub3A_842 = arith.subf %add3A_841, %get3A_818 : vector<16xf32>
        %mul3A_843 = arith.mulf %sub3A_838, %sub3A_838 : vector<16xf32>
        %mul3A_844 = arith.mulf %sub3A_842, %sub3A_842 : vector<16xf32>
        %add3A_845 = arith.addf %mul3A_843, %mul3A_844 : vector<16xf32>
        %max3A_846 = arith.constant 1.000000e-24 : f32
        %max3A_847 = vector.broadcast %max3A_846 : f32 to vector<16xf32>
        %max3A_848 = arith.maximumf %add3A_845, %max3A_847 : vector<16xf32>
        %bitcast_convert_type3A_849 = tpu.bitcast %max3A_848 : vector<16xf32> -> vector<16xi32>
        %shift_right_arithmetic3A_850 = arith.constant 1 : i32
        %shift_right_arithmetic3A_851 = vector.broadcast %shift_right_arithmetic3A_850 : i32 to vector<16xi32>
        %shift_right_arithmetic3A_852 = arith.shrsi %bitcast_convert_type3A_849, %shift_right_arithmetic3A_851 : vector<16xi32>
        %sub3A_853 = arith.constant 1597463007 : i32
        %sub3A_854 = vector.broadcast %sub3A_853 : i32 to vector<16xi32>
        %sub3A_855 = arith.subi %sub3A_854, %shift_right_arithmetic3A_852 : vector<16xi32>
        %bitcast_convert_type3A_856 = tpu.bitcast %sub3A_855 : vector<16xi32> -> vector<16xf32>
        %mul3A_857 = arith.constant 5.000000e-01 : f32
        %mul3A_858 = vector.broadcast %mul3A_857 : f32 to vector<16xf32>
        %mul3A_859 = arith.mulf %max3A_848, %mul3A_858 : vector<16xf32>
        %mul3A_860 = arith.mulf %mul3A_859, %bitcast_convert_type3A_856 : vector<16xf32>
        %mul3A_861 = arith.mulf %mul3A_860, %bitcast_convert_type3A_856 : vector<16xf32>
        %sub3A_862 = arith.constant 1.500000e+00 : f32
        %sub3A_863 = vector.broadcast %sub3A_862 : f32 to vector<16xf32>
        %sub3A_864 = arith.subf %sub3A_863, %mul3A_861 : vector<16xf32>
        %mul3A_865 = arith.mulf %bitcast_convert_type3A_856, %sub3A_864 : vector<16xf32>
        %mul3A_866 = arith.mulf %max3A_848, %mul3A_865 : vector<16xf32>
        %add3A_867 = arith.addf %add3A_786, %mul3A_866 : vector<16xf32>
        %get3A_868 = arith.constant 0 : i32
        %get3A_869 = arith.constant 0 : i32
        %get3A_870 = tpu.memref_slice %arg11[%scan3A_555, %get3A_868, %get3A_869] : memref<2x128x128xf32, #tpu.memory_space<vmem>> -> memref<1x128x128xf32, #tpu.memory_space<vmem>>
        %get3A_871 = tpu.memref_squeeze %get3A_870 : memref<1x128x128xf32, #tpu.memory_space<vmem>> -> memref<128x128xf32, #tpu.memory_space<vmem>>
        %get3A_872 = arith.index_cast %add3A_708 : i32 to index
        %get3A_873 = arith.constant 32 : index
        %get3A_874 = tpu.vector_load %get3A_871[%get3A_872, %get3A_873] {strides = array<i32>} : memref<128x128xf32, #tpu.memory_space<vmem>>, vector<1x16xf32>,
        %get3A_875 = vector.shape_cast %get3A_874 : vector<1x16xf32> to vector<16xf32>
        %get3A_876 = arith.constant 0 : i32
        %get3A_877 = arith.constant 0 : i32
        %get3A_878 = tpu.memref_slice %arg11[%scan3A_555, %get3A_876, %get3A_877] : memref<2x128x128xf32, #tpu.memory_space<vmem>> -> memref<1x128x128xf32, #tpu.memory_space<vmem>>
        %get3A_879 = tpu.memref_squeeze %get3A_878 : memref<1x128x128xf32, #tpu.memory_space<vmem>> -> memref<128x128xf32, #tpu.memory_space<vmem>>
        %get3A_880 = arith.index_cast %add3A_708 : i32 to index
        %get3A_881 = arith.constant 96 : index
        %get3A_882 = tpu.vector_load %get3A_879[%get3A_880, %get3A_881] {strides = array<i32>} : memref<128x128xf32, #tpu.memory_space<vmem>>, vector<1x16xf32>,
        %get3A_883 = vector.shape_cast %get3A_882 : vector<1x16xf32> to vector<16xf32>
        %get3A_884 = arith.constant 0 : i32
        %get3A_885 = arith.constant 0 : i32
        %get3A_886 = tpu.memref_slice %arg12[%scan3A_556, %get3A_884, %get3A_885] : memref<2x128x128xf32, #tpu.memory_space<vmem>> -> memref<1x128x128xf32, #tpu.memory_space<vmem>>
        %get3A_887 = tpu.memref_squeeze %get3A_886 : memref<1x128x128xf32, #tpu.memory_space<vmem>> -> memref<128x128xf32, #tpu.memory_space<vmem>>
        %get3A_888 = arith.index_cast %add3A_708 : i32 to index
        %get3A_889 = arith.constant 32 : index
        %get3A_890 = tpu.vector_load %get3A_887[%get3A_888, %get3A_889] {strides = array<i32>} : memref<128x128xf32, #tpu.memory_space<vmem>>, vector<1x16xf32>,
        %get3A_891 = vector.shape_cast %get3A_890 : vector<1x16xf32> to vector<16xf32>
        %get3A_892 = arith.constant 0 : i32
        %get3A_893 = arith.constant 0 : i32
        %get3A_894 = tpu.memref_slice %arg12[%scan3A_556, %get3A_892, %get3A_893] : memref<2x128x128xf32, #tpu.memory_space<vmem>> -> memref<1x128x128xf32, #tpu.memory_space<vmem>>
        %get3A_895 = tpu.memref_squeeze %get3A_894 : memref<1x128x128xf32, #tpu.memory_space<vmem>> -> memref<128x128xf32, #tpu.memory_space<vmem>>
        %get3A_896 = arith.index_cast %add3A_708 : i32 to index
        %get3A_897 = arith.constant 96 : index
        %get3A_898 = tpu.vector_load %get3A_895[%get3A_896, %get3A_897] {strides = array<i32>} : memref<128x128xf32, #tpu.memory_space<vmem>>, vector<1x16xf32>,
        %get3A_899 = vector.shape_cast %get3A_898 : vector<1x16xf32> to vector<16xf32>
        %get3A_900 = arith.constant 0 : i32
        %get3A_901 = arith.constant 0 : i32
        %get3A_902 = tpu.memref_slice %arg13[%scan3A_557, %get3A_900, %get3A_901] : memref<2x128x128xf32, #tpu.memory_space<vmem>> -> memref<1x128x128xf32, #tpu.memory_space<vmem>>
        %get3A_903 = tpu.memref_squeeze %get3A_902 : memref<1x128x128xf32, #tpu.memory_space<vmem>> -> memref<128x128xf32, #tpu.memory_space<vmem>>
        %get3A_904 = arith.index_cast %add3A_708 : i32 to index
        %get3A_905 = arith.constant 32 : index
        %get3A_906 = tpu.vector_load %get3A_903[%get3A_904, %get3A_905] {strides = array<i32>} : memref<128x128xf32, #tpu.memory_space<vmem>>, vector<1x16xf32>,
        %get3A_907 = vector.shape_cast %get3A_906 : vector<1x16xf32> to vector<16xf32>
        %get3A_908 = arith.constant 0 : i32
        %get3A_909 = arith.constant 0 : i32
        %get3A_910 = tpu.memref_slice %arg13[%scan3A_557, %get3A_908, %get3A_909] : memref<2x128x128xf32, #tpu.memory_space<vmem>> -> memref<1x128x128xf32, #tpu.memory_space<vmem>>
        %get3A_911 = tpu.memref_squeeze %get3A_910 : memref<1x128x128xf32, #tpu.memory_space<vmem>> -> memref<128x128xf32, #tpu.memory_space<vmem>>
        %get3A_912 = arith.index_cast %add3A_708 : i32 to index
        %get3A_913 = arith.constant 96 : index
        %get3A_914 = tpu.vector_load %get3A_911[%get3A_912, %get3A_913] {strides = array<i32>} : memref<128x128xf32, #tpu.memory_space<vmem>>, vector<1x16xf32>,
        %get3A_915 = vector.shape_cast %get3A_914 : vector<1x16xf32> to vector<16xf32>
        %mul3A_916 = arith.mulf %get3A_875, %get3A_907 : vector<16xf32>
        %mul3A_917 = arith.mulf %get3A_883, %get3A_915 : vector<16xf32>
        %sub3A_918 = arith.subf %mul3A_916, %mul3A_917 : vector<16xf32>
        %sub3A_919 = arith.subf %sub3A_918, %get3A_891 : vector<16xf32>
        %mul3A_920 = arith.mulf %get3A_875, %get3A_915 : vector<16xf32>
        %mul3A_921 = arith.mulf %get3A_883, %get3A_907 : vector<16xf32>
        %add3A_922 = arith.addf %mul3A_920, %mul3A_921 : vector<16xf32>
        %sub3A_923 = arith.subf %add3A_922, %get3A_899 : vector<16xf32>
        %mul3A_924 = arith.mulf %sub3A_919, %sub3A_919 : vector<16xf32>
        %mul3A_925 = arith.mulf %sub3A_923, %sub3A_923 : vector<16xf32>
        %add3A_926 = arith.addf %mul3A_924, %mul3A_925 : vector<16xf32>
        %max3A_927 = arith.constant 1.000000e-24 : f32
        %max3A_928 = vector.broadcast %max3A_927 : f32 to vector<16xf32>
        %max3A_929 = arith.maximumf %add3A_926, %max3A_928 : vector<16xf32>
        %bitcast_convert_type3A_930 = tpu.bitcast %max3A_929 : vector<16xf32> -> vector<16xi32>
        %shift_right_arithmetic3A_931 = arith.constant 1 : i32
        %shift_right_arithmetic3A_932 = vector.broadcast %shift_right_arithmetic3A_931 : i32 to vector<16xi32>
        %shift_right_arithmetic3A_933 = arith.shrsi %bitcast_convert_type3A_930, %shift_right_arithmetic3A_932 : vector<16xi32>
        %sub3A_934 = arith.constant 1597463007 : i32
        %sub3A_935 = vector.broadcast %sub3A_934 : i32 to vector<16xi32>
        %sub3A_936 = arith.subi %sub3A_935, %shift_right_arithmetic3A_933 : vector<16xi32>
        %bitcast_convert_type3A_937 = tpu.bitcast %sub3A_936 : vector<16xi32> -> vector<16xf32>
        %mul3A_938 = arith.constant 5.000000e-01 : f32
        %mul3A_939 = vector.broadcast %mul3A_938 : f32 to vector<16xf32>
        %mul3A_940 = arith.mulf %max3A_929, %mul3A_939 : vector<16xf32>
        %mul3A_941 = arith.mulf %mul3A_940, %bitcast_convert_type3A_937 : vector<16xf32>
        %mul3A_942 = arith.mulf %mul3A_941, %bitcast_convert_type3A_937 : vector<16xf32>
        %sub3A_943 = arith.constant 1.500000e+00 : f32
        %sub3A_944 = vector.broadcast %sub3A_943 : f32 to vector<16xf32>
        %sub3A_945 = arith.subf %sub3A_944, %mul3A_942 : vector<16xf32>
        %mul3A_946 = arith.mulf %bitcast_convert_type3A_937, %sub3A_945 : vector<16xf32>
        %mul3A_947 = arith.mulf %max3A_929, %mul3A_946 : vector<16xf32>
        %add3A_948 = arith.addf %add3A_867, %mul3A_947 : vector<16xf32>
        %get3A_949 = arith.constant 0 : i32
        %get3A_950 = arith.constant 0 : i32
        %get3A_951 = tpu.memref_slice %arg11[%scan3A_555, %get3A_949, %get3A_950] : memref<2x128x128xf32, #tpu.memory_space<vmem>> -> memref<1x128x128xf32, #tpu.memory_space<vmem>>
        %get3A_952 = tpu.memref_squeeze %get3A_951 : memref<1x128x128xf32, #tpu.memory_space<vmem>> -> memref<128x128xf32, #tpu.memory_space<vmem>>
        %get3A_953 = arith.index_cast %add3A_708 : i32 to index
        %get3A_954 = arith.constant 48 : index
        %get3A_955 = tpu.vector_load %get3A_952[%get3A_953, %get3A_954] {strides = array<i32>} : memref<128x128xf32, #tpu.memory_space<vmem>>, vector<1x16xf32>,
        %get3A_956 = vector.shape_cast %get3A_955 : vector<1x16xf32> to vector<16xf32>
        %get3A_957 = arith.constant 0 : i32
        %get3A_958 = arith.constant 0 : i32
        %get3A_959 = tpu.memref_slice %arg11[%scan3A_555, %get3A_957, %get3A_958] : memref<2x128x128xf32, #tpu.memory_space<vmem>> -> memref<1x128x128xf32, #tpu.memory_space<vmem>>
        %get3A_960 = tpu.memref_squeeze %get3A_959 : memref<1x128x128xf32, #tpu.memory_space<vmem>> -> memref<128x128xf32, #tpu.memory_space<vmem>>
        %get3A_961 = arith.index_cast %add3A_708 : i32 to index
        %get3A_962 = arith.constant 112 : index
        %get3A_963 = tpu.vector_load %get3A_960[%get3A_961, %get3A_962] {strides = array<i32>} : memref<128x128xf32, #tpu.memory_space<vmem>>, vector<1x16xf32>,
        %get3A_964 = vector.shape_cast %get3A_963 : vector<1x16xf32> to vector<16xf32>
        %get3A_965 = arith.constant 0 : i32
        %get3A_966 = arith.constant 0 : i32
        %get3A_967 = tpu.memref_slice %arg12[%scan3A_556, %get3A_965, %get3A_966] : memref<2x128x128xf32, #tpu.memory_space<vmem>> -> memref<1x128x128xf32, #tpu.memory_space<vmem>>
        %get3A_968 = tpu.memref_squeeze %get3A_967 : memref<1x128x128xf32, #tpu.memory_space<vmem>> -> memref<128x128xf32, #tpu.memory_space<vmem>>
        %get3A_969 = arith.index_cast %add3A_708 : i32 to index
        %get3A_970 = arith.constant 48 : index
        %get3A_971 = tpu.vector_load %get3A_968[%get3A_969, %get3A_970] {strides = array<i32>} : memref<128x128xf32, #tpu.memory_space<vmem>>, vector<1x16xf32>,
        %get3A_972 = vector.shape_cast %get3A_971 : vector<1x16xf32> to vector<16xf32>
        %get3A_973 = arith.constant 0 : i32
        %get3A_974 = arith.constant 0 : i32
        %get3A_975 = tpu.memref_slice %arg12[%scan3A_556, %get3A_973, %get3A_974] : memref<2x128x128xf32, #tpu.memory_space<vmem>> -> memref<1x128x128xf32, #tpu.memory_space<vmem>>
        %get3A_976 = tpu.memref_squeeze %get3A_975 : memref<1x128x128xf32, #tpu.memory_space<vmem>> -> memref<128x128xf32, #tpu.memory_space<vmem>>
        %get3A_977 = arith.index_cast %add3A_708 : i32 to index
        %get3A_978 = arith.constant 112 : index
        %get3A_979 = tpu.vector_load %get3A_976[%get3A_977, %get3A_978] {strides = array<i32>} : memref<128x128xf32, #tpu.memory_space<vmem>>, vector<1x16xf32>,
        %get3A_980 = vector.shape_cast %get3A_979 : vector<1x16xf32> to vector<16xf32>
        %get3A_981 = arith.constant 0 : i32
        %get3A_982 = arith.constant 0 : i32
        %get3A_983 = tpu.memref_slice %arg13[%scan3A_557, %get3A_981, %get3A_982] : memref<2x128x128xf32, #tpu.memory_space<vmem>> -> memref<1x128x128xf32, #tpu.memory_space<vmem>>
        %get3A_984 = tpu.memref_squeeze %get3A_983 : memref<1x128x128xf32, #tpu.memory_space<vmem>> -> memref<128x128xf32, #tpu.memory_space<vmem>>
        %get3A_985 = arith.index_cast %add3A_708 : i32 to index
        %get3A_986 = arith.constant 48 : index
        %get3A_987 = tpu.vector_load %get3A_984[%get3A_985, %get3A_986] {strides = array<i32>} : memref<128x128xf32, #tpu.memory_space<vmem>>, vector<1x16xf32>,
        %get3A_988 = vector.shape_cast %get3A_987 : vector<1x16xf32> to vector<16xf32>
        %get3A_989 = arith.constant 0 : i32
        %get3A_990 = arith.constant 0 : i32
        %get3A_991 = tpu.memref_slice %arg13[%scan3A_557, %get3A_989, %get3A_990] : memref<2x128x128xf32, #tpu.memory_space<vmem>> -> memref<1x128x128xf32, #tpu.memory_space<vmem>>
        %get3A_992 = tpu.memref_squeeze %get3A_991 : memref<1x128x128xf32, #tpu.memory_space<vmem>> -> memref<128x128xf32, #tpu.memory_space<vmem>>
        %get3A_993 = arith.index_cast %add3A_708 : i32 to index
        %get3A_994 = arith.constant 112 : index
        %get3A_995 = tpu.vector_load %get3A_992[%get3A_993, %get3A_994] {strides = array<i32>} : memref<128x128xf32, #tpu.memory_space<vmem>>, vector<1x16xf32>,
        %get3A_996 = vector.shape_cast %get3A_995 : vector<1x16xf32> to vector<16xf32>
        %mul3A_997 = arith.mulf %get3A_956, %get3A_988 : vector<16xf32>
        %mul3A_998 = arith.mulf %get3A_964, %get3A_996 : vector<16xf32>
        %sub3A_999 = arith.subf %mul3A_997, %mul3A_998 : vector<16xf32>
        %sub3A_1000 = arith.subf %sub3A_999, %get3A_972 : vector<16xf32>
        %mul3A_1001 = arith.mulf %get3A_956, %get3A_996 : vector<16xf32>
        %mul3A_1002 = arith.mulf %get3A_964, %get3A_988 : vector<16xf32>
        %add3A_1003 = arith.addf %mul3A_1001, %mul3A_1002 : vector<16xf32>
        %sub3A_1004 = arith.subf %add3A_1003, %get3A_980 : vector<16xf32>
        %mul3A_1005 = arith.mulf %sub3A_1000, %sub3A_1000 : vector<16xf32>
        %mul3A_1006 = arith.mulf %sub3A_1004, %sub3A_1004 : vector<16xf32>
        %add3A_1007 = arith.addf %mul3A_1005, %mul3A_1006 : vector<16xf32>
        %max3A_1008 = arith.constant 1.000000e-24 : f32
        %max3A_1009 = vector.broadcast %max3A_1008 : f32 to vector<16xf32>
        %max3A_1010 = arith.maximumf %add3A_1007, %max3A_1009 : vector<16xf32>
        %bitcast_convert_type3A_1011 = tpu.bitcast %max3A_1010 : vector<16xf32> -> vector<16xi32>
        %shift_right_arithmetic3A_1012 = arith.constant 1 : i32
        %shift_right_arithmetic3A_1013 = vector.broadcast %shift_right_arithmetic3A_1012 : i32 to vector<16xi32>
        %shift_right_arithmetic3A_1014 = arith.shrsi %bitcast_convert_type3A_1011, %shift_right_arithmetic3A_1013 : vector<16xi32>
        %sub3A_1015 = arith.constant 1597463007 : i32
        %sub3A_1016 = vector.broadcast %sub3A_1015 : i32 to vector<16xi32>
        %sub3A_1017 = arith.subi %sub3A_1016, %shift_right_arithmetic3A_1014 : vector<16xi32>
        %bitcast_convert_type3A_1018 = tpu.bitcast %sub3A_1017 : vector<16xi32> -> vector<16xf32>
        %mul3A_1019 = arith.constant 5.000000e-01 : f32
        %mul3A_1020 = vector.broadcast %mul3A_1019 : f32 to vector<16xf32>
        %mul3A_1021 = arith.mulf %max3A_1010, %mul3A_1020 : vector<16xf32>
        %mul3A_1022 = arith.mulf %mul3A_1021, %bitcast_convert_type3A_1018 : vector<16xf32>
        %mul3A_1023 = arith.mulf %mul3A_1022, %bitcast_convert_type3A_1018 : vector<16xf32>
        %sub3A_1024 = arith.constant 1.500000e+00 : f32
        %sub3A_1025 = vector.broadcast %sub3A_1024 : f32 to vector<16xf32>
        %sub3A_1026 = arith.subf %sub3A_1025, %mul3A_1023 : vector<16xf32>
        %mul3A_1027 = arith.mulf %bitcast_convert_type3A_1018, %sub3A_1026 : vector<16xf32>
        %mul3A_1028 = arith.mulf %max3A_1010, %mul3A_1027 : vector<16xf32>
        %add3A_1029 = arith.addf %add3A_948, %mul3A_1028 : vector<16xf32>
        %xor3A = arith.constant 1 : i32
        %xor3A_1030 = vector.broadcast %xor3A : i32 to vector<16xi32>
        %xor3A_1031 = arith.xori %iota3A, %xor3A_1030 : vector<16xi32>
        %broadcast_in_dim3A_1032 = vector.shape_cast %xor3A_1031 : vector<16xi32> to vector<16x1xi32>
        %gather3A = vector.shape_cast %broadcast_in_dim3A_1032 : vector<16x1xi32> to vector<16xi32>
        %gather3A_1033 = tpu.dynamic_gather %add3A_1029[%gather3A] in [0] : vector<16xf32>, vector<16xi32> -> vector<16xf32>
        %add3A_1034 = arith.addf %add3A_1029, %gather3A_1033 : vector<16xf32>
        %xor3A_1035 = arith.constant 2 : i32
        %xor3A_1036 = vector.broadcast %xor3A_1035 : i32 to vector<16xi32>
        %xor3A_1037 = arith.xori %iota3A, %xor3A_1036 : vector<16xi32>
        %broadcast_in_dim3A_1038 = vector.shape_cast %xor3A_1037 : vector<16xi32> to vector<16x1xi32>
        %gather3A_1039 = vector.shape_cast %broadcast_in_dim3A_1038 : vector<16x1xi32> to vector<16xi32>
        %gather3A_1040 = tpu.dynamic_gather %add3A_1034[%gather3A_1039] in [0] : vector<16xf32>, vector<16xi32> -> vector<16xf32>
        %add3A_1041 = arith.addf %add3A_1034, %gather3A_1040 : vector<16xf32>
        %xor3A_1042 = arith.constant 4 : i32
        %xor3A_1043 = vector.broadcast %xor3A_1042 : i32 to vector<16xi32>
        %xor3A_1044 = arith.xori %iota3A, %xor3A_1043 : vector<16xi32>
        %broadcast_in_dim3A_1045 = vector.shape_cast %xor3A_1044 : vector<16xi32> to vector<16x1xi32>
        %gather3A_1046 = vector.shape_cast %broadcast_in_dim3A_1045 : vector<16x1xi32> to vector<16xi32>
        %gather3A_1047 = tpu.dynamic_gather %add3A_1041[%gather3A_1046] in [0] : vector<16xf32>, vector<16xi32> -> vector<16xf32>
        %add3A_1048 = arith.addf %add3A_1041, %gather3A_1047 : vector<16xf32>
        %xor3A_1049 = arith.constant 8 : i32
        %xor3A_1050 = vector.broadcast %xor3A_1049 : i32 to vector<16xi32>
        %xor3A_1051 = arith.xori %iota3A, %xor3A_1050 : vector<16xi32>
        %broadcast_in_dim3A_1052 = vector.shape_cast %xor3A_1051 : vector<16xi32> to vector<16x1xi32>
        %gather3A_1053 = vector.shape_cast %broadcast_in_dim3A_1052 : vector<16x1xi32> to vector<16xi32>
        %gather3A_1054 = tpu.dynamic_gather %add3A_1048[%gather3A_1053] in [0] : vector<16xf32>, vector<16xi32> -> vector<16xf32>
        %add3A_1055 = arith.addf %add3A_1048, %gather3A_1054 : vector<16xf32>
        %mul3A_1056 = arith.constant 1.00094593 : f32
        %mul3A_1057 = vector.broadcast %mul3A_1056 : f32 to vector<16xf32>
        %mul3A_1058 = arith.mulf %add3A_1055, %mul3A_1057 : vector<16xf32>
        %sub3A_1059 = arith.constant 1.200000e+01 : f32
        %sub3A_1060 = vector.broadcast %sub3A_1059 : f32 to vector<16xf32>
        %sub3A_1061 = arith.subf %sub3A_1060, %mul3A_1058 : vector<16xf32>
        %eq3A = vector.broadcast %scan3A_704 : i32 to vector<16xi32>
        %eq3A_1062 = arith.cmpi eq, %iota3A, %eq3A : vector<16xi32>
        %select_n3A = arith.select %eq3A_1062, %sub3A_1061, %scan3A_705 : vector<16xi1>, vector<16xf32>
        scf.yield %select_n3A : vector<16xf32>
      }
      %scan3A_696 = arith.constant 16 : i32
      %mul3A_697 = arith.constant 16 : i32
      %mul3A_698 = arith.muli %scan3A_689, %mul3A_697 : i32
      %add3A_699 = arith.constant 128 : i32
      %add3A_700 = arith.addi %add3A_699, %mul3A_698 : i32
      %swap3A = arith.index_cast %add3A_700 : i32 to index
      %swap3A_701 = tpu.vector_load %arg14[%swap3A] {strides = array<i32>} : memref<512xf32, #tpu.memory_space<vmem>>, vector<16xf32>,
      %swap3A_702 = vector.shape_cast %swap3A_701 : vector<16xf32> to vector<16xf32>
      %swap3A_703 = vector.shape_cast %scan3A_695 : vector<16xf32> to vector<16xf32>
      tpu.vector_store %arg14[%swap3A], %swap3A_703 {strides = array<i32>} : memref<512xf32, #tpu.memory_space<vmem>>, vector<16xf32>,
    }
    %scan3A_562 = arith.constant 8 : i32
    %dma_start3A_563 = arith.constant 3 : i32
    %dma_start3A_564 = arith.constant 1 : i32
    %dma_start3A_565 = arith.constant 0 : i32
    %dma_start3A_566 = arith.constant 0 : i32
    %dma_start3A_567 = tpu.memref_slice %arg11[%dma_start3A_564, %dma_start3A_565, %dma_start3A_566] : memref<2x128x128xf32, #tpu.memory_space<vmem>> -> memref<1x128x128xf32, #tpu.memory_space<vmem>>
    %dma_start3A_568 = tpu.memref_squeeze %dma_start3A_567 : memref<1x128x128xf32, #tpu.memory_space<vmem>> -> memref<128x128xf32, #tpu.memory_space<vmem>>
    %dma_start3A_569 = arith.constant 0 : i32
    %dma_start3A_570 = tpu.memref_slice %arg8[%dma_start3A_563, %dma_start3A_569] : memref<4x128xi32, #tpu.memory_space<vmem>> -> memref<1x128xi32, #tpu.memory_space<vmem>>
    %dma_start3A_571 = tpu.memref_squeeze %dma_start3A_570 : memref<1x128xi32, #tpu.memory_space<vmem>> -> memref<128xi32, #tpu.memory_space<vmem>>
    %dma_start3A_572 = arith.constant 0 : i32
    %dma_start3A_573 = arith.constant 0 : i32
    %dma_start3A_574 = tpu.memref_slice %arg5[%dma_start3A_572, %dma_start3A_573] : memref<1000000x128xf32, #tpu.memory_space<hbm>> -> memref<1000000x128xf32, #tpu.memory_space<hbm>>
    tpu.enqueue_indirect_dma source(%dma_start3A_574 : memref<1000000x128xf32, #tpu.memory_space<hbm>>) target(%dma_start3A_568 : memref<128x128xf32, #tpu.memory_space<vmem>>) offsets(%dma_start3A_571 : memref<128xi32, #tpu.memory_space<vmem>>) semaphore(%arg16 : memref<!tpu.dma_semaphore, #tpu.memory_space<semaphore_mem>>)
    %dma_start3A_575 = arith.constant 3 : i32
    %dma_start3A_576 = arith.constant 1 : i32
    %dma_start3A_577 = arith.constant 0 : i32
    %dma_start3A_578 = arith.constant 0 : i32
    %dma_start3A_579 = tpu.memref_slice %arg12[%dma_start3A_576, %dma_start3A_577, %dma_start3A_578] : memref<2x128x128xf32, #tpu.memory_space<vmem>> -> memref<1x128x128xf32, #tpu.memory_space<vmem>>
    %dma_start3A_580 = tpu.memref_squeeze %dma_start3A_579 : memref<1x128x128xf32, #tpu.memory_space<vmem>> -> memref<128x128xf32, #tpu.memory_space<vmem>>
    %dma_start3A_581 = arith.constant 0 : i32
    %dma_start3A_582 = tpu.memref_slice %arg9[%dma_start3A_575, %dma_start3A_581] : memref<4x128xi32, #tpu.memory_space<vmem>> -> memref<1x128xi32, #tpu.memory_space<vmem>>
    %dma_start3A_583 = tpu.memref_squeeze %dma_start3A_582 : memref<1x128xi32, #tpu.memory_space<vmem>> -> memref<128xi32, #tpu.memory_space<vmem>>
    %dma_start3A_584 = arith.constant 0 : i32
    %dma_start3A_585 = arith.constant 0 : i32
    %dma_start3A_586 = tpu.memref_slice %arg5[%dma_start3A_584, %dma_start3A_585] : memref<1000000x128xf32, #tpu.memory_space<hbm>> -> memref<1000000x128xf32, #tpu.memory_space<hbm>>
    tpu.enqueue_indirect_dma source(%dma_start3A_586 : memref<1000000x128xf32, #tpu.memory_space<hbm>>) target(%dma_start3A_580 : memref<128x128xf32, #tpu.memory_space<vmem>>) offsets(%dma_start3A_583 : memref<128xi32, #tpu.memory_space<vmem>>) semaphore(%arg16 : memref<!tpu.dma_semaphore, #tpu.memory_space<semaphore_mem>>)
    %dma_start3A_587 = arith.constant 3 : i32
    %dma_start3A_588 = arith.constant 1 : i32
    %dma_start3A_589 = arith.constant 0 : i32
    %dma_start3A_590 = arith.constant 0 : i32
    %dma_start3A_591 = tpu.memref_slice %arg13[%dma_start3A_588, %dma_start3A_589, %dma_start3A_590] : memref<2x128x128xf32, #tpu.memory_space<vmem>> -> memref<1x128x128xf32, #tpu.memory_space<vmem>>
    %dma_start3A_592 = tpu.memref_squeeze %dma_start3A_591 : memref<1x128x128xf32, #tpu.memory_space<vmem>> -> memref<128x128xf32, #tpu.memory_space<vmem>>
    %dma_start3A_593 = arith.constant 0 : i32
    %dma_start3A_594 = tpu.memref_slice %arg10[%dma_start3A_587, %dma_start3A_593] : memref<4x128xi32, #tpu.memory_space<vmem>> -> memref<1x128xi32, #tpu.memory_space<vmem>>
    %dma_start3A_595 = tpu.memref_squeeze %dma_start3A_594 : memref<1x128xi32, #tpu.memory_space<vmem>> -> memref<128xi32, #tpu.memory_space<vmem>>
    %dma_start3A_596 = arith.constant 0 : i32
    %dma_start3A_597 = arith.constant 0 : i32
    %dma_start3A_598 = tpu.memref_slice %arg6[%dma_start3A_596, %dma_start3A_597] : memref<512x128xf32, #tpu.memory_space<hbm>> -> memref<512x128xf32, #tpu.memory_space<hbm>>
    tpu.enqueue_indirect_dma source(%dma_start3A_598 : memref<512x128xf32, #tpu.memory_space<hbm>>) target(%dma_start3A_592 : memref<128x128xf32, #tpu.memory_space<vmem>>) offsets(%dma_start3A_595 : memref<128xi32, #tpu.memory_space<vmem>>) semaphore(%arg16 : memref<!tpu.dma_semaphore, #tpu.memory_space<semaphore_mem>>)
    %dma_wait3A_599 = arith.constant 2 : i32
    %dma_wait3A_600 = arith.constant 0 : i32
    %dma_wait3A_601 = arith.constant 0 : i32
    %dma_wait3A_602 = arith.constant 0 : i32
    %dma_wait3A_603 = tpu.memref_slice %arg11[%dma_wait3A_600, %dma_wait3A_601, %dma_wait3A_602] : memref<2x128x128xf32, #tpu.memory_space<vmem>> -> memref<1x128x128xf32, #tpu.memory_space<vmem>>
    %dma_wait3A_604 = tpu.memref_squeeze %dma_wait3A_603 : memref<1x128x128xf32, #tpu.memory_space<vmem>> -> memref<128x128xf32, #tpu.memory_space<vmem>>
    %dma_wait3A_605 = arith.constant 0 : i32
    %dma_wait3A_606 = tpu.memref_slice %arg8[%dma_wait3A_599, %dma_wait3A_605] : memref<4x128xi32, #tpu.memory_space<vmem>> -> memref<1x128xi32, #tpu.memory_space<vmem>>
    %dma_wait3A_607 = tpu.memref_squeeze %dma_wait3A_606 : memref<1x128xi32, #tpu.memory_space<vmem>> -> memref<128xi32, #tpu.memory_space<vmem>>
    %dma_wait3A_608 = arith.constant 0 : i32
    %dma_wait3A_609 = arith.constant 0 : i32
    %dma_wait3A_610 = tpu.memref_slice %arg5[%dma_wait3A_608, %dma_wait3A_609] : memref<1000000x128xf32, #tpu.memory_space<hbm>> -> memref<1000000x128xf32, #tpu.memory_space<hbm>>
    tpu.wait_indirect_dma semaphore(%arg15 : memref<!tpu.dma_semaphore, #tpu.memory_space<semaphore_mem>>) src(%dma_wait3A_610 : memref<1000000x128xf32, #tpu.memory_space<hbm>>) dst(%dma_wait3A_604 : memref<128x128xf32, #tpu.memory_space<vmem>>)
    %dma_wait3A_611 = arith.constant 2 : i32
    %dma_wait3A_612 = arith.constant 0 : i32
    %dma_wait3A_613 = arith.constant 0 : i32
    %dma_wait3A_614 = arith.constant 0 : i32
    %dma_wait3A_615 = tpu.memref_slice %arg12[%dma_wait3A_612, %dma_wait3A_613, %dma_wait3A_614] : memref<2x128x128xf32, #tpu.memory_space<vmem>> -> memref<1x128x128xf32, #tpu.memory_space<vmem>>
    %dma_wait3A_616 = tpu.memref_squeeze %dma_wait3A_615 : memref<1x128x128xf32, #tpu.memory_space<vmem>> -> memref<128x128xf32, #tpu.memory_space<vmem>>
    %dma_wait3A_617 = arith.constant 0 : i32
    %dma_wait3A_618 = tpu.memref_slice %arg9[%dma_wait3A_611, %dma_wait3A_617] : memref<4x128xi32, #tpu.memory_space<vmem>> -> memref<1x128xi32, #tpu.memory_space<vmem>>
    %dma_wait3A_619 = tpu.memref_squeeze %dma_wait3A_618 : memref<1x128xi32, #tpu.memory_space<vmem>> -> memref<128xi32, #tpu.memory_space<vmem>>
    %dma_wait3A_620 = arith.constant 0 : i32
    %dma_wait3A_621 = arith.constant 0 : i32
    %dma_wait3A_622 = tpu.memref_slice %arg5[%dma_wait3A_620, %dma_wait3A_621] : memref<1000000x128xf32, #tpu.memory_space<hbm>> -> memref<1000000x128xf32, #tpu.memory_space<hbm>>
    tpu.wait_indirect_dma semaphore(%arg15 : memref<!tpu.dma_semaphore, #tpu.memory_space<semaphore_mem>>) src(%dma_wait3A_622 : memref<1000000x128xf32, #tpu.memory_space<hbm>>) dst(%dma_wait3A_616 : memref<128x128xf32, #tpu.memory_space<vmem>>)
    %dma_wait3A_623 = arith.constant 2 : i32
    %dma_wait3A_624 = arith.constant 0 : i32
    %dma_wait3A_625 = arith.constant 0 : i32
    %dma_wait3A_626 = arith.constant 0 : i32
    %dma_wait3A_627 = tpu.memref_slice %arg13[%dma_wait3A_624, %dma_wait3A_625, %dma_wait3A_626] : memref<2x128x128xf32, #tpu.memory_space<vmem>> -> memref<1x128x128xf32, #tpu.memory_space<vmem>>
    %dma_wait3A_628 = tpu.memref_squeeze %dma_wait3A_627 : memref<1x128x128xf32, #tpu.memory_space<vmem>> -> memref<128x128xf32, #tpu.memory_space<vmem>>
    %dma_wait3A_629 = arith.constant 0 : i32
    %dma_wait3A_630 = tpu.memref_slice %arg10[%dma_wait3A_623, %dma_wait3A_629] : memref<4x128xi32, #tpu.memory_space<vmem>> -> memref<1x128xi32, #tpu.memory_space<vmem>>
    %dma_wait3A_631 = tpu.memref_squeeze %dma_wait3A_630 : memref<1x128xi32, #tpu.memory_space<vmem>> -> memref<128xi32, #tpu.memory_space<vmem>>
    %dma_wait3A_632 = arith.constant 0 : i32
    %dma_wait3A_633 = arith.constant 0 : i32
    %dma_wait3A_634 = tpu.memref_slice %arg6[%dma_wait3A_632, %dma_wait3A_633] : memref<512x128xf32, #tpu.memory_space<hbm>> -> memref<512x128xf32, #tpu.memory_space<hbm>>
    tpu.wait_indirect_dma semaphore(%arg15 : memref<!tpu.dma_semaphore, #tpu.memory_space<semaphore_mem>>) src(%dma_wait3A_634 : memref<512x128xf32, #tpu.memory_space<hbm>>) dst(%dma_wait3A_628 : memref<128x128xf32, #tpu.memory_space<vmem>>)
    %scan3A_635 = arith.constant 0 : i32
    %scan3A_636 = arith.constant 0 : i32
    %scan3A_637 = arith.constant 0 : i32
    %scan3A_638 = arith.constant 0 : i32
    %scan3A_639 = arith.constant 0 : i32
    %scan3A_640 = arith.constant 8 : i32
    %scan3A_641 = arith.addi %scan3A_639, %scan3A_640 : i32
    %scan3A_642 = arith.constant 1 : i32
    scf.for %scan3A_689 = %scan3A_639 to %scan3A_641 step %scan3A_642  : i32 {
      %broadcast_in_dim3A = arith.constant 0.000000e+00 : f32
      %broadcast_in_dim3A_690 = vector.broadcast %broadcast_in_dim3A : f32 to vector<16xf32>
      %scan3A_691 = arith.constant 0 : i32
      %scan3A_692 = arith.constant 16 : i32
      %scan3A_693 = arith.addi %scan3A_691, %scan3A_692 : i32
      %scan3A_694 = arith.constant 1 : i32
      %scan3A_695 = scf.for %scan3A_704 = %scan3A_691 to %scan3A_693 step %scan3A_694 iter_args(%scan3A_705 = %broadcast_in_dim3A_690) -> (vector<16xf32>)  : i32 {
        %mul3A_706 = arith.constant 16 : i32
        %mul3A_707 = arith.muli %scan3A_689, %mul3A_706 : i32
        %add3A_708 = arith.addi %mul3A_707, %scan3A_704 : i32
        %broadcast_in_dim3A_709 = arith.constant 0.000000e+00 : f32
        %broadcast_in_dim3A_710 = vector.broadcast %broadcast_in_dim3A_709 : f32 to vector<16xf32>
        %get3A = arith.constant 0 : i32
        %get3A_711 = arith.constant 0 : i32
        %get3A_712 = tpu.memref_slice %arg11[%scan3A_636, %get3A, %get3A_711] : memref<2x128x128xf32, #tpu.memory_space<vmem>> -> memref<1x128x128xf32, #tpu.memory_space<vmem>>
        %get3A_713 = tpu.memref_squeeze %get3A_712 : memref<1x128x128xf32, #tpu.memory_space<vmem>> -> memref<128x128xf32, #tpu.memory_space<vmem>>
        %get3A_714 = arith.index_cast %add3A_708 : i32 to index
        %get3A_715 = arith.constant 0 : index
        %get3A_716 = tpu.vector_load %get3A_713[%get3A_714, %get3A_715] {strides = array<i32>} : memref<128x128xf32, #tpu.memory_space<vmem>>, vector<1x16xf32>,
        %get3A_717 = vector.shape_cast %get3A_716 : vector<1x16xf32> to vector<16xf32>
        %get3A_718 = arith.constant 0 : i32
        %get3A_719 = arith.constant 0 : i32
        %get3A_720 = tpu.memref_slice %arg11[%scan3A_636, %get3A_718, %get3A_719] : memref<2x128x128xf32, #tpu.memory_space<vmem>> -> memref<1x128x128xf32, #tpu.memory_space<vmem>>
        %get3A_721 = tpu.memref_squeeze %get3A_720 : memref<1x128x128xf32, #tpu.memory_space<vmem>> -> memref<128x128xf32, #tpu.memory_space<vmem>>
        %get3A_722 = arith.index_cast %add3A_708 : i32 to index
        %get3A_723 = arith.constant 64 : index
        %get3A_724 = tpu.vector_load %get3A_721[%get3A_722, %get3A_723] {strides = array<i32>} : memref<128x128xf32, #tpu.memory_space<vmem>>, vector<1x16xf32>,
        %get3A_725 = vector.shape_cast %get3A_724 : vector<1x16xf32> to vector<16xf32>
        %get3A_726 = arith.constant 0 : i32
        %get3A_727 = arith.constant 0 : i32
        %get3A_728 = tpu.memref_slice %arg12[%scan3A_637, %get3A_726, %get3A_727] : memref<2x128x128xf32, #tpu.memory_space<vmem>> -> memref<1x128x128xf32, #tpu.memory_space<vmem>>
        %get3A_729 = tpu.memref_squeeze %get3A_728 : memref<1x128x128xf32, #tpu.memory_space<vmem>> -> memref<128x128xf32, #tpu.memory_space<vmem>>
        %get3A_730 = arith.index_cast %add3A_708 : i32 to index
        %get3A_731 = arith.constant 0 : index
        %get3A_732 = tpu.vector_load %get3A_729[%get3A_730, %get3A_731] {strides = array<i32>} : memref<128x128xf32, #tpu.memory_space<vmem>>, vector<1x16xf32>,
        %get3A_733 = vector.shape_cast %get3A_732 : vector<1x16xf32> to vector<16xf32>
        %get3A_734 = arith.constant 0 : i32
        %get3A_735 = arith.constant 0 : i32
        %get3A_736 = tpu.memref_slice %arg12[%scan3A_637, %get3A_734, %get3A_735] : memref<2x128x128xf32, #tpu.memory_space<vmem>> -> memref<1x128x128xf32, #tpu.memory_space<vmem>>
        %get3A_737 = tpu.memref_squeeze %get3A_736 : memref<1x128x128xf32, #tpu.memory_space<vmem>> -> memref<128x128xf32, #tpu.memory_space<vmem>>
        %get3A_738 = arith.index_cast %add3A_708 : i32 to index
        %get3A_739 = arith.constant 64 : index
        %get3A_740 = tpu.vector_load %get3A_737[%get3A_738, %get3A_739] {strides = array<i32>} : memref<128x128xf32, #tpu.memory_space<vmem>>, vector<1x16xf32>,
        %get3A_741 = vector.shape_cast %get3A_740 : vector<1x16xf32> to vector<16xf32>
        %get3A_742 = arith.constant 0 : i32
        %get3A_743 = arith.constant 0 : i32
        %get3A_744 = tpu.memref_slice %arg13[%scan3A_638, %get3A_742, %get3A_743] : memref<2x128x128xf32, #tpu.memory_space<vmem>> -> memref<1x128x128xf32, #tpu.memory_space<vmem>>
        %get3A_745 = tpu.memref_squeeze %get3A_744 : memref<1x128x128xf32, #tpu.memory_space<vmem>> -> memref<128x128xf32, #tpu.memory_space<vmem>>
        %get3A_746 = arith.index_cast %add3A_708 : i32 to index
        %get3A_747 = arith.constant 0 : index
        %get3A_748 = tpu.vector_load %get3A_745[%get3A_746, %get3A_747] {strides = array<i32>} : memref<128x128xf32, #tpu.memory_space<vmem>>, vector<1x16xf32>,
        %get3A_749 = vector.shape_cast %get3A_748 : vector<1x16xf32> to vector<16xf32>
        %get3A_750 = arith.constant 0 : i32
        %get3A_751 = arith.constant 0 : i32
        %get3A_752 = tpu.memref_slice %arg13[%scan3A_638, %get3A_750, %get3A_751] : memref<2x128x128xf32, #tpu.memory_space<vmem>> -> memref<1x128x128xf32, #tpu.memory_space<vmem>>
        %get3A_753 = tpu.memref_squeeze %get3A_752 : memref<1x128x128xf32, #tpu.memory_space<vmem>> -> memref<128x128xf32, #tpu.memory_space<vmem>>
        %get3A_754 = arith.index_cast %add3A_708 : i32 to index
        %get3A_755 = arith.constant 64 : index
        %get3A_756 = tpu.vector_load %get3A_753[%get3A_754, %get3A_755] {strides = array<i32>} : memref<128x128xf32, #tpu.memory_space<vmem>>, vector<1x16xf32>,
        %get3A_757 = vector.shape_cast %get3A_756 : vector<1x16xf32> to vector<16xf32>
        %mul3A_758 = arith.mulf %get3A_717, %get3A_749 : vector<16xf32>
        %mul3A_759 = arith.mulf %get3A_725, %get3A_757 : vector<16xf32>
        %sub3A = arith.subf %mul3A_758, %mul3A_759 : vector<16xf32>
        %sub3A_760 = arith.subf %sub3A, %get3A_733 : vector<16xf32>
        %mul3A_761 = arith.mulf %get3A_717, %get3A_757 : vector<16xf32>
        %mul3A_762 = arith.mulf %get3A_725, %get3A_749 : vector<16xf32>
        %add3A_763 = arith.addf %mul3A_761, %mul3A_762 : vector<16xf32>
        %sub3A_764 = arith.subf %add3A_763, %get3A_741 : vector<16xf32>
        %mul3A_765 = arith.mulf %sub3A_760, %sub3A_760 : vector<16xf32>
        %mul3A_766 = arith.mulf %sub3A_764, %sub3A_764 : vector<16xf32>
        %add3A_767 = arith.addf %mul3A_765, %mul3A_766 : vector<16xf32>
        %max3A = arith.constant 1.000000e-24 : f32
        %max3A_768 = vector.broadcast %max3A : f32 to vector<16xf32>
        %max3A_769 = arith.maximumf %add3A_767, %max3A_768 : vector<16xf32>
        %bitcast_convert_type3A = tpu.bitcast %max3A_769 : vector<16xf32> -> vector<16xi32>
        %shift_right_arithmetic3A = arith.constant 1 : i32
        %shift_right_arithmetic3A_770 = vector.broadcast %shift_right_arithmetic3A : i32 to vector<16xi32>
        %shift_right_arithmetic3A_771 = arith.shrsi %bitcast_convert_type3A, %shift_right_arithmetic3A_770 : vector<16xi32>
        %sub3A_772 = arith.constant 1597463007 : i32
        %sub3A_773 = vector.broadcast %sub3A_772 : i32 to vector<16xi32>
        %sub3A_774 = arith.subi %sub3A_773, %shift_right_arithmetic3A_771 : vector<16xi32>
        %bitcast_convert_type3A_775 = tpu.bitcast %sub3A_774 : vector<16xi32> -> vector<16xf32>
        %mul3A_776 = arith.constant 5.000000e-01 : f32
        %mul3A_777 = vector.broadcast %mul3A_776 : f32 to vector<16xf32>
        %mul3A_778 = arith.mulf %max3A_769, %mul3A_777 : vector<16xf32>
        %mul3A_779 = arith.mulf %mul3A_778, %bitcast_convert_type3A_775 : vector<16xf32>
        %mul3A_780 = arith.mulf %mul3A_779, %bitcast_convert_type3A_775 : vector<16xf32>
        %sub3A_781 = arith.constant 1.500000e+00 : f32
        %sub3A_782 = vector.broadcast %sub3A_781 : f32 to vector<16xf32>
        %sub3A_783 = arith.subf %sub3A_782, %mul3A_780 : vector<16xf32>
        %mul3A_784 = arith.mulf %bitcast_convert_type3A_775, %sub3A_783 : vector<16xf32>
        %mul3A_785 = arith.mulf %max3A_769, %mul3A_784 : vector<16xf32>
        %add3A_786 = arith.addf %broadcast_in_dim3A_710, %mul3A_785 : vector<16xf32>
        %get3A_787 = arith.constant 0 : i32
        %get3A_788 = arith.constant 0 : i32
        %get3A_789 = tpu.memref_slice %arg11[%scan3A_636, %get3A_787, %get3A_788] : memref<2x128x128xf32, #tpu.memory_space<vmem>> -> memref<1x128x128xf32, #tpu.memory_space<vmem>>
        %get3A_790 = tpu.memref_squeeze %get3A_789 : memref<1x128x128xf32, #tpu.memory_space<vmem>> -> memref<128x128xf32, #tpu.memory_space<vmem>>
        %get3A_791 = arith.index_cast %add3A_708 : i32 to index
        %get3A_792 = arith.constant 16 : index
        %get3A_793 = tpu.vector_load %get3A_790[%get3A_791, %get3A_792] {strides = array<i32>} : memref<128x128xf32, #tpu.memory_space<vmem>>, vector<1x16xf32>,
        %get3A_794 = vector.shape_cast %get3A_793 : vector<1x16xf32> to vector<16xf32>
        %get3A_795 = arith.constant 0 : i32
        %get3A_796 = arith.constant 0 : i32
        %get3A_797 = tpu.memref_slice %arg11[%scan3A_636, %get3A_795, %get3A_796] : memref<2x128x128xf32, #tpu.memory_space<vmem>> -> memref<1x128x128xf32, #tpu.memory_space<vmem>>
        %get3A_798 = tpu.memref_squeeze %get3A_797 : memref<1x128x128xf32, #tpu.memory_space<vmem>> -> memref<128x128xf32, #tpu.memory_space<vmem>>
        %get3A_799 = arith.index_cast %add3A_708 : i32 to index
        %get3A_800 = arith.constant 80 : index
        %get3A_801 = tpu.vector_load %get3A_798[%get3A_799, %get3A_800] {strides = array<i32>} : memref<128x128xf32, #tpu.memory_space<vmem>>, vector<1x16xf32>,
        %get3A_802 = vector.shape_cast %get3A_801 : vector<1x16xf32> to vector<16xf32>
        %get3A_803 = arith.constant 0 : i32
        %get3A_804 = arith.constant 0 : i32
        %get3A_805 = tpu.memref_slice %arg12[%scan3A_637, %get3A_803, %get3A_804] : memref<2x128x128xf32, #tpu.memory_space<vmem>> -> memref<1x128x128xf32, #tpu.memory_space<vmem>>
        %get3A_806 = tpu.memref_squeeze %get3A_805 : memref<1x128x128xf32, #tpu.memory_space<vmem>> -> memref<128x128xf32, #tpu.memory_space<vmem>>
        %get3A_807 = arith.index_cast %add3A_708 : i32 to index
        %get3A_808 = arith.constant 16 : index
        %get3A_809 = tpu.vector_load %get3A_806[%get3A_807, %get3A_808] {strides = array<i32>} : memref<128x128xf32, #tpu.memory_space<vmem>>, vector<1x16xf32>,
        %get3A_810 = vector.shape_cast %get3A_809 : vector<1x16xf32> to vector<16xf32>
        %get3A_811 = arith.constant 0 : i32
        %get3A_812 = arith.constant 0 : i32
        %get3A_813 = tpu.memref_slice %arg12[%scan3A_637, %get3A_811, %get3A_812] : memref<2x128x128xf32, #tpu.memory_space<vmem>> -> memref<1x128x128xf32, #tpu.memory_space<vmem>>
        %get3A_814 = tpu.memref_squeeze %get3A_813 : memref<1x128x128xf32, #tpu.memory_space<vmem>> -> memref<128x128xf32, #tpu.memory_space<vmem>>
        %get3A_815 = arith.index_cast %add3A_708 : i32 to index
        %get3A_816 = arith.constant 80 : index
        %get3A_817 = tpu.vector_load %get3A_814[%get3A_815, %get3A_816] {strides = array<i32>} : memref<128x128xf32, #tpu.memory_space<vmem>>, vector<1x16xf32>,
        %get3A_818 = vector.shape_cast %get3A_817 : vector<1x16xf32> to vector<16xf32>
        %get3A_819 = arith.constant 0 : i32
        %get3A_820 = arith.constant 0 : i32
        %get3A_821 = tpu.memref_slice %arg13[%scan3A_638, %get3A_819, %get3A_820] : memref<2x128x128xf32, #tpu.memory_space<vmem>> -> memref<1x128x128xf32, #tpu.memory_space<vmem>>
        %get3A_822 = tpu.memref_squeeze %get3A_821 : memref<1x128x128xf32, #tpu.memory_space<vmem>> -> memref<128x128xf32, #tpu.memory_space<vmem>>
        %get3A_823 = arith.index_cast %add3A_708 : i32 to index
        %get3A_824 = arith.constant 16 : index
        %get3A_825 = tpu.vector_load %get3A_822[%get3A_823, %get3A_824] {strides = array<i32>} : memref<128x128xf32, #tpu.memory_space<vmem>>, vector<1x16xf32>,
        %get3A_826 = vector.shape_cast %get3A_825 : vector<1x16xf32> to vector<16xf32>
        %get3A_827 = arith.constant 0 : i32
        %get3A_828 = arith.constant 0 : i32
        %get3A_829 = tpu.memref_slice %arg13[%scan3A_638, %get3A_827, %get3A_828] : memref<2x128x128xf32, #tpu.memory_space<vmem>> -> memref<1x128x128xf32, #tpu.memory_space<vmem>>
        %get3A_830 = tpu.memref_squeeze %get3A_829 : memref<1x128x128xf32, #tpu.memory_space<vmem>> -> memref<128x128xf32, #tpu.memory_space<vmem>>
        %get3A_831 = arith.index_cast %add3A_708 : i32 to index
        %get3A_832 = arith.constant 80 : index
        %get3A_833 = tpu.vector_load %get3A_830[%get3A_831, %get3A_832] {strides = array<i32>} : memref<128x128xf32, #tpu.memory_space<vmem>>, vector<1x16xf32>,
        %get3A_834 = vector.shape_cast %get3A_833 : vector<1x16xf32> to vector<16xf32>
        %mul3A_835 = arith.mulf %get3A_794, %get3A_826 : vector<16xf32>
        %mul3A_836 = arith.mulf %get3A_802, %get3A_834 : vector<16xf32>
        %sub3A_837 = arith.subf %mul3A_835, %mul3A_836 : vector<16xf32>
        %sub3A_838 = arith.subf %sub3A_837, %get3A_810 : vector<16xf32>
        %mul3A_839 = arith.mulf %get3A_794, %get3A_834 : vector<16xf32>
        %mul3A_840 = arith.mulf %get3A_802, %get3A_826 : vector<16xf32>
        %add3A_841 = arith.addf %mul3A_839, %mul3A_840 : vector<16xf32>
        %sub3A_842 = arith.subf %add3A_841, %get3A_818 : vector<16xf32>
        %mul3A_843 = arith.mulf %sub3A_838, %sub3A_838 : vector<16xf32>
        %mul3A_844 = arith.mulf %sub3A_842, %sub3A_842 : vector<16xf32>
        %add3A_845 = arith.addf %mul3A_843, %mul3A_844 : vector<16xf32>
        %max3A_846 = arith.constant 1.000000e-24 : f32
        %max3A_847 = vector.broadcast %max3A_846 : f32 to vector<16xf32>
        %max3A_848 = arith.maximumf %add3A_845, %max3A_847 : vector<16xf32>
        %bitcast_convert_type3A_849 = tpu.bitcast %max3A_848 : vector<16xf32> -> vector<16xi32>
        %shift_right_arithmetic3A_850 = arith.constant 1 : i32
        %shift_right_arithmetic3A_851 = vector.broadcast %shift_right_arithmetic3A_850 : i32 to vector<16xi32>
        %shift_right_arithmetic3A_852 = arith.shrsi %bitcast_convert_type3A_849, %shift_right_arithmetic3A_851 : vector<16xi32>
        %sub3A_853 = arith.constant 1597463007 : i32
        %sub3A_854 = vector.broadcast %sub3A_853 : i32 to vector<16xi32>
        %sub3A_855 = arith.subi %sub3A_854, %shift_right_arithmetic3A_852 : vector<16xi32>
        %bitcast_convert_type3A_856 = tpu.bitcast %sub3A_855 : vector<16xi32> -> vector<16xf32>
        %mul3A_857 = arith.constant 5.000000e-01 : f32
        %mul3A_858 = vector.broadcast %mul3A_857 : f32 to vector<16xf32>
        %mul3A_859 = arith.mulf %max3A_848, %mul3A_858 : vector<16xf32>
        %mul3A_860 = arith.mulf %mul3A_859, %bitcast_convert_type3A_856 : vector<16xf32>
        %mul3A_861 = arith.mulf %mul3A_860, %bitcast_convert_type3A_856 : vector<16xf32>
        %sub3A_862 = arith.constant 1.500000e+00 : f32
        %sub3A_863 = vector.broadcast %sub3A_862 : f32 to vector<16xf32>
        %sub3A_864 = arith.subf %sub3A_863, %mul3A_861 : vector<16xf32>
        %mul3A_865 = arith.mulf %bitcast_convert_type3A_856, %sub3A_864 : vector<16xf32>
        %mul3A_866 = arith.mulf %max3A_848, %mul3A_865 : vector<16xf32>
        %add3A_867 = arith.addf %add3A_786, %mul3A_866 : vector<16xf32>
        %get3A_868 = arith.constant 0 : i32
        %get3A_869 = arith.constant 0 : i32
        %get3A_870 = tpu.memref_slice %arg11[%scan3A_636, %get3A_868, %get3A_869] : memref<2x128x128xf32, #tpu.memory_space<vmem>> -> memref<1x128x128xf32, #tpu.memory_space<vmem>>
        %get3A_871 = tpu.memref_squeeze %get3A_870 : memref<1x128x128xf32, #tpu.memory_space<vmem>> -> memref<128x128xf32, #tpu.memory_space<vmem>>
        %get3A_872 = arith.index_cast %add3A_708 : i32 to index
        %get3A_873 = arith.constant 32 : index
        %get3A_874 = tpu.vector_load %get3A_871[%get3A_872, %get3A_873] {strides = array<i32>} : memref<128x128xf32, #tpu.memory_space<vmem>>, vector<1x16xf32>,
        %get3A_875 = vector.shape_cast %get3A_874 : vector<1x16xf32> to vector<16xf32>
        %get3A_876 = arith.constant 0 : i32
        %get3A_877 = arith.constant 0 : i32
        %get3A_878 = tpu.memref_slice %arg11[%scan3A_636, %get3A_876, %get3A_877] : memref<2x128x128xf32, #tpu.memory_space<vmem>> -> memref<1x128x128xf32, #tpu.memory_space<vmem>>
        %get3A_879 = tpu.memref_squeeze %get3A_878 : memref<1x128x128xf32, #tpu.memory_space<vmem>> -> memref<128x128xf32, #tpu.memory_space<vmem>>
        %get3A_880 = arith.index_cast %add3A_708 : i32 to index
        %get3A_881 = arith.constant 96 : index
        %get3A_882 = tpu.vector_load %get3A_879[%get3A_880, %get3A_881] {strides = array<i32>} : memref<128x128xf32, #tpu.memory_space<vmem>>, vector<1x16xf32>,
        %get3A_883 = vector.shape_cast %get3A_882 : vector<1x16xf32> to vector<16xf32>
        %get3A_884 = arith.constant 0 : i32
        %get3A_885 = arith.constant 0 : i32
        %get3A_886 = tpu.memref_slice %arg12[%scan3A_637, %get3A_884, %get3A_885] : memref<2x128x128xf32, #tpu.memory_space<vmem>> -> memref<1x128x128xf32, #tpu.memory_space<vmem>>
        %get3A_887 = tpu.memref_squeeze %get3A_886 : memref<1x128x128xf32, #tpu.memory_space<vmem>> -> memref<128x128xf32, #tpu.memory_space<vmem>>
        %get3A_888 = arith.index_cast %add3A_708 : i32 to index
        %get3A_889 = arith.constant 32 : index
        %get3A_890 = tpu.vector_load %get3A_887[%get3A_888, %get3A_889] {strides = array<i32>} : memref<128x128xf32, #tpu.memory_space<vmem>>, vector<1x16xf32>,
        %get3A_891 = vector.shape_cast %get3A_890 : vector<1x16xf32> to vector<16xf32>
        %get3A_892 = arith.constant 0 : i32
        %get3A_893 = arith.constant 0 : i32
        %get3A_894 = tpu.memref_slice %arg12[%scan3A_637, %get3A_892, %get3A_893] : memref<2x128x128xf32, #tpu.memory_space<vmem>> -> memref<1x128x128xf32, #tpu.memory_space<vmem>>
        %get3A_895 = tpu.memref_squeeze %get3A_894 : memref<1x128x128xf32, #tpu.memory_space<vmem>> -> memref<128x128xf32, #tpu.memory_space<vmem>>
        %get3A_896 = arith.index_cast %add3A_708 : i32 to index
        %get3A_897 = arith.constant 96 : index
        %get3A_898 = tpu.vector_load %get3A_895[%get3A_896, %get3A_897] {strides = array<i32>} : memref<128x128xf32, #tpu.memory_space<vmem>>, vector<1x16xf32>,
        %get3A_899 = vector.shape_cast %get3A_898 : vector<1x16xf32> to vector<16xf32>
        %get3A_900 = arith.constant 0 : i32
        %get3A_901 = arith.constant 0 : i32
        %get3A_902 = tpu.memref_slice %arg13[%scan3A_638, %get3A_900, %get3A_901] : memref<2x128x128xf32, #tpu.memory_space<vmem>> -> memref<1x128x128xf32, #tpu.memory_space<vmem>>
        %get3A_903 = tpu.memref_squeeze %get3A_902 : memref<1x128x128xf32, #tpu.memory_space<vmem>> -> memref<128x128xf32, #tpu.memory_space<vmem>>
        %get3A_904 = arith.index_cast %add3A_708 : i32 to index
        %get3A_905 = arith.constant 32 : index
        %get3A_906 = tpu.vector_load %get3A_903[%get3A_904, %get3A_905] {strides = array<i32>} : memref<128x128xf32, #tpu.memory_space<vmem>>, vector<1x16xf32>,
        %get3A_907 = vector.shape_cast %get3A_906 : vector<1x16xf32> to vector<16xf32>
        %get3A_908 = arith.constant 0 : i32
        %get3A_909 = arith.constant 0 : i32
        %get3A_910 = tpu.memref_slice %arg13[%scan3A_638, %get3A_908, %get3A_909] : memref<2x128x128xf32, #tpu.memory_space<vmem>> -> memref<1x128x128xf32, #tpu.memory_space<vmem>>
        %get3A_911 = tpu.memref_squeeze %get3A_910 : memref<1x128x128xf32, #tpu.memory_space<vmem>> -> memref<128x128xf32, #tpu.memory_space<vmem>>
        %get3A_912 = arith.index_cast %add3A_708 : i32 to index
        %get3A_913 = arith.constant 96 : index
        %get3A_914 = tpu.vector_load %get3A_911[%get3A_912, %get3A_913] {strides = array<i32>} : memref<128x128xf32, #tpu.memory_space<vmem>>, vector<1x16xf32>,
        %get3A_915 = vector.shape_cast %get3A_914 : vector<1x16xf32> to vector<16xf32>
        %mul3A_916 = arith.mulf %get3A_875, %get3A_907 : vector<16xf32>
        %mul3A_917 = arith.mulf %get3A_883, %get3A_915 : vector<16xf32>
        %sub3A_918 = arith.subf %mul3A_916, %mul3A_917 : vector<16xf32>
        %sub3A_919 = arith.subf %sub3A_918, %get3A_891 : vector<16xf32>
        %mul3A_920 = arith.mulf %get3A_875, %get3A_915 : vector<16xf32>
        %mul3A_921 = arith.mulf %get3A_883, %get3A_907 : vector<16xf32>
        %add3A_922 = arith.addf %mul3A_920, %mul3A_921 : vector<16xf32>
        %sub3A_923 = arith.subf %add3A_922, %get3A_899 : vector<16xf32>
        %mul3A_924 = arith.mulf %sub3A_919, %sub3A_919 : vector<16xf32>
        %mul3A_925 = arith.mulf %sub3A_923, %sub3A_923 : vector<16xf32>
        %add3A_926 = arith.addf %mul3A_924, %mul3A_925 : vector<16xf32>
        %max3A_927 = arith.constant 1.000000e-24 : f32
        %max3A_928 = vector.broadcast %max3A_927 : f32 to vector<16xf32>
        %max3A_929 = arith.maximumf %add3A_926, %max3A_928 : vector<16xf32>
        %bitcast_convert_type3A_930 = tpu.bitcast %max3A_929 : vector<16xf32> -> vector<16xi32>
        %shift_right_arithmetic3A_931 = arith.constant 1 : i32
        %shift_right_arithmetic3A_932 = vector.broadcast %shift_right_arithmetic3A_931 : i32 to vector<16xi32>
        %shift_right_arithmetic3A_933 = arith.shrsi %bitcast_convert_type3A_930, %shift_right_arithmetic3A_932 : vector<16xi32>
        %sub3A_934 = arith.constant 1597463007 : i32
        %sub3A_935 = vector.broadcast %sub3A_934 : i32 to vector<16xi32>
        %sub3A_936 = arith.subi %sub3A_935, %shift_right_arithmetic3A_933 : vector<16xi32>
        %bitcast_convert_type3A_937 = tpu.bitcast %sub3A_936 : vector<16xi32> -> vector<16xf32>
        %mul3A_938 = arith.constant 5.000000e-01 : f32
        %mul3A_939 = vector.broadcast %mul3A_938 : f32 to vector<16xf32>
        %mul3A_940 = arith.mulf %max3A_929, %mul3A_939 : vector<16xf32>
        %mul3A_941 = arith.mulf %mul3A_940, %bitcast_convert_type3A_937 : vector<16xf32>
        %mul3A_942 = arith.mulf %mul3A_941, %bitcast_convert_type3A_937 : vector<16xf32>
        %sub3A_943 = arith.constant 1.500000e+00 : f32
        %sub3A_944 = vector.broadcast %sub3A_943 : f32 to vector<16xf32>
        %sub3A_945 = arith.subf %sub3A_944, %mul3A_942 : vector<16xf32>
        %mul3A_946 = arith.mulf %bitcast_convert_type3A_937, %sub3A_945 : vector<16xf32>
        %mul3A_947 = arith.mulf %max3A_929, %mul3A_946 : vector<16xf32>
        %add3A_948 = arith.addf %add3A_867, %mul3A_947 : vector<16xf32>
        %get3A_949 = arith.constant 0 : i32
        %get3A_950 = arith.constant 0 : i32
        %get3A_951 = tpu.memref_slice %arg11[%scan3A_636, %get3A_949, %get3A_950] : memref<2x128x128xf32, #tpu.memory_space<vmem>> -> memref<1x128x128xf32, #tpu.memory_space<vmem>>
        %get3A_952 = tpu.memref_squeeze %get3A_951 : memref<1x128x128xf32, #tpu.memory_space<vmem>> -> memref<128x128xf32, #tpu.memory_space<vmem>>
        %get3A_953 = arith.index_cast %add3A_708 : i32 to index
        %get3A_954 = arith.constant 48 : index
        %get3A_955 = tpu.vector_load %get3A_952[%get3A_953, %get3A_954] {strides = array<i32>} : memref<128x128xf32, #tpu.memory_space<vmem>>, vector<1x16xf32>,
        %get3A_956 = vector.shape_cast %get3A_955 : vector<1x16xf32> to vector<16xf32>
        %get3A_957 = arith.constant 0 : i32
        %get3A_958 = arith.constant 0 : i32
        %get3A_959 = tpu.memref_slice %arg11[%scan3A_636, %get3A_957, %get3A_958] : memref<2x128x128xf32, #tpu.memory_space<vmem>> -> memref<1x128x128xf32, #tpu.memory_space<vmem>>
        %get3A_960 = tpu.memref_squeeze %get3A_959 : memref<1x128x128xf32, #tpu.memory_space<vmem>> -> memref<128x128xf32, #tpu.memory_space<vmem>>
        %get3A_961 = arith.index_cast %add3A_708 : i32 to index
        %get3A_962 = arith.constant 112 : index
        %get3A_963 = tpu.vector_load %get3A_960[%get3A_961, %get3A_962] {strides = array<i32>} : memref<128x128xf32, #tpu.memory_space<vmem>>, vector<1x16xf32>,
        %get3A_964 = vector.shape_cast %get3A_963 : vector<1x16xf32> to vector<16xf32>
        %get3A_965 = arith.constant 0 : i32
        %get3A_966 = arith.constant 0 : i32
        %get3A_967 = tpu.memref_slice %arg12[%scan3A_637, %get3A_965, %get3A_966] : memref<2x128x128xf32, #tpu.memory_space<vmem>> -> memref<1x128x128xf32, #tpu.memory_space<vmem>>
        %get3A_968 = tpu.memref_squeeze %get3A_967 : memref<1x128x128xf32, #tpu.memory_space<vmem>> -> memref<128x128xf32, #tpu.memory_space<vmem>>
        %get3A_969 = arith.index_cast %add3A_708 : i32 to index
        %get3A_970 = arith.constant 48 : index
        %get3A_971 = tpu.vector_load %get3A_968[%get3A_969, %get3A_970] {strides = array<i32>} : memref<128x128xf32, #tpu.memory_space<vmem>>, vector<1x16xf32>,
        %get3A_972 = vector.shape_cast %get3A_971 : vector<1x16xf32> to vector<16xf32>
        %get3A_973 = arith.constant 0 : i32
        %get3A_974 = arith.constant 0 : i32
        %get3A_975 = tpu.memref_slice %arg12[%scan3A_637, %get3A_973, %get3A_974] : memref<2x128x128xf32, #tpu.memory_space<vmem>> -> memref<1x128x128xf32, #tpu.memory_space<vmem>>
        %get3A_976 = tpu.memref_squeeze %get3A_975 : memref<1x128x128xf32, #tpu.memory_space<vmem>> -> memref<128x128xf32, #tpu.memory_space<vmem>>
        %get3A_977 = arith.index_cast %add3A_708 : i32 to index
        %get3A_978 = arith.constant 112 : index
        %get3A_979 = tpu.vector_load %get3A_976[%get3A_977, %get3A_978] {strides = array<i32>} : memref<128x128xf32, #tpu.memory_space<vmem>>, vector<1x16xf32>,
        %get3A_980 = vector.shape_cast %get3A_979 : vector<1x16xf32> to vector<16xf32>
        %get3A_981 = arith.constant 0 : i32
        %get3A_982 = arith.constant 0 : i32
        %get3A_983 = tpu.memref_slice %arg13[%scan3A_638, %get3A_981, %get3A_982] : memref<2x128x128xf32, #tpu.memory_space<vmem>> -> memref<1x128x128xf32, #tpu.memory_space<vmem>>
        %get3A_984 = tpu.memref_squeeze %get3A_983 : memref<1x128x128xf32, #tpu.memory_space<vmem>> -> memref<128x128xf32, #tpu.memory_space<vmem>>
        %get3A_985 = arith.index_cast %add3A_708 : i32 to index
        %get3A_986 = arith.constant 48 : index
        %get3A_987 = tpu.vector_load %get3A_984[%get3A_985, %get3A_986] {strides = array<i32>} : memref<128x128xf32, #tpu.memory_space<vmem>>, vector<1x16xf32>,
        %get3A_988 = vector.shape_cast %get3A_987 : vector<1x16xf32> to vector<16xf32>
        %get3A_989 = arith.constant 0 : i32
        %get3A_990 = arith.constant 0 : i32
        %get3A_991 = tpu.memref_slice %arg13[%scan3A_638, %get3A_989, %get3A_990] : memref<2x128x128xf32, #tpu.memory_space<vmem>> -> memref<1x128x128xf32, #tpu.memory_space<vmem>>
        %get3A_992 = tpu.memref_squeeze %get3A_991 : memref<1x128x128xf32, #tpu.memory_space<vmem>> -> memref<128x128xf32, #tpu.memory_space<vmem>>
        %get3A_993 = arith.index_cast %add3A_708 : i32 to index
        %get3A_994 = arith.constant 112 : index
        %get3A_995 = tpu.vector_load %get3A_992[%get3A_993, %get3A_994] {strides = array<i32>} : memref<128x128xf32, #tpu.memory_space<vmem>>, vector<1x16xf32>,
        %get3A_996 = vector.shape_cast %get3A_995 : vector<1x16xf32> to vector<16xf32>
        %mul3A_997 = arith.mulf %get3A_956, %get3A_988 : vector<16xf32>
        %mul3A_998 = arith.mulf %get3A_964, %get3A_996 : vector<16xf32>
        %sub3A_999 = arith.subf %mul3A_997, %mul3A_998 : vector<16xf32>
        %sub3A_1000 = arith.subf %sub3A_999, %get3A_972 : vector<16xf32>
        %mul3A_1001 = arith.mulf %get3A_956, %get3A_996 : vector<16xf32>
        %mul3A_1002 = arith.mulf %get3A_964, %get3A_988 : vector<16xf32>
        %add3A_1003 = arith.addf %mul3A_1001, %mul3A_1002 : vector<16xf32>
        %sub3A_1004 = arith.subf %add3A_1003, %get3A_980 : vector<16xf32>
        %mul3A_1005 = arith.mulf %sub3A_1000, %sub3A_1000 : vector<16xf32>
        %mul3A_1006 = arith.mulf %sub3A_1004, %sub3A_1004 : vector<16xf32>
        %add3A_1007 = arith.addf %mul3A_1005, %mul3A_1006 : vector<16xf32>
        %max3A_1008 = arith.constant 1.000000e-24 : f32
        %max3A_1009 = vector.broadcast %max3A_1008 : f32 to vector<16xf32>
        %max3A_1010 = arith.maximumf %add3A_1007, %max3A_1009 : vector<16xf32>
        %bitcast_convert_type3A_1011 = tpu.bitcast %max3A_1010 : vector<16xf32> -> vector<16xi32>
        %shift_right_arithmetic3A_1012 = arith.constant 1 : i32
        %shift_right_arithmetic3A_1013 = vector.broadcast %shift_right_arithmetic3A_1012 : i32 to vector<16xi32>
        %shift_right_arithmetic3A_1014 = arith.shrsi %bitcast_convert_type3A_1011, %shift_right_arithmetic3A_1013 : vector<16xi32>
        %sub3A_1015 = arith.constant 1597463007 : i32
        %sub3A_1016 = vector.broadcast %sub3A_1015 : i32 to vector<16xi32>
        %sub3A_1017 = arith.subi %sub3A_1016, %shift_right_arithmetic3A_1014 : vector<16xi32>
        %bitcast_convert_type3A_1018 = tpu.bitcast %sub3A_1017 : vector<16xi32> -> vector<16xf32>
        %mul3A_1019 = arith.constant 5.000000e-01 : f32
        %mul3A_1020 = vector.broadcast %mul3A_1019 : f32 to vector<16xf32>
        %mul3A_1021 = arith.mulf %max3A_1010, %mul3A_1020 : vector<16xf32>
        %mul3A_1022 = arith.mulf %mul3A_1021, %bitcast_convert_type3A_1018 : vector<16xf32>
        %mul3A_1023 = arith.mulf %mul3A_1022, %bitcast_convert_type3A_1018 : vector<16xf32>
        %sub3A_1024 = arith.constant 1.500000e+00 : f32
        %sub3A_1025 = vector.broadcast %sub3A_1024 : f32 to vector<16xf32>
        %sub3A_1026 = arith.subf %sub3A_1025, %mul3A_1023 : vector<16xf32>
        %mul3A_1027 = arith.mulf %bitcast_convert_type3A_1018, %sub3A_1026 : vector<16xf32>
        %mul3A_1028 = arith.mulf %max3A_1010, %mul3A_1027 : vector<16xf32>
        %add3A_1029 = arith.addf %add3A_948, %mul3A_1028 : vector<16xf32>
        %xor3A = arith.constant 1 : i32
        %xor3A_1030 = vector.broadcast %xor3A : i32 to vector<16xi32>
        %xor3A_1031 = arith.xori %iota3A, %xor3A_1030 : vector<16xi32>
        %broadcast_in_dim3A_1032 = vector.shape_cast %xor3A_1031 : vector<16xi32> to vector<16x1xi32>
        %gather3A = vector.shape_cast %broadcast_in_dim3A_1032 : vector<16x1xi32> to vector<16xi32>
        %gather3A_1033 = tpu.dynamic_gather %add3A_1029[%gather3A] in [0] : vector<16xf32>, vector<16xi32> -> vector<16xf32>
        %add3A_1034 = arith.addf %add3A_1029, %gather3A_1033 : vector<16xf32>
        %xor3A_1035 = arith.constant 2 : i32
        %xor3A_1036 = vector.broadcast %xor3A_1035 : i32 to vector<16xi32>
        %xor3A_1037 = arith.xori %iota3A, %xor3A_1036 : vector<16xi32>
        %broadcast_in_dim3A_1038 = vector.shape_cast %xor3A_1037 : vector<16xi32> to vector<16x1xi32>
        %gather3A_1039 = vector.shape_cast %broadcast_in_dim3A_1038 : vector<16x1xi32> to vector<16xi32>
        %gather3A_1040 = tpu.dynamic_gather %add3A_1034[%gather3A_1039] in [0] : vector<16xf32>, vector<16xi32> -> vector<16xf32>
        %add3A_1041 = arith.addf %add3A_1034, %gather3A_1040 : vector<16xf32>
        %xor3A_1042 = arith.constant 4 : i32
        %xor3A_1043 = vector.broadcast %xor3A_1042 : i32 to vector<16xi32>
        %xor3A_1044 = arith.xori %iota3A, %xor3A_1043 : vector<16xi32>
        %broadcast_in_dim3A_1045 = vector.shape_cast %xor3A_1044 : vector<16xi32> to vector<16x1xi32>
        %gather3A_1046 = vector.shape_cast %broadcast_in_dim3A_1045 : vector<16x1xi32> to vector<16xi32>
        %gather3A_1047 = tpu.dynamic_gather %add3A_1041[%gather3A_1046] in [0] : vector<16xf32>, vector<16xi32> -> vector<16xf32>
        %add3A_1048 = arith.addf %add3A_1041, %gather3A_1047 : vector<16xf32>
        %xor3A_1049 = arith.constant 8 : i32
        %xor3A_1050 = vector.broadcast %xor3A_1049 : i32 to vector<16xi32>
        %xor3A_1051 = arith.xori %iota3A, %xor3A_1050 : vector<16xi32>
        %broadcast_in_dim3A_1052 = vector.shape_cast %xor3A_1051 : vector<16xi32> to vector<16x1xi32>
        %gather3A_1053 = vector.shape_cast %broadcast_in_dim3A_1052 : vector<16x1xi32> to vector<16xi32>
        %gather3A_1054 = tpu.dynamic_gather %add3A_1048[%gather3A_1053] in [0] : vector<16xf32>, vector<16xi32> -> vector<16xf32>
        %add3A_1055 = arith.addf %add3A_1048, %gather3A_1054 : vector<16xf32>
        %mul3A_1056 = arith.constant 1.00094593 : f32
        %mul3A_1057 = vector.broadcast %mul3A_1056 : f32 to vector<16xf32>
        %mul3A_1058 = arith.mulf %add3A_1055, %mul3A_1057 : vector<16xf32>
        %sub3A_1059 = arith.constant 1.200000e+01 : f32
        %sub3A_1060 = vector.broadcast %sub3A_1059 : f32 to vector<16xf32>
        %sub3A_1061 = arith.subf %sub3A_1060, %mul3A_1058 : vector<16xf32>
        %eq3A = vector.broadcast %scan3A_704 : i32 to vector<16xi32>
        %eq3A_1062 = arith.cmpi eq, %iota3A, %eq3A : vector<16xi32>
        %select_n3A = arith.select %eq3A_1062, %sub3A_1061, %scan3A_705 : vector<16xi1>, vector<16xf32>
        scf.yield %select_n3A : vector<16xf32>
      }
      %scan3A_696 = arith.constant 16 : i32
      %mul3A_697 = arith.constant 16 : i32
      %mul3A_698 = arith.muli %scan3A_689, %mul3A_697 : i32
      %add3A_699 = arith.constant 256 : i32
      %add3A_700 = arith.addi %add3A_699, %mul3A_698 : i32
      %swap3A = arith.index_cast %add3A_700 : i32 to index
      %swap3A_701 = tpu.vector_load %arg14[%swap3A] {strides = array<i32>} : memref<512xf32, #tpu.memory_space<vmem>>, vector<16xf32>,
      %swap3A_702 = vector.shape_cast %swap3A_701 : vector<16xf32> to vector<16xf32>
      %swap3A_703 = vector.shape_cast %scan3A_695 : vector<16xf32> to vector<16xf32>
      tpu.vector_store %arg14[%swap3A], %swap3A_703 {strides = array<i32>} : memref<512xf32, #tpu.memory_space<vmem>>, vector<16xf32>,
    }
    %scan3A_643 = arith.constant 8 : i32
    %dma_wait3A_644 = arith.constant 3 : i32
    %dma_wait3A_645 = arith.constant 1 : i32
    %dma_wait3A_646 = arith.constant 0 : i32
    %dma_wait3A_647 = arith.constant 0 : i32
    %dma_wait3A_648 = tpu.memref_slice %arg11[%dma_wait3A_645, %dma_wait3A_646, %dma_wait3A_647] : memref<2x128x128xf32, #tpu.memory_space<vmem>> -> memref<1x128x128xf32, #tpu.memory_space<vmem>>
    %dma_wait3A_649 = tpu.memref_squeeze %dma_wait3A_648 : memref<1x128x128xf32, #tpu.memory_space<vmem>> -> memref<128x128xf32, #tpu.memory_space<vmem>>
    %dma_wait3A_650 = arith.constant 0 : i32
    %dma_wait3A_651 = tpu.memref_slice %arg8[%dma_wait3A_644, %dma_wait3A_650] : memref<4x128xi32, #tpu.memory_space<vmem>> -> memref<1x128xi32, #tpu.memory_space<vmem>>
    %dma_wait3A_652 = tpu.memref_squeeze %dma_wait3A_651 : memref<1x128xi32, #tpu.memory_space<vmem>> -> memref<128xi32, #tpu.memory_space<vmem>>
    %dma_wait3A_653 = arith.constant 0 : i32
    %dma_wait3A_654 = arith.constant 0 : i32
    %dma_wait3A_655 = tpu.memref_slice %arg5[%dma_wait3A_653, %dma_wait3A_654] : memref<1000000x128xf32, #tpu.memory_space<hbm>> -> memref<1000000x128xf32, #tpu.memory_space<hbm>>
    tpu.wait_indirect_dma semaphore(%arg16 : memref<!tpu.dma_semaphore, #tpu.memory_space<semaphore_mem>>) src(%dma_wait3A_655 : memref<1000000x128xf32, #tpu.memory_space<hbm>>) dst(%dma_wait3A_649 : memref<128x128xf32, #tpu.memory_space<vmem>>)
    %dma_wait3A_656 = arith.constant 3 : i32
    %dma_wait3A_657 = arith.constant 1 : i32
    %dma_wait3A_658 = arith.constant 0 : i32
    %dma_wait3A_659 = arith.constant 0 : i32
    %dma_wait3A_660 = tpu.memref_slice %arg12[%dma_wait3A_657, %dma_wait3A_658, %dma_wait3A_659] : memref<2x128x128xf32, #tpu.memory_space<vmem>> -> memref<1x128x128xf32, #tpu.memory_space<vmem>>
    %dma_wait3A_661 = tpu.memref_squeeze %dma_wait3A_660 : memref<1x128x128xf32, #tpu.memory_space<vmem>> -> memref<128x128xf32, #tpu.memory_space<vmem>>
    %dma_wait3A_662 = arith.constant 0 : i32
    %dma_wait3A_663 = tpu.memref_slice %arg9[%dma_wait3A_656, %dma_wait3A_662] : memref<4x128xi32, #tpu.memory_space<vmem>> -> memref<1x128xi32, #tpu.memory_space<vmem>>
    %dma_wait3A_664 = tpu.memref_squeeze %dma_wait3A_663 : memref<1x128xi32, #tpu.memory_space<vmem>> -> memref<128xi32, #tpu.memory_space<vmem>>
    %dma_wait3A_665 = arith.constant 0 : i32
    %dma_wait3A_666 = arith.constant 0 : i32
    %dma_wait3A_667 = tpu.memref_slice %arg5[%dma_wait3A_665, %dma_wait3A_666] : memref<1000000x128xf32, #tpu.memory_space<hbm>> -> memref<1000000x128xf32, #tpu.memory_space<hbm>>
    tpu.wait_indirect_dma semaphore(%arg16 : memref<!tpu.dma_semaphore, #tpu.memory_space<semaphore_mem>>) src(%dma_wait3A_667 : memref<1000000x128xf32, #tpu.memory_space<hbm>>) dst(%dma_wait3A_661 : memref<128x128xf32, #tpu.memory_space<vmem>>)
    %dma_wait3A_668 = arith.constant 3 : i32
    %dma_wait3A_669 = arith.constant 1 : i32
    %dma_wait3A_670 = arith.constant 0 : i32
    %dma_wait3A_671 = arith.constant 0 : i32
    %dma_wait3A_672 = tpu.memref_slice %arg13[%dma_wait3A_669, %dma_wait3A_670, %dma_wait3A_671] : memref<2x128x128xf32, #tpu.memory_space<vmem>> -> memref<1x128x128xf32, #tpu.memory_space<vmem>>
    %dma_wait3A_673 = tpu.memref_squeeze %dma_wait3A_672 : memref<1x128x128xf32, #tpu.memory_space<vmem>> -> memref<128x128xf32, #tpu.memory_space<vmem>>
    %dma_wait3A_674 = arith.constant 0 : i32
    %dma_wait3A_675 = tpu.memref_slice %arg10[%dma_wait3A_668, %dma_wait3A_674] : memref<4x128xi32, #tpu.memory_space<vmem>> -> memref<1x128xi32, #tpu.memory_space<vmem>>
    %dma_wait3A_676 = tpu.memref_squeeze %dma_wait3A_675 : memref<1x128xi32, #tpu.memory_space<vmem>> -> memref<128xi32, #tpu.memory_space<vmem>>
    %dma_wait3A_677 = arith.constant 0 : i32
    %dma_wait3A_678 = arith.constant 0 : i32
    %dma_wait3A_679 = tpu.memref_slice %arg6[%dma_wait3A_677, %dma_wait3A_678] : memref<512x128xf32, #tpu.memory_space<hbm>> -> memref<512x128xf32, #tpu.memory_space<hbm>>
    tpu.wait_indirect_dma semaphore(%arg16 : memref<!tpu.dma_semaphore, #tpu.memory_space<semaphore_mem>>) src(%dma_wait3A_679 : memref<512x128xf32, #tpu.memory_space<hbm>>) dst(%dma_wait3A_673 : memref<128x128xf32, #tpu.memory_space<vmem>>)
    %scan3A_680 = arith.constant 0 : i32
    %scan3A_681 = arith.constant 1 : i32
    %scan3A_682 = arith.constant 1 : i32
    %scan3A_683 = arith.constant 1 : i32
    %scan3A_684 = arith.constant 0 : i32
    %scan3A_685 = arith.constant 8 : i32
    %scan3A_686 = arith.addi %scan3A_684, %scan3A_685 : i32
    %scan3A_687 = arith.constant 1 : i32
    scf.for %scan3A_689 = %scan3A_684 to %scan3A_686 step %scan3A_687  : i32 {
      %broadcast_in_dim3A = arith.constant 0.000000e+00 : f32
      %broadcast_in_dim3A_690 = vector.broadcast %broadcast_in_dim3A : f32 to vector<16xf32>
      %scan3A_691 = arith.constant 0 : i32
      %scan3A_692 = arith.constant 16 : i32
      %scan3A_693 = arith.addi %scan3A_691, %scan3A_692 : i32
      %scan3A_694 = arith.constant 1 : i32
      %scan3A_695 = scf.for %scan3A_704 = %scan3A_691 to %scan3A_693 step %scan3A_694 iter_args(%scan3A_705 = %broadcast_in_dim3A_690) -> (vector<16xf32>)  : i32 {
        %mul3A_706 = arith.constant 16 : i32
        %mul3A_707 = arith.muli %scan3A_689, %mul3A_706 : i32
        %add3A_708 = arith.addi %mul3A_707, %scan3A_704 : i32
        %broadcast_in_dim3A_709 = arith.constant 0.000000e+00 : f32
        %broadcast_in_dim3A_710 = vector.broadcast %broadcast_in_dim3A_709 : f32 to vector<16xf32>
        %get3A = arith.constant 0 : i32
        %get3A_711 = arith.constant 0 : i32
        %get3A_712 = tpu.memref_slice %arg11[%scan3A_681, %get3A, %get3A_711] : memref<2x128x128xf32, #tpu.memory_space<vmem>> -> memref<1x128x128xf32, #tpu.memory_space<vmem>>
        %get3A_713 = tpu.memref_squeeze %get3A_712 : memref<1x128x128xf32, #tpu.memory_space<vmem>> -> memref<128x128xf32, #tpu.memory_space<vmem>>
        %get3A_714 = arith.index_cast %add3A_708 : i32 to index
        %get3A_715 = arith.constant 0 : index
        %get3A_716 = tpu.vector_load %get3A_713[%get3A_714, %get3A_715] {strides = array<i32>} : memref<128x128xf32, #tpu.memory_space<vmem>>, vector<1x16xf32>,
        %get3A_717 = vector.shape_cast %get3A_716 : vector<1x16xf32> to vector<16xf32>
        %get3A_718 = arith.constant 0 : i32
        %get3A_719 = arith.constant 0 : i32
        %get3A_720 = tpu.memref_slice %arg11[%scan3A_681, %get3A_718, %get3A_719] : memref<2x128x128xf32, #tpu.memory_space<vmem>> -> memref<1x128x128xf32, #tpu.memory_space<vmem>>
        %get3A_721 = tpu.memref_squeeze %get3A_720 : memref<1x128x128xf32, #tpu.memory_space<vmem>> -> memref<128x128xf32, #tpu.memory_space<vmem>>
        %get3A_722 = arith.index_cast %add3A_708 : i32 to index
        %get3A_723 = arith.constant 64 : index
        %get3A_724 = tpu.vector_load %get3A_721[%get3A_722, %get3A_723] {strides = array<i32>} : memref<128x128xf32, #tpu.memory_space<vmem>>, vector<1x16xf32>,
        %get3A_725 = vector.shape_cast %get3A_724 : vector<1x16xf32> to vector<16xf32>
        %get3A_726 = arith.constant 0 : i32
        %get3A_727 = arith.constant 0 : i32
        %get3A_728 = tpu.memref_slice %arg12[%scan3A_682, %get3A_726, %get3A_727] : memref<2x128x128xf32, #tpu.memory_space<vmem>> -> memref<1x128x128xf32, #tpu.memory_space<vmem>>
        %get3A_729 = tpu.memref_squeeze %get3A_728 : memref<1x128x128xf32, #tpu.memory_space<vmem>> -> memref<128x128xf32, #tpu.memory_space<vmem>>
        %get3A_730 = arith.index_cast %add3A_708 : i32 to index
        %get3A_731 = arith.constant 0 : index
        %get3A_732 = tpu.vector_load %get3A_729[%get3A_730, %get3A_731] {strides = array<i32>} : memref<128x128xf32, #tpu.memory_space<vmem>>, vector<1x16xf32>,
        %get3A_733 = vector.shape_cast %get3A_732 : vector<1x16xf32> to vector<16xf32>
        %get3A_734 = arith.constant 0 : i32
        %get3A_735 = arith.constant 0 : i32
        %get3A_736 = tpu.memref_slice %arg12[%scan3A_682, %get3A_734, %get3A_735] : memref<2x128x128xf32, #tpu.memory_space<vmem>> -> memref<1x128x128xf32, #tpu.memory_space<vmem>>
        %get3A_737 = tpu.memref_squeeze %get3A_736 : memref<1x128x128xf32, #tpu.memory_space<vmem>> -> memref<128x128xf32, #tpu.memory_space<vmem>>
        %get3A_738 = arith.index_cast %add3A_708 : i32 to index
        %get3A_739 = arith.constant 64 : index
        %get3A_740 = tpu.vector_load %get3A_737[%get3A_738, %get3A_739] {strides = array<i32>} : memref<128x128xf32, #tpu.memory_space<vmem>>, vector<1x16xf32>,
        %get3A_741 = vector.shape_cast %get3A_740 : vector<1x16xf32> to vector<16xf32>
        %get3A_742 = arith.constant 0 : i32
        %get3A_743 = arith.constant 0 : i32
        %get3A_744 = tpu.memref_slice %arg13[%scan3A_683, %get3A_742, %get3A_743] : memref<2x128x128xf32, #tpu.memory_space<vmem>> -> memref<1x128x128xf32, #tpu.memory_space<vmem>>
        %get3A_745 = tpu.memref_squeeze %get3A_744 : memref<1x128x128xf32, #tpu.memory_space<vmem>> -> memref<128x128xf32, #tpu.memory_space<vmem>>
        %get3A_746 = arith.index_cast %add3A_708 : i32 to index
        %get3A_747 = arith.constant 0 : index
        %get3A_748 = tpu.vector_load %get3A_745[%get3A_746, %get3A_747] {strides = array<i32>} : memref<128x128xf32, #tpu.memory_space<vmem>>, vector<1x16xf32>,
        %get3A_749 = vector.shape_cast %get3A_748 : vector<1x16xf32> to vector<16xf32>
        %get3A_750 = arith.constant 0 : i32
        %get3A_751 = arith.constant 0 : i32
        %get3A_752 = tpu.memref_slice %arg13[%scan3A_683, %get3A_750, %get3A_751] : memref<2x128x128xf32, #tpu.memory_space<vmem>> -> memref<1x128x128xf32, #tpu.memory_space<vmem>>
        %get3A_753 = tpu.memref_squeeze %get3A_752 : memref<1x128x128xf32, #tpu.memory_space<vmem>> -> memref<128x128xf32, #tpu.memory_space<vmem>>
        %get3A_754 = arith.index_cast %add3A_708 : i32 to index
        %get3A_755 = arith.constant 64 : index
        %get3A_756 = tpu.vector_load %get3A_753[%get3A_754, %get3A_755] {strides = array<i32>} : memref<128x128xf32, #tpu.memory_space<vmem>>, vector<1x16xf32>,
        %get3A_757 = vector.shape_cast %get3A_756 : vector<1x16xf32> to vector<16xf32>
        %mul3A_758 = arith.mulf %get3A_717, %get3A_749 : vector<16xf32>
        %mul3A_759 = arith.mulf %get3A_725, %get3A_757 : vector<16xf32>
        %sub3A = arith.subf %mul3A_758, %mul3A_759 : vector<16xf32>
        %sub3A_760 = arith.subf %sub3A, %get3A_733 : vector<16xf32>
        %mul3A_761 = arith.mulf %get3A_717, %get3A_757 : vector<16xf32>
        %mul3A_762 = arith.mulf %get3A_725, %get3A_749 : vector<16xf32>
        %add3A_763 = arith.addf %mul3A_761, %mul3A_762 : vector<16xf32>
        %sub3A_764 = arith.subf %add3A_763, %get3A_741 : vector<16xf32>
        %mul3A_765 = arith.mulf %sub3A_760, %sub3A_760 : vector<16xf32>
        %mul3A_766 = arith.mulf %sub3A_764, %sub3A_764 : vector<16xf32>
        %add3A_767 = arith.addf %mul3A_765, %mul3A_766 : vector<16xf32>
        %max3A = arith.constant 1.000000e-24 : f32
        %max3A_768 = vector.broadcast %max3A : f32 to vector<16xf32>
        %max3A_769 = arith.maximumf %add3A_767, %max3A_768 : vector<16xf32>
        %bitcast_convert_type3A = tpu.bitcast %max3A_769 : vector<16xf32> -> vector<16xi32>
        %shift_right_arithmetic3A = arith.constant 1 : i32
        %shift_right_arithmetic3A_770 = vector.broadcast %shift_right_arithmetic3A : i32 to vector<16xi32>
        %shift_right_arithmetic3A_771 = arith.shrsi %bitcast_convert_type3A, %shift_right_arithmetic3A_770 : vector<16xi32>
        %sub3A_772 = arith.constant 1597463007 : i32
        %sub3A_773 = vector.broadcast %sub3A_772 : i32 to vector<16xi32>
        %sub3A_774 = arith.subi %sub3A_773, %shift_right_arithmetic3A_771 : vector<16xi32>
        %bitcast_convert_type3A_775 = tpu.bitcast %sub3A_774 : vector<16xi32> -> vector<16xf32>
        %mul3A_776 = arith.constant 5.000000e-01 : f32
        %mul3A_777 = vector.broadcast %mul3A_776 : f32 to vector<16xf32>
        %mul3A_778 = arith.mulf %max3A_769, %mul3A_777 : vector<16xf32>
        %mul3A_779 = arith.mulf %mul3A_778, %bitcast_convert_type3A_775 : vector<16xf32>
        %mul3A_780 = arith.mulf %mul3A_779, %bitcast_convert_type3A_775 : vector<16xf32>
        %sub3A_781 = arith.constant 1.500000e+00 : f32
        %sub3A_782 = vector.broadcast %sub3A_781 : f32 to vector<16xf32>
        %sub3A_783 = arith.subf %sub3A_782, %mul3A_780 : vector<16xf32>
        %mul3A_784 = arith.mulf %bitcast_convert_type3A_775, %sub3A_783 : vector<16xf32>
        %mul3A_785 = arith.mulf %max3A_769, %mul3A_784 : vector<16xf32>
        %add3A_786 = arith.addf %broadcast_in_dim3A_710, %mul3A_785 : vector<16xf32>
        %get3A_787 = arith.constant 0 : i32
        %get3A_788 = arith.constant 0 : i32
        %get3A_789 = tpu.memref_slice %arg11[%scan3A_681, %get3A_787, %get3A_788] : memref<2x128x128xf32, #tpu.memory_space<vmem>> -> memref<1x128x128xf32, #tpu.memory_space<vmem>>
        %get3A_790 = tpu.memref_squeeze %get3A_789 : memref<1x128x128xf32, #tpu.memory_space<vmem>> -> memref<128x128xf32, #tpu.memory_space<vmem>>
        %get3A_791 = arith.index_cast %add3A_708 : i32 to index
        %get3A_792 = arith.constant 16 : index
        %get3A_793 = tpu.vector_load %get3A_790[%get3A_791, %get3A_792] {strides = array<i32>} : memref<128x128xf32, #tpu.memory_space<vmem>>, vector<1x16xf32>,
        %get3A_794 = vector.shape_cast %get3A_793 : vector<1x16xf32> to vector<16xf32>
        %get3A_795 = arith.constant 0 : i32
        %get3A_796 = arith.constant 0 : i32
        %get3A_797 = tpu.memref_slice %arg11[%scan3A_681, %get3A_795, %get3A_796] : memref<2x128x128xf32, #tpu.memory_space<vmem>> -> memref<1x128x128xf32, #tpu.memory_space<vmem>>
        %get3A_798 = tpu.memref_squeeze %get3A_797 : memref<1x128x128xf32, #tpu.memory_space<vmem>> -> memref<128x128xf32, #tpu.memory_space<vmem>>
        %get3A_799 = arith.index_cast %add3A_708 : i32 to index
        %get3A_800 = arith.constant 80 : index
        %get3A_801 = tpu.vector_load %get3A_798[%get3A_799, %get3A_800] {strides = array<i32>} : memref<128x128xf32, #tpu.memory_space<vmem>>, vector<1x16xf32>,
        %get3A_802 = vector.shape_cast %get3A_801 : vector<1x16xf32> to vector<16xf32>
        %get3A_803 = arith.constant 0 : i32
        %get3A_804 = arith.constant 0 : i32
        %get3A_805 = tpu.memref_slice %arg12[%scan3A_682, %get3A_803, %get3A_804] : memref<2x128x128xf32, #tpu.memory_space<vmem>> -> memref<1x128x128xf32, #tpu.memory_space<vmem>>
        %get3A_806 = tpu.memref_squeeze %get3A_805 : memref<1x128x128xf32, #tpu.memory_space<vmem>> -> memref<128x128xf32, #tpu.memory_space<vmem>>
        %get3A_807 = arith.index_cast %add3A_708 : i32 to index
        %get3A_808 = arith.constant 16 : index
        %get3A_809 = tpu.vector_load %get3A_806[%get3A_807, %get3A_808] {strides = array<i32>} : memref<128x128xf32, #tpu.memory_space<vmem>>, vector<1x16xf32>,
        %get3A_810 = vector.shape_cast %get3A_809 : vector<1x16xf32> to vector<16xf32>
        %get3A_811 = arith.constant 0 : i32
        %get3A_812 = arith.constant 0 : i32
        %get3A_813 = tpu.memref_slice %arg12[%scan3A_682, %get3A_811, %get3A_812] : memref<2x128x128xf32, #tpu.memory_space<vmem>> -> memref<1x128x128xf32, #tpu.memory_space<vmem>>
        %get3A_814 = tpu.memref_squeeze %get3A_813 : memref<1x128x128xf32, #tpu.memory_space<vmem>> -> memref<128x128xf32, #tpu.memory_space<vmem>>
        %get3A_815 = arith.index_cast %add3A_708 : i32 to index
        %get3A_816 = arith.constant 80 : index
        %get3A_817 = tpu.vector_load %get3A_814[%get3A_815, %get3A_816] {strides = array<i32>} : memref<128x128xf32, #tpu.memory_space<vmem>>, vector<1x16xf32>,
        %get3A_818 = vector.shape_cast %get3A_817 : vector<1x16xf32> to vector<16xf32>
        %get3A_819 = arith.constant 0 : i32
        %get3A_820 = arith.constant 0 : i32
        %get3A_821 = tpu.memref_slice %arg13[%scan3A_683, %get3A_819, %get3A_820] : memref<2x128x128xf32, #tpu.memory_space<vmem>> -> memref<1x128x128xf32, #tpu.memory_space<vmem>>
        %get3A_822 = tpu.memref_squeeze %get3A_821 : memref<1x128x128xf32, #tpu.memory_space<vmem>> -> memref<128x128xf32, #tpu.memory_space<vmem>>
        %get3A_823 = arith.index_cast %add3A_708 : i32 to index
        %get3A_824 = arith.constant 16 : index
        %get3A_825 = tpu.vector_load %get3A_822[%get3A_823, %get3A_824] {strides = array<i32>} : memref<128x128xf32, #tpu.memory_space<vmem>>, vector<1x16xf32>,
        %get3A_826 = vector.shape_cast %get3A_825 : vector<1x16xf32> to vector<16xf32>
        %get3A_827 = arith.constant 0 : i32
        %get3A_828 = arith.constant 0 : i32
        %get3A_829 = tpu.memref_slice %arg13[%scan3A_683, %get3A_827, %get3A_828] : memref<2x128x128xf32, #tpu.memory_space<vmem>> -> memref<1x128x128xf32, #tpu.memory_space<vmem>>
        %get3A_830 = tpu.memref_squeeze %get3A_829 : memref<1x128x128xf32, #tpu.memory_space<vmem>> -> memref<128x128xf32, #tpu.memory_space<vmem>>
        %get3A_831 = arith.index_cast %add3A_708 : i32 to index
        %get3A_832 = arith.constant 80 : index
        %get3A_833 = tpu.vector_load %get3A_830[%get3A_831, %get3A_832] {strides = array<i32>} : memref<128x128xf32, #tpu.memory_space<vmem>>, vector<1x16xf32>,
        %get3A_834 = vector.shape_cast %get3A_833 : vector<1x16xf32> to vector<16xf32>
        %mul3A_835 = arith.mulf %get3A_794, %get3A_826 : vector<16xf32>
        %mul3A_836 = arith.mulf %get3A_802, %get3A_834 : vector<16xf32>
        %sub3A_837 = arith.subf %mul3A_835, %mul3A_836 : vector<16xf32>
        %sub3A_838 = arith.subf %sub3A_837, %get3A_810 : vector<16xf32>
        %mul3A_839 = arith.mulf %get3A_794, %get3A_834 : vector<16xf32>
        %mul3A_840 = arith.mulf %get3A_802, %get3A_826 : vector<16xf32>
        %add3A_841 = arith.addf %mul3A_839, %mul3A_840 : vector<16xf32>
        %sub3A_842 = arith.subf %add3A_841, %get3A_818 : vector<16xf32>
        %mul3A_843 = arith.mulf %sub3A_838, %sub3A_838 : vector<16xf32>
        %mul3A_844 = arith.mulf %sub3A_842, %sub3A_842 : vector<16xf32>
        %add3A_845 = arith.addf %mul3A_843, %mul3A_844 : vector<16xf32>
        %max3A_846 = arith.constant 1.000000e-24 : f32
        %max3A_847 = vector.broadcast %max3A_846 : f32 to vector<16xf32>
        %max3A_848 = arith.maximumf %add3A_845, %max3A_847 : vector<16xf32>
        %bitcast_convert_type3A_849 = tpu.bitcast %max3A_848 : vector<16xf32> -> vector<16xi32>
        %shift_right_arithmetic3A_850 = arith.constant 1 : i32
        %shift_right_arithmetic3A_851 = vector.broadcast %shift_right_arithmetic3A_850 : i32 to vector<16xi32>
        %shift_right_arithmetic3A_852 = arith.shrsi %bitcast_convert_type3A_849, %shift_right_arithmetic3A_851 : vector<16xi32>
        %sub3A_853 = arith.constant 1597463007 : i32
        %sub3A_854 = vector.broadcast %sub3A_853 : i32 to vector<16xi32>
        %sub3A_855 = arith.subi %sub3A_854, %shift_right_arithmetic3A_852 : vector<16xi32>
        %bitcast_convert_type3A_856 = tpu.bitcast %sub3A_855 : vector<16xi32> -> vector<16xf32>
        %mul3A_857 = arith.constant 5.000000e-01 : f32
        %mul3A_858 = vector.broadcast %mul3A_857 : f32 to vector<16xf32>
        %mul3A_859 = arith.mulf %max3A_848, %mul3A_858 : vector<16xf32>
        %mul3A_860 = arith.mulf %mul3A_859, %bitcast_convert_type3A_856 : vector<16xf32>
        %mul3A_861 = arith.mulf %mul3A_860, %bitcast_convert_type3A_856 : vector<16xf32>
        %sub3A_862 = arith.constant 1.500000e+00 : f32
        %sub3A_863 = vector.broadcast %sub3A_862 : f32 to vector<16xf32>
        %sub3A_864 = arith.subf %sub3A_863, %mul3A_861 : vector<16xf32>
        %mul3A_865 = arith.mulf %bitcast_convert_type3A_856, %sub3A_864 : vector<16xf32>
        %mul3A_866 = arith.mulf %max3A_848, %mul3A_865 : vector<16xf32>
        %add3A_867 = arith.addf %add3A_786, %mul3A_866 : vector<16xf32>
        %get3A_868 = arith.constant 0 : i32
        %get3A_869 = arith.constant 0 : i32
        %get3A_870 = tpu.memref_slice %arg11[%scan3A_681, %get3A_868, %get3A_869] : memref<2x128x128xf32, #tpu.memory_space<vmem>> -> memref<1x128x128xf32, #tpu.memory_space<vmem>>
        %get3A_871 = tpu.memref_squeeze %get3A_870 : memref<1x128x128xf32, #tpu.memory_space<vmem>> -> memref<128x128xf32, #tpu.memory_space<vmem>>
        %get3A_872 = arith.index_cast %add3A_708 : i32 to index
        %get3A_873 = arith.constant 32 : index
        %get3A_874 = tpu.vector_load %get3A_871[%get3A_872, %get3A_873] {strides = array<i32>} : memref<128x128xf32, #tpu.memory_space<vmem>>, vector<1x16xf32>,
        %get3A_875 = vector.shape_cast %get3A_874 : vector<1x16xf32> to vector<16xf32>
        %get3A_876 = arith.constant 0 : i32
        %get3A_877 = arith.constant 0 : i32
        %get3A_878 = tpu.memref_slice %arg11[%scan3A_681, %get3A_876, %get3A_877] : memref<2x128x128xf32, #tpu.memory_space<vmem>> -> memref<1x128x128xf32, #tpu.memory_space<vmem>>
        %get3A_879 = tpu.memref_squeeze %get3A_878 : memref<1x128x128xf32, #tpu.memory_space<vmem>> -> memref<128x128xf32, #tpu.memory_space<vmem>>
        %get3A_880 = arith.index_cast %add3A_708 : i32 to index
        %get3A_881 = arith.constant 96 : index
        %get3A_882 = tpu.vector_load %get3A_879[%get3A_880, %get3A_881] {strides = array<i32>} : memref<128x128xf32, #tpu.memory_space<vmem>>, vector<1x16xf32>,
        %get3A_883 = vector.shape_cast %get3A_882 : vector<1x16xf32> to vector<16xf32>
        %get3A_884 = arith.constant 0 : i32
        %get3A_885 = arith.constant 0 : i32
        %get3A_886 = tpu.memref_slice %arg12[%scan3A_682, %get3A_884, %get3A_885] : memref<2x128x128xf32, #tpu.memory_space<vmem>> -> memref<1x128x128xf32, #tpu.memory_space<vmem>>
        %get3A_887 = tpu.memref_squeeze %get3A_886 : memref<1x128x128xf32, #tpu.memory_space<vmem>> -> memref<128x128xf32, #tpu.memory_space<vmem>>
        %get3A_888 = arith.index_cast %add3A_708 : i32 to index
        %get3A_889 = arith.constant 32 : index
        %get3A_890 = tpu.vector_load %get3A_887[%get3A_888, %get3A_889] {strides = array<i32>} : memref<128x128xf32, #tpu.memory_space<vmem>>, vector<1x16xf32>,
        %get3A_891 = vector.shape_cast %get3A_890 : vector<1x16xf32> to vector<16xf32>
        %get3A_892 = arith.constant 0 : i32
        %get3A_893 = arith.constant 0 : i32
        %get3A_894 = tpu.memref_slice %arg12[%scan3A_682, %get3A_892, %get3A_893] : memref<2x128x128xf32, #tpu.memory_space<vmem>> -> memref<1x128x128xf32, #tpu.memory_space<vmem>>
        %get3A_895 = tpu.memref_squeeze %get3A_894 : memref<1x128x128xf32, #tpu.memory_space<vmem>> -> memref<128x128xf32, #tpu.memory_space<vmem>>
        %get3A_896 = arith.index_cast %add3A_708 : i32 to index
        %get3A_897 = arith.constant 96 : index
        %get3A_898 = tpu.vector_load %get3A_895[%get3A_896, %get3A_897] {strides = array<i32>} : memref<128x128xf32, #tpu.memory_space<vmem>>, vector<1x16xf32>,
        %get3A_899 = vector.shape_cast %get3A_898 : vector<1x16xf32> to vector<16xf32>
        %get3A_900 = arith.constant 0 : i32
        %get3A_901 = arith.constant 0 : i32
        %get3A_902 = tpu.memref_slice %arg13[%scan3A_683, %get3A_900, %get3A_901] : memref<2x128x128xf32, #tpu.memory_space<vmem>> -> memref<1x128x128xf32, #tpu.memory_space<vmem>>
        %get3A_903 = tpu.memref_squeeze %get3A_902 : memref<1x128x128xf32, #tpu.memory_space<vmem>> -> memref<128x128xf32, #tpu.memory_space<vmem>>
        %get3A_904 = arith.index_cast %add3A_708 : i32 to index
        %get3A_905 = arith.constant 32 : index
        %get3A_906 = tpu.vector_load %get3A_903[%get3A_904, %get3A_905] {strides = array<i32>} : memref<128x128xf32, #tpu.memory_space<vmem>>, vector<1x16xf32>,
        %get3A_907 = vector.shape_cast %get3A_906 : vector<1x16xf32> to vector<16xf32>
        %get3A_908 = arith.constant 0 : i32
        %get3A_909 = arith.constant 0 : i32
        %get3A_910 = tpu.memref_slice %arg13[%scan3A_683, %get3A_908, %get3A_909] : memref<2x128x128xf32, #tpu.memory_space<vmem>> -> memref<1x128x128xf32, #tpu.memory_space<vmem>>
        %get3A_911 = tpu.memref_squeeze %get3A_910 : memref<1x128x128xf32, #tpu.memory_space<vmem>> -> memref<128x128xf32, #tpu.memory_space<vmem>>
        %get3A_912 = arith.index_cast %add3A_708 : i32 to index
        %get3A_913 = arith.constant 96 : index
        %get3A_914 = tpu.vector_load %get3A_911[%get3A_912, %get3A_913] {strides = array<i32>} : memref<128x128xf32, #tpu.memory_space<vmem>>, vector<1x16xf32>,
        %get3A_915 = vector.shape_cast %get3A_914 : vector<1x16xf32> to vector<16xf32>
        %mul3A_916 = arith.mulf %get3A_875, %get3A_907 : vector<16xf32>
        %mul3A_917 = arith.mulf %get3A_883, %get3A_915 : vector<16xf32>
        %sub3A_918 = arith.subf %mul3A_916, %mul3A_917 : vector<16xf32>
        %sub3A_919 = arith.subf %sub3A_918, %get3A_891 : vector<16xf32>
        %mul3A_920 = arith.mulf %get3A_875, %get3A_915 : vector<16xf32>
        %mul3A_921 = arith.mulf %get3A_883, %get3A_907 : vector<16xf32>
        %add3A_922 = arith.addf %mul3A_920, %mul3A_921 : vector<16xf32>
        %sub3A_923 = arith.subf %add3A_922, %get3A_899 : vector<16xf32>
        %mul3A_924 = arith.mulf %sub3A_919, %sub3A_919 : vector<16xf32>
        %mul3A_925 = arith.mulf %sub3A_923, %sub3A_923 : vector<16xf32>
        %add3A_926 = arith.addf %mul3A_924, %mul3A_925 : vector<16xf32>
        %max3A_927 = arith.constant 1.000000e-24 : f32
        %max3A_928 = vector.broadcast %max3A_927 : f32 to vector<16xf32>
        %max3A_929 = arith.maximumf %add3A_926, %max3A_928 : vector<16xf32>
        %bitcast_convert_type3A_930 = tpu.bitcast %max3A_929 : vector<16xf32> -> vector<16xi32>
        %shift_right_arithmetic3A_931 = arith.constant 1 : i32
        %shift_right_arithmetic3A_932 = vector.broadcast %shift_right_arithmetic3A_931 : i32 to vector<16xi32>
        %shift_right_arithmetic3A_933 = arith.shrsi %bitcast_convert_type3A_930, %shift_right_arithmetic3A_932 : vector<16xi32>
        %sub3A_934 = arith.constant 1597463007 : i32
        %sub3A_935 = vector.broadcast %sub3A_934 : i32 to vector<16xi32>
        %sub3A_936 = arith.subi %sub3A_935, %shift_right_arithmetic3A_933 : vector<16xi32>
        %bitcast_convert_type3A_937 = tpu.bitcast %sub3A_936 : vector<16xi32> -> vector<16xf32>
        %mul3A_938 = arith.constant 5.000000e-01 : f32
        %mul3A_939 = vector.broadcast %mul3A_938 : f32 to vector<16xf32>
        %mul3A_940 = arith.mulf %max3A_929, %mul3A_939 : vector<16xf32>
        %mul3A_941 = arith.mulf %mul3A_940, %bitcast_convert_type3A_937 : vector<16xf32>
        %mul3A_942 = arith.mulf %mul3A_941, %bitcast_convert_type3A_937 : vector<16xf32>
        %sub3A_943 = arith.constant 1.500000e+00 : f32
        %sub3A_944 = vector.broadcast %sub3A_943 : f32 to vector<16xf32>
        %sub3A_945 = arith.subf %sub3A_944, %mul3A_942 : vector<16xf32>
        %mul3A_946 = arith.mulf %bitcast_convert_type3A_937, %sub3A_945 : vector<16xf32>
        %mul3A_947 = arith.mulf %max3A_929, %mul3A_946 : vector<16xf32>
        %add3A_948 = arith.addf %add3A_867, %mul3A_947 : vector<16xf32>
        %get3A_949 = arith.constant 0 : i32
        %get3A_950 = arith.constant 0 : i32
        %get3A_951 = tpu.memref_slice %arg11[%scan3A_681, %get3A_949, %get3A_950] : memref<2x128x128xf32, #tpu.memory_space<vmem>> -> memref<1x128x128xf32, #tpu.memory_space<vmem>>
        %get3A_952 = tpu.memref_squeeze %get3A_951 : memref<1x128x128xf32, #tpu.memory_space<vmem>> -> memref<128x128xf32, #tpu.memory_space<vmem>>
        %get3A_953 = arith.index_cast %add3A_708 : i32 to index
        %get3A_954 = arith.constant 48 : index
        %get3A_955 = tpu.vector_load %get3A_952[%get3A_953, %get3A_954] {strides = array<i32>} : memref<128x128xf32, #tpu.memory_space<vmem>>, vector<1x16xf32>,
        %get3A_956 = vector.shape_cast %get3A_955 : vector<1x16xf32> to vector<16xf32>
        %get3A_957 = arith.constant 0 : i32
        %get3A_958 = arith.constant 0 : i32
        %get3A_959 = tpu.memref_slice %arg11[%scan3A_681, %get3A_957, %get3A_958] : memref<2x128x128xf32, #tpu.memory_space<vmem>> -> memref<1x128x128xf32, #tpu.memory_space<vmem>>
        %get3A_960 = tpu.memref_squeeze %get3A_959 : memref<1x128x128xf32, #tpu.memory_space<vmem>> -> memref<128x128xf32, #tpu.memory_space<vmem>>
        %get3A_961 = arith.index_cast %add3A_708 : i32 to index
        %get3A_962 = arith.constant 112 : index
        %get3A_963 = tpu.vector_load %get3A_960[%get3A_961, %get3A_962] {strides = array<i32>} : memref<128x128xf32, #tpu.memory_space<vmem>>, vector<1x16xf32>,
        %get3A_964 = vector.shape_cast %get3A_963 : vector<1x16xf32> to vector<16xf32>
        %get3A_965 = arith.constant 0 : i32
        %get3A_966 = arith.constant 0 : i32
        %get3A_967 = tpu.memref_slice %arg12[%scan3A_682, %get3A_965, %get3A_966] : memref<2x128x128xf32, #tpu.memory_space<vmem>> -> memref<1x128x128xf32, #tpu.memory_space<vmem>>
        %get3A_968 = tpu.memref_squeeze %get3A_967 : memref<1x128x128xf32, #tpu.memory_space<vmem>> -> memref<128x128xf32, #tpu.memory_space<vmem>>
        %get3A_969 = arith.index_cast %add3A_708 : i32 to index
        %get3A_970 = arith.constant 48 : index
        %get3A_971 = tpu.vector_load %get3A_968[%get3A_969, %get3A_970] {strides = array<i32>} : memref<128x128xf32, #tpu.memory_space<vmem>>, vector<1x16xf32>,
        %get3A_972 = vector.shape_cast %get3A_971 : vector<1x16xf32> to vector<16xf32>
        %get3A_973 = arith.constant 0 : i32
        %get3A_974 = arith.constant 0 : i32
        %get3A_975 = tpu.memref_slice %arg12[%scan3A_682, %get3A_973, %get3A_974] : memref<2x128x128xf32, #tpu.memory_space<vmem>> -> memref<1x128x128xf32, #tpu.memory_space<vmem>>
        %get3A_976 = tpu.memref_squeeze %get3A_975 : memref<1x128x128xf32, #tpu.memory_space<vmem>> -> memref<128x128xf32, #tpu.memory_space<vmem>>
        %get3A_977 = arith.index_cast %add3A_708 : i32 to index
        %get3A_978 = arith.constant 112 : index
        %get3A_979 = tpu.vector_load %get3A_976[%get3A_977, %get3A_978] {strides = array<i32>} : memref<128x128xf32, #tpu.memory_space<vmem>>, vector<1x16xf32>,
        %get3A_980 = vector.shape_cast %get3A_979 : vector<1x16xf32> to vector<16xf32>
        %get3A_981 = arith.constant 0 : i32
        %get3A_982 = arith.constant 0 : i32
        %get3A_983 = tpu.memref_slice %arg13[%scan3A_683, %get3A_981, %get3A_982] : memref<2x128x128xf32, #tpu.memory_space<vmem>> -> memref<1x128x128xf32, #tpu.memory_space<vmem>>
        %get3A_984 = tpu.memref_squeeze %get3A_983 : memref<1x128x128xf32, #tpu.memory_space<vmem>> -> memref<128x128xf32, #tpu.memory_space<vmem>>
        %get3A_985 = arith.index_cast %add3A_708 : i32 to index
        %get3A_986 = arith.constant 48 : index
        %get3A_987 = tpu.vector_load %get3A_984[%get3A_985, %get3A_986] {strides = array<i32>} : memref<128x128xf32, #tpu.memory_space<vmem>>, vector<1x16xf32>,
        %get3A_988 = vector.shape_cast %get3A_987 : vector<1x16xf32> to vector<16xf32>
        %get3A_989 = arith.constant 0 : i32
        %get3A_990 = arith.constant 0 : i32
        %get3A_991 = tpu.memref_slice %arg13[%scan3A_683, %get3A_989, %get3A_990] : memref<2x128x128xf32, #tpu.memory_space<vmem>> -> memref<1x128x128xf32, #tpu.memory_space<vmem>>
        %get3A_992 = tpu.memref_squeeze %get3A_991 : memref<1x128x128xf32, #tpu.memory_space<vmem>> -> memref<128x128xf32, #tpu.memory_space<vmem>>
        %get3A_993 = arith.index_cast %add3A_708 : i32 to index
        %get3A_994 = arith.constant 112 : index
        %get3A_995 = tpu.vector_load %get3A_992[%get3A_993, %get3A_994] {strides = array<i32>} : memref<128x128xf32, #tpu.memory_space<vmem>>, vector<1x16xf32>,
        %get3A_996 = vector.shape_cast %get3A_995 : vector<1x16xf32> to vector<16xf32>
        %mul3A_997 = arith.mulf %get3A_956, %get3A_988 : vector<16xf32>
        %mul3A_998 = arith.mulf %get3A_964, %get3A_996 : vector<16xf32>
        %sub3A_999 = arith.subf %mul3A_997, %mul3A_998 : vector<16xf32>
        %sub3A_1000 = arith.subf %sub3A_999, %get3A_972 : vector<16xf32>
        %mul3A_1001 = arith.mulf %get3A_956, %get3A_996 : vector<16xf32>
        %mul3A_1002 = arith.mulf %get3A_964, %get3A_988 : vector<16xf32>
        %add3A_1003 = arith.addf %mul3A_1001, %mul3A_1002 : vector<16xf32>
        %sub3A_1004 = arith.subf %add3A_1003, %get3A_980 : vector<16xf32>
        %mul3A_1005 = arith.mulf %sub3A_1000, %sub3A_1000 : vector<16xf32>
        %mul3A_1006 = arith.mulf %sub3A_1004, %sub3A_1004 : vector<16xf32>
        %add3A_1007 = arith.addf %mul3A_1005, %mul3A_1006 : vector<16xf32>
        %max3A_1008 = arith.constant 1.000000e-24 : f32
        %max3A_1009 = vector.broadcast %max3A_1008 : f32 to vector<16xf32>
        %max3A_1010 = arith.maximumf %add3A_1007, %max3A_1009 : vector<16xf32>
        %bitcast_convert_type3A_1011 = tpu.bitcast %max3A_1010 : vector<16xf32> -> vector<16xi32>
        %shift_right_arithmetic3A_1012 = arith.constant 1 : i32
        %shift_right_arithmetic3A_1013 = vector.broadcast %shift_right_arithmetic3A_1012 : i32 to vector<16xi32>
        %shift_right_arithmetic3A_1014 = arith.shrsi %bitcast_convert_type3A_1011, %shift_right_arithmetic3A_1013 : vector<16xi32>
        %sub3A_1015 = arith.constant 1597463007 : i32
        %sub3A_1016 = vector.broadcast %sub3A_1015 : i32 to vector<16xi32>
        %sub3A_1017 = arith.subi %sub3A_1016, %shift_right_arithmetic3A_1014 : vector<16xi32>
        %bitcast_convert_type3A_1018 = tpu.bitcast %sub3A_1017 : vector<16xi32> -> vector<16xf32>
        %mul3A_1019 = arith.constant 5.000000e-01 : f32
        %mul3A_1020 = vector.broadcast %mul3A_1019 : f32 to vector<16xf32>
        %mul3A_1021 = arith.mulf %max3A_1010, %mul3A_1020 : vector<16xf32>
        %mul3A_1022 = arith.mulf %mul3A_1021, %bitcast_convert_type3A_1018 : vector<16xf32>
        %mul3A_1023 = arith.mulf %mul3A_1022, %bitcast_convert_type3A_1018 : vector<16xf32>
        %sub3A_1024 = arith.constant 1.500000e+00 : f32
        %sub3A_1025 = vector.broadcast %sub3A_1024 : f32 to vector<16xf32>
        %sub3A_1026 = arith.subf %sub3A_1025, %mul3A_1023 : vector<16xf32>
        %mul3A_1027 = arith.mulf %bitcast_convert_type3A_1018, %sub3A_1026 : vector<16xf32>
        %mul3A_1028 = arith.mulf %max3A_1010, %mul3A_1027 : vector<16xf32>
        %add3A_1029 = arith.addf %add3A_948, %mul3A_1028 : vector<16xf32>
        %xor3A = arith.constant 1 : i32
        %xor3A_1030 = vector.broadcast %xor3A : i32 to vector<16xi32>
        %xor3A_1031 = arith.xori %iota3A, %xor3A_1030 : vector<16xi32>
        %broadcast_in_dim3A_1032 = vector.shape_cast %xor3A_1031 : vector<16xi32> to vector<16x1xi32>
        %gather3A = vector.shape_cast %broadcast_in_dim3A_1032 : vector<16x1xi32> to vector<16xi32>
        %gather3A_1033 = tpu.dynamic_gather %add3A_1029[%gather3A] in [0] : vector<16xf32>, vector<16xi32> -> vector<16xf32>
        %add3A_1034 = arith.addf %add3A_1029, %gather3A_1033 : vector<16xf32>
        %xor3A_1035 = arith.constant 2 : i32
        %xor3A_1036 = vector.broadcast %xor3A_1035 : i32 to vector<16xi32>
        %xor3A_1037 = arith.xori %iota3A, %xor3A_1036 : vector<16xi32>
        %broadcast_in_dim3A_1038 = vector.shape_cast %xor3A_1037 : vector<16xi32> to vector<16x1xi32>
        %gather3A_1039 = vector.shape_cast %broadcast_in_dim3A_1038 : vector<16x1xi32> to vector<16xi32>
        %gather3A_1040 = tpu.dynamic_gather %add3A_1034[%gather3A_1039] in [0] : vector<16xf32>, vector<16xi32> -> vector<16xf32>
        %add3A_1041 = arith.addf %add3A_1034, %gather3A_1040 : vector<16xf32>
        %xor3A_1042 = arith.constant 4 : i32
        %xor3A_1043 = vector.broadcast %xor3A_1042 : i32 to vector<16xi32>
        %xor3A_1044 = arith.xori %iota3A, %xor3A_1043 : vector<16xi32>
        %broadcast_in_dim3A_1045 = vector.shape_cast %xor3A_1044 : vector<16xi32> to vector<16x1xi32>
        %gather3A_1046 = vector.shape_cast %broadcast_in_dim3A_1045 : vector<16x1xi32> to vector<16xi32>
        %gather3A_1047 = tpu.dynamic_gather %add3A_1041[%gather3A_1046] in [0] : vector<16xf32>, vector<16xi32> -> vector<16xf32>
        %add3A_1048 = arith.addf %add3A_1041, %gather3A_1047 : vector<16xf32>
        %xor3A_1049 = arith.constant 8 : i32
        %xor3A_1050 = vector.broadcast %xor3A_1049 : i32 to vector<16xi32>
        %xor3A_1051 = arith.xori %iota3A, %xor3A_1050 : vector<16xi32>
        %broadcast_in_dim3A_1052 = vector.shape_cast %xor3A_1051 : vector<16xi32> to vector<16x1xi32>
        %gather3A_1053 = vector.shape_cast %broadcast_in_dim3A_1052 : vector<16x1xi32> to vector<16xi32>
        %gather3A_1054 = tpu.dynamic_gather %add3A_1048[%gather3A_1053] in [0] : vector<16xf32>, vector<16xi32> -> vector<16xf32>
        %add3A_1055 = arith.addf %add3A_1048, %gather3A_1054 : vector<16xf32>
        %mul3A_1056 = arith.constant 1.00094593 : f32
        %mul3A_1057 = vector.broadcast %mul3A_1056 : f32 to vector<16xf32>
        %mul3A_1058 = arith.mulf %add3A_1055, %mul3A_1057 : vector<16xf32>
        %sub3A_1059 = arith.constant 1.200000e+01 : f32
        %sub3A_1060 = vector.broadcast %sub3A_1059 : f32 to vector<16xf32>
        %sub3A_1061 = arith.subf %sub3A_1060, %mul3A_1058 : vector<16xf32>
        %eq3A = vector.broadcast %scan3A_704 : i32 to vector<16xi32>
        %eq3A_1062 = arith.cmpi eq, %iota3A, %eq3A : vector<16xi32>
        %select_n3A = arith.select %eq3A_1062, %sub3A_1061, %scan3A_705 : vector<16xi1>, vector<16xf32>
        scf.yield %select_n3A : vector<16xf32>
      }
      %scan3A_696 = arith.constant 16 : i32
      %mul3A_697 = arith.constant 16 : i32
      %mul3A_698 = arith.muli %scan3A_689, %mul3A_697 : i32
      %add3A_699 = arith.constant 384 : i32
      %add3A_700 = arith.addi %add3A_699, %mul3A_698 : i32
      %swap3A = arith.index_cast %add3A_700 : i32 to index
      %swap3A_701 = tpu.vector_load %arg14[%swap3A] {strides = array<i32>} : memref<512xf32, #tpu.memory_space<vmem>>, vector<16xf32>,
      %swap3A_702 = vector.shape_cast %swap3A_701 : vector<16xf32> to vector<16xf32>
      %swap3A_703 = vector.shape_cast %scan3A_695 : vector<16xf32> to vector<16xf32>
      tpu.vector_store %arg14[%swap3A], %swap3A_703 {strides = array<i32>} : memref<512xf32, #tpu.memory_space<vmem>>, vector<16xf32>,
    }
    %scan3A_688 = arith.constant 8 : i32
    "tpu.region"() ({
      %run_scoped3A = tpu.sem_alloc : memref<!tpu.dma_semaphore, #tpu.memory_space<semaphore_mem>>
      %dma_start3A_689 = tpu.memref_slice %arg7[%mul3A_2] : memref<16384xf32, #tpu.memory_space<hbm>> -> memref<512xf32, #tpu.memory_space<hbm>>
      %dma_start3A_690 = tpu.memref_slice %arg7[%mul3A_2] : memref<16384xf32, #tpu.memory_space<hbm>> -> memref<512xf32, #tpu.memory_space<hbm>>
      tpu.enqueue_dma source(%arg14 : memref<512xf32, #tpu.memory_space<vmem>>) target(%dma_start3A_690 : memref<512xf32, #tpu.memory_space<hbm>>) target_semaphore(%run_scoped3A : memref<!tpu.dma_semaphore, #tpu.memory_space<semaphore_mem>>)
      %dma_wait3A_691 = tpu.memref_slice %arg7[%mul3A_2] : memref<16384xf32, #tpu.memory_space<hbm>> -> memref<512xf32, #tpu.memory_space<hbm>>
      %dma_wait3A_692 = tpu.memref_slice %arg7[%mul3A_2] : memref<16384xf32, #tpu.memory_space<hbm>> -> memref<512xf32, #tpu.memory_space<hbm>>
      tpu.wait_dma2 semaphore(%run_scoped3A : memref<!tpu.dma_semaphore, #tpu.memory_space<semaphore_mem>>) src(%arg14 : memref<512xf32, #tpu.memory_space<vmem>>) dst(%dma_wait3A_692 : memref<512xf32, #tpu.memory_space<hbm>>)
      tpu.yield
    }) : () -> ()
    return
  }
}

module attributes {stable_mosaic.version = 14 : i64} {
  func.func @_trig_body(%arg0: memref<501x64xf32, #tpu.memory_space<vmem>>, %arg1: memref<512x128xf32, #tpu.memory_space<vmem>>) attributes {dimension_semantics = [], scalar_prefetch = 0 : i64, scratch_operands = 0 : i64, tpu.core_type = #tpu.core_type<tc>} {
    %get3A = arith.constant 0 : index
    %get3A_0 = arith.constant 0 : index
    %get3A_1 = vector.load %arg0[%get3A, %get3A_0] : memref<501x64xf32, #tpu.memory_space<vmem>>, vector<501x64xf32>
    %mul3A = arith.constant 14.3615665 : f32
    %mul3A_2 = vector.broadcast %mul3A : f32 to vector<501x64xf32>
    %mul3A_3 = arith.mulf %get3A_1, %mul3A_2 : vector<501x64xf32>
    %cos3A = math.cos %mul3A_3 : vector<501x64xf32>
    %sin3A = math.sin %mul3A_3 : vector<501x64xf32>
    %concatenate3A = tpu.concatenate %cos3A, %sin3A in 1 : vector<501x64xf32>, vector<501x64xf32> -> vector<501x128xf32>
    %broadcast_in_dim3A = arith.constant 0.000000e+00 : f32
    %broadcast_in_dim3A_4 = vector.broadcast %broadcast_in_dim3A : f32 to vector<11x128xf32>
    %concatenate3A_5 = tpu.concatenate %concatenate3A, %broadcast_in_dim3A_4 in 0 : vector<501x128xf32>, vector<11x128xf32> -> vector<512x128xf32>
    %swap3A = arith.constant 0 : index
    %swap3A_6 = arith.constant 0 : index
    %swap3A_7 = vector.load %arg1[%swap3A, %swap3A_6] : memref<512x128xf32, #tpu.memory_space<vmem>>, vector<512x128xf32>
    tpu.vector_store %arg1[%swap3A, %swap3A_6], %concatenate3A_5 {strides = array<i32>} : memref<512x128xf32, #tpu.memory_space<vmem>>, vector<512x128xf32>,
    return
  }
}

</mosaic_0001>

<sc_bundles>
// kernel: _impl.4.cloned.1.call-start
scs
__scs_entry_jumppad:
0x0: {  	(pc) =	sbr.rel $0x88, $3  }
0x1: {  	(tag) =	ssettag $0x0;
	lr =	simm.s32 $0x1  }
0x2: {  	[smem:$0x3F9C] =	sst lr;
	_ =	strace $0xD0000000  }
0x3: {  	_ = 	snop  }
0x4: {  	_ = 	snop  }
0x5: {  	_ = 	snop  }
0x6: {  	_ = 	snop  }
0x7: {  	_ = 	snop  }
__scs_overlays_trampoline_lowered:
0x8: {  	[smem:$0x3FAB] =	sst s0  }
0x9: {  	[smem:$0x3FAC] =	sst s1  }
0xa: {  	[smem:$0x3FAD] =	sst s2  }
0xb: {  	[smem:$0x3FAE] =	sst s3  }
0xc: {  	[smem:$0x3FAF] =	sst s4  }
0xd: {  	[smem:$0x3FB0] =	sst s5  }
0xe: {  	[smem:$0x3FB1] =	sst s6  }
0xf: {  	[smem:$0x3FB2] =	sst s7  }
0x10: {  	[smem:$0x3FB3] =	sst s8  }
0x11: {  	[smem:$0x3FB4] =	sst s9;
	s0 =	simm.s32 @!p0 $0x0  }
0x12: {  	s1 =	sld [smem:$0x3F9A];
	s0 =	simm.s32 @p0 $0x1  }
0x13: {  	[smem:$0x3FB5] =	sst s0;
	s0 =	simm.s32 @!p1 $0x0  }
0x14: {  	s2 =	sld [smem:$0x3F99];
	s0 =	simm.s32 @p1 $0x1  }
0x15: {  	[smem:$0x3FB6] =	sst s0;
	s0 =	simm.s32 @!p2 $0x0  }
0x16: {  	s3 =	sld [smem:$0x3FDB];
	s0 =	simm.s32 @p2 $0x1  }
0x17: {  	s4 =	simm.s32 $0x1BF5;
	[smem:$0x3FB8] =	sst s0  }
0x18: {  	s0 =	sld [smem:$0x3F9B];
	_ =	swait.ge [sflag:s4], $0x0  }
0x19: {  	s7 =	sld [smem:$0x3F9C]  }
0x1a: {  	s8 =	sadd.s32 $0xFFFFE003, lr  }
0x1b: {  	s9 =	sadd.s32 $0xFFFFFEF7, lr;
	s5 =	simm.s32 $0xFFFFFFFF;
	p2 =	slt.u32 s8, $0xFFFFF086  }
0x1c: {  	p1 =	slt.u32 s9, $0xF7A;
	s5 =	simm.s32 @!p2 $0x0  }
0x1d: {  	s5 =	simm.s32 @p1 $0x1;
	p0 =	seq.s32 s7, s2  }
0x1e: {  	s7 =	smul.u32 @!p0 $0xF7A, s2;
	p2 =	seq.s32 @!p0 s5, $0x0  }
0x1f: {  	s9 =	smul.u32 $0xF7A, s1;
	s8 =	simm.s32 @!p0 $0x1BF5;
	p2 =	por !p2, p0  }
0x20: {  	[sflag:s8] =	ssyncset.s32 @!p0 $0xFFFFF086;
	s6 =	sadd.s32 @!p0 s3, s7;
	s7 =	simm.s32 @!p0 $0x108  }
0x21: {  	s3 =	sadd.s32 s3, s9;
	s6 =	sadd.s32 @!p0 $0x88, s6;
	s7 =	simm.s32 @p2 $0x1082  }
0x22: {  	[simem:s7], [sflag:s8] =	dma.local @!p0 [hbm:s6], $0xF7A  }
0x23: {  	s9 =	sor.u32 $0xD0000000, s2;
	s6 =	simm.s32 $0x108;
	_ =	swait.ge @!p0 [sflag:s8], $0x0  }
0x24: {  	s3 =	sadd.s32 $0x88, s3;
	s6 =	simm.s32 @!p1 $0x1082;
	[sflag:s4] =	ssyncset.s32 $0xFFFFF086  }
0x25: {  	[simem:s6], [sflag:s4] =	dma.local [hbm:s3], $0xF7A  }
0x26: {  	[smem:$0x3F9C] =	sst s1;
	(tag) =	ssettag s2;
	_ =	strace s9  }
0x27: {  	s1 =	sld [smem:$0x3FAC]  }
0x28: {  	s2 =	sld [smem:$0x3FAD]  }
0x29: {  	s4 =	sld [smem:$0x3FAF]  }
0x2a: {  	p0 =	seq.s32 s5, $0x0;
	s5 =	sld [smem:$0x3FB0]  }
0x2b: {  	s6 =	sld [smem:$0x3FB1]  }
0x2c: {  	s7 =	sld [smem:$0x3FB2]  }
0x2d: {  	s3 =	simm.s32 $0x108;
	s8 =	sld [smem:$0x3FB3]  }
0x2e: {  	s3 =	simm.s32 @!p0 $0x1082;
	s9 =	sld [smem:$0x3FB4]  }
0x2f: {  	lr =	sadd.s32 s0, s3;
	s0 =	sld [smem:$0x3FAB]  }
0x30: {  	s3 =	sld [smem:$0x3FAE]  }
0x31: {  	[smem:$0x3FB7] =	sst s10  }
0x32: {  	s10 =	sld [smem:$0x3FB5];
	_ =	sdelay $0x3  }
0x33: {  	p0 =	seq.s32 s10, $0x1;
	s10 =	sld [smem:$0x3FB7];
	_ =	sdelay $0x3  }
0x34: {  	[smem:$0x3FB7] =	sst s10  }
0x35: {  	s10 =	sld [smem:$0x3FB6];
	_ =	sdelay $0x3  }
0x36: {  	p1 =	seq.s32 s10, $0x1;
	s10 =	sld [smem:$0x3FB7];
	_ =	sdelay $0x3  }
0x37: {  	[smem:$0x3FB7] =	sst s10  }
0x38: {  	s10 =	sld [smem:$0x3FB8]  }
0x39: {  	_ = 	snop;
	(pc) =	sbr.ind lr, $3  }
0x3a: {  	_ = 	snop  }
0x3b: {  	_ = 	snop  }
0x3c: {  	p2 =	seq.s32 s10, $0x1;
	s10 =	sld [smem:$0x3FB7]  }
0x3d: {  	_ =	shalt  }
0x3e: {  	_ =	shalt  }
0x3f: {  	_ =	shalt  }
0x40: {  	_ =	shalt  }
0x41: {  	_ =	shalt  }
0x42: {  	_ =	shalt  }
0x43: {  	_ =	shalt  }
0x44: {  	_ =	shalt  }
0x45: {  	_ =	shalt  }
0x46: {  	_ =	shalt  }
0x47: {  	_ =	shalt  }
0x48: {  	_ =	shalt  }
0x49: {  	_ =	shalt  }
0x4a: {  	_ =	shalt  }
0x4b: {  	_ =	shalt  }
0x4c: {  	_ =	shalt  }
0x4d: {  	_ =	shalt  }
0x4e: {  	_ =	shalt  }
0x4f: {  	_ =	shalt  }
0x50: {  	_ =	shalt  }
0x51: {  	_ =	shalt  }
0x52: {  	_ =	shalt  }
0x53: {  	_ =	shalt  }
0x54: {  	_ =	shalt  }
0x55: {  	_ =	shalt  }
0x56: {  	_ =	shalt  }
0x57: {  	_ =	shalt  }
0x58: {  	_ =	shalt  }
0x59: {  	_ =	shalt  }
0x5a: {  	_ =	shalt  }
0x5b: {  	_ =	shalt  }
0x5c: {  	_ =	shalt  }
0x5d: {  	_ =	shalt  }
0x5e: {  	_ =	shalt  }
0x5f: {  	_ =	shalt  }
0x60: {  	_ =	shalt  }
0x61: {  	_ =	shalt  }
0x62: {  	_ =	shalt  }
0x63: {  	_ =	shalt  }
0x64: {  	_ =	shalt  }
0x65: {  	_ =	shalt  }
0x66: {  	_ =	shalt  }
0x67: {  	_ =	shalt  }
0x68: {  	_ =	shalt  }
0x69: {  	_ =	shalt  }
0x6a: {  	_ =	shalt  }
0x6b: {  	_ =	shalt  }
0x6c: {  	_ =	shalt  }
0x6d: {  	_ =	shalt  }
0x6e: {  	_ =	shalt  }
0x6f: {  	_ =	shalt  }
0x70: {  	_ =	shalt  }
0x71: {  	_ =	shalt  }
0x72: {  	_ =	shalt  }
0x73: {  	_ =	shalt  }
0x74: {  	_ =	shalt  }
0x75: {  	_ =	shalt  }
0x76: {  	_ =	shalt  }
0x77: {  	_ =	shalt  }
0x78: {  	_ =	shalt  }
0x79: {  	_ =	shalt  }
0x7a: {  	_ =	shalt  }
0x7b: {  	_ =	shalt  }
0x7c: {  	_ =	shalt  }
0x7d: {  	_ =	shalt  }
0x7e: {  	_ =	shalt  }
0x7f: {  	_ =	shalt  }
0x80: {  	_ =	shalt  }
0x81: {  	_ =	shalt  }
0x82: {  	_ =	shalt  }
0x83: {  	_ =	shalt  }
0x84: {  	_ =	shalt  }
0x85: {  	_ =	shalt  }
0x86: {  	_ =	shalt  }
0x87: {  	_ =	shalt  }
.Lfunc_end0:
.L_simem_size_0:
called_computation_lowered:
.L_overlay_start_0:
0x88: {  	s2 =	sld [smem:$0x3FD9]  }
0x89: {  	s3 =	sld [smem:$0x3FFE];
	_ =	sdelay $0x1  }
0x8a: {  	s1 =	srdreg.scid  }
0x8b: {  	s0 =	sand.u32 $0x1, s1  }
0x8c: {  	s17 =	sshll.u32 s0, $0xA;
	s2 =	sadd.s32 s3, s2  }
0x8d: {  	s2 =	sadd.s32 s2, s17  }
0x8e: {  	[smem:$0x3FC3] =	sst s2  }
0x8f: {  	_ = 	snop  }
0x90: {  	s2 =	sld [smem:$0x3FC9]  }
0x91: {  	s18 =	sld [smem:$0x3FC8]  }
0x92: {  	s4 =	sld [smem:$0x3FC7]  }
0x93: {  	s5 =	sld [smem:$0x3FC6]  }
0x94: {  	s6 =	sld [smem:$0x3FD0];
	(tm) =	ssettm $0x1  }
0x95: {  	s7 =	sld [smem:$0x3FFB];
	_ =	sdelay $0x3  }
0x96: {  	_ =	strace s7  }
0x97: {  	s7 =	sld [smem:$0x3FFC];
	_ =	sdelay $0x3  }
0x98: {  	_ =	strace s7  }
0x99: {  	s7 =	sld [smem:$0x3FFD];
	_ =	sdelay $0x3  }
0x9a: {  	_ =	strace s7  }
0x9b: {  	_ =	strace $0x8FFFFFFF  }
0x9c: {  	s19 =	sld [smem:$0x3FDB];
	_ =	sdelay $0x1  }
0x9d: {  	s8 =	simm.s32 $_scs_section_size  }
0x9e: {  	s9 =	simm.s32 $_size__tile_overlayer_lowered;
	s10 =	simm.s32 $_tile_overlayer_lowered  }
0x9f: {  	s22 =	simm.s32 $0x1BFF;
	s21 =	sshll.u32 s10, $0x1;
	s7 =	sadd.s32 s8, s19  }
0xa0: {  	s11 =	simm.s32 $0x0;
	s20 =	sshll.u32 s9, $0x1;
	s9 =	sadd.s32 s21, s7  }
0xa1: {  	[timem:s11], [sflag:s22] =	dma.local [hbm:s9], s20  }
0xa2: {  	_ =	swait.ge [sflag:s22], s20  }
0xa3: {  	s8 =	ssub.s32 $0x0, s20;
	[sflag:s22] =	ssyncset.done $0x0  }
0xa4: {  	[sflag:s22] =	ssyncadd.s32 s8;
	_ =	sdelay $0x1  }
0xa5: {  	s23 =	simm.s32 $0x1B8B  }
0xa6: {  	_ =	swait.ge [sflag:s23], $0x1  }
0xa7: {  	[sflag:s23] =	ssyncset.done $0x0  }
0xa8: {  	s25 =	simm.s32 $0x1B8E;
	s24 =	sld [smem:$0x3FFE];
	[sflag:s23] =	ssyncadd.s32 $0xFFFFFFFF  }
0xa9: {  	s26 =	simm.s32 $execute0_lowered;
	[smem:$0x3FD2] =	sst s25  }
0xaa: {  	s9 =	sshll.u32 s26, $0x1;
	_ =	strace $0x80000046;
	[dreg:$0x1] =	wrdreg $0xFFFFFFFF  }
0xab: {  	s28 =	simm.s32 $_size_execute0_lowered;
	s7 =	sadd.s32 s7, s9;
	[dreg:$0x0] =	wrdreg $0x0  }
0xac: {  	s9 =	sshll.u32 s28, $0x1;
	[dreg:$0x2] =	wrdreg s7  }
0xad: {  	[dreg:$0x3] =	wrdreg s9  }
0xae: {  	[dreg:$0x4] =	wrdreg $0xC0  }
0xaf: {  	_ =	task [dreg:s11], $0x5FFFF  }
0xb0: {  	[dreg:$0x1] =	wrdreg $0xFFFFFFFF  }
0xb1: {  	[dreg:$0x0] =	wrdreg $0x60  }
0xb2: {  	[dreg:$0x2] =	wrdreg s2  }
0xb3: {  	[dreg:$0x3] =	wrdreg s18  }
0xb4: {  	[dreg:$0x4] =	wrdreg s4  }
0xb5: {  	[dreg:$0x5] =	wrdreg s5  }
0xb6: {  	[dreg:$0x6] =	wrdreg s24  }
0xb7: {  	[dreg:$0x7] =	wrdreg s6  }
0xb8: {  	[dreg:$0x8] =	wrdreg $0x9  }
0xb9: {  	_ =	task.clear_ibuf [dreg:s11], $0x9FFFF;
	_ =	strace $0x90000046  }
0xba: {  	s29 =	simm.s32 $0x9;
	_ =	strace $0x80000048  }
0xbb: {  	_ =	swait.ge [sflag:s29], $0x1  }
0xbc: {  	[sflag:s29] =	ssyncadd.s32 $0xFFFFFFFF  }
0xbd: {  	_ =	strace $0x90000048  }
0xbe: {  	_ =	sfence  }
0xbf: {  	s30 =	sld [smem:$0x0];
	_ =	sdelay $0x2  }
0xc0: {  	s31 =	sshll.u32 s1, $0xD;
	s1 =	sshrl.u32 s1, $0x2  }
0xc1: {  	s3 =	sand.u32 $0x4000, s31;
	s1 =	sadd.s32 s1, s30  }
0xc2: {  	s0 =	sor.u32 s3, s0;
	s1 =	sshll.u32 s1, $0x11  }
0xc3: {  	s0 =	sor.u32 s1, s0  }
0xc4: {  	s0 =	sadd.s32 $0x8F2B, s0  }
0xc5: {  	[sflag:s0] =	ssyncadd.remote.s32 $0x1  }
0xc6: {  	_ =	sfence.sel $0xFFFF  }
0xc7: {  	[dreg:$0x0] =	wrdreg $0xFFFFFFFF;
	(pc) =	sbr.abs _section_cstart, $3  }
0xc8: {  	[dreg:$0x1] =	wrdreg $0xFFFFFFFF  }
0xc9: {  	_ =	task.clear_ibuf [dreg:s11], $0x2FFFF;
	_ =	strace $0x9FFFFFFF  }
0xca: {  	(tm) =	ssettm $0x7FFFFFFF  }
0xcb: {  	_ =	shalt  }
tec
execute0_lowered:
.L_overlay_start_1:
0x0: {  	(tag) =	ssettag $0x1  }
0x1: {  	s0 =	rddreg [dreg:$0x0]  }
0x2: {  	s2 =	rddreg [dreg:$0x1]  }
0x3: {  	s6 =	rddreg [dreg:$0x2]  }
0x4: {  	s1 =	rddreg [dreg:$0x3]  }
0x5: {  	s4 =	rddreg [dreg:$0x4]  }
0x6: {  	s8 =	rddreg [dreg:$0x5];
	v0 =	vimm.s32 $0xEFCDAB89  }
0x7: {  	s3 =	simm.s32 $0x0;
	s5 =	srdreg.scid;
	s9 =	stileid.u32;
	v1 =	vimm.s32 $0x67452301;
	v2 =	vimm.s32 $0xDCFE98BA;
	v3 =	vimm.s32 $0x54761032  }
0x8: {  	s13 =	simm.s32 $0x20;
	v4 =	vimm.s32 $0xBA98FEDC;
	v5 =	vimm.s32 $0xFEDCBA98;
	s15 =	simm.s32 $0x80;
	s16 =	simm.s32 $0x4600  }
0x9: {  	v6 =	vimm.s32 $0x32107654;
	v7 =	vimm.s32 $0x76543210;
	s18 =	simm.s32 $0xC600;
	s20 =	simm.s32 $0x14600;
	s21 =	simm.s32 $0x1;
	v0 =	vunpack.c.l.s4.s8 v0  }
0xa: {  	s25 =	simm.s32 $0x2;
	s31 =	simm.s32 $0x0;
	[smem:$0x7FF] =	sst s3;
	v1 =	vunpack.c.l.s4.s8 v1;
	v2 =	vunpack.c.l.s4.s8 v2;
	v3 =	vunpack.c.l.s4.s8 v3  }
0xb: {  	s5 =	sand.u32 $0x1, s5;
	s9 =	sshll.u32 s9, $0x7;
	s4 =	sadd.s32 $0x600, s4;
	v5 =	vunpack.c.l.s4.s8 v5;
	v4 =	vunpack.c.l.s4.s8 v4;
	v6 =	vunpack.c.l.s4.s8 v6  }
0xc: {  	v7 =	vunpack.c.l.s4.s8 v7;
	s7 =	ssub.s32 $0x2, s5;
	s10 =	sshll.u32 s5, $0x6;
	_ =	strace $0x80000047;
	v0 =	vunpack.c.0.s8.s32 v0;
	v1 =	vunpack.c.0.s8.s32 v1  }
0xd: {  	s29 =	sshrl.u32 s7, $0x1;
	s11 =	sor.u32 s10, s9;
	s30 =	sadd.s32 s8, s10;
	v2 =	vunpack.c.0.s8.s32 v2;
	v3 =	vunpack.c.0.s8.s32 v3;
	v5 =	vunpack.c.0.s8.s32 v5  }
0xe: {  	s10 =	simm.s32 $0x3;
	v4 =	vunpack.c.0.s8.s32 v4;
	v6 =	vunpack.c.0.s8.s32 v6;
	v7 =	vunpack.c.0.s8.s32 v7;
	s12 =	ssub.s32 s7, s29;
	s5 =	sadd.s32 s0, s11  }
0xf: {  	s6 =	sadd.s32 s6, s11;
	s7 =	sadd.s32 s2, s11;
	s8 =	sadd.s32 s9, s30;
	v0 =	vcombine.low v1, v0;
	v1 =	vcombine.low v3, v2;
	v3 =	vand.u32 $0xF, v5  }
0x10: {  	s11 =	simm.s32 $0x200;
	s9 =	smax.u32 s12, $0x1;
	s12 =	simm.s32 $0x400;
	v2 =	vcombine.low v6, v4;
	v4 =	vlaneseq.u32;
	v3 =	vcombine.low v3, v7  }
.LBB2_1:
0x11: {  	[tilespmem:s3], [sflag:$0x3] =	stream.linear.gather [hbm4b:s5+s3], $0x200, $0x38;
	[tilespmem:$0x18800] =	vst v63  }
0x12: {  	_ =	swait.ge [sflag:s10], $0x200  }
0x13: {  	[sflag:s10] =	ssyncset.done $0x0  }
0x14: {  	[sflag:s10] =	ssyncadd.s32 $0xFFFFFE00  }
0x15: {  	[tilespmem:s11], [sflag:$0x3] =	stream.linear.gather [hbm4b:s6+s3], $0x200, $0x38;
	[tilespmem:$0x18800] =	vst v63  }
0x16: {  	_ =	swait.ge [sflag:s10], $0x200  }
0x17: {  	[sflag:s10] =	ssyncset.done $0x0  }
0x18: {  	[sflag:s10] =	ssyncadd.s32 $0xFFFFFE00  }
0x19: {  	[tilespmem:s12], [sflag:$0x3] =	stream.linear.gather [hbm4b:s7+s3], $0x200, $0x38;
	[tilespmem:$0x18800] =	vst v63  }
0x1a: {  	_ =	swait.ge [sflag:s10], $0x200  }
0x1b: {  	[sflag:s10] =	ssyncset.done $0x0  }
0x1c: {  	s0 =	simm.s32 $0x600;
	[sflag:s10] =	ssyncadd.s32 $0xFFFFFE00  }
0x1d: {  	[tilespmem:s0], [sflag:$0x1] =	stream.indirect.gather [hbm4b:s1+s13], $0x80, s3, s13, $0xb8;
	[tilespmem:$0x18800] =	vst v63  }
0x1e: {  	s14 =	simm.s32 $0x8600  }
0x1f: {  	[tilespmem:s14], [sflag:$0x1] =	stream.indirect.gather [hbm4b:s1+s13], $0x80, s11, s13, $0xb8;
	[tilespmem:$0x18800] =	vst v63  }
0x20: {  	s17 =	simm.s32 $0x10600  }
0x21: {  	[tilespmem:s17], [sflag:$0x1] =	stream.indirect.gather [hbm4b:s4+s13], $0x80, s12, s13, $0xb8;
	[tilespmem:$0x18800] =	vst v63  }
0x22: {  	s19 =	simm.s32 $0x1600  }
0x23: {  	[tilespmem:s19], [sflag:$0x1] =	stream.indirect.gather [hbm4b:s1+s13], $0x80, s13, s13, $0xb8;
	[tilespmem:$0x18800] =	vst v63  }
0x24: {  	s22 =	simm.s32 $0x220;
	s2 =	simm.s32 $0x9600  }
0x25: {  	[tilespmem:s2], [sflag:$0x1] =	stream.indirect.gather [hbm4b:s1+s13], $0x80, s22, s13, $0xb8;
	[tilespmem:$0x18800] =	vst v63  }
0x26: {  	s23 =	simm.s32 $0x420;
	s24 =	simm.s32 $0x11600  }
0x27: {  	[tilespmem:s24], [sflag:$0x1] =	stream.indirect.gather [hbm4b:s4+s13], $0x80, s23, s13, $0xb8;
	[tilespmem:$0x18800] =	vst v63  }
0x28: {  	s26 =	simm.s32 $0x40;
	s28 =	simm.s32 $0x2600  }
0x29: {  	[tilespmem:s28], [sflag:$0x1] =	stream.indirect.gather [hbm4b:s1+s13], $0x80, s26, s13, $0xb8;
	[tilespmem:$0x18800] =	vst v63  }
0x2a: {  	s29 =	simm.s32 $0x240;
	s30 =	simm.s32 $0xA600  }
0x2b: {  	[tilespmem:s30], [sflag:$0x1] =	stream.indirect.gather [hbm4b:s1+s13], $0x80, s29, s13, $0xb8;
	[tilespmem:$0x18800] =	vst v63  }
0x2c: {  	s14 =	simm.s32 $0x440;
	s17 =	simm.s32 $0x12600  }
0x2d: {  	[tilespmem:s17], [sflag:$0x1] =	stream.indirect.gather [hbm4b:s4+s13], $0x80, s14, s13, $0xb8;
	[tilespmem:$0x18800] =	vst v63  }
0x2e: {  	s19 =	simm.s32 $0x60;
	s22 =	simm.s32 $0x3600  }
0x2f: {  	[tilespmem:s22], [sflag:$0x1] =	stream.indirect.gather [hbm4b:s1+s13], $0x80, s19, s13, $0xb8;
	[tilespmem:$0x18800] =	vst v63  }
0x30: {  	s23 =	simm.s32 $0x260;
	s24 =	simm.s32 $0xB600  }
0x31: {  	[tilespmem:s24], [sflag:$0x1] =	stream.indirect.gather [hbm4b:s1+s13], $0x80, s23, s13, $0xb8;
	[tilespmem:$0x18800] =	vst v63  }
0x32: {  	s26 =	simm.s32 $0x460;
	s28 =	simm.s32 $0x13600  }
0x33: {  	[tilespmem:s28], [sflag:$0x1] =	stream.indirect.gather [hbm4b:s4+s13], $0x80, s26, s13, $0xb8;
	[tilespmem:$0x18800] =	vst v63  }
0x34: {  	_ = 	snop  }
0x35: {  	[tilespmem:s16], [sflag:$0x2] =	stream.indirect.gather [hbm4b:s1+s15], $0x80, s15, s15, $0xb8;
	[tilespmem:$0x18800] =	vst v63  }
0x36: {  	s29 =	simm.s32 $0x280  }
0x37: {  	[tilespmem:s18], [sflag:$0x2] =	stream.indirect.gather [hbm4b:s1+s15], $0x80, s29, s15, $0xb8;
	[tilespmem:$0x18800] =	vst v63  }
0x38: {  	s30 =	simm.s32 $0x480  }
0x39: {  	[tilespmem:s20], [sflag:$0x2] =	stream.indirect.gather [hbm4b:s4+s15], $0x80, s30, s15, $0xb8;
	[tilespmem:$0x18800] =	vst v63  }
0x3a: {  	_ =	swait.ge [sflag:s21], $0x1000  }
0x3b: {  	[sflag:s21] =	ssyncset.done $0x0  }
0x3c: {  	[sflag:s21] =	ssyncadd.s32 $0xFFFFF000  }
0x3d: {  	_ =	swait.ge [sflag:s21], $0x1000  }
0x3e: {  	[sflag:s21] =	ssyncset.done $0x0  }
0x3f: {  	[sflag:s21] =	ssyncadd.s32 $0xFFFFF000  }
0x40: {  	_ =	swait.ge [sflag:s21], $0x1000  }
0x41: {  	[sflag:s21] =	ssyncset.done $0x0  }
0x42: {  	p0 =	por $0x1, $0x1;
	s0 =	simm.s32 $0x0;
	[sflag:s21] =	ssyncadd.s32 $0xFFFFF000  }
.LBB2_2:
0x43: {  	s2 =	sshll.u32 s0, $0xB  }
0x44: {  	s2 =	sand.u32 $0x3FFFF800, s2  }
0x45: {  	s14 =	sor.u32 $0x640, s2  }
0x46: {  	s19 =	sadd.s32 $0x8640, s2;
	v5 =	vld [tilespmem:s14+$0x0]  }
0x47: {  	v6 =	vld [tilespmem:s19+$0x30]  }
0x48: {  	s17 =	sadd.s32 $0x10640, s2;
	v7 =	vld [tilespmem:s19+$0xFFFFFFF0]  }
0x49: {  	v8 =	vld [tilespmem:s17+$0xFFFFFFF0]  }
0x4a: {  	v9 =	vld [tilespmem:s17+$0x30]  }
0x4b: {  	v10 =	vld [tilespmem:s14+$0x30]  }
0x4c: {  	v11 =	vld [tilespmem:s17+$0xFFFFFFE0]  }
0x4d: {  	v12 =	vld [tilespmem:s14+$0xFFFFFFF0]  }
0x4e: {  	v13 =	vld [tilespmem:s14+$0xFFFFFFC0]  }
0x4f: {  	v14 =	vld [tilespmem:s14+$0x20]  }
0x50: {  	v15 =	vld [tilespmem:s17+$0x10]  }
0x51: {  	v16 =	vld [tilespmem:s17+$0x20]  }
0x52: {  	v17 =	vld [tilespmem:s17+$0xFFFFFFD0]  }
0x53: {  	v18 =	vld [tilespmem:s14+$0xFFFFFFE0]  }
0x54: {  	v19 =	vld [tilespmem:s14+$0xFFFFFFD0]  }
0x55: {  	v22 =	vld [tilespmem:s14+$0x10]  }
0x56: {  	v21 =	vld [tilespmem:s17+$0xFFFFFFC0];
	v20 =	vmul.f32 v9, v10;
	v10 =	vmul.f32 v8, v10  }
0x57: {  	v24 =	vld [tilespmem:s19+$0xFFFFFFE0];
	v8 =	vmul.f32 v8, v12;
	v23 =	vmul.f32 v11, v14  }
0x58: {  	v25 =	vld [tilespmem:s19+$0x10];
	s29 =	sadd.s32 $0x80, s14;
	v9 =	vmul.f32 v9, v12;
	v14 =	vmul.f32 v16, v14  }
0x59: {  	s23 =	sadd.s32 $0x80, s29;
	v12 =	vld [tilespmem:s17+$0x0];
	v11 =	vmul.f32 v11, v18;
	v16 =	vmul.f32 v16, v18  }
0x5a: {  	v33 =	vld [tilespmem:s23+$0xFFFFFFE0];
	v18 =	vmul.f32 v17, v19;
	v17 =	vmul.f32 v17, v22;
	s17 =	sadd.s32 $0x80, s17  }
0x5b: {  	s24 =	sadd.s32 $0x80, s17;
	v8 =	vsub.f32 v8, v20;
	v9 =	vadd.f32 v9, v10;
	v10 =	vld [tilespmem:s19+$0xFFFFFFD0];
	v20 =	vmul.f32 v21, v13  }
0x5c: {  	v21 =	vmul.f32 v21, v5;
	v11 =	vsub.f32 v11, v14;
	v14 =	vmul.f32 v15, v19;
	v52 =	vld [tilespmem:s24+$0x20]  }
0x5d: {  	v16 =	vadd.f32 v16, v23;
	v6 =	vsub.f32 v9, v6;
	v9 =	vmul.f32 v15, v22;
	v22 =	vld [tilespmem:s19+$0x20]  }
0x5e: {  	v7 =	vsub.f32 v8, v7;
	v8 =	vld [tilespmem:s19+$0xFFFFFFC0];
	v11 =	vsub.f32 v11, v24;
	v5 =	vmul.f32 v12, v5  }
0x5f: {  	v15 =	vld [tilespmem:s19+$0x0];
	v12 =	vmul.f32 v12, v13;
	v13 =	vadd.f32 v14, v17;
	v9 =	vsub.f32 v18, v9  }
0x60: {  	v7 =	vmul.f32 v7, v7;
	v6 =	vmul.f32 v6, v6;
	v5 =	vsub.f32 v20, v5  }
0x61: {  	v12 =	vadd.f32 v12, v21;
	v9 =	vsub.f32 v9, v10  }
0x62: {  	v31 =	vld [tilespmem:s17+$0xFFFFFFC0];
	v11 =	vmul.f32 v11, v11;
	v6 =	vadd.f32 v6, v7;
	v10 =	vsub.f32 v16, v22  }
0x63: {  	v21 =	vld [tilespmem:s29+$0xFFFFFFC0];
	v55 =	vmul.f32 v52, v33;
	v5 =	vsub.f32 v5, v8;
	v8 =	vsub.f32 v13, v25  }
0x64: {  	s30 =	sadd.s32 $0x80, s19;
	v30 =	vld [tilespmem:s29+$0xFFFFFFE0];
	v12 =	vsub.f32 v12, v15;
	v9 =	vmul.f32 v9, v9;
	v10 =	vmul.f32 v10, v10  }
0x65: {  	v40 =	vld [tilespmem:s30+$0xFFFFFFC0];
	v6 =	vmax.f32 v6, $1.000000020e-24;
	v8 =	vmul.f32 v8, v8;
	v5 =	vmul.f32 v5, v5  }
0x66: {  	v20 =	vld [tilespmem:s29+$0xFFFFFFF0];
	v12 =	vmul.f32 v12, v12;
	v23 =	vshra.s32 v6, $0x1;
	v10 =	vadd.f32 v10, v11  }
0x67: {  	v13 =	vld [tilespmem:s29+$0x0];
	v35 =	vmul.f32 $5.000000000e-01, v6;
	v23 =	vsub.s32 $0x5F3759DF, v23;
	v8 =	vadd.f32 v8, v9  }
0x68: {  	v38 =	vmul.f32 v31, v21;
	v9 =	vld [tilespmem:s17+$0x30];
	v5 =	vadd.f32 v12, v5;
	v7 =	vmax.f32 v10, $1.000000020e-24  }
0x69: {  	v10 =	vld [tilespmem:s29+$0x30];
	v8 =	vmax.f32 v8, $1.000000020e-24;
	v12 =	vshra.s32 v7, $0x1;
	v16 =	vmul.f32 $5.000000000e-01, v7  }
0x6a: {  	v11 =	vld [tilespmem:s17+$0xFFFFFFF0];
	v18 =	vshra.s32 v8, $0x1;
	v19 =	vmul.f32 $5.000000000e-01, v8;
	v12 =	vsub.s32 $0x5F3759DF, v12  }
0x6b: {  	v17 =	vld [tilespmem:s17+$0xFFFFFFE0];
	v24 =	vmul.f32 v23, v35;
	v18 =	vsub.s32 $0x5F3759DF, v18;
	v16 =	vmul.f32 v12, v16  }
0x6c: {  	v22 =	vld [tilespmem:s29+$0x20];
	v39 =	vmul.f32 v31, v13;
	v5 =	vmax.f32 v5, $1.000000020e-24;
	v19 =	vmul.f32 v18, v19  }
0x6d: {  	v27 =	vld [tilespmem:s17+$0x20];
	v26 =	vmul.f32 $5.000000000e-01, v5;
	v16 =	vmul.f32 v12, v16  }
0x6e: {  	v15 =	vld [tilespmem:s30+$0xFFFFFFF0];
	v19 =	vmul.f32 v18, v19;
	v28 =	vmul.f32 v9, v10  }
0x6f: {  	v14 =	vld [tilespmem:s30+$0x30];
	v10 =	vmul.f32 v11, v10;
	v11 =	vmul.f32 v11, v20  }
0x70: {  	v36 =	vld [tilespmem:s17+$0x10];
	v42 =	vshra.s32 v5, $0x1;
	v9 =	vmul.f32 v9, v20;
	v16 =	vsub.f32 $1.500000000e+00, v16  }
0x71: {  	v29 =	vld [tilespmem:s17+$0xFFFFFFD0];
	v20 =	vmul.f32 v17, v22;
	v19 =	vsub.f32 $1.500000000e+00, v19;
	v11 =	vsub.f32 v11, v28  }
0x72: {  	v17 =	vmul.f32 v17, v30;
	v9 =	vadd.f32 v9, v10;
	v10 =	vld [tilespmem:s17+$0x0];
	v12 =	vmul.f32 v12, v16  }
0x73: {  	v16 =	vld [tilespmem:s29+$0xFFFFFFD0];
	v18 =	vmul.f32 v18, v19;
	v19 =	vmul.f32 v27, v22;
	v11 =	vsub.f32 v11, v15  }
0x74: {  	v15 =	vmul.f32 v23, v24;
	v9 =	vsub.f32 v9, v14;
	v12 =	vmul.f32 v12, v7;
	v7 =	vld [tilespmem:s29+$0x10]  }
0x75: {  	v44 =	vsub.s32 $0x5F3759DF, v42;
	v22 =	vld [tilespmem:s30+$0xFFFFFFE0];
	v8 =	vmul.f32 v18, v8;
	v18 =	vmul.f32 v27, v30  }
0x76: {  	v43 =	vld [tilespmem:s30+$0x0];
	v11 =	vmul.f32 v11, v11;
	v15 =	vsub.f32 $1.500000000e+00, v15;
	v9 =	vmul.f32 v9, v9  }
0x77: {  	v14 =	vld [tilespmem:s30+$0xFFFFFFD0];
	v17 =	vsub.f32 v17, v19;
	v13 =	vmul.f32 v10, v13;
	v10 =	vmul.f32 v10, v21  }
0x78: {  	v19 =	vld [tilespmem:s30+$0x20];
	v18 =	vadd.f32 v18, v20;
	v9 =	vadd.f32 v9, v11;
	v37 =	vmul.f32 v29, v16  }
0x79: {  	v45 =	vld [tilespmem:s30+$0x10];
	v16 =	vmul.f32 v36, v16;
	v13 =	vsub.f32 v38, v13;
	v41 =	vmul.f32 v36, v7  }
0x7a: {  	v17 =	vsub.f32 v17, v22;
	v10 =	vadd.f32 v10, v39;
	v7 =	vmul.f32 v29, v7  }
0x7b: {  	v21 =	vmul.f32 v44, v26;
	v13 =	vsub.f32 v13, v40;
	v20 =	vsub.f32 v37, v41  }
0x7c: {  	v48 =	vld [tilespmem:s23+$0xFFFFFFC0];
	v11 =	vmul.f32 v23, v15;
	v10 =	vsub.f32 v10, v43;
	v7 =	vadd.f32 v16, v7  }
0x7d: {  	v54 =	vld [tilespmem:s24+$0xFFFFFFC0];
	v16 =	vsub.f32 v18, v19;
	v14 =	vsub.f32 v20, v14;
	v20 =	vmul.f32 v44, v21  }
0x7e: {  	v17 =	vmul.f32 v17, v17;
	v13 =	vmul.f32 v13, v13;
	v7 =	vsub.f32 v7, v45  }
0x7f: {  	v10 =	vmul.f32 v10, v10;
	v19 =	vld [tilespmem:s23+$0x0];
	v16 =	vmul.f32 v16, v16;
	v18 =	vsub.f32 $1.500000000e+00, v20  }
0x80: {  	v14 =	vmul.f32 v14, v14;
	v7 =	vmul.f32 v7, v7  }
0x81: {  	v10 =	vadd.f32 v10, v13;
	v13 =	vadd.f32 v16, v17;
	v18 =	vmul.f32 v44, v18  }
0x82: {  	v57 =	vmul.f32 v54, v48;
	v6 =	vmul.f32 v11, v6;
	v14 =	vadd.f32 v7, v14  }
0x83: {  	v7 =	vmax.f32 v10, $1.000000020e-24;
	v10 =	vmax.f32 v13, $1.000000020e-24;
	v17 =	vmul.f32 v18, v5  }
0x84: {  	v11 =	vld [tilespmem:s24+$0x30];
	v24 =	vmul.f32 v54, v19;
	v20 =	vmul.f32 $5.000000000e-01, v10  }
0x85: {  	v5 =	vmax.f32 v9, $1.000000020e-24;
	v9 =	vld [tilespmem:s24+$0xFFFFFFF0];
	v13 =	vadd.f32 $0.0e+00, v17;
	v17 =	vshra.s32 v10, $0x1  }
0x86: {  	v49 =	vmul.f32 $5.000000000e-01, v7;
	v14 =	vmax.f32 v14, $1.000000020e-24;
	v18 =	vld [tilespmem:s23+$0x30];
	v17 =	vsub.s32 $0x5F3759DF, v17  }
0x87: {  	v46 =	vld [tilespmem:s23+$0xFFFFFFF0];
	v8 =	vadd.f32 v8, v13;
	v13 =	vshra.s32 v14, $0x1;
	v20 =	vmul.f32 v17, v20  }
0x88: {  	v22 =	vld [tilespmem:s24+$0xFFFFFFE0];
	v21 =	vshra.s32 v5, $0x1;
	v23 =	vmul.f32 $5.000000000e-01, v14;
	v13 =	vsub.s32 $0x5F3759DF, v13  }
0x89: {  	v12 =	vadd.f32 v12, v8;
	v8 =	vsub.s32 $0x5F3759DF, v21;
	v21 =	vld [tilespmem:s23+$0x20];
	v20 =	vmul.f32 v17, v20  }
0x8a: {  	v50 =	vld [tilespmem:s24+$0x10];
	v47 =	vmul.f32 $5.000000000e-01, v5;
	v23 =	vmul.f32 v13, v23  }
0x8b: {  	s2 =	sadd.s32 $0x80, s30;
	v53 =	vld [tilespmem:s24+$0xFFFFFFD0];
	v51 =	vmul.f32 v11, v18;
	v18 =	vmul.f32 v9, v18;
	v20 =	vsub.f32 $1.500000000e+00, v20  }
0x8c: {  	v16 =	vld [tilespmem:s2+$0xFFFFFFF0];
	v9 =	vmul.f32 v9, v46;
	v12 =	vadd.f32 v6, v12;
	v23 =	vmul.f32 v13, v23  }
0x8d: {  	v15 =	vld [tilespmem:s2+$0x30];
	v11 =	vmul.f32 v11, v46;
	v17 =	vmul.f32 v17, v20  }
0x8e: {  	v32 =	vperm.xlane v12, v0;
	v23 =	vsub.f32 $1.500000000e+00, v23;
	v20 =	vld [tilespmem:s23+$0xFFFFFFD0];
	v34 =	vmul.f32 v22, v21  }
0x8f: {  	v29 =	vsub.f32 v9, v51;
	v21 =	vmul.f32 v52, v21;
	v9 =	vmul.f32 v17, v10;
	v17 =	vld [tilespmem:s23+$0x10]  }
0x90: {  	v22 =	vmul.f32 v22, v33;
	v12 =	vadd.f32 v12, v32;
	v13 =	vmul.f32 v13, v23;
	v23 =	vld [tilespmem:s24+$0x0]  }
0x91: {  	v25 =	vmul.f32 v8, v47;
	v11 =	vadd.f32 v11, v18;
	v16 =	vsub.f32 v29, v16  }
0x92: {  	v21 =	vsub.f32 v22, v21;
	v22 =	vld [tilespmem:s2+$0x0];
	v18 =	vperm.xlane v12, v1;
	v10 =	vmul.f32 v13, v14  }
0x93: {  	v15 =	vsub.f32 v11, v15;
	v14 =	vmul.f32 v8, v25;
	v13 =	vmul.f32 v16, v16;
	v16 =	vld [tilespmem:s2+$0xFFFFFFD0]  }
0x94: {  	v56 =	vmul.f32 v53, v20;
	v20 =	vmul.f32 v50, v20;
	v12 =	vadd.f32 v12, v18;
	v18 =	vld [tilespmem:s2+$0xFFFFFFE0]  }
0x95: {  	v11 =	vsub.f32 $1.500000000e+00, v14;
	v14 =	vld [tilespmem:s2+$0xFFFFFFC0];
	v58 =	vmul.f32 v50, v17;
	v19 =	vmul.f32 v23, v19  }
0x96: {  	v25 =	vadd.f32 v55, v34;
	v17 =	vmul.f32 v53, v17;
	v23 =	vmul.f32 v23, v48  }
0x97: {  	v60 =	vld [tilespmem:s2+$0x20];
	v62 =	vshra.s32 v7, $0x1;
	v59 =	vsub.f32 v56, v58;
	v19 =	vsub.f32 v57, v19  }
0x98: {  	v61 =	vld [tilespmem:s2+$0x10];
	v15 =	vmul.f32 v15, v15;
	v23 =	vadd.f32 v23, v24;
	v20 =	vadd.f32 v20, v17  }
0x99: {  	v18 =	vsub.f32 v21, v18;
	v21 =	vperm.xlane v12, v2;
	v16 =	vsub.f32 v59, v16  }
0x9a: {  	v19 =	vsub.f32 v19, v14;
	v14 =	vsub.s32 $0x5F3759DF, v62;
	v22 =	vsub.f32 v23, v22  }
0x9b: {  	v12 =	vadd.f32 v12, v21;
	v16 =	vmul.f32 v16, v16;
	v21 =	vmul.f32 v14, v49  }
0x9c: {  	v17 =	vmul.f32 v19, v19;
	v19 =	vsub.f32 v25, v60;
	v18 =	vmul.f32 v18, v18  }
0x9d: {  	p1 =	por p0, p0;
	v20 =	vsub.f32 v20, v61;
	v63 =	vperm.xlane v12, v3;
	v23 =	vmul.f32 v14, v21  }
0x9e: {  	s22 =	simm.s32 $0x3;
	s14 =	simm.s32 $0x2;
	s19 =	simm.s32 $0x0;
	v6 =	vimm.f32 $0.0e+00;
	v22 =	vmul.f32 v22, v22;
	v19 =	vmul.f32 v19, v19  }
0x9f: {  	s17 =	simm.s32 $0x1;
	s23 =	sadd.s32 $0x80, s23;
	s24 =	sadd.s32 $0x80, s24;
	v21 =	vmul.f32 v20, v20;
	v12 =	vadd.f32 v12, v63;
	v20 =	vsub.f32 $1.500000000e+00, v23  }
.LBB2_3:
0xa0: {  	p0 =	sne.s32 s22, $0xF  }
0xa1: {  	v23 =	vld [tilespmem:s23+$0x0];
	v13 =	vadd.f32 v15, v13;
	s2 =	sadd.s32 $0x80, s2;
	v8 =	vmul.f32 v8, v11;
	s26 =	smov.u32 s22;
	s22 =	sadd.s32 $0x1, s22  }
0xa2: {  	v15 =	vadd.f32 v19, v18;
	v24 =	vld [tilespmem:s2+$0xFFFFFFE0];
	v11 =	vadd.f32 v22, v17;
	v14 =	vmul.f32 v14, v20  }
0xa3: {  	v16 =	vadd.f32 v21, v16;
	v17 =	vld [tilespmem:s2+$0x30];
	v18 =	vmul.f32 v8, v5;
	v5 =	vmax.f32 v13, $1.000000020e-24  }
0xa4: {  	v15 =	vmax.f32 v15, $1.000000020e-24;
	v13 =	vld [tilespmem:s2+$0xFFFFFFF0];
	v8 =	vmul.f32 v14, v7;
	v7 =	vmax.f32 v11, $1.000000020e-24  }
0xa5: {  	v14 =	vmax.f32 v16, $1.000000020e-24;
	v16 =	vshra.s32 v15, $0x1;
	v19 =	vshra.s32 v5, $0x1;
	v11 =	vld [tilespmem:s24+$0xFFFFFFF0]  }
0xa6: {  	v21 =	vmul.f32 $5.000000000e-01, v7;
	v22 =	vshra.s32 v14, $0x1;
	v20 =	vld [tilespmem:s24+$0x30];
	v8 =	vadd.f32 $0.0e+00, v8  }
0xa7: {  	v27 =	vmul.f32 $5.000000000e-01, v15;
	v26 =	vmul.f32 $5.000000000e-01, v14;
	v22 =	vsub.s32 $0x5F3759DF, v22;
	v25 =	vld [tilespmem:s23+$0x30]  }
0xa8: {  	v29 =	vmul.f32 $5.000000000e-01, v5;
	v16 =	vsub.s32 $0x5F3759DF, v16;
	v28 =	vld [tilespmem:s24+$0xFFFFFFE0];
	v10 =	vadd.f32 v10, v8  }
0xa9: {  	v27 =	vmul.f32 v16, v27;
	v26 =	vmul.f32 v22, v26;
	v8 =	vsub.s32 $0x5F3759DF, v19;
	v30 =	vld [tilespmem:s23+$0xFFFFFFF0]  }
0xaa: {  	v29 =	vmul.f32 v8, v29;
	v19 =	vld [tilespmem:s23+$0xFFFFFFC0];
	v9 =	vadd.f32 v9, v10  }
0xab: {  	v12 =	vmul.f32 $-1.000945930e+00, v12;
	v31 =	vmov s19;
	s19 =	smov.u32 s17;
	s17 =	smov.u32 s14;
	s14 =	smov.u32 s26;
	v27 =	vmul.f32 v16, v27;
	v10 =	vld [tilespmem:s23+$0x20]  }
0xac: {  	v32 =	vld [tilespmem:s24+$0x10];
	v33 =	vmul.f32 v20, v25;
	v25 =	vmul.f32 v11, v25;
	v9 =	vadd.f32 v18, v9  }
0xad: {  	v12 =	vadd.f32 $1.200000000e+01, v12;
	v26 =	vmul.f32 v22, v26;
	v27 =	vsub.f32 $1.500000000e+00, v27;
	v18 =	vld [tilespmem:s24+$0x20]  }
0xae: {  	vm0 =	veq.s32 v31, v4;
	v34 =	vld [tilespmem:s24+$0xFFFFFFD0];
	v11 =	vmul.f32 v11, v30;
	v35 =	vperm.xlane v9, v0  }
0xaf: {  	v6 =	vsel vm0, v12, v6;
	v26 =	vsub.f32 $1.500000000e+00, v26;
	v16 =	vmul.f32 v16, v27;
	v31 =	vld [tilespmem:s23+$0xFFFFFFE0]  }
0xb0: {  	v20 =	vmul.f32 v20, v30;
	v12 =	vld [tilespmem:s23+$0xFFFFFFD0];
	v27 =	vmul.f32 v28, v10;
	v30 =	vadd.f32 v9, v35  }
0xb1: {  	v22 =	vmul.f32 v22, v26;
	v11 =	vsub.f32 v11, v33;
	v9 =	vmul.f32 v16, v15;
	v35 =	vld [tilespmem:s24+$0xFFFFFFC0]  }
0xb2: {  	v20 =	vadd.f32 v20, v25;
	v15 =	vld [tilespmem:s23+$0x10];
	v16 =	vmul.f32 v18, v10;
	v25 =	vperm.xlane v30, v1  }
0xb3: {  	v11 =	vsub.f32 v11, v13;
	v10 =	vmul.f32 v22, v14;
	v14 =	vmul.f32 v8, v29;
	v26 =	vld [tilespmem:s24+$0x0]  }
0xb4: {  	v22 =	vld [tilespmem:s2+$0xFFFFFFD0];
	v28 =	vmul.f32 v28, v31;
	v18 =	vmul.f32 v18, v31;
	v25 =	vadd.f32 v30, v25  }
0xb5: {  	v17 =	vsub.f32 v20, v17;
	v13 =	vmul.f32 v11, v11;
	v29 =	vld [tilespmem:s2+$0xFFFFFFC0];
	v30 =	vmul.f32 v34, v12  }
0xb6: {  	v11 =	vsub.f32 $1.500000000e+00, v14;
	v20 =	vld [tilespmem:s2+$0x0];
	v31 =	vmul.f32 v35, v19;
	v33 =	vmul.f32 v35, v23  }
0xb7: {  	v16 =	vsub.f32 v28, v16;
	v35 =	vld [tilespmem:s2+$0x10];
	v14 =	vmul.f32 v32, v15;
	v34 =	vmul.f32 v34, v15  }
0xb8: {  	v12 =	vmul.f32 v32, v12;
	v18 =	vadd.f32 v18, v27;
	v23 =	vmul.f32 v26, v23  }
0xb9: {  	v15 =	vmul.f32 v17, v17;
	v19 =	vmul.f32 v26, v19;
	v14 =	vsub.f32 v30, v14;
	v26 =	vld [tilespmem:s2+$0x20]  }
0xba: {  	v17 =	vsub.f32 v31, v23;
	v23 =	vsub.f32 v16, v24;
	v16 =	vperm.xlane v25, v2  }
0xbb: {  	v19 =	vadd.f32 v19, v33;
	v22 =	vsub.f32 v14, v22;
	v14 =	vshra.s32 v7, $0x1  }
0xbc: {  	v17 =	vsub.f32 v17, v29;
	v14 =	vsub.s32 $0x5F3759DF, v14;
	v24 =	vadd.f32 v25, v16  }
.Ltmp0:
0xbd: {  	v12 =	vadd.f32 v12, v34;
	v16 =	vmul.f32 v22, v22;
	v21 =	vmul.f32 v14, v21;
	(pc) =	sbr.rel @p0 .LBB2_3-.Ltmp0, $4  }
0xbe: {  	v17 =	vmul.f32 v17, v17;
	v22 =	vsub.f32 v18, v26;
	v25 =	vperm.xlane v24, v3  }
0xbf: {  	v20 =	vsub.f32 v19, v20;
	v26 =	vsub.f32 v12, v35;
	v27 =	vmul.f32 v14, v21  }
0xc0: {  	v18 =	vmul.f32 v23, v23;
	v19 =	vmul.f32 v22, v22;
	v12 =	vadd.f32 v24, v25  }
0xc1: {  	s23 =	sadd.s32 $0x80, s23;
	s24 =	sadd.s32 $0x80, s24;
	v22 =	vmul.f32 v20, v20;
	v21 =	vmul.f32 v26, v26;
	v20 =	vsub.f32 $1.500000000e+00, v27  }
0xc2: {  	_ = 	snop  }
0xc3: {  	v17 =	vadd.f32 v22, v17  }
0xc4: {  	v16 =	vadd.f32 v21, v16  }
0xc5: {  	v13 =	vadd.f32 v15, v13;
	v42 =	vadd.f32 v19, v18;
	v17 =	vmax.f32 v17, $1.000000020e-24  }
0xc6: {  	v16 =	vmax.f32 v16, $1.000000020e-24;
	v43 =	vmul.f32 $5.000000000e-01, v17;
	v44 =	vshra.s32 v17, $0x1  }
0xc7: {  	v45 =	vshra.s32 v16, $0x1;
	v46 =	vmul.f32 $5.000000000e-01, v16;
	v19 =	vsub.s32 $0x5F3759DF, v44  }
0xc8: {  	v15 =	vmax.f32 v42, $1.000000020e-24;
	v21 =	vsub.s32 $0x5F3759DF, v45;
	v18 =	vmul.f32 v19, v43  }
0xc9: {  	v23 =	vshra.s32 v15, $0x1;
	v24 =	vmul.f32 $5.000000000e-01, v15;
	v22 =	vmul.f32 v21, v46  }
0xca: {  	v14 =	vmul.f32 v14, v20;
	v47 =	vsub.s32 $0x5F3759DF, v23;
	v18 =	vmul.f32 v19, v18  }
0xcb: {  	v13 =	vmax.f32 v13, $1.000000020e-24;
	v23 =	vmul.f32 v47, v24;
	v22 =	vmul.f32 v21, v22  }
0xcc: {  	v48 =	vshra.s32 v13, $0x1;
	v25 =	vmul.f32 $5.000000000e-01, v13;
	v18 =	vsub.f32 $1.500000000e+00, v18  }
0xcd: {  	v24 =	vsub.s32 $0x5F3759DF, v48;
	v23 =	vmul.f32 v47, v23;
	v22 =	vsub.f32 $1.500000000e+00, v22  }
0xce: {  	v49 =	vmul.f32 v24, v25;
	v18 =	vmul.f32 v19, v18  }
0xcf: {  	v7 =	vmul.f32 v14, v7;
	v51 =	vsub.f32 $1.500000000e+00, v23;
	v50 =	vmul.f32 v21, v22  }
0xd0: {  	v19 =	vmul.f32 v24, v49;
	v17 =	vmul.f32 v18, v17  }
0xd1: {  	v7 =	vadd.f32 $0.0e+00, v7;
	v52 =	vmul.f32 v47, v51  }
0xd2: {  	v14 =	vmul.f32 v50, v16;
	v53 =	vsub.f32 $1.500000000e+00, v19;
	v17 =	vadd.f32 $0.0e+00, v17  }
0xd3: {  	v8 =	vmul.f32 v8, v11;
	v7 =	vadd.f32 v10, v7  }
0xd4: {  	v54 =	vmul.f32 v52, v15;
	v55 =	vmul.f32 v24, v53;
	v14 =	vadd.f32 v14, v17  }
0xd5: {  	v5 =	vmul.f32 v8, v5;
	v7 =	vadd.f32 v9, v7  }
0xd6: {  	v56 =	vmul.f32 v55, v13;
	v57 =	vadd.f32 v54, v14  }
0xd7: {  	v5 =	vadd.f32 v5, v7  }
0xd8: {  	v7 =	vadd.f32 v56, v57  }
0xd9: {  	v58 =	vperm.xlane v5, v0  }
0xda: {  	v9 =	vperm.xlane v7, v0  }
0xdb: {  	v5 =	vadd.f32 v5, v58  }
0xdc: {  	v7 =	vadd.f32 v7, v9  }
0xdd: {  	v8 =	vperm.xlane v5, v1  }
0xde: {  	v9 =	vperm.xlane v7, v1  }
0xdf: {  	v5 =	vadd.f32 v5, v8  }
0xe0: {  	v7 =	vadd.f32 v7, v9  }
0xe1: {  	v8 =	vperm.xlane v5, v2  }
0xe2: {  	v9 =	vperm.xlane v7, v2  }
0xe3: {  	v5 =	vadd.f32 v5, v8  }
0xe4: {  	v7 =	vadd.f32 v7, v9  }
0xe5: {  	v8 =	vperm.xlane v5, v3  }
0xe6: {  	v9 =	vperm.xlane v7, v3  }
0xe7: {  	v5 =	vadd.f32 v5, v8  }
0xe8: {  	v59 =	vmul.f32 $-1.000945930e+00, v12;
	v7 =	vadd.f32 v7, v9  }
0xe9: {  	v60 =	vmov s19;
	v5 =	vmul.f32 $-1.000945930e+00, v5  }
0xea: {  	v62 =	vmov s17;
	v61 =	vadd.f32 $1.200000000e+01, v59;
	v7 =	vmul.f32 $-1.000945930e+00, v7  }
.Ltmp1:
0xeb: {  	v63 =	vmov s14;
	vm0 =	veq.s32 v60, v4;
	v5 =	vadd.f32 $1.200000000e+01, v5;
	(pc) =	sbr.rel @p1 .LBB2_2-.Ltmp1, $4  }
0xec: {  	vm14 =	veq.s32 v62, v4;
	v6 =	vsel vm0, v61, v6;
	v7 =	vadd.f32 $1.200000000e+01, v7  }
0xed: {  	s0 =	sshll.u32 s0, $0x4;
	vm15 =	veq.s32 v63, v4;
	v5 =	vsel vm14, v5, v6  }
0xee: {  	s0 =	sand.u32 $0x3FFFFFF0, s0;
	v5 =	vsel vm15, v7, v5  }
0xef: {  	p0 =	por $0x0, $0x0;
	[tilespmem:s0+$0x18600] =	vst v5;
	s0 =	simm.s32 $0x1  }
0xf0: {  	_ =	swait.ge [sflag:s21], $0x1000  }
0xf1: {  	[sflag:s21] =	ssyncset.done $0x0  }
0xf2: {  	[sflag:s21] =	ssyncadd.s32 $0xFFFFF000  }
0xf3: {  	_ =	swait.ge [sflag:s21], $0x1000  }
0xf4: {  	[sflag:s21] =	ssyncset.done $0x0  }
0xf5: {  	[sflag:s21] =	ssyncadd.s32 $0xFFFFF000  }
0xf6: {  	_ =	swait.ge [sflag:s21], $0x1000  }
0xf7: {  	[sflag:s21] =	ssyncset.done $0x0  }
0xf8: {  	s0 =	simm.s32 $0x2;
	p0 =	por $0x0, $0x0;
	[sflag:s21] =	ssyncadd.s32 $0xFFFFF000  }
.LBB2_6:
0xf9: {  	s2 =	sshll.u32 s0, $0xB  }
0xfa: {  	s2 =	sand.u32 $0x3FFFF800, s2  }
0xfb: {  	s14 =	sor.u32 $0x640, s2  }
0xfc: {  	s19 =	sadd.s32 $0x8640, s2;
	v5 =	vld [tilespmem:s14+$0x0]  }
0xfd: {  	v6 =	vld [tilespmem:s19+$0x30]  }
0xfe: {  	s17 =	sadd.s32 $0x10640, s2;
	v7 =	vld [tilespmem:s19+$0xFFFFFFF0]  }
0xff: {  	v8 =	vld [tilespmem:s17+$0xFFFFFFF0]  }
0x100: {  	v9 =	vld [tilespmem:s17+$0x30]  }
0x101: {  	v10 =	vld [tilespmem:s14+$0x30]  }
0x102: {  	v11 =	vld [tilespmem:s17+$0xFFFFFFE0]  }
0x103: {  	v12 =	vld [tilespmem:s14+$0xFFFFFFF0]  }
0x104: {  	v13 =	vld [tilespmem:s14+$0xFFFFFFC0]  }
0x105: {  	v14 =	vld [tilespmem:s14+$0x20]  }
0x106: {  	v15 =	vld [tilespmem:s17+$0x10]  }
0x107: {  	v16 =	vld [tilespmem:s17+$0x20]  }
0x108: {  	v17 =	vld [tilespmem:s17+$0xFFFFFFD0]  }
0x109: {  	v18 =	vld [tilespmem:s14+$0xFFFFFFE0]  }
0x10a: {  	v19 =	vld [tilespmem:s14+$0xFFFFFFD0]  }
0x10b: {  	v22 =	vld [tilespmem:s14+$0x10]  }
0x10c: {  	v21 =	vld [tilespmem:s17+$0xFFFFFFC0];
	v20 =	vmul.f32 v9, v10;
	v10 =	vmul.f32 v8, v10  }
0x10d: {  	v24 =	vld [tilespmem:s19+$0xFFFFFFE0];
	v8 =	vmul.f32 v8, v12;
	v23 =	vmul.f32 v11, v14  }
0x10e: {  	v25 =	vld [tilespmem:s19+$0x10];
	s29 =	sadd.s32 $0x80, s14;
	v9 =	vmul.f32 v9, v12;
	v14 =	vmul.f32 v16, v14  }
0x10f: {  	s23 =	sadd.s32 $0x80, s29;
	v12 =	vld [tilespmem:s17+$0x0];
	v11 =	vmul.f32 v11, v18;
	v16 =	vmul.f32 v16, v18  }
0x110: {  	v33 =	vld [tilespmem:s23+$0xFFFFFFE0];
	v18 =	vmul.f32 v17, v19;
	v17 =	vmul.f32 v17, v22;
	s17 =	sadd.s32 $0x80, s17  }
0x111: {  	s24 =	sadd.s32 $0x80, s17;
	v8 =	vsub.f32 v8, v20;
	v9 =	vadd.f32 v9, v10;
	v10 =	vld [tilespmem:s19+$0xFFFFFFD0];
	v20 =	vmul.f32 v21, v13  }
0x112: {  	v21 =	vmul.f32 v21, v5;
	v11 =	vsub.f32 v11, v14;
	v14 =	vmul.f32 v15, v19;
	v52 =	vld [tilespmem:s24+$0x20]  }
0x113: {  	v16 =	vadd.f32 v16, v23;
	v6 =	vsub.f32 v9, v6;
	v9 =	vmul.f32 v15, v22;
	v22 =	vld [tilespmem:s19+$0x20]  }
0x114: {  	v7 =	vsub.f32 v8, v7;
	v8 =	vld [tilespmem:s19+$0xFFFFFFC0];
	v11 =	vsub.f32 v11, v24;
	v5 =	vmul.f32 v12, v5  }
0x115: {  	v15 =	vld [tilespmem:s19+$0x0];
	v12 =	vmul.f32 v12, v13;
	v13 =	vadd.f32 v14, v17;
	v9 =	vsub.f32 v18, v9  }
0x116: {  	v7 =	vmul.f32 v7, v7;
	v6 =	vmul.f32 v6, v6;
	v5 =	vsub.f32 v20, v5  }
0x117: {  	v12 =	vadd.f32 v12, v21;
	v9 =	vsub.f32 v9, v10  }
0x118: {  	v31 =	vld [tilespmem:s17+$0xFFFFFFC0];
	v11 =	vmul.f32 v11, v11;
	v6 =	vadd.f32 v6, v7;
	v10 =	vsub.f32 v16, v22  }
0x119: {  	v21 =	vld [tilespmem:s29+$0xFFFFFFC0];
	v55 =	vmul.f32 v52, v33;
	v5 =	vsub.f32 v5, v8;
	v8 =	vsub.f32 v13, v25  }
0x11a: {  	s30 =	sadd.s32 $0x80, s19;
	v30 =	vld [tilespmem:s29+$0xFFFFFFE0];
	v12 =	vsub.f32 v12, v15;
	v9 =	vmul.f32 v9, v9;
	v10 =	vmul.f32 v10, v10  }
0x11b: {  	v40 =	vld [tilespmem:s30+$0xFFFFFFC0];
	v6 =	vmax.f32 v6, $1.000000020e-24;
	v8 =	vmul.f32 v8, v8;
	v5 =	vmul.f32 v5, v5  }
0x11c: {  	v20 =	vld [tilespmem:s29+$0xFFFFFFF0];
	v12 =	vmul.f32 v12, v12;
	v23 =	vshra.s32 v6, $0x1;
	v10 =	vadd.f32 v10, v11  }
0x11d: {  	v13 =	vld [tilespmem:s29+$0x0];
	v35 =	vmul.f32 $5.000000000e-01, v6;
	v23 =	vsub.s32 $0x5F3759DF, v23;
	v8 =	vadd.f32 v8, v9  }
0x11e: {  	v38 =	vmul.f32 v31, v21;
	v9 =	vld [tilespmem:s17+$0x30];
	v5 =	vadd.f32 v12, v5;
	v7 =	vmax.f32 v10, $1.000000020e-24  }
0x11f: {  	v10 =	vld [tilespmem:s29+$0x30];
	v8 =	vmax.f32 v8, $1.000000020e-24;
	v12 =	vshra.s32 v7, $0x1;
	v16 =	vmul.f32 $5.000000000e-01, v7  }
0x120: {  	v11 =	vld [tilespmem:s17+$0xFFFFFFF0];
	v18 =	vshra.s32 v8, $0x1;
	v19 =	vmul.f32 $5.000000000e-01, v8;
	v12 =	vsub.s32 $0x5F3759DF, v12  }
0x121: {  	v17 =	vld [tilespmem:s17+$0xFFFFFFE0];
	v24 =	vmul.f32 v23, v35;
	v18 =	vsub.s32 $0x5F3759DF, v18;
	v16 =	vmul.f32 v12, v16  }
0x122: {  	v22 =	vld [tilespmem:s29+$0x20];
	v39 =	vmul.f32 v31, v13;
	v5 =	vmax.f32 v5, $1.000000020e-24;
	v19 =	vmul.f32 v18, v19  }
0x123: {  	v27 =	vld [tilespmem:s17+$0x20];
	v26 =	vmul.f32 $5.000000000e-01, v5;
	v16 =	vmul.f32 v12, v16  }
0x124: {  	v15 =	vld [tilespmem:s30+$0xFFFFFFF0];
	v19 =	vmul.f32 v18, v19;
	v28 =	vmul.f32 v9, v10  }
0x125: {  	v14 =	vld [tilespmem:s30+$0x30];
	v10 =	vmul.f32 v11, v10;
	v11 =	vmul.f32 v11, v20  }
0x126: {  	v36 =	vld [tilespmem:s17+$0x10];
	v42 =	vshra.s32 v5, $0x1;
	v9 =	vmul.f32 v9, v20;
	v16 =	vsub.f32 $1.500000000e+00, v16  }
0x127: {  	v29 =	vld [tilespmem:s17+$0xFFFFFFD0];
	v20 =	vmul.f32 v17, v22;
	v19 =	vsub.f32 $1.500000000e+00, v19;
	v11 =	vsub.f32 v11, v28  }
0x128: {  	v17 =	vmul.f32 v17, v30;
	v9 =	vadd.f32 v9, v10;
	v10 =	vld [tilespmem:s17+$0x0];
	v12 =	vmul.f32 v12, v16  }
0x129: {  	v16 =	vld [tilespmem:s29+$0xFFFFFFD0];
	v18 =	vmul.f32 v18, v19;
	v19 =	vmul.f32 v27, v22;
	v11 =	vsub.f32 v11, v15  }
0x12a: {  	v15 =	vmul.f32 v23, v24;
	v9 =	vsub.f32 v9, v14;
	v12 =	vmul.f32 v12, v7;
	v7 =	vld [tilespmem:s29+$0x10]  }
0x12b: {  	v44 =	vsub.s32 $0x5F3759DF, v42;
	v22 =	vld [tilespmem:s30+$0xFFFFFFE0];
	v8 =	vmul.f32 v18, v8;
	v18 =	vmul.f32 v27, v30  }
0x12c: {  	v43 =	vld [tilespmem:s30+$0x0];
	v11 =	vmul.f32 v11, v11;
	v15 =	vsub.f32 $1.500000000e+00, v15;
	v9 =	vmul.f32 v9, v9  }
0x12d: {  	v14 =	vld [tilespmem:s30+$0xFFFFFFD0];
	v17 =	vsub.f32 v17, v19;
	v13 =	vmul.f32 v10, v13;
	v10 =	vmul.f32 v10, v21  }
0x12e: {  	v19 =	vld [tilespmem:s30+$0x20];
	v18 =	vadd.f32 v18, v20;
	v9 =	vadd.f32 v9, v11;
	v37 =	vmul.f32 v29, v16  }
0x12f: {  	v45 =	vld [tilespmem:s30+$0x10];
	v16 =	vmul.f32 v36, v16;
	v13 =	vsub.f32 v38, v13;
	v41 =	vmul.f32 v36, v7  }
0x130: {  	v17 =	vsub.f32 v17, v22;
	v10 =	vadd.f32 v10, v39;
	v7 =	vmul.f32 v29, v7  }
0x131: {  	v21 =	vmul.f32 v44, v26;
	v13 =	vsub.f32 v13, v40;
	v20 =	vsub.f32 v37, v41  }
0x132: {  	v48 =	vld [tilespmem:s23+$0xFFFFFFC0];
	v11 =	vmul.f32 v23, v15;
	v10 =	vsub.f32 v10, v43;
	v7 =	vadd.f32 v16, v7  }
0x133: {  	v54 =	vld [tilespmem:s24+$0xFFFFFFC0];
	v16 =	vsub.f32 v18, v19;
	v14 =	vsub.f32 v20, v14;
	v20 =	vmul.f32 v44, v21  }
0x134: {  	v17 =	vmul.f32 v17, v17;
	v13 =	vmul.f32 v13, v13;
	v7 =	vsub.f32 v7, v45  }
0x135: {  	v10 =	vmul.f32 v10, v10;
	v19 =	vld [tilespmem:s23+$0x0];
	v16 =	vmul.f32 v16, v16;
	v18 =	vsub.f32 $1.500000000e+00, v20  }
0x136: {  	v14 =	vmul.f32 v14, v14;
	v7 =	vmul.f32 v7, v7  }
0x137: {  	v10 =	vadd.f32 v10, v13;
	v13 =	vadd.f32 v16, v17;
	v18 =	vmul.f32 v44, v18  }
0x138: {  	v57 =	vmul.f32 v54, v48;
	v6 =	vmul.f32 v11, v6;
	v14 =	vadd.f32 v7, v14  }
0x139: {  	v7 =	vmax.f32 v10, $1.000000020e-24;
	v10 =	vmax.f32 v13, $1.000000020e-24;
	v17 =	vmul.f32 v18, v5  }
0x13a: {  	v11 =	vld [tilespmem:s24+$0x30];
	v24 =	vmul.f32 v54, v19;
	v20 =	vmul.f32 $5.000000000e-01, v10  }
0x13b: {  	v5 =	vmax.f32 v9, $1.000000020e-24;
	v9 =	vld [tilespmem:s24+$0xFFFFFFF0];
	v13 =	vadd.f32 $0.0e+00, v17;
	v17 =	vshra.s32 v10, $0x1  }
0x13c: {  	v49 =	vmul.f32 $5.000000000e-01, v7;
	v14 =	vmax.f32 v14, $1.000000020e-24;
	v18 =	vld [tilespmem:s23+$0x30];
	v17 =	vsub.s32 $0x5F3759DF, v17  }
0x13d: {  	v46 =	vld [tilespmem:s23+$0xFFFFFFF0];
	v8 =	vadd.f32 v8, v13;
	v13 =	vshra.s32 v14, $0x1;
	v20 =	vmul.f32 v17, v20  }
0x13e: {  	v22 =	vld [tilespmem:s24+$0xFFFFFFE0];
	v21 =	vshra.s32 v5, $0x1;
	v23 =	vmul.f32 $5.000000000e-01, v14;
	v13 =	vsub.s32 $0x5F3759DF, v13  }
0x13f: {  	v12 =	vadd.f32 v12, v8;
	v8 =	vsub.s32 $0x5F3759DF, v21;
	v21 =	vld [tilespmem:s23+$0x20];
	v20 =	vmul.f32 v17, v20  }
0x140: {  	v50 =	vld [tilespmem:s24+$0x10];
	v47 =	vmul.f32 $5.000000000e-01, v5;
	v23 =	vmul.f32 v13, v23  }
0x141: {  	s2 =	sadd.s32 $0x80, s30;
	v53 =	vld [tilespmem:s24+$0xFFFFFFD0];
	v51 =	vmul.f32 v11, v18;
	v18 =	vmul.f32 v9, v18;
	v20 =	vsub.f32 $1.500000000e+00, v20  }
0x142: {  	v16 =	vld [tilespmem:s2+$0xFFFFFFF0];
	v9 =	vmul.f32 v9, v46;
	v12 =	vadd.f32 v6, v12;
	v23 =	vmul.f32 v13, v23  }
0x143: {  	v15 =	vld [tilespmem:s2+$0x30];
	v11 =	vmul.f32 v11, v46;
	v17 =	vmul.f32 v17, v20  }
0x144: {  	v32 =	vperm.xlane v12, v0;
	v23 =	vsub.f32 $1.500000000e+00, v23;
	v20 =	vld [tilespmem:s23+$0xFFFFFFD0];
	v34 =	vmul.f32 v22, v21  }
0x145: {  	v29 =	vsub.f32 v9, v51;
	v21 =	vmul.f32 v52, v21;
	v9 =	vmul.f32 v17, v10;
	v17 =	vld [tilespmem:s23+$0x10]  }
0x146: {  	v22 =	vmul.f32 v22, v33;
	v12 =	vadd.f32 v12, v32;
	v13 =	vmul.f32 v13, v23;
	v23 =	vld [tilespmem:s24+$0x0]  }
0x147: {  	v25 =	vmul.f32 v8, v47;
	v11 =	vadd.f32 v11, v18;
	v16 =	vsub.f32 v29, v16  }
0x148: {  	v21 =	vsub.f32 v22, v21;
	v22 =	vld [tilespmem:s2+$0x0];
	v18 =	vperm.xlane v12, v1;
	v10 =	vmul.f32 v13, v14  }
0x149: {  	v15 =	vsub.f32 v11, v15;
	v14 =	vmul.f32 v8, v25;
	v13 =	vmul.f32 v16, v16;
	v16 =	vld [tilespmem:s2+$0xFFFFFFD0]  }
0x14a: {  	v56 =	vmul.f32 v53, v20;
	v20 =	vmul.f32 v50, v20;
	v12 =	vadd.f32 v12, v18;
	v18 =	vld [tilespmem:s2+$0xFFFFFFE0]  }
0x14b: {  	v11 =	vsub.f32 $1.500000000e+00, v14;
	v14 =	vld [tilespmem:s2+$0xFFFFFFC0];
	v58 =	vmul.f32 v50, v17;
	v19 =	vmul.f32 v23, v19  }
0x14c: {  	v25 =	vadd.f32 v55, v34;
	v17 =	vmul.f32 v53, v17;
	v23 =	vmul.f32 v23, v48  }
0x14d: {  	v60 =	vld [tilespmem:s2+$0x20];
	v62 =	vshra.s32 v7, $0x1;
	v59 =	vsub.f32 v56, v58;
	v19 =	vsub.f32 v57, v19  }
0x14e: {  	v61 =	vld [tilespmem:s2+$0x10];
	v15 =	vmul.f32 v15, v15;
	v23 =	vadd.f32 v23, v24;
	v20 =	vadd.f32 v20, v17  }
0x14f: {  	v18 =	vsub.f32 v21, v18;
	v21 =	vperm.xlane v12, v2;
	v16 =	vsub.f32 v59, v16  }
0x150: {  	v19 =	vsub.f32 v19, v14;
	v14 =	vsub.s32 $0x5F3759DF, v62;
	v22 =	vsub.f32 v23, v22  }
0x151: {  	v12 =	vadd.f32 v12, v21;
	v16 =	vmul.f32 v16, v16;
	v21 =	vmul.f32 v14, v49  }
0x152: {  	v17 =	vmul.f32 v19, v19;
	v19 =	vsub.f32 v25, v60;
	v18 =	vmul.f32 v18, v18  }
0x153: {  	p1 =	por p0, p0;
	v20 =	vsub.f32 v20, v61;
	v63 =	vperm.xlane v12, v3;
	v23 =	vmul.f32 v14, v21  }
0x154: {  	s22 =	simm.s32 $0x3;
	s14 =	simm.s32 $0x2;
	s19 =	simm.s32 $0x0;
	v6 =	vimm.f32 $0.0e+00;
	v22 =	vmul.f32 v22, v22;
	v19 =	vmul.f32 v19, v19  }
0x155: {  	s17 =	simm.s32 $0x1;
	s23 =	sadd.s32 $0x80, s23;
	s24 =	sadd.s32 $0x80, s24;
	v21 =	vmul.f32 v20, v20;
	v12 =	vadd.f32 v12, v63;
	v20 =	vsub.f32 $1.500000000e+00, v23  }
.LBB2_7:
0x156: {  	p0 =	sne.s32 s22, $0xF  }
0x157: {  	v23 =	vld [tilespmem:s23+$0x0];
	v13 =	vadd.f32 v15, v13;
	s2 =	sadd.s32 $0x80, s2;
	v8 =	vmul.f32 v8, v11;
	s26 =	smov.u32 s22;
	s22 =	sadd.s32 $0x1, s22  }
0x158: {  	v15 =	vadd.f32 v19, v18;
	v24 =	vld [tilespmem:s2+$0xFFFFFFE0];
	v11 =	vadd.f32 v22, v17;
	v14 =	vmul.f32 v14, v20  }
0x159: {  	v16 =	vadd.f32 v21, v16;
	v17 =	vld [tilespmem:s2+$0x30];
	v18 =	vmul.f32 v8, v5;
	v5 =	vmax.f32 v13, $1.000000020e-24  }
0x15a: {  	v15 =	vmax.f32 v15, $1.000000020e-24;
	v13 =	vld [tilespmem:s2+$0xFFFFFFF0];
	v8 =	vmul.f32 v14, v7;
	v7 =	vmax.f32 v11, $1.000000020e-24  }
0x15b: {  	v14 =	vmax.f32 v16, $1.000000020e-24;
	v16 =	vshra.s32 v15, $0x1;
	v19 =	vshra.s32 v5, $0x1;
	v11 =	vld [tilespmem:s24+$0xFFFFFFF0]  }
0x15c: {  	v21 =	vmul.f32 $5.000000000e-01, v7;
	v22 =	vshra.s32 v14, $0x1;
	v20 =	vld [tilespmem:s24+$0x30];
	v8 =	vadd.f32 $0.0e+00, v8  }
0x15d: {  	v27 =	vmul.f32 $5.000000000e-01, v15;
	v26 =	vmul.f32 $5.000000000e-01, v14;
	v22 =	vsub.s32 $0x5F3759DF, v22;
	v25 =	vld [tilespmem:s23+$0x30]  }
0x15e: {  	v29 =	vmul.f32 $5.000000000e-01, v5;
	v16 =	vsub.s32 $0x5F3759DF, v16;
	v28 =	vld [tilespmem:s24+$0xFFFFFFE0];
	v10 =	vadd.f32 v10, v8  }
0x15f: {  	v27 =	vmul.f32 v16, v27;
	v26 =	vmul.f32 v22, v26;
	v8 =	vsub.s32 $0x5F3759DF, v19;
	v30 =	vld [tilespmem:s23+$0xFFFFFFF0]  }
0x160: {  	v29 =	vmul.f32 v8, v29;
	v19 =	vld [tilespmem:s23+$0xFFFFFFC0];
	v9 =	vadd.f32 v9, v10  }
0x161: {  	v12 =	vmul.f32 $-1.000945930e+00, v12;
	v31 =	vmov s19;
	s19 =	smov.u32 s17;
	s17 =	smov.u32 s14;
	s14 =	smov.u32 s26;
	v27 =	vmul.f32 v16, v27;
	v10 =	vld [tilespmem:s23+$0x20]  }
0x162: {  	v32 =	vld [tilespmem:s24+$0x10];
	v33 =	vmul.f32 v20, v25;
	v25 =	vmul.f32 v11, v25;
	v9 =	vadd.f32 v18, v9  }
0x163: {  	v12 =	vadd.f32 $1.200000000e+01, v12;
	v26 =	vmul.f32 v22, v26;
	v27 =	vsub.f32 $1.500000000e+00, v27;
	v18 =	vld [tilespmem:s24+$0x20]  }
0x164: {  	vm0 =	veq.s32 v31, v4;
	v34 =	vld [tilespmem:s24+$0xFFFFFFD0];
	v11 =	vmul.f32 v11, v30;
	v35 =	vperm.xlane v9, v0  }
0x165: {  	v6 =	vsel vm0, v12, v6;
	v26 =	vsub.f32 $1.500000000e+00, v26;
	v16 =	vmul.f32 v16, v27;
	v31 =	vld [tilespmem:s23+$0xFFFFFFE0]  }
0x166: {  	v20 =	vmul.f32 v20, v30;
	v12 =	vld [tilespmem:s23+$0xFFFFFFD0];
	v27 =	vmul.f32 v28, v10;
	v30 =	vadd.f32 v9, v35  }
0x167: {  	v22 =	vmul.f32 v22, v26;
	v11 =	vsub.f32 v11, v33;
	v9 =	vmul.f32 v16, v15;
	v35 =	vld [tilespmem:s24+$0xFFFFFFC0]  }
0x168: {  	v20 =	vadd.f32 v20, v25;
	v15 =	vld [tilespmem:s23+$0x10];
	v16 =	vmul.f32 v18, v10;
	v25 =	vperm.xlane v30, v1  }
0x169: {  	v11 =	vsub.f32 v11, v13;
	v10 =	vmul.f32 v22, v14;
	v14 =	vmul.f32 v8, v29;
	v26 =	vld [tilespmem:s24+$0x0]  }
0x16a: {  	v22 =	vld [tilespmem:s2+$0xFFFFFFD0];
	v28 =	vmul.f32 v28, v31;
	v18 =	vmul.f32 v18, v31;
	v25 =	vadd.f32 v30, v25  }
0x16b: {  	v17 =	vsub.f32 v20, v17;
	v13 =	vmul.f32 v11, v11;
	v29 =	vld [tilespmem:s2+$0xFFFFFFC0];
	v30 =	vmul.f32 v34, v12  }
0x16c: {  	v11 =	vsub.f32 $1.500000000e+00, v14;
	v20 =	vld [tilespmem:s2+$0x0];
	v31 =	vmul.f32 v35, v19;
	v33 =	vmul.f32 v35, v23  }
0x16d: {  	v16 =	vsub.f32 v28, v16;
	v35 =	vld [tilespmem:s2+$0x10];
	v14 =	vmul.f32 v32, v15;
	v34 =	vmul.f32 v34, v15  }
0x16e: {  	v12 =	vmul.f32 v32, v12;
	v18 =	vadd.f32 v18, v27;
	v23 =	vmul.f32 v26, v23  }
0x16f: {  	v15 =	vmul.f32 v17, v17;
	v19 =	vmul.f32 v26, v19;
	v14 =	vsub.f32 v30, v14;
	v26 =	vld [tilespmem:s2+$0x20]  }
0x170: {  	v17 =	vsub.f32 v31, v23;
	v23 =	vsub.f32 v16, v24;
	v16 =	vperm.xlane v25, v2  }
0x171: {  	v19 =	vadd.f32 v19, v33;
	v22 =	vsub.f32 v14, v22;
	v14 =	vshra.s32 v7, $0x1  }
0x172: {  	v17 =	vsub.f32 v17, v29;
	v14 =	vsub.s32 $0x5F3759DF, v14;
	v24 =	vadd.f32 v25, v16  }
.Ltmp2:
0x173: {  	v12 =	vadd.f32 v12, v34;
	v16 =	vmul.f32 v22, v22;
	v21 =	vmul.f32 v14, v21;
	(pc) =	sbr.rel @p0 .LBB2_7-.Ltmp2, $4  }
0x174: {  	v17 =	vmul.f32 v17, v17;
	v22 =	vsub.f32 v18, v26;
	v25 =	vperm.xlane v24, v3  }
0x175: {  	v20 =	vsub.f32 v19, v20;
	v26 =	vsub.f32 v12, v35;
	v27 =	vmul.f32 v14, v21  }
0x176: {  	v18 =	vmul.f32 v23, v23;
	v19 =	vmul.f32 v22, v22;
	v12 =	vadd.f32 v24, v25  }
0x177: {  	s23 =	sadd.s32 $0x80, s23;
	s24 =	sadd.s32 $0x80, s24;
	v22 =	vmul.f32 v20, v20;
	v21 =	vmul.f32 v26, v26;
	v20 =	vsub.f32 $1.500000000e+00, v27  }
0x178: {  	_ = 	snop  }
0x179: {  	v17 =	vadd.f32 v22, v17  }
0x17a: {  	v16 =	vadd.f32 v21, v16  }
0x17b: {  	v13 =	vadd.f32 v15, v13;
	v42 =	vadd.f32 v19, v18;
	v17 =	vmax.f32 v17, $1.000000020e-24  }
0x17c: {  	v16 =	vmax.f32 v16, $1.000000020e-24;
	v43 =	vmul.f32 $5.000000000e-01, v17;
	v44 =	vshra.s32 v17, $0x1  }
0x17d: {  	v45 =	vshra.s32 v16, $0x1;
	v46 =	vmul.f32 $5.000000000e-01, v16;
	v19 =	vsub.s32 $0x5F3759DF, v44  }
0x17e: {  	v15 =	vmax.f32 v42, $1.000000020e-24;
	v21 =	vsub.s32 $0x5F3759DF, v45;
	v18 =	vmul.f32 v19, v43  }
0x17f: {  	v23 =	vshra.s32 v15, $0x1;
	v24 =	vmul.f32 $5.000000000e-01, v15;
	v22 =	vmul.f32 v21, v46  }
0x180: {  	v14 =	vmul.f32 v14, v20;
	v47 =	vsub.s32 $0x5F3759DF, v23;
	v18 =	vmul.f32 v19, v18  }
0x181: {  	v13 =	vmax.f32 v13, $1.000000020e-24;
	v23 =	vmul.f32 v47, v24;
	v22 =	vmul.f32 v21, v22  }
0x182: {  	v48 =	vshra.s32 v13, $0x1;
	v25 =	vmul.f32 $5.000000000e-01, v13;
	v18 =	vsub.f32 $1.500000000e+00, v18  }
0x183: {  	v24 =	vsub.s32 $0x5F3759DF, v48;
	v23 =	vmul.f32 v47, v23;
	v22 =	vsub.f32 $1.500000000e+00, v22  }
0x184: {  	v49 =	vmul.f32 v24, v25;
	v18 =	vmul.f32 v19, v18  }
0x185: {  	v7 =	vmul.f32 v14, v7;
	v51 =	vsub.f32 $1.500000000e+00, v23;
	v50 =	vmul.f32 v21, v22  }
0x186: {  	v19 =	vmul.f32 v24, v49;
	v17 =	vmul.f32 v18, v17  }
0x187: {  	v7 =	vadd.f32 $0.0e+00, v7;
	v52 =	vmul.f32 v47, v51  }
0x188: {  	v14 =	vmul.f32 v50, v16;
	v53 =	vsub.f32 $1.500000000e+00, v19;
	v17 =	vadd.f32 $0.0e+00, v17  }
0x189: {  	v8 =	vmul.f32 v8, v11;
	v7 =	vadd.f32 v10, v7  }
0x18a: {  	v54 =	vmul.f32 v52, v15;
	v55 =	vmul.f32 v24, v53;
	v14 =	vadd.f32 v14, v17  }
0x18b: {  	v5 =	vmul.f32 v8, v5;
	v7 =	vadd.f32 v9, v7  }
0x18c: {  	v56 =	vmul.f32 v55, v13;
	v57 =	vadd.f32 v54, v14  }
0x18d: {  	v5 =	vadd.f32 v5, v7  }
0x18e: {  	v7 =	vadd.f32 v56, v57  }
0x18f: {  	v58 =	vperm.xlane v5, v0  }
0x190: {  	v9 =	vperm.xlane v7, v0  }
0x191: {  	v5 =	vadd.f32 v5, v58  }
0x192: {  	v7 =	vadd.f32 v7, v9  }
0x193: {  	v8 =	vperm.xlane v5, v1  }
0x194: {  	v9 =	vperm.xlane v7, v1  }
0x195: {  	v5 =	vadd.f32 v5, v8  }
0x196: {  	v7 =	vadd.f32 v7, v9  }
0x197: {  	v8 =	vperm.xlane v5, v2  }
0x198: {  	v9 =	vperm.xlane v7, v2  }
0x199: {  	v5 =	vadd.f32 v5, v8  }
0x19a: {  	v7 =	vadd.f32 v7, v9  }
0x19b: {  	v8 =	vperm.xlane v5, v3  }
0x19c: {  	v9 =	vperm.xlane v7, v3  }
0x19d: {  	v5 =	vadd.f32 v5, v8  }
0x19e: {  	v59 =	vmul.f32 $-1.000945930e+00, v12;
	v7 =	vadd.f32 v7, v9  }
0x19f: {  	v60 =	vmov s19;
	v5 =	vmul.f32 $-1.000945930e+00, v5  }
0x1a0: {  	v62 =	vmov s17;
	v61 =	vadd.f32 $1.200000000e+01, v59;
	v7 =	vmul.f32 $-1.000945930e+00, v7  }
.Ltmp3:
0x1a1: {  	v63 =	vmov s14;
	vm0 =	veq.s32 v60, v4;
	v5 =	vadd.f32 $1.200000000e+01, v5;
	(pc) =	sbr.rel @!p1 .LBB2_6-.Ltmp3, $4  }
0x1a2: {  	vm14 =	veq.s32 v62, v4;
	v6 =	vsel vm0, v61, v6;
	v7 =	vadd.f32 $1.200000000e+01, v7  }
0x1a3: {  	s0 =	sshll.u32 s0, $0x4;
	vm15 =	veq.s32 v63, v4;
	v5 =	vsel vm14, v5, v6  }
0x1a4: {  	s0 =	sand.u32 $0x3FFFFFF0, s0;
	v5 =	vsel vm15, v7, v5  }
0x1a5: {  	p0 =	por $0x1, $0x1;
	[tilespmem:s0+$0x18600] =	vst v5;
	s0 =	simm.s32 $0x3  }
0x1a6: {  	_ =	swait.ge [sflag:s21], $0x1000  }
0x1a7: {  	[sflag:s21] =	ssyncset.done $0x0  }
0x1a8: {  	[sflag:s21] =	ssyncadd.s32 $0xFFFFF000  }
0x1a9: {  	_ =	swait.ge [sflag:s21], $0x1000  }
0x1aa: {  	[sflag:s21] =	ssyncset.done $0x0  }
0x1ab: {  	[sflag:s21] =	ssyncadd.s32 $0xFFFFF000  }
0x1ac: {  	_ =	swait.ge [sflag:s21], $0x1000  }
0x1ad: {  	[sflag:s21] =	ssyncset.done $0x0  }
0x1ae: {  	s0 =	simm.s32 $0x4;
	p0 =	por $0x0, $0x0;
	[sflag:s21] =	ssyncadd.s32 $0xFFFFF000  }
.LBB2_10:
0x1af: {  	s2 =	sshll.u32 s0, $0xB  }
0x1b0: {  	s2 =	sand.u32 $0x3FFFF800, s2  }
0x1b1: {  	s14 =	sor.u32 $0x640, s2  }
0x1b2: {  	s19 =	sadd.s32 $0x8640, s2;
	v5 =	vld [tilespmem:s14+$0x0]  }
0x1b3: {  	v6 =	vld [tilespmem:s19+$0x30]  }
0x1b4: {  	s17 =	sadd.s32 $0x10640, s2;
	v7 =	vld [tilespmem:s19+$0xFFFFFFF0]  }
0x1b5: {  	v8 =	vld [tilespmem:s17+$0xFFFFFFF0]  }
0x1b6: {  	v9 =	vld [tilespmem:s17+$0x30]  }
0x1b7: {  	v10 =	vld [tilespmem:s14+$0x30]  }
0x1b8: {  	v11 =	vld [tilespmem:s17+$0xFFFFFFE0]  }
0x1b9: {  	v12 =	vld [tilespmem:s14+$0xFFFFFFF0]  }
0x1ba: {  	v13 =	vld [tilespmem:s14+$0xFFFFFFC0]  }
0x1bb: {  	v14 =	vld [tilespmem:s14+$0x20]  }
0x1bc: {  	v15 =	vld [tilespmem:s17+$0x10]  }
0x1bd: {  	v16 =	vld [tilespmem:s17+$0x20]  }
0x1be: {  	v17 =	vld [tilespmem:s17+$0xFFFFFFD0]  }
0x1bf: {  	v18 =	vld [tilespmem:s14+$0xFFFFFFE0]  }
0x1c0: {  	v19 =	vld [tilespmem:s14+$0xFFFFFFD0]  }
0x1c1: {  	v22 =	vld [tilespmem:s14+$0x10]  }
0x1c2: {  	v21 =	vld [tilespmem:s17+$0xFFFFFFC0];
	v20 =	vmul.f32 v9, v10;
	v10 =	vmul.f32 v8, v10  }
0x1c3: {  	v24 =	vld [tilespmem:s19+$0xFFFFFFE0];
	v8 =	vmul.f32 v8, v12;
	v23 =	vmul.f32 v11, v14  }
0x1c4: {  	v25 =	vld [tilespmem:s19+$0x10];
	s29 =	sadd.s32 $0x80, s14;
	v9 =	vmul.f32 v9, v12;
	v14 =	vmul.f32 v16, v14  }
0x1c5: {  	s23 =	sadd.s32 $0x80, s29;
	v12 =	vld [tilespmem:s17+$0x0];
	v11 =	vmul.f32 v11, v18;
	v16 =	vmul.f32 v16, v18  }
0x1c6: {  	v33 =	vld [tilespmem:s23+$0xFFFFFFE0];
	v18 =	vmul.f32 v17, v19;
	v17 =	vmul.f32 v17, v22;
	s17 =	sadd.s32 $0x80, s17  }
0x1c7: {  	s24 =	sadd.s32 $0x80, s17;
	v8 =	vsub.f32 v8, v20;
	v9 =	vadd.f32 v9, v10;
	v10 =	vld [tilespmem:s19+$0xFFFFFFD0];
	v20 =	vmul.f32 v21, v13  }
0x1c8: {  	v21 =	vmul.f32 v21, v5;
	v11 =	vsub.f32 v11, v14;
	v14 =	vmul.f32 v15, v19;
	v52 =	vld [tilespmem:s24+$0x20]  }
0x1c9: {  	v16 =	vadd.f32 v16, v23;
	v6 =	vsub.f32 v9, v6;
	v9 =	vmul.f32 v15, v22;
	v22 =	vld [tilespmem:s19+$0x20]  }
0x1ca: {  	v7 =	vsub.f32 v8, v7;
	v8 =	vld [tilespmem:s19+$0xFFFFFFC0];
	v11 =	vsub.f32 v11, v24;
	v5 =	vmul.f32 v12, v5  }
0x1cb: {  	v15 =	vld [tilespmem:s19+$0x0];
	v12 =	vmul.f32 v12, v13;
	v13 =	vadd.f32 v14, v17;
	v9 =	vsub.f32 v18, v9  }
0x1cc: {  	v7 =	vmul.f32 v7, v7;
	v6 =	vmul.f32 v6, v6;
	v5 =	vsub.f32 v20, v5  }
0x1cd: {  	v12 =	vadd.f32 v12, v21;
	v9 =	vsub.f32 v9, v10  }
0x1ce: {  	v31 =	vld [tilespmem:s17+$0xFFFFFFC0];
	v11 =	vmul.f32 v11, v11;
	v6 =	vadd.f32 v6, v7;
	v10 =	vsub.f32 v16, v22  }
0x1cf: {  	v21 =	vld [tilespmem:s29+$0xFFFFFFC0];
	v55 =	vmul.f32 v52, v33;
	v5 =	vsub.f32 v5, v8;
	v8 =	vsub.f32 v13, v25  }
0x1d0: {  	s30 =	sadd.s32 $0x80, s19;
	v30 =	vld [tilespmem:s29+$0xFFFFFFE0];
	v12 =	vsub.f32 v12, v15;
	v9 =	vmul.f32 v9, v9;
	v10 =	vmul.f32 v10, v10  }
0x1d1: {  	v40 =	vld [tilespmem:s30+$0xFFFFFFC0];
	v6 =	vmax.f32 v6, $1.000000020e-24;
	v8 =	vmul.f32 v8, v8;
	v5 =	vmul.f32 v5, v5  }
0x1d2: {  	v20 =	vld [tilespmem:s29+$0xFFFFFFF0];
	v12 =	vmul.f32 v12, v12;
	v23 =	vshra.s32 v6, $0x1;
	v10 =	vadd.f32 v10, v11  }
0x1d3: {  	v13 =	vld [tilespmem:s29+$0x0];
	v35 =	vmul.f32 $5.000000000e-01, v6;
	v23 =	vsub.s32 $0x5F3759DF, v23;
	v8 =	vadd.f32 v8, v9  }
0x1d4: {  	v38 =	vmul.f32 v31, v21;
	v9 =	vld [tilespmem:s17+$0x30];
	v5 =	vadd.f32 v12, v5;
	v7 =	vmax.f32 v10, $1.000000020e-24  }
0x1d5: {  	v10 =	vld [tilespmem:s29+$0x30];
	v8 =	vmax.f32 v8, $1.000000020e-24;
	v12 =	vshra.s32 v7, $0x1;
	v16 =	vmul.f32 $5.000000000e-01, v7  }
0x1d6: {  	v11 =	vld [tilespmem:s17+$0xFFFFFFF0];
	v18 =	vshra.s32 v8, $0x1;
	v19 =	vmul.f32 $5.000000000e-01, v8;
	v12 =	vsub.s32 $0x5F3759DF, v12  }
0x1d7: {  	v17 =	vld [tilespmem:s17+$0xFFFFFFE0];
	v24 =	vmul.f32 v23, v35;
	v18 =	vsub.s32 $0x5F3759DF, v18;
	v16 =	vmul.f32 v12, v16  }
0x1d8: {  	v22 =	vld [tilespmem:s29+$0x20];
	v39 =	vmul.f32 v31, v13;
	v5 =	vmax.f32 v5, $1.000000020e-24;
	v19 =	vmul.f32 v18, v19  }
0x1d9: {  	v27 =	vld [tilespmem:s17+$0x20];
	v26 =	vmul.f32 $5.000000000e-01, v5;
	v16 =	vmul.f32 v12, v16  }
0x1da: {  	v15 =	vld [tilespmem:s30+$0xFFFFFFF0];
	v19 =	vmul.f32 v18, v19;
	v28 =	vmul.f32 v9, v10  }
0x1db: {  	v14 =	vld [tilespmem:s30+$0x30];
	v10 =	vmul.f32 v11, v10;
	v11 =	vmul.f32 v11, v20  }
0x1dc: {  	v36 =	vld [tilespmem:s17+$0x10];
	v42 =	vshra.s32 v5, $0x1;
	v9 =	vmul.f32 v9, v20;
	v16 =	vsub.f32 $1.500000000e+00, v16  }
0x1dd: {  	v29 =	vld [tilespmem:s17+$0xFFFFFFD0];
	v20 =	vmul.f32 v17, v22;
	v19 =	vsub.f32 $1.500000000e+00, v19;
	v11 =	vsub.f32 v11, v28  }
0x1de: {  	v17 =	vmul.f32 v17, v30;
	v9 =	vadd.f32 v9, v10;
	v10 =	vld [tilespmem:s17+$0x0];
	v12 =	vmul.f32 v12, v16  }
0x1df: {  	v16 =	vld [tilespmem:s29+$0xFFFFFFD0];
	v18 =	vmul.f32 v18, v19;
	v19 =	vmul.f32 v27, v22;
	v11 =	vsub.f32 v11, v15  }
0x1e0: {  	v15 =	vmul.f32 v23, v24;
	v9 =	vsub.f32 v9, v14;
	v12 =	vmul.f32 v12, v7;
	v7 =	vld [tilespmem:s29+$0x10]  }
0x1e1: {  	v44 =	vsub.s32 $0x5F3759DF, v42;
	v22 =	vld [tilespmem:s30+$0xFFFFFFE0];
	v8 =	vmul.f32 v18, v8;
	v18 =	vmul.f32 v27, v30  }
0x1e2: {  	v43 =	vld [tilespmem:s30+$0x0];
	v11 =	vmul.f32 v11, v11;
	v15 =	vsub.f32 $1.500000000e+00, v15;
	v9 =	vmul.f32 v9, v9  }
0x1e3: {  	v14 =	vld [tilespmem:s30+$0xFFFFFFD0];
	v17 =	vsub.f32 v17, v19;
	v13 =	vmul.f32 v10, v13;
	v10 =	vmul.f32 v10, v21  }
0x1e4: {  	v19 =	vld [tilespmem:s30+$0x20];
	v18 =	vadd.f32 v18, v20;
	v9 =	vadd.f32 v9, v11;
	v37 =	vmul.f32 v29, v16  }
0x1e5: {  	v45 =	vld [tilespmem:s30+$0x10];
	v16 =	vmul.f32 v36, v16;
	v13 =	vsub.f32 v38, v13;
	v41 =	vmul.f32 v36, v7  }
0x1e6: {  	v17 =	vsub.f32 v17, v22;
	v10 =	vadd.f32 v10, v39;
	v7 =	vmul.f32 v29, v7  }
0x1e7: {  	v21 =	vmul.f32 v44, v26;
	v13 =	vsub.f32 v13, v40;
	v20 =	vsub.f32 v37, v41  }
0x1e8: {  	v48 =	vld [tilespmem:s23+$0xFFFFFFC0];
	v11 =	vmul.f32 v23, v15;
	v10 =	vsub.f32 v10, v43;
	v7 =	vadd.f32 v16, v7  }
0x1e9: {  	v54 =	vld [tilespmem:s24+$0xFFFFFFC0];
	v16 =	vsub.f32 v18, v19;
	v14 =	vsub.f32 v20, v14;
	v20 =	vmul.f32 v44, v21  }
0x1ea: {  	v17 =	vmul.f32 v17, v17;
	v13 =	vmul.f32 v13, v13;
	v7 =	vsub.f32 v7, v45  }
0x1eb: {  	v10 =	vmul.f32 v10, v10;
	v19 =	vld [tilespmem:s23+$0x0];
	v16 =	vmul.f32 v16, v16;
	v18 =	vsub.f32 $1.500000000e+00, v20  }
0x1ec: {  	v14 =	vmul.f32 v14, v14;
	v7 =	vmul.f32 v7, v7  }
0x1ed: {  	v10 =	vadd.f32 v10, v13;
	v13 =	vadd.f32 v16, v17;
	v18 =	vmul.f32 v44, v18  }
0x1ee: {  	v57 =	vmul.f32 v54, v48;
	v6 =	vmul.f32 v11, v6;
	v14 =	vadd.f32 v7, v14  }
0x1ef: {  	v7 =	vmax.f32 v10, $1.000000020e-24;
	v10 =	vmax.f32 v13, $1.000000020e-24;
	v17 =	vmul.f32 v18, v5  }
0x1f0: {  	v11 =	vld [tilespmem:s24+$0x30];
	v24 =	vmul.f32 v54, v19;
	v20 =	vmul.f32 $5.000000000e-01, v10  }
0x1f1: {  	v5 =	vmax.f32 v9, $1.000000020e-24;
	v9 =	vld [tilespmem:s24+$0xFFFFFFF0];
	v13 =	vadd.f32 $0.0e+00, v17;
	v17 =	vshra.s32 v10, $0x1  }
0x1f2: {  	v49 =	vmul.f32 $5.000000000e-01, v7;
	v14 =	vmax.f32 v14, $1.000000020e-24;
	v18 =	vld [tilespmem:s23+$0x30];
	v17 =	vsub.s32 $0x5F3759DF, v17  }
0x1f3: {  	v46 =	vld [tilespmem:s23+$0xFFFFFFF0];
	v8 =	vadd.f32 v8, v13;
	v13 =	vshra.s32 v14, $0x1;
	v20 =	vmul.f32 v17, v20  }
0x1f4: {  	v22 =	vld [tilespmem:s24+$0xFFFFFFE0];
	v21 =	vshra.s32 v5, $0x1;
	v23 =	vmul.f32 $5.000000000e-01, v14;
	v13 =	vsub.s32 $0x5F3759DF, v13  }
0x1f5: {  	v12 =	vadd.f32 v12, v8;
	v8 =	vsub.s32 $0x5F3759DF, v21;
	v21 =	vld [tilespmem:s23+$0x20];
	v20 =	vmul.f32 v17, v20  }
0x1f6: {  	v50 =	vld [tilespmem:s24+$0x10];
	v47 =	vmul.f32 $5.000000000e-01, v5;
	v23 =	vmul.f32 v13, v23  }
0x1f7: {  	s2 =	sadd.s32 $0x80, s30;
	v53 =	vld [tilespmem:s24+$0xFFFFFFD0];
	v51 =	vmul.f32 v11, v18;
	v18 =	vmul.f32 v9, v18;
	v20 =	vsub.f32 $1.500000000e+00, v20  }
0x1f8: {  	v16 =	vld [tilespmem:s2+$0xFFFFFFF0];
	v9 =	vmul.f32 v9, v46;
	v12 =	vadd.f32 v6, v12;
	v23 =	vmul.f32 v13, v23  }
0x1f9: {  	v15 =	vld [tilespmem:s2+$0x30];
	v11 =	vmul.f32 v11, v46;
	v17 =	vmul.f32 v17, v20  }
0x1fa: {  	v32 =	vperm.xlane v12, v0;
	v23 =	vsub.f32 $1.500000000e+00, v23;
	v20 =	vld [tilespmem:s23+$0xFFFFFFD0];
	v34 =	vmul.f32 v22, v21  }
0x1fb: {  	v29 =	vsub.f32 v9, v51;
	v21 =	vmul.f32 v52, v21;
	v9 =	vmul.f32 v17, v10;
	v17 =	vld [tilespmem:s23+$0x10]  }
0x1fc: {  	v22 =	vmul.f32 v22, v33;
	v12 =	vadd.f32 v12, v32;
	v13 =	vmul.f32 v13, v23;
	v23 =	vld [tilespmem:s24+$0x0]  }
0x1fd: {  	v25 =	vmul.f32 v8, v47;
	v11 =	vadd.f32 v11, v18;
	v16 =	vsub.f32 v29, v16  }
0x1fe: {  	v21 =	vsub.f32 v22, v21;
	v22 =	vld [tilespmem:s2+$0x0];
	v18 =	vperm.xlane v12, v1;
	v10 =	vmul.f32 v13, v14  }
0x1ff: {  	v15 =	vsub.f32 v11, v15;
	v14 =	vmul.f32 v8, v25;
	v13 =	vmul.f32 v16, v16;
	v16 =	vld [tilespmem:s2+$0xFFFFFFD0]  }
0x200: {  	v56 =	vmul.f32 v53, v20;
	v20 =	vmul.f32 v50, v20;
	v12 =	vadd.f32 v12, v18;
	v18 =	vld [tilespmem:s2+$0xFFFFFFE0]  }
0x201: {  	v11 =	vsub.f32 $1.500000000e+00, v14;
	v14 =	vld [tilespmem:s2+$0xFFFFFFC0];
	v58 =	vmul.f32 v50, v17;
	v19 =	vmul.f32 v23, v19  }
0x202: {  	v25 =	vadd.f32 v55, v34;
	v17 =	vmul.f32 v53, v17;
	v23 =	vmul.f32 v23, v48  }
0x203: {  	v60 =	vld [tilespmem:s2+$0x20];
	v62 =	vshra.s32 v7, $0x1;
	v59 =	vsub.f32 v56, v58;
	v19 =	vsub.f32 v57, v19  }
0x204: {  	v61 =	vld [tilespmem:s2+$0x10];
	v15 =	vmul.f32 v15, v15;
	v23 =	vadd.f32 v23, v24;
	v20 =	vadd.f32 v20, v17  }
0x205: {  	v18 =	vsub.f32 v21, v18;
	v21 =	vperm.xlane v12, v2;
	v16 =	vsub.f32 v59, v16  }
0x206: {  	v19 =	vsub.f32 v19, v14;
	v14 =	vsub.s32 $0x5F3759DF, v62;
	v22 =	vsub.f32 v23, v22  }
0x207: {  	v12 =	vadd.f32 v12, v21;
	v16 =	vmul.f32 v16, v16;
	v21 =	vmul.f32 v14, v49  }
0x208: {  	v17 =	vmul.f32 v19, v19;
	v19 =	vsub.f32 v25, v60;
	v18 =	vmul.f32 v18, v18  }
0x209: {  	p1 =	por p0, p0;
	v20 =	vsub.f32 v20, v61;
	v63 =	vperm.xlane v12, v3;
	v23 =	vmul.f32 v14, v21  }
0x20a: {  	s22 =	simm.s32 $0x3;
	s14 =	simm.s32 $0x2;
	s19 =	simm.s32 $0x0;
	v6 =	vimm.f32 $0.0e+00;
	v22 =	vmul.f32 v22, v22;
	v19 =	vmul.f32 v19, v19  }
0x20b: {  	s17 =	simm.s32 $0x1;
	s23 =	sadd.s32 $0x80, s23;
	s24 =	sadd.s32 $0x80, s24;
	v21 =	vmul.f32 v20, v20;
	v12 =	vadd.f32 v12, v63;
	v20 =	vsub.f32 $1.500000000e+00, v23  }
.LBB2_11:
0x20c: {  	p0 =	sne.s32 s22, $0xF  }
0x20d: {  	v23 =	vld [tilespmem:s23+$0x0];
	v13 =	vadd.f32 v15, v13;
	s2 =	sadd.s32 $0x80, s2;
	v8 =	vmul.f32 v8, v11;
	s26 =	smov.u32 s22;
	s22 =	sadd.s32 $0x1, s22  }
0x20e: {  	v15 =	vadd.f32 v19, v18;
	v24 =	vld [tilespmem:s2+$0xFFFFFFE0];
	v11 =	vadd.f32 v22, v17;
	v14 =	vmul.f32 v14, v20  }
0x20f: {  	v16 =	vadd.f32 v21, v16;
	v17 =	vld [tilespmem:s2+$0x30];
	v18 =	vmul.f32 v8, v5;
	v5 =	vmax.f32 v13, $1.000000020e-24  }
0x210: {  	v15 =	vmax.f32 v15, $1.000000020e-24;
	v13 =	vld [tilespmem:s2+$0xFFFFFFF0];
	v8 =	vmul.f32 v14, v7;
	v7 =	vmax.f32 v11, $1.000000020e-24  }
0x211: {  	v14 =	vmax.f32 v16, $1.000000020e-24;
	v16 =	vshra.s32 v15, $0x1;
	v19 =	vshra.s32 v5, $0x1;
	v11 =	vld [tilespmem:s24+$0xFFFFFFF0]  }
0x212: {  	v21 =	vmul.f32 $5.000000000e-01, v7;
	v22 =	vshra.s32 v14, $0x1;
	v20 =	vld [tilespmem:s24+$0x30];
	v8 =	vadd.f32 $0.0e+00, v8  }
0x213: {  	v27 =	vmul.f32 $5.000000000e-01, v15;
	v26 =	vmul.f32 $5.000000000e-01, v14;
	v22 =	vsub.s32 $0x5F3759DF, v22;
	v25 =	vld [tilespmem:s23+$0x30]  }
0x214: {  	v29 =	vmul.f32 $5.000000000e-01, v5;
	v16 =	vsub.s32 $0x5F3759DF, v16;
	v28 =	vld [tilespmem:s24+$0xFFFFFFE0];
	v10 =	vadd.f32 v10, v8  }
0x215: {  	v27 =	vmul.f32 v16, v27;
	v26 =	vmul.f32 v22, v26;
	v8 =	vsub.s32 $0x5F3759DF, v19;
	v30 =	vld [tilespmem:s23+$0xFFFFFFF0]  }
0x216: {  	v29 =	vmul.f32 v8, v29;
	v19 =	vld [tilespmem:s23+$0xFFFFFFC0];
	v9 =	vadd.f32 v9, v10  }
0x217: {  	v12 =	vmul.f32 $-1.000945930e+00, v12;
	v31 =	vmov s19;
	s19 =	smov.u32 s17;
	s17 =	smov.u32 s14;
	s14 =	smov.u32 s26;
	v27 =	vmul.f32 v16, v27;
	v10 =	vld [tilespmem:s23+$0x20]  }
0x218: {  	v32 =	vld [tilespmem:s24+$0x10];
	v33 =	vmul.f32 v20, v25;
	v25 =	vmul.f32 v11, v25;
	v9 =	vadd.f32 v18, v9  }
0x219: {  	v12 =	vadd.f32 $1.200000000e+01, v12;
	v26 =	vmul.f32 v22, v26;
	v27 =	vsub.f32 $1.500000000e+00, v27;
	v18 =	vld [tilespmem:s24+$0x20]  }
0x21a: {  	vm0 =	veq.s32 v31, v4;
	v34 =	vld [tilespmem:s24+$0xFFFFFFD0];
	v11 =	vmul.f32 v11, v30;
	v35 =	vperm.xlane v9, v0  }
0x21b: {  	v6 =	vsel vm0, v12, v6;
	v26 =	vsub.f32 $1.500000000e+00, v26;
	v16 =	vmul.f32 v16, v27;
	v31 =	vld [tilespmem:s23+$0xFFFFFFE0]  }
0x21c: {  	v20 =	vmul.f32 v20, v30;
	v12 =	vld [tilespmem:s23+$0xFFFFFFD0];
	v27 =	vmul.f32 v28, v10;
	v30 =	vadd.f32 v9, v35  }
0x21d: {  	v22 =	vmul.f32 v22, v26;
	v11 =	vsub.f32 v11, v33;
	v9 =	vmul.f32 v16, v15;
	v35 =	vld [tilespmem:s24+$0xFFFFFFC0]  }
0x21e: {  	v20 =	vadd.f32 v20, v25;
	v15 =	vld [tilespmem:s23+$0x10];
	v16 =	vmul.f32 v18, v10;
	v25 =	vperm.xlane v30, v1  }
0x21f: {  	v11 =	vsub.f32 v11, v13;
	v10 =	vmul.f32 v22, v14;
	v14 =	vmul.f32 v8, v29;
	v26 =	vld [tilespmem:s24+$0x0]  }
0x220: {  	v22 =	vld [tilespmem:s2+$0xFFFFFFD0];
	v28 =	vmul.f32 v28, v31;
	v18 =	vmul.f32 v18, v31;
	v25 =	vadd.f32 v30, v25  }
0x221: {  	v17 =	vsub.f32 v20, v17;
	v13 =	vmul.f32 v11, v11;
	v29 =	vld [tilespmem:s2+$0xFFFFFFC0];
	v30 =	vmul.f32 v34, v12  }
0x222: {  	v11 =	vsub.f32 $1.500000000e+00, v14;
	v20 =	vld [tilespmem:s2+$0x0];
	v31 =	vmul.f32 v35, v19;
	v33 =	vmul.f32 v35, v23  }
0x223: {  	v16 =	vsub.f32 v28, v16;
	v35 =	vld [tilespmem:s2+$0x10];
	v14 =	vmul.f32 v32, v15;
	v34 =	vmul.f32 v34, v15  }
0x224: {  	v12 =	vmul.f32 v32, v12;
	v18 =	vadd.f32 v18, v27;
	v23 =	vmul.f32 v26, v23  }
0x225: {  	v15 =	vmul.f32 v17, v17;
	v19 =	vmul.f32 v26, v19;
	v14 =	vsub.f32 v30, v14;
	v26 =	vld [tilespmem:s2+$0x20]  }
0x226: {  	v17 =	vsub.f32 v31, v23;
	v23 =	vsub.f32 v16, v24;
	v16 =	vperm.xlane v25, v2  }
0x227: {  	v19 =	vadd.f32 v19, v33;
	v22 =	vsub.f32 v14, v22;
	v14 =	vshra.s32 v7, $0x1  }
0x228: {  	v17 =	vsub.f32 v17, v29;
	v14 =	vsub.s32 $0x5F3759DF, v14;
	v24 =	vadd.f32 v25, v16  }
.Ltmp4:
0x229: {  	v12 =	vadd.f32 v12, v34;
	v16 =	vmul.f32 v22, v22;
	v21 =	vmul.f32 v14, v21;
	(pc) =	sbr.rel @p0 .LBB2_11-.Ltmp4, $4  }
0x22a: {  	v17 =	vmul.f32 v17, v17;
	v22 =	vsub.f32 v18, v26;
	v25 =	vperm.xlane v24, v3  }
0x22b: {  	v20 =	vsub.f32 v19, v20;
	v26 =	vsub.f32 v12, v35;
	v27 =	vmul.f32 v14, v21  }
0x22c: {  	v18 =	vmul.f32 v23, v23;
	v19 =	vmul.f32 v22, v22;
	v12 =	vadd.f32 v24, v25  }
0x22d: {  	s23 =	sadd.s32 $0x80, s23;
	s24 =	sadd.s32 $0x80, s24;
	v22 =	vmul.f32 v20, v20;
	v21 =	vmul.f32 v26, v26;
	v20 =	vsub.f32 $1.500000000e+00, v27  }
0x22e: {  	_ = 	snop  }
0x22f: {  	v17 =	vadd.f32 v22, v17  }
0x230: {  	v16 =	vadd.f32 v21, v16  }
0x231: {  	v13 =	vadd.f32 v15, v13;
	v42 =	vadd.f32 v19, v18;
	v17 =	vmax.f32 v17, $1.000000020e-24  }
0x232: {  	v16 =	vmax.f32 v16, $1.000000020e-24;
	v43 =	vmul.f32 $5.000000000e-01, v17;
	v44 =	vshra.s32 v17, $0x1  }
0x233: {  	v45 =	vshra.s32 v16, $0x1;
	v46 =	vmul.f32 $5.000000000e-01, v16;
	v19 =	vsub.s32 $0x5F3759DF, v44  }
0x234: {  	v15 =	vmax.f32 v42, $1.000000020e-24;
	v21 =	vsub.s32 $0x5F3759DF, v45;
	v18 =	vmul.f32 v19, v43  }
0x235: {  	v23 =	vshra.s32 v15, $0x1;
	v24 =	vmul.f32 $5.000000000e-01, v15;
	v22 =	vmul.f32 v21, v46  }
0x236: {  	v14 =	vmul.f32 v14, v20;
	v47 =	vsub.s32 $0x5F3759DF, v23;
	v18 =	vmul.f32 v19, v18  }
0x237: {  	v13 =	vmax.f32 v13, $1.000000020e-24;
	v23 =	vmul.f32 v47, v24;
	v22 =	vmul.f32 v21, v22  }
0x238: {  	v48 =	vshra.s32 v13, $0x1;
	v25 =	vmul.f32 $5.000000000e-01, v13;
	v18 =	vsub.f32 $1.500000000e+00, v18  }
0x239: {  	v24 =	vsub.s32 $0x5F3759DF, v48;
	v23 =	vmul.f32 v47, v23;
	v22 =	vsub.f32 $1.500000000e+00, v22  }
0x23a: {  	v49 =	vmul.f32 v24, v25;
	v18 =	vmul.f32 v19, v18  }
0x23b: {  	v7 =	vmul.f32 v14, v7;
	v51 =	vsub.f32 $1.500000000e+00, v23;
	v50 =	vmul.f32 v21, v22  }
0x23c: {  	v19 =	vmul.f32 v24, v49;
	v17 =	vmul.f32 v18, v17  }
0x23d: {  	v7 =	vadd.f32 $0.0e+00, v7;
	v52 =	vmul.f32 v47, v51  }
0x23e: {  	v14 =	vmul.f32 v50, v16;
	v53 =	vsub.f32 $1.500000000e+00, v19;
	v17 =	vadd.f32 $0.0e+00, v17  }
0x23f: {  	v8 =	vmul.f32 v8, v11;
	v7 =	vadd.f32 v10, v7  }
0x240: {  	v54 =	vmul.f32 v52, v15;
	v55 =	vmul.f32 v24, v53;
	v14 =	vadd.f32 v14, v17  }
0x241: {  	v5 =	vmul.f32 v8, v5;
	v7 =	vadd.f32 v9, v7  }
0x242: {  	v56 =	vmul.f32 v55, v13;
	v57 =	vadd.f32 v54, v14  }
0x243: {  	v5 =	vadd.f32 v5, v7  }
0x244: {  	v7 =	vadd.f32 v56, v57  }
0x245: {  	v58 =	vperm.xlane v5, v0  }
0x246: {  	v9 =	vperm.xlane v7, v0  }
0x247: {  	v5 =	vadd.f32 v5, v58  }
0x248: {  	v7 =	vadd.f32 v7, v9  }
0x249: {  	v8 =	vperm.xlane v5, v1  }
0x24a: {  	v9 =	vperm.xlane v7, v1  }
0x24b: {  	v5 =	vadd.f32 v5, v8  }
0x24c: {  	v7 =	vadd.f32 v7, v9  }
0x24d: {  	v8 =	vperm.xlane v5, v2  }
0x24e: {  	v9 =	vperm.xlane v7, v2  }
0x24f: {  	v5 =	vadd.f32 v5, v8  }
0x250: {  	v7 =	vadd.f32 v7, v9  }
0x251: {  	v8 =	vperm.xlane v5, v3  }
0x252: {  	v9 =	vperm.xlane v7, v3  }
0x253: {  	v5 =	vadd.f32 v5, v8  }
0x254: {  	v59 =	vmul.f32 $-1.000945930e+00, v12;
	v7 =	vadd.f32 v7, v9  }
0x255: {  	v60 =	vmov s19;
	v5 =	vmul.f32 $-1.000945930e+00, v5  }
0x256: {  	v62 =	vmov s17;
	v61 =	vadd.f32 $1.200000000e+01, v59;
	v7 =	vmul.f32 $-1.000945930e+00, v7  }
.Ltmp5:
0x257: {  	v63 =	vmov s14;
	vm0 =	veq.s32 v60, v4;
	v5 =	vadd.f32 $1.200000000e+01, v5;
	(pc) =	sbr.rel @!p1 .LBB2_10-.Ltmp5, $4  }
0x258: {  	vm14 =	veq.s32 v62, v4;
	v6 =	vsel vm0, v61, v6;
	v7 =	vadd.f32 $1.200000000e+01, v7  }
0x259: {  	s0 =	sshll.u32 s0, $0x4;
	vm15 =	veq.s32 v63, v4;
	v5 =	vsel vm14, v5, v6  }
0x25a: {  	s0 =	sand.u32 $0x3FFFFFF0, s0;
	v5 =	vsel vm15, v7, v5  }
0x25b: {  	p0 =	por $0x1, $0x1;
	[tilespmem:s0+$0x18600] =	vst v5;
	s0 =	simm.s32 $0x5  }
0x25c: {  	_ =	swait.ge [sflag:s21], $0x1000  }
0x25d: {  	[sflag:s21] =	ssyncset.done $0x0  }
0x25e: {  	[sflag:s21] =	ssyncadd.s32 $0xFFFFF000  }
0x25f: {  	_ =	swait.ge [sflag:s21], $0x1000  }
0x260: {  	[sflag:s21] =	ssyncset.done $0x0  }
0x261: {  	[sflag:s21] =	ssyncadd.s32 $0xFFFFF000  }
0x262: {  	_ =	swait.ge [sflag:s21], $0x1000  }
0x263: {  	[sflag:s21] =	ssyncset.done $0x0  }
0x264: {  	s0 =	simm.s32 $0x6;
	p0 =	por $0x0, $0x0;
	[sflag:s21] =	ssyncadd.s32 $0xFFFFF000  }
.LBB2_14:
0x265: {  	s2 =	sshll.u32 s0, $0xB  }
0x266: {  	s2 =	sand.u32 $0x3FFFF800, s2  }
0x267: {  	s14 =	sor.u32 $0x640, s2  }
0x268: {  	s19 =	sadd.s32 $0x8640, s2;
	v5 =	vld [tilespmem:s14+$0x0]  }
0x269: {  	v6 =	vld [tilespmem:s19+$0x30]  }
0x26a: {  	s17 =	sadd.s32 $0x10640, s2;
	v7 =	vld [tilespmem:s19+$0xFFFFFFF0]  }
0x26b: {  	v8 =	vld [tilespmem:s17+$0xFFFFFFF0]  }
0x26c: {  	v9 =	vld [tilespmem:s17+$0x30]  }
0x26d: {  	v10 =	vld [tilespmem:s14+$0x30]  }
0x26e: {  	v11 =	vld [tilespmem:s17+$0xFFFFFFE0]  }
0x26f: {  	v12 =	vld [tilespmem:s14+$0xFFFFFFF0]  }
0x270: {  	v13 =	vld [tilespmem:s14+$0xFFFFFFC0]  }
0x271: {  	v14 =	vld [tilespmem:s14+$0x20]  }
0x272: {  	v15 =	vld [tilespmem:s17+$0x10]  }
0x273: {  	v16 =	vld [tilespmem:s17+$0x20]  }
0x274: {  	v17 =	vld [tilespmem:s17+$0xFFFFFFD0]  }
0x275: {  	v18 =	vld [tilespmem:s14+$0xFFFFFFE0]  }
0x276: {  	v19 =	vld [tilespmem:s14+$0xFFFFFFD0]  }
0x277: {  	v22 =	vld [tilespmem:s14+$0x10]  }
0x278: {  	v21 =	vld [tilespmem:s17+$0xFFFFFFC0];
	v20 =	vmul.f32 v9, v10;
	v10 =	vmul.f32 v8, v10  }
0x279: {  	v24 =	vld [tilespmem:s19+$0xFFFFFFE0];
	v8 =	vmul.f32 v8, v12;
	v23 =	vmul.f32 v11, v14  }
0x27a: {  	v25 =	vld [tilespmem:s19+$0x10];
	s29 =	sadd.s32 $0x80, s14;
	v9 =	vmul.f32 v9, v12;
	v14 =	vmul.f32 v16, v14  }
0x27b: {  	s23 =	sadd.s32 $0x80, s29;
	v12 =	vld [tilespmem:s17+$0x0];
	v11 =	vmul.f32 v11, v18;
	v16 =	vmul.f32 v16, v18  }
0x27c: {  	v33 =	vld [tilespmem:s23+$0xFFFFFFE0];
	v18 =	vmul.f32 v17, v19;
	v17 =	vmul.f32 v17, v22;
	s17 =	sadd.s32 $0x80, s17  }
0x27d: {  	s24 =	sadd.s32 $0x80, s17;
	v8 =	vsub.f32 v8, v20;
	v9 =	vadd.f32 v9, v10;
	v10 =	vld [tilespmem:s19+$0xFFFFFFD0];
	v20 =	vmul.f32 v21, v13  }
0x27e: {  	v21 =	vmul.f32 v21, v5;
	v11 =	vsub.f32 v11, v14;
	v14 =	vmul.f32 v15, v19;
	v52 =	vld [tilespmem:s24+$0x20]  }
0x27f: {  	v16 =	vadd.f32 v16, v23;
	v6 =	vsub.f32 v9, v6;
	v9 =	vmul.f32 v15, v22;
	v22 =	vld [tilespmem:s19+$0x20]  }
0x280: {  	v7 =	vsub.f32 v8, v7;
	v8 =	vld [tilespmem:s19+$0xFFFFFFC0];
	v11 =	vsub.f32 v11, v24;
	v5 =	vmul.f32 v12, v5  }
0x281: {  	v15 =	vld [tilespmem:s19+$0x0];
	v12 =	vmul.f32 v12, v13;
	v13 =	vadd.f32 v14, v17;
	v9 =	vsub.f32 v18, v9  }
0x282: {  	v7 =	vmul.f32 v7, v7;
	v6 =	vmul.f32 v6, v6;
	v5 =	vsub.f32 v20, v5  }
0x283: {  	v12 =	vadd.f32 v12, v21;
	v9 =	vsub.f32 v9, v10  }
0x284: {  	v31 =	vld [tilespmem:s17+$0xFFFFFFC0];
	v11 =	vmul.f32 v11, v11;
	v6 =	vadd.f32 v6, v7;
	v10 =	vsub.f32 v16, v22  }
0x285: {  	v21 =	vld [tilespmem:s29+$0xFFFFFFC0];
	v55 =	vmul.f32 v52, v33;
	v5 =	vsub.f32 v5, v8;
	v8 =	vsub.f32 v13, v25  }
0x286: {  	s30 =	sadd.s32 $0x80, s19;
	v30 =	vld [tilespmem:s29+$0xFFFFFFE0];
	v12 =	vsub.f32 v12, v15;
	v9 =	vmul.f32 v9, v9;
	v10 =	vmul.f32 v10, v10  }
0x287: {  	v40 =	vld [tilespmem:s30+$0xFFFFFFC0];
	v6 =	vmax.f32 v6, $1.000000020e-24;
	v8 =	vmul.f32 v8, v8;
	v5 =	vmul.f32 v5, v5  }
0x288: {  	v20 =	vld [tilespmem:s29+$0xFFFFFFF0];
	v12 =	vmul.f32 v12, v12;
	v23 =	vshra.s32 v6, $0x1;
	v10 =	vadd.f32 v10, v11  }
0x289: {  	v13 =	vld [tilespmem:s29+$0x0];
	v35 =	vmul.f32 $5.000000000e-01, v6;
	v23 =	vsub.s32 $0x5F3759DF, v23;
	v8 =	vadd.f32 v8, v9  }
0x28a: {  	v38 =	vmul.f32 v31, v21;
	v9 =	vld [tilespmem:s17+$0x30];
	v5 =	vadd.f32 v12, v5;
	v7 =	vmax.f32 v10, $1.000000020e-24  }
0x28b: {  	v10 =	vld [tilespmem:s29+$0x30];
	v8 =	vmax.f32 v8, $1.000000020e-24;
	v12 =	vshra.s32 v7, $0x1;
	v16 =	vmul.f32 $5.000000000e-01, v7  }
0x28c: {  	v11 =	vld [tilespmem:s17+$0xFFFFFFF0];
	v18 =	vshra.s32 v8, $0x1;
	v19 =	vmul.f32 $5.000000000e-01, v8;
	v12 =	vsub.s32 $0x5F3759DF, v12  }
0x28d: {  	v17 =	vld [tilespmem:s17+$0xFFFFFFE0];
	v24 =	vmul.f32 v23, v35;
	v18 =	vsub.s32 $0x5F3759DF, v18;
	v16 =	vmul.f32 v12, v16  }
0x28e: {  	v22 =	vld [tilespmem:s29+$0x20];
	v39 =	vmul.f32 v31, v13;
	v5 =	vmax.f32 v5, $1.000000020e-24;
	v19 =	vmul.f32 v18, v19  }
0x28f: {  	v27 =	vld [tilespmem:s17+$0x20];
	v26 =	vmul.f32 $5.000000000e-01, v5;
	v16 =	vmul.f32 v12, v16  }
0x290: {  	v15 =	vld [tilespmem:s30+$0xFFFFFFF0];
	v19 =	vmul.f32 v18, v19;
	v28 =	vmul.f32 v9, v10  }
0x291: {  	v14 =	vld [tilespmem:s30+$0x30];
	v10 =	vmul.f32 v11, v10;
	v11 =	vmul.f32 v11, v20  }
0x292: {  	v36 =	vld [tilespmem:s17+$0x10];
	v42 =	vshra.s32 v5, $0x1;
	v9 =	vmul.f32 v9, v20;
	v16 =	vsub.f32 $1.500000000e+00, v16  }
0x293: {  	v29 =	vld [tilespmem:s17+$0xFFFFFFD0];
	v20 =	vmul.f32 v17, v22;
	v19 =	vsub.f32 $1.500000000e+00, v19;
	v11 =	vsub.f32 v11, v28  }
0x294: {  	v17 =	vmul.f32 v17, v30;
	v9 =	vadd.f32 v9, v10;
	v10 =	vld [tilespmem:s17+$0x0];
	v12 =	vmul.f32 v12, v16  }
0x295: {  	v16 =	vld [tilespmem:s29+$0xFFFFFFD0];
	v18 =	vmul.f32 v18, v19;
	v19 =	vmul.f32 v27, v22;
	v11 =	vsub.f32 v11, v15  }
0x296: {  	v15 =	vmul.f32 v23, v24;
	v9 =	vsub.f32 v9, v14;
	v12 =	vmul.f32 v12, v7;
	v7 =	vld [tilespmem:s29+$0x10]  }
0x297: {  	v44 =	vsub.s32 $0x5F3759DF, v42;
	v22 =	vld [tilespmem:s30+$0xFFFFFFE0];
	v8 =	vmul.f32 v18, v8;
	v18 =	vmul.f32 v27, v30  }
0x298: {  	v43 =	vld [tilespmem:s30+$0x0];
	v11 =	vmul.f32 v11, v11;
	v15 =	vsub.f32 $1.500000000e+00, v15;
	v9 =	vmul.f32 v9, v9  }
0x299: {  	v14 =	vld [tilespmem:s30+$0xFFFFFFD0];
	v17 =	vsub.f32 v17, v19;
	v13 =	vmul.f32 v10, v13;
	v10 =	vmul.f32 v10, v21  }
0x29a: {  	v19 =	vld [tilespmem:s30+$0x20];
	v18 =	vadd.f32 v18, v20;
	v9 =	vadd.f32 v9, v11;
	v37 =	vmul.f32 v29, v16  }
0x29b: {  	v45 =	vld [tilespmem:s30+$0x10];
	v16 =	vmul.f32 v36, v16;
	v13 =	vsub.f32 v38, v13;
	v41 =	vmul.f32 v36, v7  }
0x29c: {  	v17 =	vsub.f32 v17, v22;
	v10 =	vadd.f32 v10, v39;
	v7 =	vmul.f32 v29, v7  }
0x29d: {  	v21 =	vmul.f32 v44, v26;
	v13 =	vsub.f32 v13, v40;
	v20 =	vsub.f32 v37, v41  }
0x29e: {  	v48 =	vld [tilespmem:s23+$0xFFFFFFC0];
	v11 =	vmul.f32 v23, v15;
	v10 =	vsub.f32 v10, v43;
	v7 =	vadd.f32 v16, v7  }
0x29f: {  	v54 =	vld [tilespmem:s24+$0xFFFFFFC0];
	v16 =	vsub.f32 v18, v19;
	v14 =	vsub.f32 v20, v14;
	v20 =	vmul.f32 v44, v21  }
0x2a0: {  	v17 =	vmul.f32 v17, v17;
	v13 =	vmul.f32 v13, v13;
	v7 =	vsub.f32 v7, v45  }
0x2a1: {  	v10 =	vmul.f32 v10, v10;
	v19 =	vld [tilespmem:s23+$0x0];
	v16 =	vmul.f32 v16, v16;
	v18 =	vsub.f32 $1.500000000e+00, v20  }
0x2a2: {  	v14 =	vmul.f32 v14, v14;
	v7 =	vmul.f32 v7, v7  }
0x2a3: {  	v10 =	vadd.f32 v10, v13;
	v13 =	vadd.f32 v16, v17;
	v18 =	vmul.f32 v44, v18  }
0x2a4: {  	v57 =	vmul.f32 v54, v48;
	v6 =	vmul.f32 v11, v6;
	v14 =	vadd.f32 v7, v14  }
0x2a5: {  	v7 =	vmax.f32 v10, $1.000000020e-24;
	v10 =	vmax.f32 v13, $1.000000020e-24;
	v17 =	vmul.f32 v18, v5  }
0x2a6: {  	v11 =	vld [tilespmem:s24+$0x30];
	v24 =	vmul.f32 v54, v19;
	v20 =	vmul.f32 $5.000000000e-01, v10  }
0x2a7: {  	v5 =	vmax.f32 v9, $1.000000020e-24;
	v9 =	vld [tilespmem:s24+$0xFFFFFFF0];
	v13 =	vadd.f32 $0.0e+00, v17;
	v17 =	vshra.s32 v10, $0x1  }
0x2a8: {  	v49 =	vmul.f32 $5.000000000e-01, v7;
	v14 =	vmax.f32 v14, $1.000000020e-24;
	v18 =	vld [tilespmem:s23+$0x30];
	v17 =	vsub.s32 $0x5F3759DF, v17  }
0x2a9: {  	v46 =	vld [tilespmem:s23+$0xFFFFFFF0];
	v8 =	vadd.f32 v8, v13;
	v13 =	vshra.s32 v14, $0x1;
	v20 =	vmul.f32 v17, v20  }
0x2aa: {  	v22 =	vld [tilespmem:s24+$0xFFFFFFE0];
	v21 =	vshra.s32 v5, $0x1;
	v23 =	vmul.f32 $5.000000000e-01, v14;
	v13 =	vsub.s32 $0x5F3759DF, v13  }
0x2ab: {  	v12 =	vadd.f32 v12, v8;
	v8 =	vsub.s32 $0x5F3759DF, v21;
	v21 =	vld [tilespmem:s23+$0x20];
	v20 =	vmul.f32 v17, v20  }
0x2ac: {  	v50 =	vld [tilespmem:s24+$0x10];
	v47 =	vmul.f32 $5.000000000e-01, v5;
	v23 =	vmul.f32 v13, v23  }
0x2ad: {  	s2 =	sadd.s32 $0x80, s30;
	v53 =	vld [tilespmem:s24+$0xFFFFFFD0];
	v51 =	vmul.f32 v11, v18;
	v18 =	vmul.f32 v9, v18;
	v20 =	vsub.f32 $1.500000000e+00, v20  }
0x2ae: {  	v16 =	vld [tilespmem:s2+$0xFFFFFFF0];
	v9 =	vmul.f32 v9, v46;
	v12 =	vadd.f32 v6, v12;
	v23 =	vmul.f32 v13, v23  }
0x2af: {  	v15 =	vld [tilespmem:s2+$0x30];
	v11 =	vmul.f32 v11, v46;
	v17 =	vmul.f32 v17, v20  }
0x2b0: {  	v32 =	vperm.xlane v12, v0;
	v23 =	vsub.f32 $1.500000000e+00, v23;
	v20 =	vld [tilespmem:s23+$0xFFFFFFD0];
	v34 =	vmul.f32 v22, v21  }
0x2b1: {  	v29 =	vsub.f32 v9, v51;
	v21 =	vmul.f32 v52, v21;
	v9 =	vmul.f32 v17, v10;
	v17 =	vld [tilespmem:s23+$0x10]  }
0x2b2: {  	v22 =	vmul.f32 v22, v33;
	v12 =	vadd.f32 v12, v32;
	v13 =	vmul.f32 v13, v23;
	v23 =	vld [tilespmem:s24+$0x0]  }
0x2b3: {  	v25 =	vmul.f32 v8, v47;
	v11 =	vadd.f32 v11, v18;
	v16 =	vsub.f32 v29, v16  }
0x2b4: {  	v21 =	vsub.f32 v22, v21;
	v22 =	vld [tilespmem:s2+$0x0];
	v18 =	vperm.xlane v12, v1;
	v10 =	vmul.f32 v13, v14  }
0x2b5: {  	v15 =	vsub.f32 v11, v15;
	v14 =	vmul.f32 v8, v25;
	v13 =	vmul.f32 v16, v16;
	v16 =	vld [tilespmem:s2+$0xFFFFFFD0]  }
0x2b6: {  	v56 =	vmul.f32 v53, v20;
	v20 =	vmul.f32 v50, v20;
	v12 =	vadd.f32 v12, v18;
	v18 =	vld [tilespmem:s2+$0xFFFFFFE0]  }
0x2b7: {  	v11 =	vsub.f32 $1.500000000e+00, v14;
	v14 =	vld [tilespmem:s2+$0xFFFFFFC0];
	v58 =	vmul.f32 v50, v17;
	v19 =	vmul.f32 v23, v19  }
0x2b8: {  	v25 =	vadd.f32 v55, v34;
	v17 =	vmul.f32 v53, v17;
	v23 =	vmul.f32 v23, v48  }
0x2b9: {  	v60 =	vld [tilespmem:s2+$0x20];
	v62 =	vshra.s32 v7, $0x1;
	v59 =	vsub.f32 v56, v58;
	v19 =	vsub.f32 v57, v19  }
0x2ba: {  	v61 =	vld [tilespmem:s2+$0x10];
	v15 =	vmul.f32 v15, v15;
	v23 =	vadd.f32 v23, v24;
	v20 =	vadd.f32 v20, v17  }
0x2bb: {  	v18 =	vsub.f32 v21, v18;
	v21 =	vperm.xlane v12, v2;
	v16 =	vsub.f32 v59, v16  }
0x2bc: {  	v19 =	vsub.f32 v19, v14;
	v14 =	vsub.s32 $0x5F3759DF, v62;
	v22 =	vsub.f32 v23, v22  }
0x2bd: {  	v12 =	vadd.f32 v12, v21;
	v16 =	vmul.f32 v16, v16;
	v21 =	vmul.f32 v14, v49  }
0x2be: {  	v17 =	vmul.f32 v19, v19;
	v19 =	vsub.f32 v25, v60;
	v18 =	vmul.f32 v18, v18  }
0x2bf: {  	p1 =	por p0, p0;
	v20 =	vsub.f32 v20, v61;
	v63 =	vperm.xlane v12, v3;
	v23 =	vmul.f32 v14, v21  }
0x2c0: {  	s22 =	simm.s32 $0x3;
	s14 =	simm.s32 $0x2;
	s19 =	simm.s32 $0x0;
	v6 =	vimm.f32 $0.0e+00;
	v22 =	vmul.f32 v22, v22;
	v19 =	vmul.f32 v19, v19  }
0x2c1: {  	s17 =	simm.s32 $0x1;
	s23 =	sadd.s32 $0x80, s23;
	s24 =	sadd.s32 $0x80, s24;
	v21 =	vmul.f32 v20, v20;
	v12 =	vadd.f32 v12, v63;
	v20 =	vsub.f32 $1.500000000e+00, v23  }
.LBB2_15:
0x2c2: {  	p0 =	sne.s32 s22, $0xF  }
0x2c3: {  	v23 =	vld [tilespmem:s23+$0x0];
	v13 =	vadd.f32 v15, v13;
	s2 =	sadd.s32 $0x80, s2;
	v8 =	vmul.f32 v8, v11;
	s26 =	smov.u32 s22;
	s22 =	sadd.s32 $0x1, s22  }
0x2c4: {  	v15 =	vadd.f32 v19, v18;
	v24 =	vld [tilespmem:s2+$0xFFFFFFE0];
	v11 =	vadd.f32 v22, v17;
	v14 =	vmul.f32 v14, v20  }
0x2c5: {  	v16 =	vadd.f32 v21, v16;
	v17 =	vld [tilespmem:s2+$0x30];
	v18 =	vmul.f32 v8, v5;
	v5 =	vmax.f32 v13, $1.000000020e-24  }
0x2c6: {  	v15 =	vmax.f32 v15, $1.000000020e-24;
	v13 =	vld [tilespmem:s2+$0xFFFFFFF0];
	v8 =	vmul.f32 v14, v7;
	v7 =	vmax.f32 v11, $1.000000020e-24  }
0x2c7: {  	v14 =	vmax.f32 v16, $1.000000020e-24;
	v16 =	vshra.s32 v15, $0x1;
	v19 =	vshra.s32 v5, $0x1;
	v11 =	vld [tilespmem:s24+$0xFFFFFFF0]  }
0x2c8: {  	v21 =	vmul.f32 $5.000000000e-01, v7;
	v22 =	vshra.s32 v14, $0x1;
	v20 =	vld [tilespmem:s24+$0x30];
	v8 =	vadd.f32 $0.0e+00, v8  }
0x2c9: {  	v27 =	vmul.f32 $5.000000000e-01, v15;
	v26 =	vmul.f32 $5.000000000e-01, v14;
	v22 =	vsub.s32 $0x5F3759DF, v22;
	v25 =	vld [tilespmem:s23+$0x30]  }
0x2ca: {  	v29 =	vmul.f32 $5.000000000e-01, v5;
	v16 =	vsub.s32 $0x5F3759DF, v16;
	v28 =	vld [tilespmem:s24+$0xFFFFFFE0];
	v10 =	vadd.f32 v10, v8  }
0x2cb: {  	v27 =	vmul.f32 v16, v27;
	v26 =	vmul.f32 v22, v26;
	v8 =	vsub.s32 $0x5F3759DF, v19;
	v30 =	vld [tilespmem:s23+$0xFFFFFFF0]  }
0x2cc: {  	v29 =	vmul.f32 v8, v29;
	v19 =	vld [tilespmem:s23+$0xFFFFFFC0];
	v9 =	vadd.f32 v9, v10  }
0x2cd: {  	v12 =	vmul.f32 $-1.000945930e+00, v12;
	v31 =	vmov s19;
	s19 =	smov.u32 s17;
	s17 =	smov.u32 s14;
	s14 =	smov.u32 s26;
	v27 =	vmul.f32 v16, v27;
	v10 =	vld [tilespmem:s23+$0x20]  }
0x2ce: {  	v32 =	vld [tilespmem:s24+$0x10];
	v33 =	vmul.f32 v20, v25;
	v25 =	vmul.f32 v11, v25;
	v9 =	vadd.f32 v18, v9  }
0x2cf: {  	v12 =	vadd.f32 $1.200000000e+01, v12;
	v26 =	vmul.f32 v22, v26;
	v27 =	vsub.f32 $1.500000000e+00, v27;
	v18 =	vld [tilespmem:s24+$0x20]  }
0x2d0: {  	vm0 =	veq.s32 v31, v4;
	v34 =	vld [tilespmem:s24+$0xFFFFFFD0];
	v11 =	vmul.f32 v11, v30;
	v35 =	vperm.xlane v9, v0  }
0x2d1: {  	v6 =	vsel vm0, v12, v6;
	v26 =	vsub.f32 $1.500000000e+00, v26;
	v16 =	vmul.f32 v16, v27;
	v31 =	vld [tilespmem:s23+$0xFFFFFFE0]  }
0x2d2: {  	v20 =	vmul.f32 v20, v30;
	v12 =	vld [tilespmem:s23+$0xFFFFFFD0];
	v27 =	vmul.f32 v28, v10;
	v30 =	vadd.f32 v9, v35  }
0x2d3: {  	v22 =	vmul.f32 v22, v26;
	v11 =	vsub.f32 v11, v33;
	v9 =	vmul.f32 v16, v15;
	v35 =	vld [tilespmem:s24+$0xFFFFFFC0]  }
0x2d4: {  	v20 =	vadd.f32 v20, v25;
	v15 =	vld [tilespmem:s23+$0x10];
	v16 =	vmul.f32 v18, v10;
	v25 =	vperm.xlane v30, v1  }
0x2d5: {  	v11 =	vsub.f32 v11, v13;
	v10 =	vmul.f32 v22, v14;
	v14 =	vmul.f32 v8, v29;
	v26 =	vld [tilespmem:s24+$0x0]  }
0x2d6: {  	v22 =	vld [tilespmem:s2+$0xFFFFFFD0];
	v28 =	vmul.f32 v28, v31;
	v18 =	vmul.f32 v18, v31;
	v25 =	vadd.f32 v30, v25  }
0x2d7: {  	v17 =	vsub.f32 v20, v17;
	v13 =	vmul.f32 v11, v11;
	v29 =	vld [tilespmem:s2+$0xFFFFFFC0];
	v30 =	vmul.f32 v34, v12  }
0x2d8: {  	v11 =	vsub.f32 $1.500000000e+00, v14;
	v20 =	vld [tilespmem:s2+$0x0];
	v31 =	vmul.f32 v35, v19;
	v33 =	vmul.f32 v35, v23  }
0x2d9: {  	v16 =	vsub.f32 v28, v16;
	v35 =	vld [tilespmem:s2+$0x10];
	v14 =	vmul.f32 v32, v15;
	v34 =	vmul.f32 v34, v15  }
0x2da: {  	v12 =	vmul.f32 v32, v12;
	v18 =	vadd.f32 v18, v27;
	v23 =	vmul.f32 v26, v23  }
0x2db: {  	v15 =	vmul.f32 v17, v17;
	v19 =	vmul.f32 v26, v19;
	v14 =	vsub.f32 v30, v14;
	v26 =	vld [tilespmem:s2+$0x20]  }
0x2dc: {  	v17 =	vsub.f32 v31, v23;
	v23 =	vsub.f32 v16, v24;
	v16 =	vperm.xlane v25, v2  }
0x2dd: {  	v19 =	vadd.f32 v19, v33;
	v22 =	vsub.f32 v14, v22;
	v14 =	vshra.s32 v7, $0x1  }
0x2de: {  	v17 =	vsub.f32 v17, v29;
	v14 =	vsub.s32 $0x5F3759DF, v14;
	v24 =	vadd.f32 v25, v16  }
.Ltmp6:
0x2df: {  	v12 =	vadd.f32 v12, v34;
	v16 =	vmul.f32 v22, v22;
	v21 =	vmul.f32 v14, v21;
	(pc) =	sbr.rel @p0 .LBB2_15-.Ltmp6, $4  }
0x2e0: {  	v17 =	vmul.f32 v17, v17;
	v22 =	vsub.f32 v18, v26;
	v25 =	vperm.xlane v24, v3  }
0x2e1: {  	v20 =	vsub.f32 v19, v20;
	v26 =	vsub.f32 v12, v35;
	v27 =	vmul.f32 v14, v21  }
0x2e2: {  	v18 =	vmul.f32 v23, v23;
	v19 =	vmul.f32 v22, v22;
	v12 =	vadd.f32 v24, v25  }
0x2e3: {  	s23 =	sadd.s32 $0x80, s23;
	s24 =	sadd.s32 $0x80, s24;
	v22 =	vmul.f32 v20, v20;
	v21 =	vmul.f32 v26, v26;
	v20 =	vsub.f32 $1.500000000e+00, v27  }
0x2e4: {  	_ = 	snop  }
0x2e5: {  	v17 =	vadd.f32 v22, v17  }
0x2e6: {  	v16 =	vadd.f32 v21, v16  }
0x2e7: {  	v13 =	vadd.f32 v15, v13;
	v42 =	vadd.f32 v19, v18;
	v17 =	vmax.f32 v17, $1.000000020e-24  }
0x2e8: {  	v16 =	vmax.f32 v16, $1.000000020e-24;
	v43 =	vmul.f32 $5.000000000e-01, v17;
	v44 =	vshra.s32 v17, $0x1  }
0x2e9: {  	v45 =	vshra.s32 v16, $0x1;
	v46 =	vmul.f32 $5.000000000e-01, v16;
	v19 =	vsub.s32 $0x5F3759DF, v44  }
0x2ea: {  	v15 =	vmax.f32 v42, $1.000000020e-24;
	v21 =	vsub.s32 $0x5F3759DF, v45;
	v18 =	vmul.f32 v19, v43  }
0x2eb: {  	v23 =	vshra.s32 v15, $0x1;
	v24 =	vmul.f32 $5.000000000e-01, v15;
	v22 =	vmul.f32 v21, v46  }
0x2ec: {  	v14 =	vmul.f32 v14, v20;
	v47 =	vsub.s32 $0x5F3759DF, v23;
	v18 =	vmul.f32 v19, v18  }
0x2ed: {  	v13 =	vmax.f32 v13, $1.000000020e-24;
	v23 =	vmul.f32 v47, v24;
	v22 =	vmul.f32 v21, v22  }
0x2ee: {  	v48 =	vshra.s32 v13, $0x1;
	v25 =	vmul.f32 $5.000000000e-01, v13;
	v18 =	vsub.f32 $1.500000000e+00, v18  }
0x2ef: {  	v24 =	vsub.s32 $0x5F3759DF, v48;
	v23 =	vmul.f32 v47, v23;
	v22 =	vsub.f32 $1.500000000e+00, v22  }
0x2f0: {  	v49 =	vmul.f32 v24, v25;
	v18 =	vmul.f32 v19, v18  }
0x2f1: {  	v7 =	vmul.f32 v14, v7;
	v51 =	vsub.f32 $1.500000000e+00, v23;
	v50 =	vmul.f32 v21, v22  }
0x2f2: {  	v19 =	vmul.f32 v24, v49;
	v17 =	vmul.f32 v18, v17  }
0x2f3: {  	v7 =	vadd.f32 $0.0e+00, v7;
	v52 =	vmul.f32 v47, v51  }
0x2f4: {  	v14 =	vmul.f32 v50, v16;
	v53 =	vsub.f32 $1.500000000e+00, v19;
	v17 =	vadd.f32 $0.0e+00, v17  }
0x2f5: {  	v8 =	vmul.f32 v8, v11;
	v7 =	vadd.f32 v10, v7  }
0x2f6: {  	v54 =	vmul.f32 v52, v15;
	v55 =	vmul.f32 v24, v53;
	v14 =	vadd.f32 v14, v17  }
0x2f7: {  	v5 =	vmul.f32 v8, v5;
	v7 =	vadd.f32 v9, v7  }
0x2f8: {  	v56 =	vmul.f32 v55, v13;
	v57 =	vadd.f32 v54, v14  }
0x2f9: {  	v5 =	vadd.f32 v5, v7  }
0x2fa: {  	v7 =	vadd.f32 v56, v57  }
0x2fb: {  	v58 =	vperm.xlane v5, v0  }
0x2fc: {  	v9 =	vperm.xlane v7, v0  }
0x2fd: {  	v5 =	vadd.f32 v5, v58  }
0x2fe: {  	v7 =	vadd.f32 v7, v9  }
0x2ff: {  	v8 =	vperm.xlane v5, v1  }
0x300: {  	v9 =	vperm.xlane v7, v1  }
0x301: {  	v5 =	vadd.f32 v5, v8  }
0x302: {  	v7 =	vadd.f32 v7, v9  }
0x303: {  	v8 =	vperm.xlane v5, v2  }
0x304: {  	v9 =	vperm.xlane v7, v2  }
0x305: {  	v5 =	vadd.f32 v5, v8  }
0x306: {  	v7 =	vadd.f32 v7, v9  }
0x307: {  	v8 =	vperm.xlane v5, v3  }
0x308: {  	v9 =	vperm.xlane v7, v3  }
0x309: {  	v5 =	vadd.f32 v5, v8  }
0x30a: {  	v59 =	vmul.f32 $-1.000945930e+00, v12;
	v7 =	vadd.f32 v7, v9  }
0x30b: {  	v60 =	vmov s19;
	v5 =	vmul.f32 $-1.000945930e+00, v5  }
0x30c: {  	v62 =	vmov s17;
	v61 =	vadd.f32 $1.200000000e+01, v59;
	v7 =	vmul.f32 $-1.000945930e+00, v7  }
.Ltmp7:
0x30d: {  	v63 =	vmov s14;
	vm0 =	veq.s32 v60, v4;
	v5 =	vadd.f32 $1.200000000e+01, v5;
	(pc) =	sbr.rel @!p1 .LBB2_14-.Ltmp7, $4  }
0x30e: {  	vm14 =	veq.s32 v62, v4;
	v6 =	vsel vm0, v61, v6;
	v7 =	vadd.f32 $1.200000000e+01, v7  }
0x30f: {  	s0 =	sshll.u32 s0, $0x4;
	vm15 =	veq.s32 v63, v4;
	v5 =	vsel vm14, v5, v6  }
0x310: {  	s0 =	sand.u32 $0x3FFFFFF0, s0;
	v5 =	vsel vm15, v7, v5  }
0x311: {  	p0 =	por $0x1, $0x1;
	[tilespmem:s0+$0x18600] =	vst v5;
	s0 =	simm.s32 $0x7  }
0x312: {  	s0 =	simm.s32 $0x600;
	s2 =	simm.s32 $0x100  }
0x313: {  	[tilespmem:s0], [sflag:$0x1] =	stream.indirect.gather [hbm4b:s1+s15], $0x80, s2, s15, $0xb8;
	[tilespmem:$0x18800] =	vst v63  }
0x314: {  	s14 =	simm.s32 $0x300;
	s2 =	simm.s32 $0x8600  }
0x315: {  	[tilespmem:s2], [sflag:$0x1] =	stream.indirect.gather [hbm4b:s1+s15], $0x80, s14, s15, $0xb8;
	[tilespmem:$0x18800] =	vst v63  }
0x316: {  	s17 =	simm.s32 $0x500;
	s14 =	simm.s32 $0x10600  }
0x317: {  	[tilespmem:s14], [sflag:$0x1] =	stream.indirect.gather [hbm4b:s4+s15], $0x80, s17, s15, $0xb8;
	[tilespmem:$0x18800] =	vst v63  }
0x318: {  	_ =	swait.ge [sflag:s25], $0x4000  }
0x319: {  	[sflag:s25] =	ssyncset.done $0x0  }
0x31a: {  	[sflag:s25] =	ssyncadd.s32 $0xFFFFC000  }
0x31b: {  	_ =	swait.ge [sflag:s25], $0x4000  }
0x31c: {  	[sflag:s25] =	ssyncset.done $0x0  }
0x31d: {  	[sflag:s25] =	ssyncadd.s32 $0xFFFFC000  }
0x31e: {  	_ =	swait.ge [sflag:s25], $0x4000  }
0x31f: {  	[sflag:s25] =	ssyncset.done $0x0  }
0x320: {  	s17 =	simm.s32 $0x0;
	[sflag:s25] =	ssyncadd.s32 $0xFFFFC000  }
.LBB2_18:
0x321: {  	v5 =	vmov s2;
	_ =	sdelay $0x2  }
0x322: {  	v6 =	vmov s14  }
0x323: {  	s19 =	simm.s32 $0x0  }
0x324: {  	v7 =	vmov s0;
	v8 =	vld.idx.msk [tilespmem:v5+s19+$0x4010 ss:$0x1], $0xffff  }
0x325: {  	v9 =	vld.idx.msk [tilespmem:v5+s19+$0x4070 ss:$0x1], $0xffff  }
0x326: {  	v10 =	vld.idx.msk [tilespmem:v5+s19+$0x4030 ss:$0x1], $0xffff  }
0x327: {  	v11 =	vld.idx.msk [tilespmem:v6+s19+$0x4030 ss:$0x1], $0xffff  }
0x328: {  	v12 =	vld.idx.msk [tilespmem:v6+s19+$0x4070 ss:$0x1], $0xffff  }
0x329: {  	v13 =	vld.idx.msk [tilespmem:v7+s19+$0x4070 ss:$0x1], $0xffff  }
0x32a: {  	v14 =	vld.idx.msk [tilespmem:v5+s19+$0x4020 ss:$0x1], $0xffff  }
0x32b: {  	v15 =	vld.idx.msk [tilespmem:v7+s19+$0x4030 ss:$0x1], $0xffff  }
0x32c: {  	v16 =	vld.idx.msk [tilespmem:v6+s19+$0x4020 ss:$0x1], $0xffff  }
0x32d: {  	v17 =	vld.idx.msk [tilespmem:v6+s19+$0x4060 ss:$0x1], $0xffff  }
0x32e: {  	v18 =	vld.idx.msk [tilespmem:v6+s19+$0x4010 ss:$0x1], $0xffff  }
0x32f: {  	v19 =	vld.idx.msk [tilespmem:v6+s19+$0x4040 ss:$0x1], $0xffff  }
0x330: {  	v20 =	vld.idx.msk [tilespmem:v7+s19+$0x4060 ss:$0x1], $0xffff  }
0x331: {  	v21 =	vld.idx.msk [tilespmem:v6+s19+$0x4050 ss:$0x1], $0xffff  }
0x332: {  	v22 =	vld.idx.msk [tilespmem:v7+s19+$0x4050 ss:$0x1], $0xffff  }
0x333: {  	v23 =	vld.idx.msk [tilespmem:v7+s19+$0x4010 ss:$0x1], $0xffff  }
0x334: {  	v24 =	vld.idx.msk [tilespmem:v6+s19+$0x4000 ss:$0x1], $0xffff  }
0x335: {  	s22 =	simm.s32 $0x80;
	v27 =	vld.idx.msk [tilespmem:v7+s19+$0x4020 ss:$0x1], $0xffff  }
0x336: {  	v29 =	vld.idx.msk [tilespmem:v7+s22+$0x4060 ss:$0x1], $0xffff;
	v25 =	vmul.f32 v12, v13;
	v26 =	vmul.f32 v11, v15  }
0x337: {  	v11 =	vmul.f32 v11, v13;
	v13 =	vld.idx.msk [tilespmem:v7+s19+$0x4000 ss:$0x1], $0xffff  }
0x338: {  	v12 =	vmul.f32 v12, v15;
	v15 =	vsub.f32 v26, v25;
	v25 =	vld.idx.msk [tilespmem:v7+s19+$0x4040 ss:$0x1], $0xffff  }
0x339: {  	v28 =	vmul.f32 v18, v23;
	v26 =	vld.idx.msk [tilespmem:v5+s19+$0x4050 ss:$0x1], $0xffff  }
0x33a: {  	v18 =	vmul.f32 v18, v22;
	v11 =	vadd.f32 v12, v11;
	v12 =	vmul.f32 v21, v22;
	v22 =	vld.idx.msk [tilespmem:v5+s19+$0x4060 ss:$0x1], $0xffff  }
0x33b: {  	v21 =	vmul.f32 v21, v23;
	v23 =	vmul.f32 v16, v20;
	v10 =	vsub.f32 v15, v10;
	v15 =	vld.idx.msk [tilespmem:v5+s19+$0x4040 ss:$0x1], $0xffff  }
0x33c: {  	v9 =	vsub.f32 v11, v9;
	v11 =	vmul.f32 v17, v27;
	v17 =	vmul.f32 v17, v20;
	v20 =	vld.idx.msk [tilespmem:v5+s19+$0x4000 ss:$0x1], $0xffff  }
0x33d: {  	v12 =	vsub.f32 v28, v12;
	v28 =	vld.idx.msk [tilespmem:v6+s22+$0x4060 ss:$0x1], $0xffff;
	s19 =	simm.s32 $0x100  }
0x33e: {  	v16 =	vmul.f32 v16, v27;
	v54 =	vld.idx.msk [tilespmem:v6+s19+$0x4020 ss:$0x1], $0xffff  }
0x33f: {  	v18 =	vadd.f32 v21, v18;
	v56 =	vld.idx.msk [tilespmem:v6+s19+$0x4010 ss:$0x1], $0xffff;
	v10 =	vmul.f32 v10, v10;
	v11 =	vadd.f32 v11, v23  }
0x340: {  	v38 =	vld.idx.msk [tilespmem:v7+s19+$0x4020 ss:$0x1], $0xffff;
	v9 =	vmul.f32 v9, v9;
	v8 =	vsub.f32 v12, v8;
	v23 =	vmul.f32 v24, v25  }
0x341: {  	v59 =	vld.idx.msk [tilespmem:v7+s19+$0x4010 ss:$0x1], $0xffff;
	v12 =	vsub.f32 v18, v26;
	v26 =	vmul.f32 v19, v13;
	v13 =	vmul.f32 v24, v13  }
0x342: {  	v9 =	vadd.f32 v9, v10;
	v10 =	vsub.f32 v16, v17;
	v8 =	vmul.f32 v8, v8  }
0x343: {  	v11 =	vsub.f32 v11, v22;
	v12 =	vmul.f32 v12, v12;
	v22 =	vadd.f32 v26, v23  }
0x344: {  	v24 =	vld.idx.msk [tilespmem:v7+s22+$0x4030 ss:$0x1], $0xffff;
	v34 =	vmul.f32 v28, v29;
	v10 =	vsub.f32 v10, v14;
	v14 =	vmul.f32 v19, v25  }
0x345: {  	v16 =	vld.idx.msk [tilespmem:v6+s22+$0x4030 ss:$0x1], $0xffff;
	v17 =	vmax.f32 v9, $1.000000020e-24;
	v11 =	vmul.f32 v11, v11;
	v42 =	vmul.f32 v54, v38  }
0x346: {  	v62 =	vmul.f32 v56, v59;
	v8 =	vadd.f32 v12, v8;
	v12 =	vld.idx.msk [tilespmem:v7+s22+$0x4070 ss:$0x1], $0xffff;
	v23 =	vmul.f32 $5.000000000e-01, v17  }
0x347: {  	v9 =	vld.idx.msk [tilespmem:v6+s22+$0x4070 ss:$0x1], $0xffff;
	v15 =	vsub.f32 v22, v15;
	v13 =	vsub.f32 v13, v14;
	v14 =	vshra.s32 v17, $0x1  }
0x348: {  	v30 =	vld.idx.msk [tilespmem:v7+s22+$0x4020 ss:$0x1], $0xffff;
	v10 =	vmul.f32 v10, v10;
	v19 =	vmax.f32 v8, $1.000000020e-24;
	v14 =	vsub.s32 $0x5F3759DF, v14  }
0x349: {  	v32 =	vld.idx.msk [tilespmem:v6+s22+$0x4050 ss:$0x1], $0xffff;
	v15 =	vmul.f32 v15, v15;
	v25 =	vshra.s32 v19, $0x1;
	v26 =	vmul.f32 $5.000000000e-01, v19  }
0x34a: {  	v27 =	vld.idx.msk [tilespmem:v5+s22+$0x4030 ss:$0x1], $0xffff;
	v11 =	vadd.f32 v11, v10;
	v23 =	vmul.f32 v14, v23;
	v10 =	vsub.s32 $0x5F3759DF, v25  }
0x34b: {  	v18 =	vld.idx.msk [tilespmem:v5+s22+$0x4070 ss:$0x1], $0xffff;
	v25 =	vmul.f32 v10, v26;
	v26 =	vmul.f32 v16, v12  }
0x34c: {  	v8 =	vld.idx.msk [tilespmem:v6+s22+$0x4020 ss:$0x1], $0xffff;
	v13 =	vsub.f32 v13, v20;
	v12 =	vmul.f32 v9, v12;
	v16 =	vmul.f32 v16, v24  }
0x34d: {  	v20 =	vld.idx.msk [tilespmem:v6+s22+$0x4010 ss:$0x1], $0xffff;
	v11 =	vmax.f32 v11, $1.000000020e-24;
	v9 =	vmul.f32 v9, v24;
	v22 =	vmul.f32 v14, v23  }
0x34e: {  	v23 =	vld.idx.msk [tilespmem:v7+s22+$0x4010 ss:$0x1], $0xffff;
	v13 =	vmul.f32 v13, v13;
	v31 =	vshra.s32 v11, $0x1;
	v33 =	vmul.f32 $5.000000000e-01, v11  }
0x34f: {  	v36 =	vld.idx.msk [tilespmem:v7+s22+$0x4000 ss:$0x1], $0xffff;
	v25 =	vmul.f32 v10, v25;
	v31 =	vsub.s32 $0x5F3759DF, v31;
	v12 =	vsub.f32 v16, v12  }
0x350: {  	v24 =	vld.idx.msk [tilespmem:v6+s22+$0x4040 ss:$0x1], $0xffff;
	v9 =	vadd.f32 v9, v26;
	v26 =	vmul.f32 v28, v30;
	v22 =	vsub.f32 $1.500000000e+00, v22  }
0x351: {  	v16 =	vld.idx.msk [tilespmem:v7+s22+$0x4050 ss:$0x1], $0xffff;
	v29 =	vmul.f32 v8, v29;
	v13 =	vadd.f32 v15, v13;
	v33 =	vmul.f32 v31, v33  }
0x352: {  	v28 =	vld.idx.msk [tilespmem:v5+s22+$0x4060 ss:$0x1], $0xffff;
	v8 =	vmul.f32 v8, v30;
	v12 =	vsub.f32 v12, v27;
	v14 =	vmul.f32 v14, v22  }
0x353: {  	v35 =	vld.idx.msk [tilespmem:v7+s22+$0x4040 ss:$0x1], $0xffff;
	v9 =	vsub.f32 v9, v18;
	v33 =	vmul.f32 v31, v33;
	v37 =	vmul.f32 v20, v23  }
0x354: {  	v27 =	vld.idx.msk [tilespmem:v6+s22+$0x4000 ss:$0x1], $0xffff;
	v30 =	vmax.f32 v13, $1.000000020e-24;
	v18 =	vmul.f32 v32, v23;
	v12 =	vmul.f32 v12, v12  }
0x355: {  	v13 =	vadd.f32 v26, v29;
	v26 =	vld.idx.msk [tilespmem:v5+s22+$0x4020 ss:$0x1], $0xffff;
	v9 =	vmul.f32 v9, v9;
	v55 =	vmul.f32 v14, v17  }
0x356: {  	v21 =	vld.idx.msk [tilespmem:v5+s22+$0x4010 ss:$0x1], $0xffff;
	v25 =	vsub.f32 $1.500000000e+00, v25;
	v15 =	vmul.f32 v32, v16;
	v16 =	vmul.f32 v20, v16  }
0x357: {  	v23 =	vld.idx.msk [tilespmem:v5+s22+$0x4050 ss:$0x1], $0xffff;
	v20 =	vsub.f32 v8, v34;
	v8 =	vsub.f32 v13, v28;
	v13 =	vmul.f32 v24, v36  }
0x358: {  	v50 =	vsub.f32 $1.500000000e+00, v33;
	v24 =	vmul.f32 v24, v35;
	v9 =	vadd.f32 v9, v12  }
0x359: {  	v15 =	vsub.f32 v37, v15;
	v29 =	vmul.f32 v27, v35;
	v12 =	vadd.f32 v18, v16  }
0x35a: {  	v28 =	vld.idx.msk [tilespmem:v5+s22+$0x4000 ss:$0x1], $0xffff;
	v16 =	vshra.s32 v30, $0x1;
	v18 =	vmul.f32 v27, v36;
	v20 =	vsub.f32 v20, v26  }
0x35b: {  	v27 =	vld.idx.msk [tilespmem:v5+s22+$0x4040 ss:$0x1], $0xffff;
	v31 =	vmul.f32 v31, v50;
	v15 =	vsub.f32 v15, v21;
	v21 =	vmul.f32 v8, v8  }
0x35c: {  	v8 =	vmax.f32 v9, $1.000000020e-24;
	v9 =	vsub.f32 v12, v23;
	v12 =	vmul.f32 $5.000000000e-01, v30  }
0x35d: {  	v16 =	vsub.s32 $0x5F3759DF, v16;
	v29 =	vadd.f32 v13, v29;
	v53 =	vmul.f32 v31, v11  }
0x35e: {  	v11 =	vsub.f32 v18, v24;
	v9 =	vmul.f32 v9, v9;
	v12 =	vmul.f32 v16, v12  }
0x35f: {  	v13 =	vmul.f32 v15, v15;
	v15 =	vmul.f32 v20, v20;
	v20 =	vld.idx.msk [tilespmem:v6+s19+$0x4030 ss:$0x1], $0xffff  }
0x360: {  	v25 =	vmul.f32 v10, v25;
	v24 =	vsub.f32 v11, v28;
	v27 =	vsub.f32 v29, v27;
	v29 =	vld.idx.msk [tilespmem:v6+s19+$0x4050 ss:$0x1], $0xffff  }
0x361: {  	v12 =	vmul.f32 v16, v12;
	v9 =	vadd.f32 v9, v13;
	v13 =	vld.idx.msk [tilespmem:v7+s19+$0x4070 ss:$0x1], $0xffff;
	v15 =	vadd.f32 v21, v15  }
0x362: {  	v51 =	vld.idx.msk [tilespmem:v6+s19+$0x4070 ss:$0x1], $0xffff;
	v19 =	vmul.f32 v25, v19;
	v23 =	vmul.f32 $5.000000000e-01, v8;
	v52 =	vshra.s32 v8, $0x1  }
0x363: {  	v21 =	vld.idx.msk [tilespmem:v7+s19+$0x4030 ss:$0x1], $0xffff;
	v58 =	vmul.f32 v24, v24;
	v12 =	vsub.f32 $1.500000000e+00, v12;
	v14 =	vmax.f32 v15, $1.000000020e-24  }
0x364: {  	v28 =	vld.idx.msk [tilespmem:v6+s19+$0x4060 ss:$0x1], $0xffff;
	v27 =	vmul.f32 v27, v27;
	v9 =	vmax.f32 v9, $1.000000020e-24;
	v39 =	vmul.f32 $5.000000000e-01, v14  }
0x365: {  	v15 =	vld.idx.msk [tilespmem:v7+s19+$0x4060 ss:$0x1], $0xffff;
	v18 =	vshra.s32 v9, $0x1;
	v22 =	vmul.f32 v16, v12;
	v12 =	vmul.f32 $5.000000000e-01, v9  }
0x366: {  	v11 =	vsub.s32 $0x5F3759DF, v18;
	v33 =	vmul.f32 v29, v59;
	v57 =	vmul.f32 v20, v13  }
0x367: {  	v31 =	vld.idx.msk [tilespmem:v5+s19+$0x4030 ss:$0x1], $0xffff;
	v18 =	vmul.f32 v51, v13;
	v16 =	vmul.f32 v11, v12;
	v12 =	vsub.s32 $0x5F3759DF, v52  }
0x368: {  	v40 =	vld.idx.msk [tilespmem:v6+s19+$0x4000 ss:$0x1], $0xffff;
	v20 =	vmul.f32 v20, v21;
	v23 =	vmul.f32 v12, v23  }
0x369: {  	v10 =	vimm.f32 $0.0e+00;
	v26 =	vld.idx.msk [tilespmem:v5+s19+$0x4070 ss:$0x1], $0xffff;
	v21 =	vmul.f32 v51, v21;
	v22 =	vmul.f32 v22, v30  }
0x36a: {  	v20 =	vsub.f32 v20, v18;
	v60 =	vmul.f32 v28, v15;
	v18 =	vmul.f32 v12, v23;
	v23 =	vld.idx.msk [tilespmem:v7+s19+$0x4050 ss:$0x1], $0xffff  }
0x36b: {  	v41 =	vld.idx.msk [tilespmem:v7+s19+$0x4000 ss:$0x1], $0xffff;
	v13 =	vmul.f32 v11, v16;
	v16 =	vshra.s32 v14, $0x1;
	v22 =	vadd.f32 $0.0e+00, v22  }
0x36c: {  	v17 =	vld.idx.msk [tilespmem:v6+s19+$0x4040 ss:$0x1], $0xffff;
	v16 =	vsub.s32 $0x5F3759DF, v16;
	v20 =	vsub.f32 v20, v31;
	v31 =	vadd.f32 v21, v57  }
0x36d: {  	v30 =	vld.idx.msk [tilespmem:v5+s19+$0x4060 ss:$0x1], $0xffff;
	v28 =	vmul.f32 v28, v38;
	v32 =	vsub.f32 v42, v60;
	v24 =	vmul.f32 v16, v39  }
0x36e: {  	v61 =	vld.idx.msk [tilespmem:v5+s19+$0x4010 ss:$0x1], $0xffff;
	v19 =	vadd.f32 v19, v22;
	v26 =	vsub.f32 v31, v26;
	v31 =	vmul.f32 v54, v15  }
0x36f: {  	v15 =	vadd.f32 v27, v58;
	v21 =	vmul.f32 v16, v24;
	v24 =	vld.idx.msk [tilespmem:v7+s19+$0x4040 ss:$0x1], $0xffff;
	v27 =	vmul.f32 v29, v23  }
0x370: {  	v25 =	vld.idx.msk [tilespmem:v5+s19+$0x4050 ss:$0x1], $0xffff;
	v20 =	vmul.f32 v20, v20;
	v28 =	vadd.f32 v28, v31;
	v23 =	vmul.f32 v56, v23  }
0x371: {  	v34 =	vadd.f32 v53, v19;
	v26 =	vmul.f32 v26, v26;
	v27 =	vsub.f32 v62, v27  }
0x372: {  	v43 =	vmul.f32 v17, v41;
	v22 =	vsub.f32 v28, v30;
	v23 =	vadd.f32 v33, v23  }
0x373: {  	v15 =	vmax.f32 v15, $1.000000020e-24;
	v29 =	vsub.f32 v27, v61;
	v27 =	vadd.f32 v26, v20;
	v20 =	vld.idx.msk [tilespmem:v5+s19+$0x4020 ss:$0x1], $0xffff  }
0x374: {  	v31 =	vshra.s32 v15, $0x1;
	v28 =	vmul.f32 v40, v41;
	v63 =	vmul.f32 v40, v24  }
0x375: {  	s28 =	simm.s32 $0x600;
	v30 =	vmul.f32 v22, v22;
	v33 =	vsub.f32 v23, v25;
	v22 =	vmax.f32 v27, $1.000000020e-24  }
0x376: {  	s24 =	simm.s32 $0x0;
	s23 =	simm.s32 $0x1;
	s22 =	simm.s32 $0x1;
	v19 =	vld.idx.msk [tilespmem:v5+s19+$0x4040 ss:$0x1], $0xffff;
	v26 =	vadd.f32 v43, v63;
	v27 =	vadd.f32 v55, v34;
	v25 =	vmul.f32 $5.000000000e-01, v22  }
.LBB2_19:
0x377: {  	s26 =	smov.u32 s28  }
0x378: {  	v34 =	vld.idx.msk [tilespmem:v5+s19+$0x4000 ss:$0x1], $0xffff;
	s19 =	sshra.s32 s28, $0x2;
	v20 =	vsub.f32 v32, v20;
	v32 =	vmul.f32 $5.000000000e-01, v15;
	v18 =	vsub.f32 $1.500000000e+00, v18;
	s22 =	sadd.s32 $0x1, s22;
	s26 =	sadd.s32 $0x200, s28  }
0x379: {  	p0 =	sne.s32 s28, $0x1E00;
	v35 =	vshra.s32 v22, $0x1;
	v31 =	vsub.s32 $0x5F3759DF, v31;
	v36 =	vperm.xlane v27, v0;
	v23 =	vld.idx.msk [tilespmem:v5+s19+$0x4010 ss:$0x1], $0xffff  }
0x37a: {  	v21 =	vsub.f32 $1.500000000e+00, v21;
	v33 =	vmul.f32 v33, v33;
	v32 =	vmul.f32 v31, v32;
	v37 =	vld.idx.msk [tilespmem:v5+s19+$0x4070 ss:$0x1], $0xffff  }
0x37b: {  	v29 =	vmul.f32 v29, v29;
	v20 =	vmul.f32 v20, v20;
	v27 =	vadd.f32 v27, v36;
	v38 =	vld.idx.msk [tilespmem:v5+s19+$0x4030 ss:$0x1], $0xffff  }
0x37c: {  	v16 =	vmul.f32 v16, v21;
	v32 =	vmul.f32 v31, v32;
	v36 =	vld.idx.msk [tilespmem:v6+s19+$0x4030 ss:$0x1], $0xffff  }
0x37d: {  	v17 =	vmul.f32 v17, v24;
	v24 =	vadd.f32 v33, v29;
	v29 =	vperm.xlane v27, v1;
	v21 =	vld.idx.msk [tilespmem:v6+s19+$0x4070 ss:$0x1], $0xffff  }
0x37e: {  	v30 =	vadd.f32 v30, v20;
	v39 =	vmul.f32 v16, v14;
	v32 =	vsub.f32 $1.500000000e+00, v32;
	v33 =	vld.idx.msk [tilespmem:v7+s19+$0x4070 ss:$0x1], $0xffff  }
0x37f: {  	v14 =	vsub.f32 v28, v17;
	v28 =	vmax.f32 v24, $1.000000020e-24;
	v16 =	vadd.f32 v27, v29;
	v20 =	vld.idx.msk [tilespmem:v5+s19+$0x4020 ss:$0x1], $0xffff  }
0x380: {  	v12 =	vmul.f32 v12, v18;
	v17 =	vshra.s32 v28, $0x1;
	v27 =	vmul.f32 v31, v32;
	v24 =	vld.idx.msk [tilespmem:v7+s19+$0x4030 ss:$0x1], $0xffff  }
0x381: {  	v31 =	vsub.f32 v14, v34;
	v14 =	vmul.f32 $5.000000000e-01, v28;
	v18 =	vperm.xlane v16, v2;
	v29 =	vld.idx.msk [tilespmem:v6+s19+$0x4020 ss:$0x1], $0xffff  }
0x382: {  	v41 =	vmov s24;
	s24 =	smov.u32 s23;
	s23 =	smov.u32 s22;
	v40 =	vmul.f32 v12, v8;
	v8 =	vmovc v22;
	v34 =	vsub.s32 $0x5F3759DF, v17;
	v32 =	vld.idx.msk [tilespmem:v6+s19+$0x4060 ss:$0x1], $0xffff  }
0x383: {  	v12 =	vsub.s32 $0x5F3759DF, v35;
	v42 =	vmul.f32 v34, v14;
	v35 =	vadd.f32 v16, v18;
	v22 =	vld.idx.msk [tilespmem:v6+s19+$0x4010 ss:$0x1], $0xffff  }
0x384: {  	v14 =	vmax.f32 v30, $1.000000020e-24;
	v18 =	vmul.f32 v12, v25;
	v43 =	vmul.f32 v36, v33;
	v17 =	vld.idx.msk [tilespmem:v6+s19+$0x4040 ss:$0x1], $0xffff  }
0x385: {  	v16 =	vshra.s32 v14, $0x1;
	v30 =	vmul.f32 v21, v33;
	v33 =	vmul.f32 v34, v42;
	v25 =	vld.idx.msk [tilespmem:v7+s19+$0x4060 ss:$0x1], $0xffff  }
0x386: {  	v16 =	vsub.s32 $0x5F3759DF, v16;
	v44 =	vperm.xlane v35, v3;
	v36 =	vmul.f32 v36, v24;
	v42 =	vld.idx.msk [tilespmem:v6+s19+$0x4000 ss:$0x1], $0xffff  }
0x387: {  	v19 =	vsub.f32 v26, v19;
	v21 =	vmul.f32 v21, v24;
	v24 =	vmul.f32 $5.000000000e-01, v14;
	v45 =	vld.idx.msk [tilespmem:v7+s19+$0x4020 ss:$0x1], $0xffff  }
0x388: {  	v18 =	vmul.f32 v12, v18;
	v35 =	vadd.f32 v35, v44;
	v30 =	vsub.f32 v36, v30;
	v26 =	vld.idx.msk [tilespmem:v6+s19+$0x4050 ss:$0x1], $0xffff  }
0x389: {  	v31 =	vmul.f32 v31, v31;
	v21 =	vadd.f32 v21, v43;
	v24 =	vmul.f32 v16, v24;
	v36 =	vld.idx.msk [tilespmem:v7+s19+$0x4050 ss:$0x1], $0xffff  }
0x38a: {  	v30 =	vsub.f32 v30, v38;
	v38 =	vmul.f32 v19, v19;
	v19 =	vmul.f32 $-1.000945930e+00, v35;
	v43 =	vld.idx.msk [tilespmem:v7+s19+$0x4010 ss:$0x1], $0xffff  }
0x38b: {  	v37 =	vsub.f32 v21, v37;
	v21 =	vmul.f32 v16, v24;
	v44 =	vmul.f32 v32, v25;
	v35 =	vld.idx.msk [tilespmem:v7+s19+$0x4000 ss:$0x1], $0xffff  }
0x38c: {  	v46 =	vsub.f32 $1.500000000e+00, v13;
	v13 =	vmovc v33;
	v30 =	vmul.f32 v30, v30;
	v47 =	vadd.f32 $1.200000000e+01, v19;
	v24 =	vld.idx.msk [tilespmem:v7+s19+$0x4040 ss:$0x1], $0xffff  }
0x38d: {  	v31 =	vadd.f32 v38, v31;
	v33 =	vmul.f32 v29, v45;
	v32 =	vmul.f32 v32, v45;
	v19 =	vld.idx.msk [tilespmem:v5+s19+$0x4040 ss:$0x1], $0xffff  }
0x38e: {  	vm0 =	veq.s32 v41, v4;
	v25 =	vmul.f32 v29, v25;
	v29 =	vmul.f32 v11, v46;
	v38 =	vld.idx.msk [tilespmem:v5+s19+$0x4060 ss:$0x1], $0xffff  }
0x38f: {  	v27 =	vmul.f32 v27, v15;
	v11 =	vmovc v34;
	v10 =	vsel vm0, v47, v10;
	v41 =	vmul.f32 v26, v36  }
0x390: {  	v15 =	vmax.f32 v31, $1.000000020e-24;
	v45 =	vmul.f32 v22, v43;
	v26 =	vmul.f32 v26, v43;
	v34 =	vld.idx.msk [tilespmem:v5+s19+$0x4050 ss:$0x1], $0xffff  }
0x391: {  	v27 =	vadd.f32 $0.0e+00, v27;
	v37 =	vmul.f32 v37, v37;
	v25 =	vadd.f32 v32, v25  }
0x392: {  	v43 =	vmul.f32 v42, v24;
	v31 =	vsub.f32 v45, v41;
	v41 =	vmul.f32 v29, v9;
	v9 =	vmovc v28  }
0x393: {  	v32 =	vsub.f32 v33, v44;
	v22 =	vmul.f32 v22, v36;
	v45 =	vmul.f32 v17, v35  }
.Ltmp8:
0x394: {  	v29 =	vsub.f32 v31, v23;
	v31 =	vshra.s32 v15, $0x1;
	v23 =	vadd.f32 v41, v27;
	(pc) =	sbr.rel @p0 .LBB2_19-.Ltmp8, $4  }
0x395: {  	v28 =	vmul.f32 v42, v35;
	v25 =	vsub.f32 v25, v38;
	v27 =	vadd.f32 v37, v30  }
0x396: {  	v33 =	vadd.f32 v26, v22;
	v23 =	vadd.f32 v39, v23  }
0x397: {  	v26 =	vadd.f32 v45, v43;
	v30 =	vmul.f32 v25, v25;
	v22 =	vmax.f32 v27, $1.000000020e-24  }
0x398: {  	s28 =	smov.u32 s26;
	v33 =	vsub.f32 v33, v34;
	v25 =	vmul.f32 $5.000000000e-01, v22;
	v27 =	vadd.f32 v40, v23  }
0x399: {  	_ =	sdelay $0x3  }
0x39a: {  	v5 =	vld.idx.msk [tilespmem:v5+s19+$0x4000 ss:$0x1], $0xffff  }
0x39b: {  	v6 =	vmul.f32 v17, v24;
	_ =	sdelay $0x1  }
0x39c: {  	v6 =	vsub.f32 v28, v6;
	_ =	sdelay $0x1  }
0x39d: {  	v5 =	vsub.f32 v6, v5;
	v6 =	vsub.f32 v26, v19  }
0x39e: {  	v7 =	vmul.f32 $5.000000000e-01, v15;
	v41 =	vsub.f32 v32, v20  }
0x39f: {  	v42 =	vsub.s32 $0x5F3759DF, v31;
	v5 =	vmul.f32 v5, v5;
	v6 =	vmul.f32 v6, v6  }
0x3a0: {  	v23 =	vmul.f32 v29, v29;
	v21 =	vsub.f32 $1.500000000e+00, v21;
	v43 =	vmul.f32 v33, v33  }
0x3a1: {  	v13 =	vsub.f32 $1.500000000e+00, v13;
	v17 =	vmul.f32 v41, v41;
	v5 =	vadd.f32 v6, v5  }
0x3a2: {  	v7 =	vmul.f32 v42, v7;
	v16 =	vmul.f32 v16, v21;
	v20 =	vadd.f32 v43, v23  }
0x3a3: {  	v11 =	vmul.f32 v11, v13;
	v17 =	vadd.f32 v30, v17;
	v5 =	vmax.f32 v5, $1.000000020e-24  }
0x3a4: {  	v20 =	vmax.f32 v20, $1.000000020e-24;
	v44 =	vshra.s32 v5, $0x1;
	v45 =	vmul.f32 $5.000000000e-01, v5  }
0x3a5: {  	v7 =	vmul.f32 v42, v7;
	v46 =	vshra.s32 v20, $0x1;
	v23 =	vsub.s32 $0x5F3759DF, v44  }
0x3a6: {  	v47 =	vmul.f32 $5.000000000e-01, v20;
	v17 =	vmax.f32 v17, $1.000000020e-24;
	v24 =	vmul.f32 v23, v45  }
0x3a7: {  	v48 =	vsub.s32 $0x5F3759DF, v46;
	v49 =	vshra.s32 v17, $0x1;
	v50 =	vmul.f32 $5.000000000e-01, v17  }
0x3a8: {  	v26 =	vmul.f32 v48, v47;
	v28 =	vsub.s32 $0x5F3759DF, v49;
	v24 =	vmul.f32 v23, v24  }
0x3a9: {  	v7 =	vsub.f32 $1.500000000e+00, v7;
	v6 =	vshra.s32 v22, $0x1;
	v29 =	vmul.f32 v28, v50  }
0x3aa: {  	v6 =	vsub.s32 $0x5F3759DF, v6;
	v26 =	vmul.f32 v48, v26;
	v24 =	vsub.f32 $1.500000000e+00, v24  }
0x3ab: {  	v7 =	vmul.f32 v42, v7;
	v25 =	vmul.f32 v6, v25  }
0x3ac: {  	v52 =	vmul.f32 v28, v29;
	v53 =	vsub.f32 $1.500000000e+00, v26;
	v23 =	vmul.f32 v23, v24  }
0x3ad: {  	v18 =	vsub.f32 $1.500000000e+00, v18;
	v7 =	vmul.f32 v7, v15;
	v51 =	vmul.f32 v6, v25  }
0x3ae: {  	v54 =	vsub.f32 $1.500000000e+00, v52;
	v55 =	vmul.f32 v48, v53;
	v5 =	vmul.f32 v23, v5  }
0x3af: {  	v9 =	vmul.f32 v11, v9;
	v7 =	vadd.f32 $0.0e+00, v7;
	v56 =	vsub.f32 $1.500000000e+00, v51  }
0x3b0: {  	v13 =	vmul.f32 v28, v54;
	v15 =	vmul.f32 v55, v20;
	v5 =	vadd.f32 $0.0e+00, v5  }
0x3b1: {  	v12 =	vmul.f32 v12, v18;
	v14 =	vmul.f32 v16, v14;
	v7 =	vadd.f32 v9, v7  }
0x3b2: {  	v57 =	vmul.f32 v13, v17;
	v6 =	vmul.f32 v6, v56;
	v5 =	vadd.f32 v15, v5  }
0x3b3: {  	v8 =	vmul.f32 v12, v8;
	v7 =	vadd.f32 v14, v7  }
0x3b4: {  	v6 =	vmul.f32 v6, v22;
	v5 =	vadd.f32 v57, v5  }
0x3b5: {  	v7 =	vadd.f32 v8, v7  }
0x3b6: {  	v58 =	vperm.xlane v27, v0;
	v5 =	vadd.f32 v6, v5  }
0x3b7: {  	v8 =	vperm.xlane v7, v0  }
0x3b8: {  	v6 =	vadd.f32 v27, v58;
	v59 =	vperm.xlane v5, v0  }
0x3b9: {  	v7 =	vadd.f32 v7, v8  }
0x3ba: {  	v60 =	vperm.xlane v6, v1;
	v5 =	vadd.f32 v5, v59  }
0x3bb: {  	v8 =	vperm.xlane v7, v1  }
0x3bc: {  	v6 =	vadd.f32 v6, v60;
	v9 =	vperm.xlane v5, v1  }
0x3bd: {  	v7 =	vadd.f32 v7, v8  }
0x3be: {  	v11 =	vperm.xlane v6, v2;
	v5 =	vadd.f32 v5, v9  }
0x3bf: {  	v8 =	vperm.xlane v7, v2  }
0x3c0: {  	v6 =	vadd.f32 v6, v11;
	v9 =	vperm.xlane v5, v2  }
0x3c1: {  	v7 =	vadd.f32 v7, v8  }
0x3c2: {  	v11 =	vperm.xlane v6, v3;
	v5 =	vadd.f32 v5, v9  }
0x3c3: {  	v8 =	vperm.xlane v7, v3  }
0x3c4: {  	v6 =	vadd.f32 v6, v11;
	v9 =	vperm.xlane v5, v3  }
0x3c5: {  	v7 =	vadd.f32 v7, v8  }
0x3c6: {  	v6 =	vmul.f32 $-1.000945930e+00, v6;
	v5 =	vadd.f32 v5, v9  }
0x3c7: {  	v61 =	vmov s24;
	s30 =	sshll.u32 s17, $0x4;
	s17 =	sadd.s32 $0x1, s17;
	v7 =	vmul.f32 $-1.000945930e+00, v7  }
0x3c8: {  	v62 =	vmov s23;
	p0 =	sne.s32 s17, $0x8;
	v6 =	vadd.f32 $1.200000000e+01, v6;
	v5 =	vmul.f32 $-1.000945930e+00, v5  }
.Ltmp9:
0x3c9: {  	s29 =	sadd.s32 $0x1, s22;
	vm0 =	veq.s32 v61, v4;
	vm14 =	veq.s32 v62, v4;
	v7 =	vadd.f32 $1.200000000e+01, v7;
	(pc) =	sbr.rel @p0 .LBB2_18-.Ltmp9, $4  }
0x3ca: {  	v63 =	vmov s29;
	v6 =	vsel vm0, v6, v10;
	v5 =	vadd.f32 $1.200000000e+01, v5  }
0x3cb: {  	vm15 =	veq.s32 v63, v4;
	v6 =	vsel vm14, v7, v6  }
0x3cc: {  	s19 =	sand.u32 $0x3FFFFFF0, s30;
	v5 =	vsel vm15, v5, v6  }
0x3cd: {  	s0 =	sadd.s32 $0x800, s0;
	s2 =	sadd.s32 $0x800, s2;
	s14 =	sadd.s32 $0x800, s14;
	[tilespmem:s19+$0x18680] =	vst v5  }
0x3ce: {  	s0 =	simm.s32 $0x180  }
0x3cf: {  	[tilespmem:s16], [sflag:$0x2] =	stream.indirect.gather [hbm4b:s1+s15], $0x80, s0, s15, $0xb8;
	[tilespmem:$0x18800] =	vst v63  }
0x3d0: {  	s29 =	simm.s32 $0x380  }
0x3d1: {  	[tilespmem:s18], [sflag:$0x2] =	stream.indirect.gather [hbm4b:s1+s15], $0x80, s29, s15, $0xb8;
	[tilespmem:$0x18800] =	vst v63  }
0x3d2: {  	s30 =	simm.s32 $0x580  }
0x3d3: {  	[tilespmem:s20], [sflag:$0x2] =	stream.indirect.gather [hbm4b:s4+s15], $0x80, s30, s15, $0xb8;
	[tilespmem:$0x18800] =	vst v63  }
0x3d4: {  	_ =	swait.ge [sflag:s21], $0x4000  }
0x3d5: {  	[sflag:s21] =	ssyncset.done $0x0  }
0x3d6: {  	[sflag:s21] =	ssyncadd.s32 $0xFFFFC000  }
0x3d7: {  	_ =	swait.ge [sflag:s21], $0x4000  }
0x3d8: {  	[sflag:s21] =	ssyncset.done $0x0  }
0x3d9: {  	[sflag:s21] =	ssyncadd.s32 $0xFFFFC000  }
0x3da: {  	_ =	swait.ge [sflag:s21], $0x4000  }
0x3db: {  	s2 =	simm.s32 $0x640;
	s14 =	simm.s32 $0x8640;
	[sflag:s21] =	ssyncset.done $0x0  }
0x3dc: {  	s17 =	simm.s32 $0x10640;
	s0 =	simm.s32 $0x0;
	[sflag:s21] =	ssyncadd.s32 $0xFFFFC000  }
.LBB2_22:
0x3dd: {  	v5 =	vld [tilespmem:s2+$0x0]  }
0x3de: {  	v6 =	vld [tilespmem:s14+$0x30]  }
0x3df: {  	v7 =	vld [tilespmem:s14+$0xFFFFFFF0]  }
0x3e0: {  	v8 =	vld [tilespmem:s17+$0xFFFFFFF0]  }
0x3e1: {  	v9 =	vld [tilespmem:s17+$0x30]  }
0x3e2: {  	v10 =	vld [tilespmem:s2+$0x30]  }
0x3e3: {  	v11 =	vld [tilespmem:s17+$0xFFFFFFE0]  }
0x3e4: {  	v12 =	vld [tilespmem:s2+$0xFFFFFFF0]  }
0x3e5: {  	v13 =	vld [tilespmem:s2+$0xFFFFFFC0]  }
0x3e6: {  	v14 =	vld [tilespmem:s2+$0x20]  }
0x3e7: {  	v15 =	vld [tilespmem:s17+$0x10]  }
0x3e8: {  	v16 =	vld [tilespmem:s17+$0x20]  }
0x3e9: {  	v17 =	vld [tilespmem:s17+$0xFFFFFFD0]  }
0x3ea: {  	v18 =	vld [tilespmem:s2+$0xFFFFFFE0]  }
0x3eb: {  	v19 =	vld [tilespmem:s2+$0xFFFFFFD0]  }
0x3ec: {  	v22 =	vld [tilespmem:s2+$0x10]  }
0x3ed: {  	v21 =	vld [tilespmem:s17+$0xFFFFFFC0];
	v20 =	vmul.f32 v9, v10;
	v10 =	vmul.f32 v8, v10  }
0x3ee: {  	v24 =	vld [tilespmem:s14+$0xFFFFFFE0];
	v8 =	vmul.f32 v8, v12;
	v23 =	vmul.f32 v11, v14  }
0x3ef: {  	v25 =	vld [tilespmem:s14+$0x10];
	s23 =	sadd.s32 $0x80, s17;
	v9 =	vmul.f32 v9, v12;
	v14 =	vmul.f32 v16, v14  }
0x3f0: {  	s19 =	sadd.s32 $0x80, s2;
	s29 =	sadd.s32 $0x80, s23;
	v12 =	vld [tilespmem:s17+$0x0];
	v11 =	vmul.f32 v11, v18;
	v16 =	vmul.f32 v16, v18  }
0x3f1: {  	s24 =	sadd.s32 $0x80, s19;
	v51 =	vld [tilespmem:s29+$0x20];
	v18 =	vmul.f32 v17, v19;
	v17 =	vmul.f32 v17, v22  }
0x3f2: {  	v33 =	vld [tilespmem:s24+$0xFFFFFFE0];
	v8 =	vsub.f32 v8, v20;
	v9 =	vadd.f32 v9, v10;
	v20 =	vmul.f32 v21, v13  }
0x3f3: {  	v10 =	vld [tilespmem:s14+$0xFFFFFFD0];
	v21 =	vmul.f32 v21, v5;
	v11 =	vsub.f32 v11, v14;
	v14 =	vmul.f32 v15, v19  }
0x3f4: {  	v16 =	vadd.f32 v16, v23;
	v6 =	vsub.f32 v9, v6;
	v9 =	vmul.f32 v15, v22;
	v22 =	vld [tilespmem:s14+$0x20]  }
0x3f5: {  	v7 =	vsub.f32 v8, v7;
	v8 =	vld [tilespmem:s14+$0xFFFFFFC0];
	v11 =	vsub.f32 v11, v24;
	v5 =	vmul.f32 v12, v5  }
0x3f6: {  	v15 =	vld [tilespmem:s14+$0x0];
	v12 =	vmul.f32 v12, v13;
	v13 =	vadd.f32 v14, v17;
	v9 =	vsub.f32 v18, v9  }
0x3f7: {  	v7 =	vmul.f32 v7, v7;
	v6 =	vmul.f32 v6, v6;
	v5 =	vsub.f32 v20, v5  }
0x3f8: {  	v12 =	vadd.f32 v12, v21;
	v9 =	vsub.f32 v9, v10  }
0x3f9: {  	v31 =	vld [tilespmem:s23+$0xFFFFFFC0];
	v54 =	vmul.f32 v51, v33;
	v6 =	vadd.f32 v6, v7;
	v10 =	vsub.f32 v16, v22  }
0x3fa: {  	v11 =	vmul.f32 v11, v11;
	v21 =	vld [tilespmem:s19+$0xFFFFFFC0];
	v5 =	vsub.f32 v5, v8;
	v8 =	vsub.f32 v13, v25  }
0x3fb: {  	v35 =	vld [tilespmem:s23+$0x10];
	v12 =	vsub.f32 v12, v15;
	v9 =	vmul.f32 v9, v9;
	v10 =	vmul.f32 v10, v10  }
0x3fc: {  	v27 =	vld [tilespmem:s23+$0x20];
	v6 =	vmax.f32 v6, $1.000000020e-24;
	v8 =	vmul.f32 v8, v8;
	v5 =	vmul.f32 v5, v5  }
0x3fd: {  	v20 =	vld [tilespmem:s19+$0xFFFFFFF0];
	v12 =	vmul.f32 v12, v12;
	v23 =	vshra.s32 v6, $0x1;
	v10 =	vadd.f32 v10, v11  }
0x3fe: {  	v13 =	vld [tilespmem:s19+$0x0];
	v34 =	vmul.f32 $5.000000000e-01, v6;
	v23 =	vsub.s32 $0x5F3759DF, v23;
	v8 =	vadd.f32 v8, v9  }
0x3ff: {  	v37 =	vmul.f32 v31, v21;
	v9 =	vld [tilespmem:s23+$0x30];
	v5 =	vadd.f32 v12, v5;
	v7 =	vmax.f32 v10, $1.000000020e-24  }
0x400: {  	v10 =	vld [tilespmem:s19+$0x30];
	v8 =	vmax.f32 v8, $1.000000020e-24;
	v12 =	vshra.s32 v7, $0x1;
	v16 =	vmul.f32 $5.000000000e-01, v7  }
0x401: {  	v11 =	vld [tilespmem:s23+$0xFFFFFFF0];
	v18 =	vshra.s32 v8, $0x1;
	v19 =	vmul.f32 $5.000000000e-01, v8;
	v12 =	vsub.s32 $0x5F3759DF, v12  }
0x402: {  	v17 =	vld [tilespmem:s23+$0xFFFFFFE0];
	v24 =	vmul.f32 v23, v34;
	v18 =	vsub.s32 $0x5F3759DF, v18;
	v16 =	vmul.f32 v12, v16  }
0x403: {  	v22 =	vld [tilespmem:s19+$0x20];
	v38 =	vmul.f32 v31, v13;
	v5 =	vmax.f32 v5, $1.000000020e-24;
	v19 =	vmul.f32 v18, v19  }
0x404: {  	s22 =	sadd.s32 $0x80, s14;
	v30 =	vld [tilespmem:s19+$0xFFFFFFE0];
	v26 =	vmul.f32 $5.000000000e-01, v5;
	v16 =	vmul.f32 v12, v16  }
0x405: {  	v15 =	vld [tilespmem:s22+$0xFFFFFFF0];
	v19 =	vmul.f32 v18, v19;
	v28 =	vmul.f32 v9, v10  }
0x406: {  	v14 =	vld [tilespmem:s22+$0x30];
	v10 =	vmul.f32 v11, v10;
	v11 =	vmul.f32 v11, v20  }
0x407: {  	v29 =	vld [tilespmem:s23+$0xFFFFFFD0];
	v41 =	vshra.s32 v5, $0x1;
	v9 =	vmul.f32 v9, v20;
	v16 =	vsub.f32 $1.500000000e+00, v16  }
0x408: {  	v39 =	vld [tilespmem:s22+$0xFFFFFFC0];
	v20 =	vmul.f32 v17, v22;
	v19 =	vsub.f32 $1.500000000e+00, v19;
	v11 =	vsub.f32 v11, v28  }
0x409: {  	v17 =	vmul.f32 v17, v30;
	v9 =	vadd.f32 v9, v10;
	v10 =	vld [tilespmem:s23+$0x0];
	v12 =	vmul.f32 v12, v16  }
0x40a: {  	v16 =	vld [tilespmem:s19+$0xFFFFFFD0];
	v18 =	vmul.f32 v18, v19;
	v19 =	vmul.f32 v27, v22;
	v11 =	vsub.f32 v11, v15  }
0x40b: {  	v15 =	vmul.f32 v23, v24;
	v9 =	vsub.f32 v9, v14;
	v12 =	vmul.f32 v12, v7;
	v7 =	vld [tilespmem:s19+$0x10]  }
0x40c: {  	v43 =	vsub.s32 $0x5F3759DF, v41;
	v22 =	vld [tilespmem:s22+$0xFFFFFFE0];
	v8 =	vmul.f32 v18, v8;
	v18 =	vmul.f32 v27, v30  }
0x40d: {  	v42 =	vld [tilespmem:s22+$0x0];
	v11 =	vmul.f32 v11, v11;
	v15 =	vsub.f32 $1.500000000e+00, v15;
	v9 =	vmul.f32 v9, v9  }
0x40e: {  	v14 =	vld [tilespmem:s22+$0xFFFFFFD0];
	v17 =	vsub.f32 v17, v19;
	v13 =	vmul.f32 v10, v13;
	v10 =	vmul.f32 v10, v21  }
0x40f: {  	v19 =	vld [tilespmem:s22+$0x20];
	v18 =	vadd.f32 v18, v20;
	v9 =	vadd.f32 v9, v11;
	v36 =	vmul.f32 v29, v16  }
0x410: {  	v44 =	vld [tilespmem:s22+$0x10];
	v16 =	vmul.f32 v35, v16;
	v13 =	vsub.f32 v37, v13;
	v40 =	vmul.f32 v35, v7  }
0x411: {  	v17 =	vsub.f32 v17, v22;
	v10 =	vadd.f32 v10, v38;
	v7 =	vmul.f32 v29, v7  }
0x412: {  	v21 =	vmul.f32 v43, v26;
	v13 =	vsub.f32 v13, v39;
	v20 =	vsub.f32 v36, v40  }
0x413: {  	v47 =	vld [tilespmem:s24+$0xFFFFFFC0];
	v11 =	vmul.f32 v23, v15;
	v10 =	vsub.f32 v10, v42;
	v7 =	vadd.f32 v16, v7  }
0x414: {  	v53 =	vld [tilespmem:s29+$0xFFFFFFC0];
	v16 =	vsub.f32 v18, v19;
	v14 =	vsub.f32 v20, v14;
	v20 =	vmul.f32 v43, v21  }
0x415: {  	v17 =	vmul.f32 v17, v17;
	v13 =	vmul.f32 v13, v13;
	v7 =	vsub.f32 v7, v44  }
0x416: {  	v10 =	vmul.f32 v10, v10;
	v19 =	vld [tilespmem:s24+$0x0];
	v16 =	vmul.f32 v16, v16;
	v18 =	vsub.f32 $1.500000000e+00, v20  }
0x417: {  	v14 =	vmul.f32 v14, v14;
	v7 =	vmul.f32 v7, v7  }
0x418: {  	v10 =	vadd.f32 v10, v13;
	v13 =	vadd.f32 v16, v17;
	v18 =	vmul.f32 v43, v18  }
0x419: {  	v56 =	vmul.f32 v53, v47;
	v6 =	vmul.f32 v11, v6;
	v14 =	vadd.f32 v7, v14  }
0x41a: {  	v7 =	vmax.f32 v10, $1.000000020e-24;
	v10 =	vmax.f32 v13, $1.000000020e-24;
	v17 =	vmul.f32 v18, v5  }
0x41b: {  	v11 =	vld [tilespmem:s29+$0x30];
	v24 =	vmul.f32 v53, v19;
	v20 =	vmul.f32 $5.000000000e-01, v10  }
0x41c: {  	v5 =	vmax.f32 v9, $1.000000020e-24;
	v9 =	vld [tilespmem:s29+$0xFFFFFFF0];
	v13 =	vadd.f32 $0.0e+00, v17;
	v17 =	vshra.s32 v10, $0x1  }
0x41d: {  	v48 =	vmul.f32 $5.000000000e-01, v7;
	v14 =	vmax.f32 v14, $1.000000020e-24;
	v18 =	vld [tilespmem:s24+$0x30];
	v17 =	vsub.s32 $0x5F3759DF, v17  }
0x41e: {  	v45 =	vld [tilespmem:s24+$0xFFFFFFF0];
	v8 =	vadd.f32 v8, v13;
	v13 =	vshra.s32 v14, $0x1;
	v20 =	vmul.f32 v17, v20  }
0x41f: {  	v22 =	vld [tilespmem:s29+$0xFFFFFFE0];
	v21 =	vshra.s32 v5, $0x1;
	v23 =	vmul.f32 $5.000000000e-01, v14;
	v13 =	vsub.s32 $0x5F3759DF, v13  }
0x420: {  	v12 =	vadd.f32 v12, v8;
	v8 =	vsub.s32 $0x5F3759DF, v21;
	v21 =	vld [tilespmem:s24+$0x20];
	v20 =	vmul.f32 v17, v20  }
0x421: {  	v49 =	vld [tilespmem:s29+$0x10];
	v46 =	vmul.f32 $5.000000000e-01, v5;
	v23 =	vmul.f32 v13, v23  }
0x422: {  	v52 =	vld [tilespmem:s29+$0xFFFFFFD0];
	s19 =	sadd.s32 $0x80, s22;
	v50 =	vmul.f32 v11, v18;
	v18 =	vmul.f32 v9, v18;
	v20 =	vsub.f32 $1.500000000e+00, v20  }
0x423: {  	v16 =	vld [tilespmem:s19+$0xFFFFFFF0];
	v9 =	vmul.f32 v9, v45;
	v12 =	vadd.f32 v6, v12;
	v23 =	vmul.f32 v13, v23  }
0x424: {  	v15 =	vld [tilespmem:s19+$0x30];
	v11 =	vmul.f32 v11, v45;
	v17 =	vmul.f32 v17, v20  }
0x425: {  	v32 =	vperm.xlane v12, v0;
	v23 =	vsub.f32 $1.500000000e+00, v23;
	v20 =	vld [tilespmem:s24+$0xFFFFFFD0];
	v34 =	vmul.f32 v22, v21  }
0x426: {  	v29 =	vsub.f32 v9, v50;
	v21 =	vmul.f32 v51, v21;
	v9 =	vmul.f32 v17, v10;
	v17 =	vld [tilespmem:s24+$0x10]  }
0x427: {  	v22 =	vmul.f32 v22, v33;
	v12 =	vadd.f32 v12, v32;
	v13 =	vmul.f32 v13, v23;
	v23 =	vld [tilespmem:s29+$0x0]  }
0x428: {  	v25 =	vmul.f32 v8, v46;
	v11 =	vadd.f32 v11, v18;
	v16 =	vsub.f32 v29, v16  }
0x429: {  	v21 =	vsub.f32 v22, v21;
	v22 =	vld [tilespmem:s19+$0x0];
	v18 =	vperm.xlane v12, v1;
	v10 =	vmul.f32 v13, v14  }
0x42a: {  	v15 =	vsub.f32 v11, v15;
	v14 =	vmul.f32 v8, v25;
	v13 =	vmul.f32 v16, v16;
	v16 =	vld [tilespmem:s19+$0xFFFFFFD0]  }
0x42b: {  	v55 =	vmul.f32 v52, v20;
	v20 =	vmul.f32 v49, v20;
	v12 =	vadd.f32 v12, v18;
	v18 =	vld [tilespmem:s19+$0xFFFFFFE0]  }
0x42c: {  	v11 =	vsub.f32 $1.500000000e+00, v14;
	v14 =	vld [tilespmem:s19+$0xFFFFFFC0];
	v57 =	vmul.f32 v49, v17;
	v19 =	vmul.f32 v23, v19  }
0x42d: {  	v25 =	vadd.f32 v54, v34;
	v17 =	vmul.f32 v52, v17;
	v23 =	vmul.f32 v23, v47  }
0x42e: {  	v59 =	vld [tilespmem:s19+$0x20];
	v61 =	vshra.s32 v7, $0x1;
	v58 =	vsub.f32 v55, v57;
	v19 =	vsub.f32 v56, v19  }
0x42f: {  	v60 =	vld [tilespmem:s19+$0x10];
	v15 =	vmul.f32 v15, v15;
	v23 =	vadd.f32 v23, v24;
	v20 =	vadd.f32 v20, v17  }
0x430: {  	v18 =	vsub.f32 v21, v18;
	v21 =	vperm.xlane v12, v2;
	v16 =	vsub.f32 v58, v16  }
0x431: {  	v19 =	vsub.f32 v19, v14;
	v14 =	vsub.s32 $0x5F3759DF, v61;
	v22 =	vsub.f32 v23, v22  }
0x432: {  	v12 =	vadd.f32 v12, v21;
	v16 =	vmul.f32 v16, v16;
	v21 =	vmul.f32 v14, v48  }
0x433: {  	v17 =	vmul.f32 v19, v19;
	v19 =	vsub.f32 v25, v59;
	v18 =	vmul.f32 v18, v18  }
0x434: {  	v23 =	vsub.f32 v20, v60;
	v62 =	vperm.xlane v12, v3;
	v63 =	vmul.f32 v14, v21  }
0x435: {  	s26 =	simm.s32 $0x3;
	s28 =	sadd.s32 $0x80, s24;
	s23 =	simm.s32 $0x1;
	v6 =	vimm.f32 $0.0e+00;
	v22 =	vmul.f32 v22, v22;
	v20 =	vmul.f32 v19, v19  }
0x436: {  	s22 =	simm.s32 $0x2;
	s29 =	sadd.s32 $0x80, s29;
	s24 =	simm.s32 $0x0;
	v21 =	vmul.f32 v23, v23;
	v12 =	vadd.f32 v12, v62;
	v19 =	vsub.f32 $1.500000000e+00, v63  }
.LBB2_23:
0x437: {  	p0 =	sne.s32 s26, $0xF  }
0x438: {  	v23 =	vld [tilespmem:s28+$0x0];
	v13 =	vadd.f32 v15, v13;
	s19 =	sadd.s32 $0x80, s19;
	v8 =	vmul.f32 v8, v11;
	s30 =	smov.u32 s26;
	s26 =	sadd.s32 $0x1, s26  }
0x439: {  	v15 =	vadd.f32 v20, v18;
	v24 =	vld [tilespmem:s19+$0xFFFFFFE0];
	v11 =	vadd.f32 v22, v17;
	v14 =	vmul.f32 v14, v19  }
0x43a: {  	v16 =	vadd.f32 v21, v16;
	v17 =	vld [tilespmem:s19+$0x30];
	v18 =	vmul.f32 v8, v5;
	v5 =	vmax.f32 v13, $1.000000020e-24  }
0x43b: {  	v15 =	vmax.f32 v15, $1.000000020e-24;
	v13 =	vld [tilespmem:s19+$0xFFFFFFF0];
	v8 =	vmul.f32 v14, v7;
	v7 =	vmax.f32 v11, $1.000000020e-24  }
0x43c: {  	v14 =	vmax.f32 v16, $1.000000020e-24;
	v16 =	vshra.s32 v15, $0x1;
	v19 =	vshra.s32 v5, $0x1;
	v11 =	vld [tilespmem:s29+$0xFFFFFFF0]  }
0x43d: {  	v21 =	vmul.f32 $5.000000000e-01, v7;
	v22 =	vshra.s32 v14, $0x1;
	v20 =	vld [tilespmem:s29+$0x30];
	v8 =	vadd.f32 $0.0e+00, v8  }
0x43e: {  	v27 =	vmul.f32 $5.000000000e-01, v15;
	v26 =	vmul.f32 $5.000000000e-01, v14;
	v22 =	vsub.s32 $0x5F3759DF, v22;
	v25 =	vld [tilespmem:s28+$0x30]  }
0x43f: {  	v29 =	vmul.f32 $5.000000000e-01, v5;
	v16 =	vsub.s32 $0x5F3759DF, v16;
	v28 =	vld [tilespmem:s29+$0xFFFFFFE0];
	v10 =	vadd.f32 v10, v8  }
0x440: {  	v27 =	vmul.f32 v16, v27;
	v26 =	vmul.f32 v22, v26;
	v8 =	vsub.s32 $0x5F3759DF, v19;
	v30 =	vld [tilespmem:s28+$0xFFFFFFF0]  }
0x441: {  	v29 =	vmul.f32 v8, v29;
	v19 =	vld [tilespmem:s28+$0xFFFFFFC0];
	v9 =	vadd.f32 v9, v10  }
0x442: {  	v12 =	vmul.f32 $-1.000945930e+00, v12;
	v31 =	vmov s24;
	s24 =	smov.u32 s23;
	s23 =	smov.u32 s22;
	s22 =	smov.u32 s30;
	v27 =	vmul.f32 v16, v27;
	v10 =	vld [tilespmem:s28+$0x20]  }
0x443: {  	v32 =	vld [tilespmem:s29+$0x10];
	v33 =	vmul.f32 v20, v25;
	v25 =	vmul.f32 v11, v25;
	v9 =	vadd.f32 v18, v9  }
0x444: {  	v12 =	vadd.f32 $1.200000000e+01, v12;
	v26 =	vmul.f32 v22, v26;
	v27 =	vsub.f32 $1.500000000e+00, v27;
	v18 =	vld [tilespmem:s29+$0x20]  }
0x445: {  	vm0 =	veq.s32 v31, v4;
	v34 =	vld [tilespmem:s29+$0xFFFFFFD0];
	v11 =	vmul.f32 v11, v30;
	v35 =	vperm.xlane v9, v0  }
0x446: {  	v6 =	vsel vm0, v12, v6;
	v26 =	vsub.f32 $1.500000000e+00, v26;
	v16 =	vmul.f32 v16, v27;
	v31 =	vld [tilespmem:s28+$0xFFFFFFE0]  }
0x447: {  	v20 =	vmul.f32 v20, v30;
	v12 =	vld [tilespmem:s28+$0xFFFFFFD0];
	v27 =	vmul.f32 v28, v10;
	v30 =	vadd.f32 v9, v35  }
0x448: {  	v22 =	vmul.f32 v22, v26;
	v11 =	vsub.f32 v11, v33;
	v9 =	vmul.f32 v16, v15;
	v35 =	vld [tilespmem:s29+$0xFFFFFFC0]  }
0x449: {  	v20 =	vadd.f32 v20, v25;
	v15 =	vld [tilespmem:s28+$0x10];
	v16 =	vmul.f32 v18, v10;
	v25 =	vperm.xlane v30, v1  }
0x44a: {  	v11 =	vsub.f32 v11, v13;
	v10 =	vmul.f32 v22, v14;
	v14 =	vmul.f32 v8, v29;
	v26 =	vld [tilespmem:s29+$0x0]  }
0x44b: {  	v22 =	vld [tilespmem:s19+$0xFFFFFFD0];
	v28 =	vmul.f32 v28, v31;
	v18 =	vmul.f32 v18, v31;
	v25 =	vadd.f32 v30, v25  }
0x44c: {  	v17 =	vsub.f32 v20, v17;
	v13 =	vmul.f32 v11, v11;
	v29 =	vld [tilespmem:s19+$0xFFFFFFC0];
	v30 =	vmul.f32 v34, v12  }
0x44d: {  	v11 =	vsub.f32 $1.500000000e+00, v14;
	v20 =	vld [tilespmem:s19+$0x0];
	v31 =	vmul.f32 v35, v19;
	v33 =	vmul.f32 v35, v23  }
0x44e: {  	v16 =	vsub.f32 v28, v16;
	v35 =	vld [tilespmem:s19+$0x10];
	v14 =	vmul.f32 v32, v15;
	v34 =	vmul.f32 v34, v15  }
0x44f: {  	v12 =	vmul.f32 v32, v12;
	v18 =	vadd.f32 v18, v27;
	v23 =	vmul.f32 v26, v23  }
0x450: {  	v15 =	vmul.f32 v17, v17;
	v19 =	vmul.f32 v26, v19;
	v14 =	vsub.f32 v30, v14;
	v26 =	vld [tilespmem:s19+$0x20]  }
0x451: {  	v17 =	vsub.f32 v31, v23;
	v23 =	vsub.f32 v16, v24;
	v16 =	vperm.xlane v25, v2  }
0x452: {  	v19 =	vadd.f32 v19, v33;
	v22 =	vsub.f32 v14, v22;
	v14 =	vshra.s32 v7, $0x1  }
0x453: {  	v17 =	vsub.f32 v17, v29;
	v14 =	vsub.s32 $0x5F3759DF, v14;
	v24 =	vadd.f32 v25, v16  }
.Ltmp10:
0x454: {  	v12 =	vadd.f32 v12, v34;
	v16 =	vmul.f32 v22, v22;
	v21 =	vmul.f32 v14, v21;
	(pc) =	sbr.rel @p0 .LBB2_23-.Ltmp10, $4  }
0x455: {  	v17 =	vmul.f32 v17, v17;
	v22 =	vsub.f32 v18, v26;
	v25 =	vperm.xlane v24, v3  }
0x456: {  	v19 =	vsub.f32 v19, v20;
	v26 =	vsub.f32 v12, v35;
	v27 =	vmul.f32 v14, v21  }
0x457: {  	v18 =	vmul.f32 v23, v23;
	v20 =	vmul.f32 v22, v22;
	v12 =	vadd.f32 v24, v25  }
0x458: {  	s28 =	sadd.s32 $0x80, s28;
	s29 =	sadd.s32 $0x80, s29;
	v22 =	vmul.f32 v19, v19;
	v21 =	vmul.f32 v26, v26;
	v19 =	vsub.f32 $1.500000000e+00, v27  }
0x459: {  	_ = 	snop  }
0x45a: {  	v17 =	vadd.f32 v22, v17  }
0x45b: {  	v16 =	vadd.f32 v21, v16  }
0x45c: {  	v13 =	vadd.f32 v15, v13;
	v42 =	vadd.f32 v20, v18;
	v17 =	vmax.f32 v17, $1.000000020e-24  }
0x45d: {  	v16 =	vmax.f32 v16, $1.000000020e-24;
	v43 =	vmul.f32 $5.000000000e-01, v17;
	v44 =	vshra.s32 v17, $0x1  }
0x45e: {  	v45 =	vshra.s32 v16, $0x1;
	v46 =	vmul.f32 $5.000000000e-01, v16;
	v20 =	vsub.s32 $0x5F3759DF, v44  }
0x45f: {  	v15 =	vmax.f32 v42, $1.000000020e-24;
	v21 =	vsub.s32 $0x5F3759DF, v45;
	v18 =	vmul.f32 v20, v43  }
0x460: {  	v23 =	vshra.s32 v15, $0x1;
	v24 =	vmul.f32 $5.000000000e-01, v15;
	v22 =	vmul.f32 v21, v46  }
0x461: {  	v14 =	vmul.f32 v14, v19;
	v47 =	vsub.s32 $0x5F3759DF, v23;
	v18 =	vmul.f32 v20, v18  }
0x462: {  	v13 =	vmax.f32 v13, $1.000000020e-24;
	v23 =	vmul.f32 v47, v24;
	v22 =	vmul.f32 v21, v22  }
0x463: {  	v48 =	vshra.s32 v13, $0x1;
	v25 =	vmul.f32 $5.000000000e-01, v13;
	v18 =	vsub.f32 $1.500000000e+00, v18  }
0x464: {  	v24 =	vsub.s32 $0x5F3759DF, v48;
	v23 =	vmul.f32 v47, v23;
	v22 =	vsub.f32 $1.500000000e+00, v22  }
0x465: {  	v49 =	vmul.f32 v24, v25;
	v18 =	vmul.f32 v20, v18  }
0x466: {  	v7 =	vmul.f32 v14, v7;
	v51 =	vsub.f32 $1.500000000e+00, v23;
	v50 =	vmul.f32 v21, v22  }
0x467: {  	v20 =	vmul.f32 v24, v49;
	v17 =	vmul.f32 v18, v17  }
0x468: {  	v7 =	vadd.f32 $0.0e+00, v7;
	v52 =	vmul.f32 v47, v51  }
0x469: {  	v14 =	vmul.f32 v50, v16;
	v53 =	vsub.f32 $1.500000000e+00, v20;
	v17 =	vadd.f32 $0.0e+00, v17  }
0x46a: {  	v8 =	vmul.f32 v8, v11;
	v7 =	vadd.f32 v10, v7  }
0x46b: {  	v54 =	vmul.f32 v52, v15;
	v55 =	vmul.f32 v24, v53;
	v14 =	vadd.f32 v14, v17  }
0x46c: {  	v5 =	vmul.f32 v8, v5;
	v7 =	vadd.f32 v9, v7  }
0x46d: {  	v56 =	vmul.f32 v55, v13;
	v57 =	vadd.f32 v54, v14  }
0x46e: {  	v5 =	vadd.f32 v5, v7  }
0x46f: {  	v7 =	vadd.f32 v56, v57  }
0x470: {  	v58 =	vperm.xlane v5, v0  }
0x471: {  	v9 =	vperm.xlane v7, v0  }
0x472: {  	v5 =	vadd.f32 v5, v58  }
0x473: {  	v7 =	vadd.f32 v7, v9  }
0x474: {  	v8 =	vperm.xlane v5, v1  }
0x475: {  	v9 =	vperm.xlane v7, v1  }
0x476: {  	v5 =	vadd.f32 v5, v8  }
0x477: {  	v7 =	vadd.f32 v7, v9  }
0x478: {  	v8 =	vperm.xlane v5, v2  }
0x479: {  	v9 =	vperm.xlane v7, v2  }
0x47a: {  	v5 =	vadd.f32 v5, v8  }
0x47b: {  	v7 =	vadd.f32 v7, v9  }
0x47c: {  	v8 =	vperm.xlane v5, v3  }
0x47d: {  	v9 =	vperm.xlane v7, v3  }
0x47e: {  	v5 =	vadd.f32 v5, v8  }
0x47f: {  	v59 =	vmul.f32 $-1.000945930e+00, v12;
	v7 =	vadd.f32 v7, v9  }
0x480: {  	v60 =	vmov s24;
	s19 =	sshll.u32 s0, $0x4;
	s0 =	sadd.s32 $0x1, s0;
	v5 =	vmul.f32 $-1.000945930e+00, v5  }
0x481: {  	v62 =	vmov s23;
	p0 =	sne.s32 s0, $0x8;
	v61 =	vadd.f32 $1.200000000e+01, v59;
	v7 =	vmul.f32 $-1.000945930e+00, v7  }
.Ltmp11:
0x482: {  	v63 =	vmov s22;
	vm0 =	veq.s32 v60, v4;
	v5 =	vadd.f32 $1.200000000e+01, v5;
	(pc) =	sbr.rel @p0 .LBB2_22-.Ltmp11, $4  }
0x483: {  	vm14 =	veq.s32 v62, v4;
	v6 =	vsel vm0, v61, v6;
	v7 =	vadd.f32 $1.200000000e+01, v7  }
0x484: {  	vm15 =	veq.s32 v63, v4;
	v5 =	vsel vm14, v5, v6  }
0x485: {  	s19 =	sand.u32 $0x3FFFFFF0, s19;
	v5 =	vsel vm15, v7, v5  }
0x486: {  	s2 =	sadd.s32 $0x800, s2;
	s14 =	sadd.s32 $0x800, s14;
	s17 =	sadd.s32 $0x800, s17;
	[tilespmem:s19+$0x18700] =	vst v5  }
0x487: {  	_ =	swait.ge [sflag:s25], $0x4000  }
0x488: {  	[sflag:s25] =	ssyncset.done $0x0  }
0x489: {  	[sflag:s25] =	ssyncadd.s32 $0xFFFFC000  }
0x48a: {  	_ =	swait.ge [sflag:s25], $0x4000  }
0x48b: {  	[sflag:s25] =	ssyncset.done $0x0  }
0x48c: {  	[sflag:s25] =	ssyncadd.s32 $0xFFFFC000  }
0x48d: {  	_ =	swait.ge [sflag:s25], $0x4000  }
0x48e: {  	s0 =	simm.s32 $0x0;
	s2 =	simm.s32 $0x600;
	[sflag:s25] =	ssyncset.done $0x0  }
0x48f: {  	s14 =	simm.s32 $0x8600;
	s17 =	simm.s32 $0x10600;
	[sflag:s25] =	ssyncadd.s32 $0xFFFFC000  }
.LBB2_26:
0x490: {  	v5 =	vmov s14;
	_ =	sdelay $0x2  }
0x491: {  	v6 =	vmov s17  }
0x492: {  	s19 =	simm.s32 $0x0  }
0x493: {  	v7 =	vmov s2;
	v8 =	vld.idx.msk [tilespmem:v5+s19+$0x4010 ss:$0x1], $0xffff  }
0x494: {  	v9 =	vld.idx.msk [tilespmem:v5+s19+$0x4070 ss:$0x1], $0xffff  }
0x495: {  	v10 =	vld.idx.msk [tilespmem:v5+s19+$0x4030 ss:$0x1], $0xffff  }
0x496: {  	v11 =	vld.idx.msk [tilespmem:v6+s19+$0x4030 ss:$0x1], $0xffff  }
0x497: {  	v12 =	vld.idx.msk [tilespmem:v6+s19+$0x4070 ss:$0x1], $0xffff  }
0x498: {  	v13 =	vld.idx.msk [tilespmem:v7+s19+$0x4070 ss:$0x1], $0xffff  }
0x499: {  	v14 =	vld.idx.msk [tilespmem:v5+s19+$0x4020 ss:$0x1], $0xffff  }
0x49a: {  	v15 =	vld.idx.msk [tilespmem:v7+s19+$0x4030 ss:$0x1], $0xffff  }
0x49b: {  	v16 =	vld.idx.msk [tilespmem:v6+s19+$0x4020 ss:$0x1], $0xffff  }
0x49c: {  	v17 =	vld.idx.msk [tilespmem:v6+s19+$0x4060 ss:$0x1], $0xffff  }
0x49d: {  	v18 =	vld.idx.msk [tilespmem:v6+s19+$0x4010 ss:$0x1], $0xffff  }
0x49e: {  	v19 =	vld.idx.msk [tilespmem:v6+s19+$0x4040 ss:$0x1], $0xffff  }
0x49f: {  	v20 =	vld.idx.msk [tilespmem:v7+s19+$0x4060 ss:$0x1], $0xffff  }
0x4a0: {  	v21 =	vld.idx.msk [tilespmem:v6+s19+$0x4050 ss:$0x1], $0xffff  }
0x4a1: {  	v22 =	vld.idx.msk [tilespmem:v7+s19+$0x4050 ss:$0x1], $0xffff  }
0x4a2: {  	v23 =	vld.idx.msk [tilespmem:v7+s19+$0x4010 ss:$0x1], $0xffff  }
0x4a3: {  	v24 =	vld.idx.msk [tilespmem:v6+s19+$0x4000 ss:$0x1], $0xffff  }
0x4a4: {  	s22 =	simm.s32 $0x80;
	v27 =	vld.idx.msk [tilespmem:v7+s19+$0x4020 ss:$0x1], $0xffff  }
0x4a5: {  	v29 =	vld.idx.msk [tilespmem:v7+s22+$0x4060 ss:$0x1], $0xffff;
	v25 =	vmul.f32 v12, v13;
	v26 =	vmul.f32 v11, v15  }
0x4a6: {  	v11 =	vmul.f32 v11, v13;
	v13 =	vld.idx.msk [tilespmem:v7+s19+$0x4000 ss:$0x1], $0xffff  }
0x4a7: {  	v12 =	vmul.f32 v12, v15;
	v15 =	vsub.f32 v26, v25;
	v25 =	vld.idx.msk [tilespmem:v7+s19+$0x4040 ss:$0x1], $0xffff  }
0x4a8: {  	v28 =	vmul.f32 v18, v23;
	v26 =	vld.idx.msk [tilespmem:v5+s19+$0x4050 ss:$0x1], $0xffff  }
0x4a9: {  	v18 =	vmul.f32 v18, v22;
	v11 =	vadd.f32 v12, v11;
	v12 =	vmul.f32 v21, v22;
	v22 =	vld.idx.msk [tilespmem:v5+s19+$0x4060 ss:$0x1], $0xffff  }
0x4aa: {  	v21 =	vmul.f32 v21, v23;
	v23 =	vmul.f32 v16, v20;
	v10 =	vsub.f32 v15, v10;
	v15 =	vld.idx.msk [tilespmem:v5+s19+$0x4040 ss:$0x1], $0xffff  }
0x4ab: {  	v9 =	vsub.f32 v11, v9;
	v11 =	vmul.f32 v17, v27;
	v17 =	vmul.f32 v17, v20;
	v20 =	vld.idx.msk [tilespmem:v5+s19+$0x4000 ss:$0x1], $0xffff  }
0x4ac: {  	v12 =	vsub.f32 v28, v12;
	v28 =	vld.idx.msk [tilespmem:v6+s22+$0x4060 ss:$0x1], $0xffff;
	s19 =	simm.s32 $0x100  }
0x4ad: {  	v16 =	vmul.f32 v16, v27;
	v54 =	vld.idx.msk [tilespmem:v6+s19+$0x4020 ss:$0x1], $0xffff  }
0x4ae: {  	v18 =	vadd.f32 v21, v18;
	v56 =	vld.idx.msk [tilespmem:v6+s19+$0x4010 ss:$0x1], $0xffff;
	v10 =	vmul.f32 v10, v10;
	v11 =	vadd.f32 v11, v23  }
0x4af: {  	v38 =	vld.idx.msk [tilespmem:v7+s19+$0x4020 ss:$0x1], $0xffff;
	v9 =	vmul.f32 v9, v9;
	v8 =	vsub.f32 v12, v8;
	v23 =	vmul.f32 v24, v25  }
0x4b0: {  	v59 =	vld.idx.msk [tilespmem:v7+s19+$0x4010 ss:$0x1], $0xffff;
	v12 =	vsub.f32 v18, v26;
	v26 =	vmul.f32 v19, v13;
	v13 =	vmul.f32 v24, v13  }
0x4b1: {  	v9 =	vadd.f32 v9, v10;
	v10 =	vsub.f32 v16, v17;
	v8 =	vmul.f32 v8, v8  }
0x4b2: {  	v11 =	vsub.f32 v11, v22;
	v12 =	vmul.f32 v12, v12;
	v22 =	vadd.f32 v26, v23  }
0x4b3: {  	v24 =	vld.idx.msk [tilespmem:v7+s22+$0x4030 ss:$0x1], $0xffff;
	v34 =	vmul.f32 v28, v29;
	v10 =	vsub.f32 v10, v14;
	v14 =	vmul.f32 v19, v25  }
0x4b4: {  	v16 =	vld.idx.msk [tilespmem:v6+s22+$0x4030 ss:$0x1], $0xffff;
	v17 =	vmax.f32 v9, $1.000000020e-24;
	v11 =	vmul.f32 v11, v11;
	v42 =	vmul.f32 v54, v38  }
0x4b5: {  	v62 =	vmul.f32 v56, v59;
	v8 =	vadd.f32 v12, v8;
	v12 =	vld.idx.msk [tilespmem:v7+s22+$0x4070 ss:$0x1], $0xffff;
	v23 =	vmul.f32 $5.000000000e-01, v17  }
0x4b6: {  	v9 =	vld.idx.msk [tilespmem:v6+s22+$0x4070 ss:$0x1], $0xffff;
	v15 =	vsub.f32 v22, v15;
	v13 =	vsub.f32 v13, v14;
	v14 =	vshra.s32 v17, $0x1  }
0x4b7: {  	v30 =	vld.idx.msk [tilespmem:v7+s22+$0x4020 ss:$0x1], $0xffff;
	v10 =	vmul.f32 v10, v10;
	v19 =	vmax.f32 v8, $1.000000020e-24;
	v14 =	vsub.s32 $0x5F3759DF, v14  }
0x4b8: {  	v32 =	vld.idx.msk [tilespmem:v6+s22+$0x4050 ss:$0x1], $0xffff;
	v15 =	vmul.f32 v15, v15;
	v25 =	vshra.s32 v19, $0x1;
	v26 =	vmul.f32 $5.000000000e-01, v19  }
0x4b9: {  	v27 =	vld.idx.msk [tilespmem:v5+s22+$0x4030 ss:$0x1], $0xffff;
	v11 =	vadd.f32 v11, v10;
	v23 =	vmul.f32 v14, v23;
	v10 =	vsub.s32 $0x5F3759DF, v25  }
0x4ba: {  	v18 =	vld.idx.msk [tilespmem:v5+s22+$0x4070 ss:$0x1], $0xffff;
	v25 =	vmul.f32 v10, v26;
	v26 =	vmul.f32 v16, v12  }
0x4bb: {  	v8 =	vld.idx.msk [tilespmem:v6+s22+$0x4020 ss:$0x1], $0xffff;
	v13 =	vsub.f32 v13, v20;
	v12 =	vmul.f32 v9, v12;
	v16 =	vmul.f32 v16, v24  }
0x4bc: {  	v20 =	vld.idx.msk [tilespmem:v6+s22+$0x4010 ss:$0x1], $0xffff;
	v11 =	vmax.f32 v11, $1.000000020e-24;
	v9 =	vmul.f32 v9, v24;
	v22 =	vmul.f32 v14, v23  }
0x4bd: {  	v23 =	vld.idx.msk [tilespmem:v7+s22+$0x4010 ss:$0x1], $0xffff;
	v13 =	vmul.f32 v13, v13;
	v31 =	vshra.s32 v11, $0x1;
	v33 =	vmul.f32 $5.000000000e-01, v11  }
0x4be: {  	v36 =	vld.idx.msk [tilespmem:v7+s22+$0x4000 ss:$0x1], $0xffff;
	v25 =	vmul.f32 v10, v25;
	v31 =	vsub.s32 $0x5F3759DF, v31;
	v12 =	vsub.f32 v16, v12  }
0x4bf: {  	v24 =	vld.idx.msk [tilespmem:v6+s22+$0x4040 ss:$0x1], $0xffff;
	v9 =	vadd.f32 v9, v26;
	v26 =	vmul.f32 v28, v30;
	v22 =	vsub.f32 $1.500000000e+00, v22  }
0x4c0: {  	v16 =	vld.idx.msk [tilespmem:v7+s22+$0x4050 ss:$0x1], $0xffff;
	v29 =	vmul.f32 v8, v29;
	v13 =	vadd.f32 v15, v13;
	v33 =	vmul.f32 v31, v33  }
0x4c1: {  	v28 =	vld.idx.msk [tilespmem:v5+s22+$0x4060 ss:$0x1], $0xffff;
	v8 =	vmul.f32 v8, v30;
	v12 =	vsub.f32 v12, v27;
	v14 =	vmul.f32 v14, v22  }
0x4c2: {  	v35 =	vld.idx.msk [tilespmem:v7+s22+$0x4040 ss:$0x1], $0xffff;
	v9 =	vsub.f32 v9, v18;
	v33 =	vmul.f32 v31, v33;
	v37 =	vmul.f32 v20, v23  }
0x4c3: {  	v27 =	vld.idx.msk [tilespmem:v6+s22+$0x4000 ss:$0x1], $0xffff;
	v30 =	vmax.f32 v13, $1.000000020e-24;
	v18 =	vmul.f32 v32, v23;
	v12 =	vmul.f32 v12, v12  }
0x4c4: {  	v13 =	vadd.f32 v26, v29;
	v26 =	vld.idx.msk [tilespmem:v5+s22+$0x4020 ss:$0x1], $0xffff;
	v9 =	vmul.f32 v9, v9;
	v55 =	vmul.f32 v14, v17  }
0x4c5: {  	v21 =	vld.idx.msk [tilespmem:v5+s22+$0x4010 ss:$0x1], $0xffff;
	v25 =	vsub.f32 $1.500000000e+00, v25;
	v15 =	vmul.f32 v32, v16;
	v16 =	vmul.f32 v20, v16  }
0x4c6: {  	v23 =	vld.idx.msk [tilespmem:v5+s22+$0x4050 ss:$0x1], $0xffff;
	v20 =	vsub.f32 v8, v34;
	v8 =	vsub.f32 v13, v28;
	v13 =	vmul.f32 v24, v36  }
0x4c7: {  	v50 =	vsub.f32 $1.500000000e+00, v33;
	v24 =	vmul.f32 v24, v35;
	v9 =	vadd.f32 v9, v12  }
0x4c8: {  	v15 =	vsub.f32 v37, v15;
	v29 =	vmul.f32 v27, v35;
	v12 =	vadd.f32 v18, v16  }
0x4c9: {  	v28 =	vld.idx.msk [tilespmem:v5+s22+$0x4000 ss:$0x1], $0xffff;
	v16 =	vshra.s32 v30, $0x1;
	v18 =	vmul.f32 v27, v36;
	v20 =	vsub.f32 v20, v26  }
0x4ca: {  	v27 =	vld.idx.msk [tilespmem:v5+s22+$0x4040 ss:$0x1], $0xffff;
	v31 =	vmul.f32 v31, v50;
	v15 =	vsub.f32 v15, v21;
	v21 =	vmul.f32 v8, v8  }
0x4cb: {  	v8 =	vmax.f32 v9, $1.000000020e-24;
	v9 =	vsub.f32 v12, v23;
	v12 =	vmul.f32 $5.000000000e-01, v30  }
0x4cc: {  	v16 =	vsub.s32 $0x5F3759DF, v16;
	v29 =	vadd.f32 v13, v29;
	v53 =	vmul.f32 v31, v11  }
0x4cd: {  	v11 =	vsub.f32 v18, v24;
	v9 =	vmul.f32 v9, v9;
	v12 =	vmul.f32 v16, v12  }
0x4ce: {  	v13 =	vmul.f32 v15, v15;
	v15 =	vmul.f32 v20, v20;
	v20 =	vld.idx.msk [tilespmem:v6+s19+$0x4030 ss:$0x1], $0xffff  }
0x4cf: {  	v25 =	vmul.f32 v10, v25;
	v24 =	vsub.f32 v11, v28;
	v27 =	vsub.f32 v29, v27;
	v29 =	vld.idx.msk [tilespmem:v6+s19+$0x4050 ss:$0x1], $0xffff  }
0x4d0: {  	v12 =	vmul.f32 v16, v12;
	v9 =	vadd.f32 v9, v13;
	v13 =	vld.idx.msk [tilespmem:v7+s19+$0x4070 ss:$0x1], $0xffff;
	v15 =	vadd.f32 v21, v15  }
0x4d1: {  	v51 =	vld.idx.msk [tilespmem:v6+s19+$0x4070 ss:$0x1], $0xffff;
	v19 =	vmul.f32 v25, v19;
	v23 =	vmul.f32 $5.000000000e-01, v8;
	v52 =	vshra.s32 v8, $0x1  }
0x4d2: {  	v21 =	vld.idx.msk [tilespmem:v7+s19+$0x4030 ss:$0x1], $0xffff;
	v58 =	vmul.f32 v24, v24;
	v12 =	vsub.f32 $1.500000000e+00, v12;
	v14 =	vmax.f32 v15, $1.000000020e-24  }
0x4d3: {  	v28 =	vld.idx.msk [tilespmem:v6+s19+$0x4060 ss:$0x1], $0xffff;
	v27 =	vmul.f32 v27, v27;
	v9 =	vmax.f32 v9, $1.000000020e-24;
	v39 =	vmul.f32 $5.000000000e-01, v14  }
0x4d4: {  	v15 =	vld.idx.msk [tilespmem:v7+s19+$0x4060 ss:$0x1], $0xffff;
	v18 =	vshra.s32 v9, $0x1;
	v22 =	vmul.f32 v16, v12;
	v12 =	vmul.f32 $5.000000000e-01, v9  }
0x4d5: {  	v11 =	vsub.s32 $0x5F3759DF, v18;
	v33 =	vmul.f32 v29, v59;
	v57 =	vmul.f32 v20, v13  }
0x4d6: {  	v31 =	vld.idx.msk [tilespmem:v5+s19+$0x4030 ss:$0x1], $0xffff;
	v18 =	vmul.f32 v51, v13;
	v16 =	vmul.f32 v11, v12;
	v12 =	vsub.s32 $0x5F3759DF, v52  }
0x4d7: {  	v40 =	vld.idx.msk [tilespmem:v6+s19+$0x4000 ss:$0x1], $0xffff;
	v20 =	vmul.f32 v20, v21;
	v23 =	vmul.f32 v12, v23  }
0x4d8: {  	v10 =	vimm.f32 $0.0e+00;
	v26 =	vld.idx.msk [tilespmem:v5+s19+$0x4070 ss:$0x1], $0xffff;
	v21 =	vmul.f32 v51, v21;
	v22 =	vmul.f32 v22, v30  }
0x4d9: {  	v20 =	vsub.f32 v20, v18;
	v60 =	vmul.f32 v28, v15;
	v18 =	vmul.f32 v12, v23;
	v23 =	vld.idx.msk [tilespmem:v7+s19+$0x4050 ss:$0x1], $0xffff  }
0x4da: {  	v41 =	vld.idx.msk [tilespmem:v7+s19+$0x4000 ss:$0x1], $0xffff;
	v13 =	vmul.f32 v11, v16;
	v16 =	vshra.s32 v14, $0x1;
	v22 =	vadd.f32 $0.0e+00, v22  }
0x4db: {  	v17 =	vld.idx.msk [tilespmem:v6+s19+$0x4040 ss:$0x1], $0xffff;
	v16 =	vsub.s32 $0x5F3759DF, v16;
	v20 =	vsub.f32 v20, v31;
	v31 =	vadd.f32 v21, v57  }
0x4dc: {  	v30 =	vld.idx.msk [tilespmem:v5+s19+$0x4060 ss:$0x1], $0xffff;
	v28 =	vmul.f32 v28, v38;
	v32 =	vsub.f32 v42, v60;
	v24 =	vmul.f32 v16, v39  }
0x4dd: {  	v61 =	vld.idx.msk [tilespmem:v5+s19+$0x4010 ss:$0x1], $0xffff;
	v19 =	vadd.f32 v19, v22;
	v26 =	vsub.f32 v31, v26;
	v31 =	vmul.f32 v54, v15  }
0x4de: {  	v15 =	vadd.f32 v27, v58;
	v21 =	vmul.f32 v16, v24;
	v24 =	vld.idx.msk [tilespmem:v7+s19+$0x4040 ss:$0x1], $0xffff;
	v27 =	vmul.f32 v29, v23  }
0x4df: {  	v25 =	vld.idx.msk [tilespmem:v5+s19+$0x4050 ss:$0x1], $0xffff;
	v20 =	vmul.f32 v20, v20;
	v28 =	vadd.f32 v28, v31;
	v23 =	vmul.f32 v56, v23  }
0x4e0: {  	v34 =	vadd.f32 v53, v19;
	v26 =	vmul.f32 v26, v26;
	v27 =	vsub.f32 v62, v27  }
0x4e1: {  	v43 =	vmul.f32 v17, v41;
	v22 =	vsub.f32 v28, v30;
	v23 =	vadd.f32 v33, v23  }
0x4e2: {  	v15 =	vmax.f32 v15, $1.000000020e-24;
	v29 =	vsub.f32 v27, v61;
	v27 =	vadd.f32 v26, v20;
	v20 =	vld.idx.msk [tilespmem:v5+s19+$0x4020 ss:$0x1], $0xffff  }
0x4e3: {  	v31 =	vshra.s32 v15, $0x1;
	v28 =	vmul.f32 v40, v41;
	v63 =	vmul.f32 v40, v24  }
0x4e4: {  	s28 =	simm.s32 $0x600;
	v30 =	vmul.f32 v22, v22;
	v33 =	vsub.f32 v23, v25;
	v22 =	vmax.f32 v27, $1.000000020e-24  }
0x4e5: {  	s24 =	simm.s32 $0x0;
	s23 =	simm.s32 $0x1;
	s22 =	simm.s32 $0x1;
	v19 =	vld.idx.msk [tilespmem:v5+s19+$0x4040 ss:$0x1], $0xffff;
	v26 =	vadd.f32 v43, v63;
	v27 =	vadd.f32 v55, v34;
	v25 =	vmul.f32 $5.000000000e-01, v22  }
.LBB2_27:
0x4e6: {  	s26 =	smov.u32 s28  }
0x4e7: {  	v34 =	vld.idx.msk [tilespmem:v5+s19+$0x4000 ss:$0x1], $0xffff;
	s19 =	sshra.s32 s28, $0x2;
	v20 =	vsub.f32 v32, v20;
	v32 =	vmul.f32 $5.000000000e-01, v15;
	v18 =	vsub.f32 $1.500000000e+00, v18;
	s22 =	sadd.s32 $0x1, s22;
	s26 =	sadd.s32 $0x200, s28  }
0x4e8: {  	p0 =	sne.s32 s28, $0x1E00;
	v35 =	vshra.s32 v22, $0x1;
	v31 =	vsub.s32 $0x5F3759DF, v31;
	v36 =	vperm.xlane v27, v0;
	v23 =	vld.idx.msk [tilespmem:v5+s19+$0x4010 ss:$0x1], $0xffff  }
0x4e9: {  	v21 =	vsub.f32 $1.500000000e+00, v21;
	v33 =	vmul.f32 v33, v33;
	v32 =	vmul.f32 v31, v32;
	v37 =	vld.idx.msk [tilespmem:v5+s19+$0x4070 ss:$0x1], $0xffff  }
0x4ea: {  	v29 =	vmul.f32 v29, v29;
	v20 =	vmul.f32 v20, v20;
	v27 =	vadd.f32 v27, v36;
	v38 =	vld.idx.msk [tilespmem:v5+s19+$0x4030 ss:$0x1], $0xffff  }
0x4eb: {  	v16 =	vmul.f32 v16, v21;
	v32 =	vmul.f32 v31, v32;
	v36 =	vld.idx.msk [tilespmem:v6+s19+$0x4030 ss:$0x1], $0xffff  }
0x4ec: {  	v17 =	vmul.f32 v17, v24;
	v24 =	vadd.f32 v33, v29;
	v29 =	vperm.xlane v27, v1;
	v21 =	vld.idx.msk [tilespmem:v6+s19+$0x4070 ss:$0x1], $0xffff  }
0x4ed: {  	v30 =	vadd.f32 v30, v20;
	v39 =	vmul.f32 v16, v14;
	v32 =	vsub.f32 $1.500000000e+00, v32;
	v33 =	vld.idx.msk [tilespmem:v7+s19+$0x4070 ss:$0x1], $0xffff  }
0x4ee: {  	v14 =	vsub.f32 v28, v17;
	v28 =	vmax.f32 v24, $1.000000020e-24;
	v16 =	vadd.f32 v27, v29;
	v20 =	vld.idx.msk [tilespmem:v5+s19+$0x4020 ss:$0x1], $0xffff  }
0x4ef: {  	v12 =	vmul.f32 v12, v18;
	v17 =	vshra.s32 v28, $0x1;
	v27 =	vmul.f32 v31, v32;
	v24 =	vld.idx.msk [tilespmem:v7+s19+$0x4030 ss:$0x1], $0xffff  }
0x4f0: {  	v31 =	vsub.f32 v14, v34;
	v14 =	vmul.f32 $5.000000000e-01, v28;
	v18 =	vperm.xlane v16, v2;
	v29 =	vld.idx.msk [tilespmem:v6+s19+$0x4020 ss:$0x1], $0xffff  }
0x4f1: {  	v41 =	vmov s24;
	s24 =	smov.u32 s23;
	s23 =	smov.u32 s22;
	v40 =	vmul.f32 v12, v8;
	v8 =	vmovc v22;
	v34 =	vsub.s32 $0x5F3759DF, v17;
	v32 =	vld.idx.msk [tilespmem:v6+s19+$0x4060 ss:$0x1], $0xffff  }
0x4f2: {  	v12 =	vsub.s32 $0x5F3759DF, v35;
	v42 =	vmul.f32 v34, v14;
	v35 =	vadd.f32 v16, v18;
	v22 =	vld.idx.msk [tilespmem:v6+s19+$0x4010 ss:$0x1], $0xffff  }
0x4f3: {  	v14 =	vmax.f32 v30, $1.000000020e-24;
	v18 =	vmul.f32 v12, v25;
	v43 =	vmul.f32 v36, v33;
	v17 =	vld.idx.msk [tilespmem:v6+s19+$0x4040 ss:$0x1], $0xffff  }
0x4f4: {  	v16 =	vshra.s32 v14, $0x1;
	v30 =	vmul.f32 v21, v33;
	v33 =	vmul.f32 v34, v42;
	v25 =	vld.idx.msk [tilespmem:v7+s19+$0x4060 ss:$0x1], $0xffff  }
0x4f5: {  	v16 =	vsub.s32 $0x5F3759DF, v16;
	v44 =	vperm.xlane v35, v3;
	v36 =	vmul.f32 v36, v24;
	v42 =	vld.idx.msk [tilespmem:v6+s19+$0x4000 ss:$0x1], $0xffff  }
0x4f6: {  	v19 =	vsub.f32 v26, v19;
	v21 =	vmul.f32 v21, v24;
	v24 =	vmul.f32 $5.000000000e-01, v14;
	v45 =	vld.idx.msk [tilespmem:v7+s19+$0x4020 ss:$0x1], $0xffff  }
0x4f7: {  	v18 =	vmul.f32 v12, v18;
	v35 =	vadd.f32 v35, v44;
	v30 =	vsub.f32 v36, v30;
	v26 =	vld.idx.msk [tilespmem:v6+s19+$0x4050 ss:$0x1], $0xffff  }
0x4f8: {  	v31 =	vmul.f32 v31, v31;
	v21 =	vadd.f32 v21, v43;
	v24 =	vmul.f32 v16, v24;
	v36 =	vld.idx.msk [tilespmem:v7+s19+$0x4050 ss:$0x1], $0xffff  }
0x4f9: {  	v30 =	vsub.f32 v30, v38;
	v38 =	vmul.f32 v19, v19;
	v19 =	vmul.f32 $-1.000945930e+00, v35;
	v43 =	vld.idx.msk [tilespmem:v7+s19+$0x4010 ss:$0x1], $0xffff  }
0x4fa: {  	v37 =	vsub.f32 v21, v37;
	v21 =	vmul.f32 v16, v24;
	v44 =	vmul.f32 v32, v25;
	v35 =	vld.idx.msk [tilespmem:v7+s19+$0x4000 ss:$0x1], $0xffff  }
0x4fb: {  	v46 =	vsub.f32 $1.500000000e+00, v13;
	v13 =	vmovc v33;
	v30 =	vmul.f32 v30, v30;
	v47 =	vadd.f32 $1.200000000e+01, v19;
	v24 =	vld.idx.msk [tilespmem:v7+s19+$0x4040 ss:$0x1], $0xffff  }
0x4fc: {  	v31 =	vadd.f32 v38, v31;
	v33 =	vmul.f32 v29, v45;
	v32 =	vmul.f32 v32, v45;
	v19 =	vld.idx.msk [tilespmem:v5+s19+$0x4040 ss:$0x1], $0xffff  }
0x4fd: {  	vm0 =	veq.s32 v41, v4;
	v25 =	vmul.f32 v29, v25;
	v29 =	vmul.f32 v11, v46;
	v38 =	vld.idx.msk [tilespmem:v5+s19+$0x4060 ss:$0x1], $0xffff  }
0x4fe: {  	v27 =	vmul.f32 v27, v15;
	v11 =	vmovc v34;
	v10 =	vsel vm0, v47, v10;
	v41 =	vmul.f32 v26, v36  }
0x4ff: {  	v15 =	vmax.f32 v31, $1.000000020e-24;
	v45 =	vmul.f32 v22, v43;
	v26 =	vmul.f32 v26, v43;
	v34 =	vld.idx.msk [tilespmem:v5+s19+$0x4050 ss:$0x1], $0xffff  }
0x500: {  	v27 =	vadd.f32 $0.0e+00, v27;
	v37 =	vmul.f32 v37, v37;
	v25 =	vadd.f32 v32, v25  }
0x501: {  	v43 =	vmul.f32 v42, v24;
	v31 =	vsub.f32 v45, v41;
	v41 =	vmul.f32 v29, v9;
	v9 =	vmovc v28  }
0x502: {  	v32 =	vsub.f32 v33, v44;
	v22 =	vmul.f32 v22, v36;
	v45 =	vmul.f32 v17, v35  }
.Ltmp12:
0x503: {  	v29 =	vsub.f32 v31, v23;
	v31 =	vshra.s32 v15, $0x1;
	v23 =	vadd.f32 v41, v27;
	(pc) =	sbr.rel @p0 .LBB2_27-.Ltmp12, $4  }
0x504: {  	v28 =	vmul.f32 v42, v35;
	v25 =	vsub.f32 v25, v38;
	v27 =	vadd.f32 v37, v30  }
0x505: {  	v33 =	vadd.f32 v26, v22;
	v23 =	vadd.f32 v39, v23  }
0x506: {  	v26 =	vadd.f32 v45, v43;
	v30 =	vmul.f32 v25, v25;
	v22 =	vmax.f32 v27, $1.000000020e-24  }
0x507: {  	s28 =	smov.u32 s26;
	v33 =	vsub.f32 v33, v34;
	v25 =	vmul.f32 $5.000000000e-01, v22;
	v27 =	vadd.f32 v40, v23  }
0x508: {  	_ =	sdelay $0x3  }
0x509: {  	v5 =	vld.idx.msk [tilespmem:v5+s19+$0x4000 ss:$0x1], $0xffff  }
0x50a: {  	v6 =	vmul.f32 v17, v24;
	_ =	sdelay $0x1  }
0x50b: {  	v6 =	vsub.f32 v28, v6;
	_ =	sdelay $0x1  }
0x50c: {  	v5 =	vsub.f32 v6, v5;
	v6 =	vsub.f32 v26, v19  }
0x50d: {  	v7 =	vmul.f32 $5.000000000e-01, v15;
	v41 =	vsub.f32 v32, v20  }
0x50e: {  	v42 =	vsub.s32 $0x5F3759DF, v31;
	v5 =	vmul.f32 v5, v5;
	v6 =	vmul.f32 v6, v6  }
0x50f: {  	v23 =	vmul.f32 v29, v29;
	v21 =	vsub.f32 $1.500000000e+00, v21;
	v43 =	vmul.f32 v33, v33  }
0x510: {  	v13 =	vsub.f32 $1.500000000e+00, v13;
	v17 =	vmul.f32 v41, v41;
	v5 =	vadd.f32 v6, v5  }
0x511: {  	v7 =	vmul.f32 v42, v7;
	v16 =	vmul.f32 v16, v21;
	v20 =	vadd.f32 v43, v23  }
0x512: {  	v11 =	vmul.f32 v11, v13;
	v17 =	vadd.f32 v30, v17;
	v5 =	vmax.f32 v5, $1.000000020e-24  }
0x513: {  	v20 =	vmax.f32 v20, $1.000000020e-24;
	v44 =	vshra.s32 v5, $0x1;
	v45 =	vmul.f32 $5.000000000e-01, v5  }
0x514: {  	v7 =	vmul.f32 v42, v7;
	v46 =	vshra.s32 v20, $0x1;
	v23 =	vsub.s32 $0x5F3759DF, v44  }
0x515: {  	v47 =	vmul.f32 $5.000000000e-01, v20;
	v17 =	vmax.f32 v17, $1.000000020e-24;
	v24 =	vmul.f32 v23, v45  }
0x516: {  	v48 =	vsub.s32 $0x5F3759DF, v46;
	v49 =	vshra.s32 v17, $0x1;
	v50 =	vmul.f32 $5.000000000e-01, v17  }
0x517: {  	v26 =	vmul.f32 v48, v47;
	v28 =	vsub.s32 $0x5F3759DF, v49;
	v24 =	vmul.f32 v23, v24  }
0x518: {  	v7 =	vsub.f32 $1.500000000e+00, v7;
	v6 =	vshra.s32 v22, $0x1;
	v29 =	vmul.f32 v28, v50  }
0x519: {  	v6 =	vsub.s32 $0x5F3759DF, v6;
	v26 =	vmul.f32 v48, v26;
	v24 =	vsub.f32 $1.500000000e+00, v24  }
0x51a: {  	v7 =	vmul.f32 v42, v7;
	v25 =	vmul.f32 v6, v25  }
0x51b: {  	v52 =	vmul.f32 v28, v29;
	v53 =	vsub.f32 $1.500000000e+00, v26;
	v23 =	vmul.f32 v23, v24  }
0x51c: {  	v18 =	vsub.f32 $1.500000000e+00, v18;
	v7 =	vmul.f32 v7, v15;
	v51 =	vmul.f32 v6, v25  }
0x51d: {  	v54 =	vsub.f32 $1.500000000e+00, v52;
	v55 =	vmul.f32 v48, v53;
	v5 =	vmul.f32 v23, v5  }
0x51e: {  	v9 =	vmul.f32 v11, v9;
	v7 =	vadd.f32 $0.0e+00, v7;
	v56 =	vsub.f32 $1.500000000e+00, v51  }
0x51f: {  	v13 =	vmul.f32 v28, v54;
	v15 =	vmul.f32 v55, v20;
	v5 =	vadd.f32 $0.0e+00, v5  }
0x520: {  	v12 =	vmul.f32 v12, v18;
	v14 =	vmul.f32 v16, v14;
	v7 =	vadd.f32 v9, v7  }
0x521: {  	v57 =	vmul.f32 v13, v17;
	v6 =	vmul.f32 v6, v56;
	v5 =	vadd.f32 v15, v5  }
0x522: {  	v8 =	vmul.f32 v12, v8;
	v7 =	vadd.f32 v14, v7  }
0x523: {  	v6 =	vmul.f32 v6, v22;
	v5 =	vadd.f32 v57, v5  }
0x524: {  	v7 =	vadd.f32 v8, v7  }
0x525: {  	v58 =	vperm.xlane v27, v0;
	v5 =	vadd.f32 v6, v5  }
0x526: {  	v8 =	vperm.xlane v7, v0  }
0x527: {  	v6 =	vadd.f32 v27, v58;
	v59 =	vperm.xlane v5, v0  }
0x528: {  	v7 =	vadd.f32 v7, v8  }
0x529: {  	v60 =	vperm.xlane v6, v1;
	v5 =	vadd.f32 v5, v59  }
0x52a: {  	v8 =	vperm.xlane v7, v1  }
0x52b: {  	v6 =	vadd.f32 v6, v60;
	v9 =	vperm.xlane v5, v1  }
0x52c: {  	v7 =	vadd.f32 v7, v8  }
0x52d: {  	v11 =	vperm.xlane v6, v2;
	v5 =	vadd.f32 v5, v9  }
0x52e: {  	v8 =	vperm.xlane v7, v2  }
0x52f: {  	v6 =	vadd.f32 v6, v11;
	v9 =	vperm.xlane v5, v2  }
0x530: {  	v7 =	vadd.f32 v7, v8  }
0x531: {  	v11 =	vperm.xlane v6, v3;
	v5 =	vadd.f32 v5, v9  }
0x532: {  	v8 =	vperm.xlane v7, v3  }
0x533: {  	v6 =	vadd.f32 v6, v11;
	v9 =	vperm.xlane v5, v3  }
0x534: {  	v7 =	vadd.f32 v7, v8  }
0x535: {  	v6 =	vmul.f32 $-1.000945930e+00, v6;
	v5 =	vadd.f32 v5, v9  }
0x536: {  	v61 =	vmov s24;
	s30 =	sshll.u32 s0, $0x4;
	s0 =	sadd.s32 $0x1, s0;
	v7 =	vmul.f32 $-1.000945930e+00, v7  }
0x537: {  	v62 =	vmov s23;
	p0 =	sne.s32 s0, $0x8;
	v6 =	vadd.f32 $1.200000000e+01, v6;
	v5 =	vmul.f32 $-1.000945930e+00, v5  }
.Ltmp13:
0x538: {  	s29 =	sadd.s32 $0x1, s22;
	vm0 =	veq.s32 v61, v4;
	vm14 =	veq.s32 v62, v4;
	v7 =	vadd.f32 $1.200000000e+01, v7;
	(pc) =	sbr.rel @p0 .LBB2_26-.Ltmp13, $4  }
0x539: {  	v63 =	vmov s29;
	v6 =	vsel vm0, v6, v10;
	v5 =	vadd.f32 $1.200000000e+01, v5  }
0x53a: {  	vm15 =	veq.s32 v63, v4;
	v6 =	vsel vm14, v7, v6  }
0x53b: {  	s19 =	sand.u32 $0x3FFFFFF0, s30;
	v5 =	vsel vm15, v5, v6  }
0x53c: {  	s2 =	sadd.s32 $0x800, s2;
	s14 =	sadd.s32 $0x800, s14;
	s17 =	sadd.s32 $0x800, s17;
	[tilespmem:s19+$0x18780] =	vst v5  }
0x53d: {  	s31 =	sadd.s32 $0x1, s31  }
0x53e: {  	p0 =	sne.s32 s31, s9  }
.Ltmp14:
0x53f: {  	s0 =	simm.s32 $0x18600;
	(pc) =	sbr.rel @p0 .LBB2_1-.Ltmp14, $4  }
0x540: {  	[hbm4b:s8+s3] =	stream.linear.scatter [tilespmem:s0], [sflag:$0x3], $0x200, $0x38;
	[tilespmem:$0x18800] =	vst v63  }
0x541: {  	_ =	swait.ge [sflag:s10], $0x200  }
0x542: {  	[sflag:s10] =	ssyncset.done $0x0  }
0x543: {  	[sflag:s10] =	ssyncadd.s32 $0xFFFFFE00  }
0x544: {  	_ =	sfence.sel $0x180000  }
0x545: {  	[bflag:$0x0] =	sbarrier.arrive $0xFFFF  }
0x546: {  	_ =	strace $0x90000047  }
0x547: {  	s0 =	stileid.u32;
	[bflag:$0x2] =	sbarrier.arrive $0xFFFF  }
0x548: {  	p0 =	sne.s32 s0, $0x0;
	s0 =	rddreg [dreg:$0x6]  }
0x549: {  	s0 =	sadd.s32 @!p0 $0x100000, s0  }
0x54a: {  	[sflag:s0] =	ssyncadd.tile.s32 @!p0 $0x1;
	_ =	shalt  }
.Lfunc_end2:
_tile_overlayer_lowered:
.L_overlay_start_2:
0x54b: {  	(tag) =	ssettag $0x2  }
0x54c: {  	s0 =	rddreg [dreg:$0x0];
	s2 =	stileid.u32  }
0x54d: {  	s1 =	rddreg [dreg:$0x1];
	p0 =	sne.s32 s2, $0x0  }
0x54e: {  	s3 =	rddreg [dreg:$0x2];
	[bflag:$0x3] =	sbarrier.arrive $0xFFFF;
	s2 =	simm.s32 @!p0 $0x1C03  }
0x54f: {  	[timem:s3], [sflag:s2] =	dma.local @!p0 [hbm:s0], s1  }
0x550: {  	s0 =	simm.s32 @!p0 $0x3  }
0x551: {  	_ =	swait.ge @!p0 [sflag:s0], s1  }
0x552: {  	s1 =	ssub.s32 @!p0 $0x0, s1;
	[sflag:s0] =	ssyncset.done @!p0 $0x0  }
0x553: {  	[sflag:s0] =	ssyncadd.s32 @!p0 s1  }
0x554: {  	[bflag:$0x3] =	sbarrier.arrive $0xFFFF  }
0x555: {  	_ =	shalt  }

</sc_bundles>
